<compile_context>
chip_gen: v7x
topology: tpu7x:2x2x1
jax: 0.10.2.dev20260603
libtpu: 0.0.44.dev20260713+nightly
codegen_flags: <defaults>
</compile_context>

<pallas_src>
import functools

import jax
import jax.numpy as jnp
from jax import lax
from jax.experimental import pallas as pl
from jax.experimental.pallas import tpu as pltpu
from jax.experimental.pallas import tpu_sc as plsc

_NC = 2
_NS = 16
_NW = _NC * _NS
_C = 32
_K = 160
_NB = 4
_L = 16


@functools.cache
def _build(n_total, v, d):
    n_per_w = n_total // _NW
    n_chunks = n_per_w // _C
    n_blocks = n_chunks // _K
    n_quads = _K // _NB
    mesh = plsc.VectorSubcoreMesh(core_axis_name="c", subcore_axis_name="s")

    @functools.partial(
        pl.kernel,
        out_type=jax.ShapeDtypeStruct((n_total, d), jnp.float32),
        mesh=mesh,
        scratch_types=[
            pltpu.VMEM((_K, _C), jnp.int32),
            pltpu.VMEM_SHARED((v, d), jnp.float32),
            *[pltpu.VMEM((_C, d), jnp.float32) for _ in range(_NB)],
            *[pltpu.SemaphoreType.DMA for _ in range(2 * _NB)],
        ],
    )
    def gather_k(table_hbm, idx_hbm, out_hbm, iblk, table_sh,
                 *bufs_and_sems):
        rows = bufs_and_sems[:_NB]
        sgs = bufs_and_sems[_NB:2 * _NB]
        sss = bufs_and_sems[2 * _NB:]
        s = lax.axis_index("s")
        wid = s * _NC + lax.axis_index("c")
        base = wid * n_per_w
        v_per_s = v // _NS
        pltpu.sync_copy(table_hbm.at[pl.ds(s * v_per_s, v_per_s)],
                        table_sh.at[pl.ds(s * v_per_s, v_per_s)])
        plsc.subcore_barrier()

        def fetch_rows(k, b):
            for u in range(_C // _L):
                vec = iblk[k, pl.ds(u * _L, _L)]
                for l in range(_L):
                    pltpu.async_copy(table_sh.at[pl.ds(vec[l], 1)],
                                     rows[b].at[pl.ds(u * _L + l, 1)],
                                     sgs[b])

        def drain_rows(b):
            pltpu.make_async_copy(table_sh.at[pl.ds(0, _C)], rows[b],
                                  sgs[b]).wait()

        def put(j, b):
            pltpu.async_copy(rows[b], out_hbm.at[pl.ds(base + j * _C, _C)],
                             sss[b])

        def wait_s(b):
            pltpu.make_async_copy(rows[b], out_hbm.at[pl.ds(base, _C)],
                                  sss[b]).wait()

        def block(b, carry):
            pltpu.sync_copy(idx_hbm.at[wid * n_blocks + b], iblk)
            cbase = b * _K

            @pl.when(b > 0)
            def _():
                wait_s(0)

            fetch_rows(0, 0)

            def quad(q, c2):
                for i in range(_NB):
                    k = q * _NB + i
                    if i < _NB - 1:
                        @pl.when(jnp.logical_or(b > 0, q > 0))
                        def _():
                            wait_s(i + 1)

                        fetch_rows(k + 1, i + 1)
                    else:
                        @pl.when(q < n_quads - 1)
                        def _():
                            wait_s(0)
                            fetch_rows(k + 1, 0)

                    drain_rows(i)
                    put(cbase + k, i)
                return c2

            lax.fori_loop(0, n_quads, quad, 0)
            return carry

        lax.fori_loop(0, n_blocks, block, 0)
        for b in range(_NB):
            wait_s(b)

    return gather_k


def kernel(x, table):
    b, h = x.shape
    v, d = table.shape
    n_total = b * h
    n_blocks = n_total // _NW // _C // _K
    idx = x.reshape(_NW * n_blocks, _K, _C)
    out = _build(n_total, v, d)(table, idx)
    return out.reshape(b, h, d)

# --- scband reference (transcript-rebuilt; emitter-appended) ---
"""Pipeline reference for scband-time-encoding-39410619908410 (READ-ONLY COPY).

The authoritative reference and input builder live on the scoring server;
editing this copy changes nothing except your own understanding.
"""

import jax, jax.numpy as jnp
import numpy as np
import math

MAX_LENGTH = 4096
D_MODEL = 256
BATCH = 4096
HIST = 200


def _make_pe(max_length, d_model):
    pos = np.arange(0, max_length, dtype=np.float32)[:, None]
    div = np.exp(np.arange(0, d_model, 2, dtype=np.float32) * -(math.log(10000.0) / d_model))
    pe = np.zeros((max_length, d_model), dtype=np.float32)
    pe[:, 0::2] = np.sin(pos * div)
    pe[:, 1::2] = np.cos(pos * div)
    return jnp.asarray(pe)


def setup_inputs(seed: int = 0) -> dict:
    key = jax.random.key(seed)
    x = jax.random.randint(key, (BATCH, HIST), 0, MAX_LENGTH, dtype=jnp.int32)
    table = _make_pe(MAX_LENGTH, D_MODEL)
    return {"x": x, "table": table}


def reference(x, table):
    # Embedding lookup: gather rows of the (sinusoidal) embedding table
    return jnp.take(table, x, axis=0)

if __name__ == "__main__":
    import jax
    _d = setup_inputs()
    print(jax.jit(kernel)(*tuple(_d.values())))

</pallas_src>

<mosaic_0001>
#map = affine_map<(d0, d1) -> (0, 0)>
#map1 = affine_map<(d0, d1) -> (0, 0, 0)>
module attributes {stable_mosaic.version = 14 : i64} {
  func.func @gather_k(%arg0: i32, %arg1: i32, %arg2: memref<4096x256xf32, #tpu.memory_space<hbm>>, %arg3: memref<160x160x32xi32, #tpu.memory_space<hbm>>, %arg4: memref<819200x256xf32, #tpu.memory_space<hbm>>, %arg5: memref<160x32xi32, #tpu.memory_space<vmem>>, %arg6: memref<4096x256xf32, #tpu.memory_space<vmem_shared>>, %arg7: memref<32x256xf32, #tpu.memory_space<vmem>>, %arg8: memref<32x256xf32, #tpu.memory_space<vmem>>, %arg9: memref<32x256xf32, #tpu.memory_space<vmem>>, %arg10: memref<32x256xf32, #tpu.memory_space<vmem>>, %arg11: memref<!tpu.dma_semaphore, #tpu.memory_space<semaphore_mem>>, %arg12: memref<!tpu.dma_semaphore, #tpu.memory_space<semaphore_mem>>, %arg13: memref<!tpu.dma_semaphore, #tpu.memory_space<semaphore_mem>>, %arg14: memref<!tpu.dma_semaphore, #tpu.memory_space<semaphore_mem>>, %arg15: memref<!tpu.dma_semaphore, #tpu.memory_space<semaphore_mem>>, %arg16: memref<!tpu.dma_semaphore, #tpu.memory_space<semaphore_mem>>, %arg17: memref<!tpu.dma_semaphore, #tpu.memory_space<semaphore_mem>>, %arg18: memref<!tpu.dma_semaphore, #tpu.memory_space<semaphore_mem>>) attributes {dimension_semantics = [#tpu.dimension_semantics<core_parallel>, #tpu.dimension_semantics<subcore_parallel>], iteration_bounds = array<i64: 2, 16>, scalar_prefetch = 0 : i64, scratch_operands = 14 : i64, tpu.core_type = #tpu.core_type<sc_vector_subcore>, window_params = [{transform_indices = #map}, {transform_indices = #map1}, {transform_indices = #map}]} {
    %mul3A = arith.constant 2 : i32
    %mul3A_0 = arith.muli %arg1, %mul3A : i32
    %add3A = arith.addi %mul3A_0, %arg0 : i32
    %mul3A_1 = arith.constant 25600 : i32
    %mul3A_2 = arith.muli %add3A, %mul3A_1 : i32
    %mul3A_3 = arith.constant 256 : i32
    %mul3A_4 = arith.muli %arg1, %mul3A_3 : i32
    %mul3A_5 = arith.constant 256 : i32
    %mul3A_6 = arith.muli %arg1, %mul3A_5 : i32
    "tpu.region"() ({
      %run_scoped3A = tpu.sem_alloc : memref<!tpu.dma_semaphore, #tpu.memory_space<semaphore_mem>>
      %dma_start3A = arith.constant 0 : i32
      %dma_start3A_27 = tpu.memref_slice %arg6[%mul3A_6, %dma_start3A] : memref<4096x256xf32, #tpu.memory_space<vmem_shared>> -> memref<256x256xf32, #tpu.memory_space<vmem_shared>>
      %dma_start3A_28 = arith.constant 0 : i32
      %dma_start3A_29 = tpu.memref_slice %arg2[%mul3A_4, %dma_start3A_28] : memref<4096x256xf32, #tpu.memory_space<hbm>> -> memref<256x256xf32, #tpu.memory_space<hbm>>
      tpu.enqueue_dma source(%dma_start3A_29 : memref<256x256xf32, #tpu.memory_space<hbm>>) target(%dma_start3A_27 : memref<256x256xf32, #tpu.memory_space<vmem_shared>>) target_semaphore(%run_scoped3A : memref<!tpu.dma_semaphore, #tpu.memory_space<semaphore_mem>>)
      %dma_wait3A_30 = arith.constant 0 : i32
      %dma_wait3A_31 = tpu.memref_slice %arg6[%mul3A_6, %dma_wait3A_30] : memref<4096x256xf32, #tpu.memory_space<vmem_shared>> -> memref<256x256xf32, #tpu.memory_space<vmem_shared>>
      %dma_wait3A_32 = arith.constant 0 : i32
      %dma_wait3A_33 = tpu.memref_slice %arg2[%mul3A_4, %dma_wait3A_32] : memref<4096x256xf32, #tpu.memory_space<hbm>> -> memref<256x256xf32, #tpu.memory_space<hbm>>
      tpu.wait_dma2 semaphore(%run_scoped3A : memref<!tpu.dma_semaphore, #tpu.memory_space<semaphore_mem>>) src(%dma_wait3A_33 : memref<256x256xf32, #tpu.memory_space<hbm>>) dst(%dma_wait3A_31 : memref<256x256xf32, #tpu.memory_space<vmem_shared>>)
      tpu.yield
    }) : () -> ()
    %barrier3A = arith.constant 0 : index
    tpu.barrier barrier_id(%barrier3A)
    %scan3A = arith.constant 0 : i32
    %scan3A_7 = arith.constant 0 : i32
    %scan3A_8 = arith.constant 5 : i32
    %scan3A_9 = arith.addi %scan3A_7, %scan3A_8 : i32
    %scan3A_10 = arith.constant 1 : i32
    scf.for %scan3A_27 = %scan3A_7 to %scan3A_9 step %scan3A_10  : i32 {
      %mul3A_28 = arith.constant 5 : i32
      %mul3A_29 = arith.muli %add3A, %mul3A_28 : i32
      %add3A_30 = arith.addi %mul3A_29, %scan3A_27 : i32
      "tpu.region"() ({
        %run_scoped3A = tpu.sem_alloc : memref<!tpu.dma_semaphore, #tpu.memory_space<semaphore_mem>>
        %dma_start3A_431 = arith.constant 0 : i32
        %dma_start3A_432 = arith.constant 0 : i32
        %dma_start3A_433 = tpu.memref_slice %arg3[%add3A_30, %dma_start3A_431, %dma_start3A_432] : memref<160x160x32xi32, #tpu.memory_space<hbm>> -> memref<1x160x32xi32, #tpu.memory_space<hbm>>
        %dma_start3A_434 = tpu.memref_squeeze %dma_start3A_433 : memref<1x160x32xi32, #tpu.memory_space<hbm>> -> memref<160x32xi32, #tpu.memory_space<hbm>>
        %dma_start3A_435 = arith.constant 0 : i32
        %dma_start3A_436 = arith.constant 0 : i32
        %dma_start3A_437 = tpu.memref_slice %arg3[%add3A_30, %dma_start3A_435, %dma_start3A_436] : memref<160x160x32xi32, #tpu.memory_space<hbm>> -> memref<1x160x32xi32, #tpu.memory_space<hbm>>
        %dma_start3A_438 = tpu.memref_squeeze %dma_start3A_437 : memref<1x160x32xi32, #tpu.memory_space<hbm>> -> memref<160x32xi32, #tpu.memory_space<hbm>>
        tpu.enqueue_dma source(%dma_start3A_438 : memref<160x32xi32, #tpu.memory_space<hbm>>) target(%arg5 : memref<160x32xi32, #tpu.memory_space<vmem>>) target_semaphore(%run_scoped3A : memref<!tpu.dma_semaphore, #tpu.memory_space<semaphore_mem>>)
        %dma_wait3A_439 = arith.constant 0 : i32
        %dma_wait3A_440 = arith.constant 0 : i32
        %dma_wait3A_441 = tpu.memref_slice %arg3[%add3A_30, %dma_wait3A_439, %dma_wait3A_440] : memref<160x160x32xi32, #tpu.memory_space<hbm>> -> memref<1x160x32xi32, #tpu.memory_space<hbm>>
        %dma_wait3A_442 = tpu.memref_squeeze %dma_wait3A_441 : memref<1x160x32xi32, #tpu.memory_space<hbm>> -> memref<160x32xi32, #tpu.memory_space<hbm>>
        %dma_wait3A_443 = arith.constant 0 : i32
        %dma_wait3A_444 = arith.constant 0 : i32
        %dma_wait3A_445 = tpu.memref_slice %arg3[%add3A_30, %dma_wait3A_443, %dma_wait3A_444] : memref<160x160x32xi32, #tpu.memory_space<hbm>> -> memref<1x160x32xi32, #tpu.memory_space<hbm>>
        %dma_wait3A_446 = tpu.memref_squeeze %dma_wait3A_445 : memref<1x160x32xi32, #tpu.memory_space<hbm>> -> memref<160x32xi32, #tpu.memory_space<hbm>>
        tpu.wait_dma2 semaphore(%run_scoped3A : memref<!tpu.dma_semaphore, #tpu.memory_space<semaphore_mem>>) src(%dma_wait3A_446 : memref<160x32xi32, #tpu.memory_space<hbm>>) dst(%arg5 : memref<160x32xi32, #tpu.memory_space<vmem>>)
        tpu.yield
      }) : () -> ()
      %mul3A_31 = arith.constant 160 : i32
      %mul3A_32 = arith.muli %scan3A_27, %mul3A_31 : i32
      %gt3A = arith.constant 0 : i32
      %gt3A_33 = arith.cmpi sgt, %scan3A_27, %gt3A : i32
      %convert_element_type3A = arith.extui %gt3A_33 : i1 to i32
      %cond3A = arith.constant 0 : i32
      %cond3A_34 = arith.cmpi ne, %convert_element_type3A, %cond3A : i32
      scf.if %cond3A_34 {
        %dma_wait3A_431 = arith.constant 0 : i32
        %dma_wait3A_432 = tpu.memref_slice %arg4[%mul3A_2, %dma_wait3A_431] : memref<819200x256xf32, #tpu.memory_space<hbm>> -> memref<32x256xf32, #tpu.memory_space<hbm>>
        %dma_wait3A_433 = arith.constant 0 : i32
        %dma_wait3A_434 = tpu.memref_slice %arg4[%mul3A_2, %dma_wait3A_433] : memref<819200x256xf32, #tpu.memory_space<hbm>> -> memref<32x256xf32, #tpu.memory_space<hbm>>
        tpu.wait_dma2 semaphore(%arg15 : memref<!tpu.dma_semaphore, #tpu.memory_space<semaphore_mem>>) src(%arg7 : memref<32x256xf32, #tpu.memory_space<vmem>>) dst(%dma_wait3A_434 : memref<32x256xf32, #tpu.memory_space<hbm>>)
      } else {
      }
      %get3A = arith.constant 0 : i32
      %get3A_35 = arith.index_cast %get3A : i32 to index
      %get3A_36 = arith.constant 0 : index
      %get3A_37 = tpu.vector_load %arg5[%get3A_35, %get3A_36] {strides = array<i32>} : memref<160x32xi32, #tpu.memory_space<vmem>>, vector<1x16xi32>,
      %get3A_38 = vector.shape_cast %get3A_37 : vector<1x16xi32> to vector<16xi32>
      %slice3A = vector.extract_strided_slice %get3A_38 {offsets = [0], sizes = [1], strides = [1]} : vector<16xi32> to vector<1xi32>
      %squeeze3A = vector.extract %slice3A[0] : i32 from vector<1xi32>
      %dma_start3A = arith.constant 0 : i32
      %dma_start3A_39 = arith.constant 0 : i32
      %dma_start3A_40 = tpu.memref_slice %arg7[%dma_start3A, %dma_start3A_39] : memref<32x256xf32, #tpu.memory_space<vmem>> -> memref<1x256xf32, #tpu.memory_space<vmem>>
      %dma_start3A_41 = arith.constant 0 : i32
      %dma_start3A_42 = tpu.memref_slice %arg6[%squeeze3A, %dma_start3A_41] : memref<4096x256xf32, #tpu.memory_space<vmem_shared>> -> memref<1x256xf32, #tpu.memory_space<vmem_shared>>
      %dma_start3A_43 = arith.constant 0 : i32
      %dma_start3A_44 = arith.constant 0 : i32
      %dma_start3A_45 = tpu.memref_slice %arg7[%dma_start3A_43, %dma_start3A_44] : memref<32x256xf32, #tpu.memory_space<vmem>> -> memref<1x256xf32, #tpu.memory_space<vmem>>
      %dma_start3A_46 = arith.constant 0 : i32
      %dma_start3A_47 = tpu.memref_slice %arg6[%squeeze3A, %dma_start3A_46] : memref<4096x256xf32, #tpu.memory_space<vmem_shared>> -> memref<1x256xf32, #tpu.memory_space<vmem_shared>>
      tpu.enqueue_dma source(%dma_start3A_47 : memref<1x256xf32, #tpu.memory_space<vmem_shared>>) target(%dma_start3A_45 : memref<1x256xf32, #tpu.memory_space<vmem>>) target_semaphore(%arg11 : memref<!tpu.dma_semaphore, #tpu.memory_space<semaphore_mem>>)
      %slice3A_48 = vector.extract_strided_slice %get3A_38 {offsets = [1], sizes = [1], strides = [1]} : vector<16xi32> to vector<1xi32>
      %squeeze3A_49 = vector.extract %slice3A_48[0] : i32 from vector<1xi32>
      %dma_start3A_50 = arith.constant 1 : i32
      %dma_start3A_51 = arith.constant 0 : i32
      %dma_start3A_52 = tpu.memref_slice %arg7[%dma_start3A_50, %dma_start3A_51] : memref<32x256xf32, #tpu.memory_space<vmem>> -> memref<1x256xf32, #tpu.memory_space<vmem>>
      %dma_start3A_53 = arith.constant 0 : i32
      %dma_start3A_54 = tpu.memref_slice %arg6[%squeeze3A_49, %dma_start3A_53] : memref<4096x256xf32, #tpu.memory_space<vmem_shared>> -> memref<1x256xf32, #tpu.memory_space<vmem_shared>>
      %dma_start3A_55 = arith.constant 1 : i32
      %dma_start3A_56 = arith.constant 0 : i32
      %dma_start3A_57 = tpu.memref_slice %arg7[%dma_start3A_55, %dma_start3A_56] : memref<32x256xf32, #tpu.memory_space<vmem>> -> memref<1x256xf32, #tpu.memory_space<vmem>>
      %dma_start3A_58 = arith.constant 0 : i32
      %dma_start3A_59 = tpu.memref_slice %arg6[%squeeze3A_49, %dma_start3A_58] : memref<4096x256xf32, #tpu.memory_space<vmem_shared>> -> memref<1x256xf32, #tpu.memory_space<vmem_shared>>
      tpu.enqueue_dma source(%dma_start3A_59 : memref<1x256xf32, #tpu.memory_space<vmem_shared>>) target(%dma_start3A_57 : memref<1x256xf32, #tpu.memory_space<vmem>>) target_semaphore(%arg11 : memref<!tpu.dma_semaphore, #tpu.memory_space<semaphore_mem>>)
      %slice3A_60 = vector.extract_strided_slice %get3A_38 {offsets = [2], sizes = [1], strides = [1]} : vector<16xi32> to vector<1xi32>
      %squeeze3A_61 = vector.extract %slice3A_60[0] : i32 from vector<1xi32>
      %dma_start3A_62 = arith.constant 2 : i32
      %dma_start3A_63 = arith.constant 0 : i32
      %dma_start3A_64 = tpu.memref_slice %arg7[%dma_start3A_62, %dma_start3A_63] : memref<32x256xf32, #tpu.memory_space<vmem>> -> memref<1x256xf32, #tpu.memory_space<vmem>>
      %dma_start3A_65 = arith.constant 0 : i32
      %dma_start3A_66 = tpu.memref_slice %arg6[%squeeze3A_61, %dma_start3A_65] : memref<4096x256xf32, #tpu.memory_space<vmem_shared>> -> memref<1x256xf32, #tpu.memory_space<vmem_shared>>
      %dma_start3A_67 = arith.constant 2 : i32
      %dma_start3A_68 = arith.constant 0 : i32
      %dma_start3A_69 = tpu.memref_slice %arg7[%dma_start3A_67, %dma_start3A_68] : memref<32x256xf32, #tpu.memory_space<vmem>> -> memref<1x256xf32, #tpu.memory_space<vmem>>
      %dma_start3A_70 = arith.constant 0 : i32
      %dma_start3A_71 = tpu.memref_slice %arg6[%squeeze3A_61, %dma_start3A_70] : memref<4096x256xf32, #tpu.memory_space<vmem_shared>> -> memref<1x256xf32, #tpu.memory_space<vmem_shared>>
      tpu.enqueue_dma source(%dma_start3A_71 : memref<1x256xf32, #tpu.memory_space<vmem_shared>>) target(%dma_start3A_69 : memref<1x256xf32, #tpu.memory_space<vmem>>) target_semaphore(%arg11 : memref<!tpu.dma_semaphore, #tpu.memory_space<semaphore_mem>>)
      %slice3A_72 = vector.extract_strided_slice %get3A_38 {offsets = [3], sizes = [1], strides = [1]} : vector<16xi32> to vector<1xi32>
      %squeeze3A_73 = vector.extract %slice3A_72[0] : i32 from vector<1xi32>
      %dma_start3A_74 = arith.constant 3 : i32
      %dma_start3A_75 = arith.constant 0 : i32
      %dma_start3A_76 = tpu.memref_slice %arg7[%dma_start3A_74, %dma_start3A_75] : memref<32x256xf32, #tpu.memory_space<vmem>> -> memref<1x256xf32, #tpu.memory_space<vmem>>
      %dma_start3A_77 = arith.constant 0 : i32
      %dma_start3A_78 = tpu.memref_slice %arg6[%squeeze3A_73, %dma_start3A_77] : memref<4096x256xf32, #tpu.memory_space<vmem_shared>> -> memref<1x256xf32, #tpu.memory_space<vmem_shared>>
      %dma_start3A_79 = arith.constant 3 : i32
      %dma_start3A_80 = arith.constant 0 : i32
      %dma_start3A_81 = tpu.memref_slice %arg7[%dma_start3A_79, %dma_start3A_80] : memref<32x256xf32, #tpu.memory_space<vmem>> -> memref<1x256xf32, #tpu.memory_space<vmem>>
      %dma_start3A_82 = arith.constant 0 : i32
      %dma_start3A_83 = tpu.memref_slice %arg6[%squeeze3A_73, %dma_start3A_82] : memref<4096x256xf32, #tpu.memory_space<vmem_shared>> -> memref<1x256xf32, #tpu.memory_space<vmem_shared>>
      tpu.enqueue_dma source(%dma_start3A_83 : memref<1x256xf32, #tpu.memory_space<vmem_shared>>) target(%dma_start3A_81 : memref<1x256xf32, #tpu.memory_space<vmem>>) target_semaphore(%arg11 : memref<!tpu.dma_semaphore, #tpu.memory_space<semaphore_mem>>)
      %slice3A_84 = vector.extract_strided_slice %get3A_38 {offsets = [4], sizes = [1], strides = [1]} : vector<16xi32> to vector<1xi32>
      %squeeze3A_85 = vector.extract %slice3A_84[0] : i32 from vector<1xi32>
      %dma_start3A_86 = arith.constant 4 : i32
      %dma_start3A_87 = arith.constant 0 : i32
      %dma_start3A_88 = tpu.memref_slice %arg7[%dma_start3A_86, %dma_start3A_87] : memref<32x256xf32, #tpu.memory_space<vmem>> -> memref<1x256xf32, #tpu.memory_space<vmem>>
      %dma_start3A_89 = arith.constant 0 : i32
      %dma_start3A_90 = tpu.memref_slice %arg6[%squeeze3A_85, %dma_start3A_89] : memref<4096x256xf32, #tpu.memory_space<vmem_shared>> -> memref<1x256xf32, #tpu.memory_space<vmem_shared>>
      %dma_start3A_91 = arith.constant 4 : i32
      %dma_start3A_92 = arith.constant 0 : i32
      %dma_start3A_93 = tpu.memref_slice %arg7[%dma_start3A_91, %dma_start3A_92] : memref<32x256xf32, #tpu.memory_space<vmem>> -> memref<1x256xf32, #tpu.memory_space<vmem>>
      %dma_start3A_94 = arith.constant 0 : i32
      %dma_start3A_95 = tpu.memref_slice %arg6[%squeeze3A_85, %dma_start3A_94] : memref<4096x256xf32, #tpu.memory_space<vmem_shared>> -> memref<1x256xf32, #tpu.memory_space<vmem_shared>>
      tpu.enqueue_dma source(%dma_start3A_95 : memref<1x256xf32, #tpu.memory_space<vmem_shared>>) target(%dma_start3A_93 : memref<1x256xf32, #tpu.memory_space<vmem>>) target_semaphore(%arg11 : memref<!tpu.dma_semaphore, #tpu.memory_space<semaphore_mem>>)
      %slice3A_96 = vector.extract_strided_slice %get3A_38 {offsets = [5], sizes = [1], strides = [1]} : vector<16xi32> to vector<1xi32>
      %squeeze3A_97 = vector.extract %slice3A_96[0] : i32 from vector<1xi32>
      %dma_start3A_98 = arith.constant 5 : i32
      %dma_start3A_99 = arith.constant 0 : i32
      %dma_start3A_100 = tpu.memref_slice %arg7[%dma_start3A_98, %dma_start3A_99] : memref<32x256xf32, #tpu.memory_space<vmem>> -> memref<1x256xf32, #tpu.memory_space<vmem>>
      %dma_start3A_101 = arith.constant 0 : i32
      %dma_start3A_102 = tpu.memref_slice %arg6[%squeeze3A_97, %dma_start3A_101] : memref<4096x256xf32, #tpu.memory_space<vmem_shared>> -> memref<1x256xf32, #tpu.memory_space<vmem_shared>>
      %dma_start3A_103 = arith.constant 5 : i32
      %dma_start3A_104 = arith.constant 0 : i32
      %dma_start3A_105 = tpu.memref_slice %arg7[%dma_start3A_103, %dma_start3A_104] : memref<32x256xf32, #tpu.memory_space<vmem>> -> memref<1x256xf32, #tpu.memory_space<vmem>>
      %dma_start3A_106 = arith.constant 0 : i32
      %dma_start3A_107 = tpu.memref_slice %arg6[%squeeze3A_97, %dma_start3A_106] : memref<4096x256xf32, #tpu.memory_space<vmem_shared>> -> memref<1x256xf32, #tpu.memory_space<vmem_shared>>
      tpu.enqueue_dma source(%dma_start3A_107 : memref<1x256xf32, #tpu.memory_space<vmem_shared>>) target(%dma_start3A_105 : memref<1x256xf32, #tpu.memory_space<vmem>>) target_semaphore(%arg11 : memref<!tpu.dma_semaphore, #tpu.memory_space<semaphore_mem>>)
      %slice3A_108 = vector.extract_strided_slice %get3A_38 {offsets = [6], sizes = [1], strides = [1]} : vector<16xi32> to vector<1xi32>
      %squeeze3A_109 = vector.extract %slice3A_108[0] : i32 from vector<1xi32>
      %dma_start3A_110 = arith.constant 6 : i32
      %dma_start3A_111 = arith.constant 0 : i32
      %dma_start3A_112 = tpu.memref_slice %arg7[%dma_start3A_110, %dma_start3A_111] : memref<32x256xf32, #tpu.memory_space<vmem>> -> memref<1x256xf32, #tpu.memory_space<vmem>>
      %dma_start3A_113 = arith.constant 0 : i32
      %dma_start3A_114 = tpu.memref_slice %arg6[%squeeze3A_109, %dma_start3A_113] : memref<4096x256xf32, #tpu.memory_space<vmem_shared>> -> memref<1x256xf32, #tpu.memory_space<vmem_shared>>
      %dma_start3A_115 = arith.constant 6 : i32
      %dma_start3A_116 = arith.constant 0 : i32
      %dma_start3A_117 = tpu.memref_slice %arg7[%dma_start3A_115, %dma_start3A_116] : memref<32x256xf32, #tpu.memory_space<vmem>> -> memref<1x256xf32, #tpu.memory_space<vmem>>
      %dma_start3A_118 = arith.constant 0 : i32
      %dma_start3A_119 = tpu.memref_slice %arg6[%squeeze3A_109, %dma_start3A_118] : memref<4096x256xf32, #tpu.memory_space<vmem_shared>> -> memref<1x256xf32, #tpu.memory_space<vmem_shared>>
      tpu.enqueue_dma source(%dma_start3A_119 : memref<1x256xf32, #tpu.memory_space<vmem_shared>>) target(%dma_start3A_117 : memref<1x256xf32, #tpu.memory_space<vmem>>) target_semaphore(%arg11 : memref<!tpu.dma_semaphore, #tpu.memory_space<semaphore_mem>>)
      %slice3A_120 = vector.extract_strided_slice %get3A_38 {offsets = [7], sizes = [1], strides = [1]} : vector<16xi32> to vector<1xi32>
      %squeeze3A_121 = vector.extract %slice3A_120[0] : i32 from vector<1xi32>
      %dma_start3A_122 = arith.constant 7 : i32
      %dma_start3A_123 = arith.constant 0 : i32
      %dma_start3A_124 = tpu.memref_slice %arg7[%dma_start3A_122, %dma_start3A_123] : memref<32x256xf32, #tpu.memory_space<vmem>> -> memref<1x256xf32, #tpu.memory_space<vmem>>
      %dma_start3A_125 = arith.constant 0 : i32
      %dma_start3A_126 = tpu.memref_slice %arg6[%squeeze3A_121, %dma_start3A_125] : memref<4096x256xf32, #tpu.memory_space<vmem_shared>> -> memref<1x256xf32, #tpu.memory_space<vmem_shared>>
      %dma_start3A_127 = arith.constant 7 : i32
      %dma_start3A_128 = arith.constant 0 : i32
      %dma_start3A_129 = tpu.memref_slice %arg7[%dma_start3A_127, %dma_start3A_128] : memref<32x256xf32, #tpu.memory_space<vmem>> -> memref<1x256xf32, #tpu.memory_space<vmem>>
      %dma_start3A_130 = arith.constant 0 : i32
      %dma_start3A_131 = tpu.memref_slice %arg6[%squeeze3A_121, %dma_start3A_130] : memref<4096x256xf32, #tpu.memory_space<vmem_shared>> -> memref<1x256xf32, #tpu.memory_space<vmem_shared>>
      tpu.enqueue_dma source(%dma_start3A_131 : memref<1x256xf32, #tpu.memory_space<vmem_shared>>) target(%dma_start3A_129 : memref<1x256xf32, #tpu.memory_space<vmem>>) target_semaphore(%arg11 : memref<!tpu.dma_semaphore, #tpu.memory_space<semaphore_mem>>)
      %slice3A_132 = vector.extract_strided_slice %get3A_38 {offsets = [8], sizes = [1], strides = [1]} : vector<16xi32> to vector<1xi32>
      %squeeze3A_133 = vector.extract %slice3A_132[0] : i32 from vector<1xi32>
      %dma_start3A_134 = arith.constant 8 : i32
      %dma_start3A_135 = arith.constant 0 : i32
      %dma_start3A_136 = tpu.memref_slice %arg7[%dma_start3A_134, %dma_start3A_135] : memref<32x256xf32, #tpu.memory_space<vmem>> -> memref<1x256xf32, #tpu.memory_space<vmem>>
      %dma_start3A_137 = arith.constant 0 : i32
      %dma_start3A_138 = tpu.memref_slice %arg6[%squeeze3A_133, %dma_start3A_137] : memref<4096x256xf32, #tpu.memory_space<vmem_shared>> -> memref<1x256xf32, #tpu.memory_space<vmem_shared>>
      %dma_start3A_139 = arith.constant 8 : i32
      %dma_start3A_140 = arith.constant 0 : i32
      %dma_start3A_141 = tpu.memref_slice %arg7[%dma_start3A_139, %dma_start3A_140] : memref<32x256xf32, #tpu.memory_space<vmem>> -> memref<1x256xf32, #tpu.memory_space<vmem>>
      %dma_start3A_142 = arith.constant 0 : i32
      %dma_start3A_143 = tpu.memref_slice %arg6[%squeeze3A_133, %dma_start3A_142] : memref<4096x256xf32, #tpu.memory_space<vmem_shared>> -> memref<1x256xf32, #tpu.memory_space<vmem_shared>>
      tpu.enqueue_dma source(%dma_start3A_143 : memref<1x256xf32, #tpu.memory_space<vmem_shared>>) target(%dma_start3A_141 : memref<1x256xf32, #tpu.memory_space<vmem>>) target_semaphore(%arg11 : memref<!tpu.dma_semaphore, #tpu.memory_space<semaphore_mem>>)
      %slice3A_144 = vector.extract_strided_slice %get3A_38 {offsets = [9], sizes = [1], strides = [1]} : vector<16xi32> to vector<1xi32>
      %squeeze3A_145 = vector.extract %slice3A_144[0] : i32 from vector<1xi32>
      %dma_start3A_146 = arith.constant 9 : i32
      %dma_start3A_147 = arith.constant 0 : i32
      %dma_start3A_148 = tpu.memref_slice %arg7[%dma_start3A_146, %dma_start3A_147] : memref<32x256xf32, #tpu.memory_space<vmem>> -> memref<1x256xf32, #tpu.memory_space<vmem>>
      %dma_start3A_149 = arith.constant 0 : i32
      %dma_start3A_150 = tpu.memref_slice %arg6[%squeeze3A_145, %dma_start3A_149] : memref<4096x256xf32, #tpu.memory_space<vmem_shared>> -> memref<1x256xf32, #tpu.memory_space<vmem_shared>>
      %dma_start3A_151 = arith.constant 9 : i32
      %dma_start3A_152 = arith.constant 0 : i32
      %dma_start3A_153 = tpu.memref_slice %arg7[%dma_start3A_151, %dma_start3A_152] : memref<32x256xf32, #tpu.memory_space<vmem>> -> memref<1x256xf32, #tpu.memory_space<vmem>>
      %dma_start3A_154 = arith.constant 0 : i32
      %dma_start3A_155 = tpu.memref_slice %arg6[%squeeze3A_145, %dma_start3A_154] : memref<4096x256xf32, #tpu.memory_space<vmem_shared>> -> memref<1x256xf32, #tpu.memory_space<vmem_shared>>
      tpu.enqueue_dma source(%dma_start3A_155 : memref<1x256xf32, #tpu.memory_space<vmem_shared>>) target(%dma_start3A_153 : memref<1x256xf32, #tpu.memory_space<vmem>>) target_semaphore(%arg11 : memref<!tpu.dma_semaphore, #tpu.memory_space<semaphore_mem>>)
      %slice3A_156 = vector.extract_strided_slice %get3A_38 {offsets = [10], sizes = [1], strides = [1]} : vector<16xi32> to vector<1xi32>
      %squeeze3A_157 = vector.extract %slice3A_156[0] : i32 from vector<1xi32>
      %dma_start3A_158 = arith.constant 10 : i32
      %dma_start3A_159 = arith.constant 0 : i32
      %dma_start3A_160 = tpu.memref_slice %arg7[%dma_start3A_158, %dma_start3A_159] : memref<32x256xf32, #tpu.memory_space<vmem>> -> memref<1x256xf32, #tpu.memory_space<vmem>>
      %dma_start3A_161 = arith.constant 0 : i32
      %dma_start3A_162 = tpu.memref_slice %arg6[%squeeze3A_157, %dma_start3A_161] : memref<4096x256xf32, #tpu.memory_space<vmem_shared>> -> memref<1x256xf32, #tpu.memory_space<vmem_shared>>
      %dma_start3A_163 = arith.constant 10 : i32
      %dma_start3A_164 = arith.constant 0 : i32
      %dma_start3A_165 = tpu.memref_slice %arg7[%dma_start3A_163, %dma_start3A_164] : memref<32x256xf32, #tpu.memory_space<vmem>> -> memref<1x256xf32, #tpu.memory_space<vmem>>
      %dma_start3A_166 = arith.constant 0 : i32
      %dma_start3A_167 = tpu.memref_slice %arg6[%squeeze3A_157, %dma_start3A_166] : memref<4096x256xf32, #tpu.memory_space<vmem_shared>> -> memref<1x256xf32, #tpu.memory_space<vmem_shared>>
      tpu.enqueue_dma source(%dma_start3A_167 : memref<1x256xf32, #tpu.memory_space<vmem_shared>>) target(%dma_start3A_165 : memref<1x256xf32, #tpu.memory_space<vmem>>) target_semaphore(%arg11 : memref<!tpu.dma_semaphore, #tpu.memory_space<semaphore_mem>>)
      %slice3A_168 = vector.extract_strided_slice %get3A_38 {offsets = [11], sizes = [1], strides = [1]} : vector<16xi32> to vector<1xi32>
      %squeeze3A_169 = vector.extract %slice3A_168[0] : i32 from vector<1xi32>
      %dma_start3A_170 = arith.constant 11 : i32
      %dma_start3A_171 = arith.constant 0 : i32
      %dma_start3A_172 = tpu.memref_slice %arg7[%dma_start3A_170, %dma_start3A_171] : memref<32x256xf32, #tpu.memory_space<vmem>> -> memref<1x256xf32, #tpu.memory_space<vmem>>
      %dma_start3A_173 = arith.constant 0 : i32
      %dma_start3A_174 = tpu.memref_slice %arg6[%squeeze3A_169, %dma_start3A_173] : memref<4096x256xf32, #tpu.memory_space<vmem_shared>> -> memref<1x256xf32, #tpu.memory_space<vmem_shared>>
      %dma_start3A_175 = arith.constant 11 : i32
      %dma_start3A_176 = arith.constant 0 : i32
      %dma_start3A_177 = tpu.memref_slice %arg7[%dma_start3A_175, %dma_start3A_176] : memref<32x256xf32, #tpu.memory_space<vmem>> -> memref<1x256xf32, #tpu.memory_space<vmem>>
      %dma_start3A_178 = arith.constant 0 : i32
      %dma_start3A_179 = tpu.memref_slice %arg6[%squeeze3A_169, %dma_start3A_178] : memref<4096x256xf32, #tpu.memory_space<vmem_shared>> -> memref<1x256xf32, #tpu.memory_space<vmem_shared>>
      tpu.enqueue_dma source(%dma_start3A_179 : memref<1x256xf32, #tpu.memory_space<vmem_shared>>) target(%dma_start3A_177 : memref<1x256xf32, #tpu.memory_space<vmem>>) target_semaphore(%arg11 : memref<!tpu.dma_semaphore, #tpu.memory_space<semaphore_mem>>)
      %slice3A_180 = vector.extract_strided_slice %get3A_38 {offsets = [12], sizes = [1], strides = [1]} : vector<16xi32> to vector<1xi32>
      %squeeze3A_181 = vector.extract %slice3A_180[0] : i32 from vector<1xi32>
      %dma_start3A_182 = arith.constant 12 : i32
      %dma_start3A_183 = arith.constant 0 : i32
      %dma_start3A_184 = tpu.memref_slice %arg7[%dma_start3A_182, %dma_start3A_183] : memref<32x256xf32, #tpu.memory_space<vmem>> -> memref<1x256xf32, #tpu.memory_space<vmem>>
      %dma_start3A_185 = arith.constant 0 : i32
      %dma_start3A_186 = tpu.memref_slice %arg6[%squeeze3A_181, %dma_start3A_185] : memref<4096x256xf32, #tpu.memory_space<vmem_shared>> -> memref<1x256xf32, #tpu.memory_space<vmem_shared>>
      %dma_start3A_187 = arith.constant 12 : i32
      %dma_start3A_188 = arith.constant 0 : i32
      %dma_start3A_189 = tpu.memref_slice %arg7[%dma_start3A_187, %dma_start3A_188] : memref<32x256xf32, #tpu.memory_space<vmem>> -> memref<1x256xf32, #tpu.memory_space<vmem>>
      %dma_start3A_190 = arith.constant 0 : i32
      %dma_start3A_191 = tpu.memref_slice %arg6[%squeeze3A_181, %dma_start3A_190] : memref<4096x256xf32, #tpu.memory_space<vmem_shared>> -> memref<1x256xf32, #tpu.memory_space<vmem_shared>>
      tpu.enqueue_dma source(%dma_start3A_191 : memref<1x256xf32, #tpu.memory_space<vmem_shared>>) target(%dma_start3A_189 : memref<1x256xf32, #tpu.memory_space<vmem>>) target_semaphore(%arg11 : memref<!tpu.dma_semaphore, #tpu.memory_space<semaphore_mem>>)
      %slice3A_192 = vector.extract_strided_slice %get3A_38 {offsets = [13], sizes = [1], strides = [1]} : vector<16xi32> to vector<1xi32>
      %squeeze3A_193 = vector.extract %slice3A_192[0] : i32 from vector<1xi32>
      %dma_start3A_194 = arith.constant 13 : i32
      %dma_start3A_195 = arith.constant 0 : i32
      %dma_start3A_196 = tpu.memref_slice %arg7[%dma_start3A_194, %dma_start3A_195] : memref<32x256xf32, #tpu.memory_space<vmem>> -> memref<1x256xf32, #tpu.memory_space<vmem>>
      %dma_start3A_197 = arith.constant 0 : i32
      %dma_start3A_198 = tpu.memref_slice %arg6[%squeeze3A_193, %dma_start3A_197] : memref<4096x256xf32, #tpu.memory_space<vmem_shared>> -> memref<1x256xf32, #tpu.memory_space<vmem_shared>>
      %dma_start3A_199 = arith.constant 13 : i32
      %dma_start3A_200 = arith.constant 0 : i32
      %dma_start3A_201 = tpu.memref_slice %arg7[%dma_start3A_199, %dma_start3A_200] : memref<32x256xf32, #tpu.memory_space<vmem>> -> memref<1x256xf32, #tpu.memory_space<vmem>>
      %dma_start3A_202 = arith.constant 0 : i32
      %dma_start3A_203 = tpu.memref_slice %arg6[%squeeze3A_193, %dma_start3A_202] : memref<4096x256xf32, #tpu.memory_space<vmem_shared>> -> memref<1x256xf32, #tpu.memory_space<vmem_shared>>
      tpu.enqueue_dma source(%dma_start3A_203 : memref<1x256xf32, #tpu.memory_space<vmem_shared>>) target(%dma_start3A_201 : memref<1x256xf32, #tpu.memory_space<vmem>>) target_semaphore(%arg11 : memref<!tpu.dma_semaphore, #tpu.memory_space<semaphore_mem>>)
      %slice3A_204 = vector.extract_strided_slice %get3A_38 {offsets = [14], sizes = [1], strides = [1]} : vector<16xi32> to vector<1xi32>
      %squeeze3A_205 = vector.extract %slice3A_204[0] : i32 from vector<1xi32>
      %dma_start3A_206 = arith.constant 14 : i32
      %dma_start3A_207 = arith.constant 0 : i32
      %dma_start3A_208 = tpu.memref_slice %arg7[%dma_start3A_206, %dma_start3A_207] : memref<32x256xf32, #tpu.memory_space<vmem>> -> memref<1x256xf32, #tpu.memory_space<vmem>>
      %dma_start3A_209 = arith.constant 0 : i32
      %dma_start3A_210 = tpu.memref_slice %arg6[%squeeze3A_205, %dma_start3A_209] : memref<4096x256xf32, #tpu.memory_space<vmem_shared>> -> memref<1x256xf32, #tpu.memory_space<vmem_shared>>
      %dma_start3A_211 = arith.constant 14 : i32
      %dma_start3A_212 = arith.constant 0 : i32
      %dma_start3A_213 = tpu.memref_slice %arg7[%dma_start3A_211, %dma_start3A_212] : memref<32x256xf32, #tpu.memory_space<vmem>> -> memref<1x256xf32, #tpu.memory_space<vmem>>
      %dma_start3A_214 = arith.constant 0 : i32
      %dma_start3A_215 = tpu.memref_slice %arg6[%squeeze3A_205, %dma_start3A_214] : memref<4096x256xf32, #tpu.memory_space<vmem_shared>> -> memref<1x256xf32, #tpu.memory_space<vmem_shared>>
      tpu.enqueue_dma source(%dma_start3A_215 : memref<1x256xf32, #tpu.memory_space<vmem_shared>>) target(%dma_start3A_213 : memref<1x256xf32, #tpu.memory_space<vmem>>) target_semaphore(%arg11 : memref<!tpu.dma_semaphore, #tpu.memory_space<semaphore_mem>>)
      %slice3A_216 = vector.extract_strided_slice %get3A_38 {offsets = [15], sizes = [1], strides = [1]} : vector<16xi32> to vector<1xi32>
      %squeeze3A_217 = vector.extract %slice3A_216[0] : i32 from vector<1xi32>
      %dma_start3A_218 = arith.constant 15 : i32
      %dma_start3A_219 = arith.constant 0 : i32
      %dma_start3A_220 = tpu.memref_slice %arg7[%dma_start3A_218, %dma_start3A_219] : memref<32x256xf32, #tpu.memory_space<vmem>> -> memref<1x256xf32, #tpu.memory_space<vmem>>
      %dma_start3A_221 = arith.constant 0 : i32
      %dma_start3A_222 = tpu.memref_slice %arg6[%squeeze3A_217, %dma_start3A_221] : memref<4096x256xf32, #tpu.memory_space<vmem_shared>> -> memref<1x256xf32, #tpu.memory_space<vmem_shared>>
      %dma_start3A_223 = arith.constant 15 : i32
      %dma_start3A_224 = arith.constant 0 : i32
      %dma_start3A_225 = tpu.memref_slice %arg7[%dma_start3A_223, %dma_start3A_224] : memref<32x256xf32, #tpu.memory_space<vmem>> -> memref<1x256xf32, #tpu.memory_space<vmem>>
      %dma_start3A_226 = arith.constant 0 : i32
      %dma_start3A_227 = tpu.memref_slice %arg6[%squeeze3A_217, %dma_start3A_226] : memref<4096x256xf32, #tpu.memory_space<vmem_shared>> -> memref<1x256xf32, #tpu.memory_space<vmem_shared>>
      tpu.enqueue_dma source(%dma_start3A_227 : memref<1x256xf32, #tpu.memory_space<vmem_shared>>) target(%dma_start3A_225 : memref<1x256xf32, #tpu.memory_space<vmem>>) target_semaphore(%arg11 : memref<!tpu.dma_semaphore, #tpu.memory_space<semaphore_mem>>)
      %get3A_228 = arith.constant 0 : i32
      %get3A_229 = arith.index_cast %get3A_228 : i32 to index
      %get3A_230 = arith.constant 16 : index
      %get3A_231 = tpu.vector_load %arg5[%get3A_229, %get3A_230] {strides = array<i32>} : memref<160x32xi32, #tpu.memory_space<vmem>>, vector<1x16xi32>,
      %get3A_232 = vector.shape_cast %get3A_231 : vector<1x16xi32> to vector<16xi32>
      %slice3A_233 = vector.extract_strided_slice %get3A_232 {offsets = [0], sizes = [1], strides = [1]} : vector<16xi32> to vector<1xi32>
      %squeeze3A_234 = vector.extract %slice3A_233[0] : i32 from vector<1xi32>
      %dma_start3A_235 = arith.constant 16 : i32
      %dma_start3A_236 = arith.constant 0 : i32
      %dma_start3A_237 = tpu.memref_slice %arg7[%dma_start3A_235, %dma_start3A_236] : memref<32x256xf32, #tpu.memory_space<vmem>> -> memref<1x256xf32, #tpu.memory_space<vmem>>
      %dma_start3A_238 = arith.constant 0 : i32
      %dma_start3A_239 = tpu.memref_slice %arg6[%squeeze3A_234, %dma_start3A_238] : memref<4096x256xf32, #tpu.memory_space<vmem_shared>> -> memref<1x256xf32, #tpu.memory_space<vmem_shared>>
      %dma_start3A_240 = arith.constant 16 : i32
      %dma_start3A_241 = arith.constant 0 : i32
      %dma_start3A_242 = tpu.memref_slice %arg7[%dma_start3A_240, %dma_start3A_241] : memref<32x256xf32, #tpu.memory_space<vmem>> -> memref<1x256xf32, #tpu.memory_space<vmem>>
      %dma_start3A_243 = arith.constant 0 : i32
      %dma_start3A_244 = tpu.memref_slice %arg6[%squeeze3A_234, %dma_start3A_243] : memref<4096x256xf32, #tpu.memory_space<vmem_shared>> -> memref<1x256xf32, #tpu.memory_space<vmem_shared>>
      tpu.enqueue_dma source(%dma_start3A_244 : memref<1x256xf32, #tpu.memory_space<vmem_shared>>) target(%dma_start3A_242 : memref<1x256xf32, #tpu.memory_space<vmem>>) target_semaphore(%arg11 : memref<!tpu.dma_semaphore, #tpu.memory_space<semaphore_mem>>)
      %slice3A_245 = vector.extract_strided_slice %get3A_232 {offsets = [1], sizes = [1], strides = [1]} : vector<16xi32> to vector<1xi32>
      %squeeze3A_246 = vector.extract %slice3A_245[0] : i32 from vector<1xi32>
      %dma_start3A_247 = arith.constant 17 : i32
      %dma_start3A_248 = arith.constant 0 : i32
      %dma_start3A_249 = tpu.memref_slice %arg7[%dma_start3A_247, %dma_start3A_248] : memref<32x256xf32, #tpu.memory_space<vmem>> -> memref<1x256xf32, #tpu.memory_space<vmem>>
      %dma_start3A_250 = arith.constant 0 : i32
      %dma_start3A_251 = tpu.memref_slice %arg6[%squeeze3A_246, %dma_start3A_250] : memref<4096x256xf32, #tpu.memory_space<vmem_shared>> -> memref<1x256xf32, #tpu.memory_space<vmem_shared>>
      %dma_start3A_252 = arith.constant 17 : i32
      %dma_start3A_253 = arith.constant 0 : i32
      %dma_start3A_254 = tpu.memref_slice %arg7[%dma_start3A_252, %dma_start3A_253] : memref<32x256xf32, #tpu.memory_space<vmem>> -> memref<1x256xf32, #tpu.memory_space<vmem>>
      %dma_start3A_255 = arith.constant 0 : i32
      %dma_start3A_256 = tpu.memref_slice %arg6[%squeeze3A_246, %dma_start3A_255] : memref<4096x256xf32, #tpu.memory_space<vmem_shared>> -> memref<1x256xf32, #tpu.memory_space<vmem_shared>>
      tpu.enqueue_dma source(%dma_start3A_256 : memref<1x256xf32, #tpu.memory_space<vmem_shared>>) target(%dma_start3A_254 : memref<1x256xf32, #tpu.memory_space<vmem>>) target_semaphore(%arg11 : memref<!tpu.dma_semaphore, #tpu.memory_space<semaphore_mem>>)
      %slice3A_257 = vector.extract_strided_slice %get3A_232 {offsets = [2], sizes = [1], strides = [1]} : vector<16xi32> to vector<1xi32>
      %squeeze3A_258 = vector.extract %slice3A_257[0] : i32 from vector<1xi32>
      %dma_start3A_259 = arith.constant 18 : i32
      %dma_start3A_260 = arith.constant 0 : i32
      %dma_start3A_261 = tpu.memref_slice %arg7[%dma_start3A_259, %dma_start3A_260] : memref<32x256xf32, #tpu.memory_space<vmem>> -> memref<1x256xf32, #tpu.memory_space<vmem>>
      %dma_start3A_262 = arith.constant 0 : i32
      %dma_start3A_263 = tpu.memref_slice %arg6[%squeeze3A_258, %dma_start3A_262] : memref<4096x256xf32, #tpu.memory_space<vmem_shared>> -> memref<1x256xf32, #tpu.memory_space<vmem_shared>>
      %dma_start3A_264 = arith.constant 18 : i32
      %dma_start3A_265 = arith.constant 0 : i32
      %dma_start3A_266 = tpu.memref_slice %arg7[%dma_start3A_264, %dma_start3A_265] : memref<32x256xf32, #tpu.memory_space<vmem>> -> memref<1x256xf32, #tpu.memory_space<vmem>>
      %dma_start3A_267 = arith.constant 0 : i32
      %dma_start3A_268 = tpu.memref_slice %arg6[%squeeze3A_258, %dma_start3A_267] : memref<4096x256xf32, #tpu.memory_space<vmem_shared>> -> memref<1x256xf32, #tpu.memory_space<vmem_shared>>
      tpu.enqueue_dma source(%dma_start3A_268 : memref<1x256xf32, #tpu.memory_space<vmem_shared>>) target(%dma_start3A_266 : memref<1x256xf32, #tpu.memory_space<vmem>>) target_semaphore(%arg11 : memref<!tpu.dma_semaphore, #tpu.memory_space<semaphore_mem>>)
      %slice3A_269 = vector.extract_strided_slice %get3A_232 {offsets = [3], sizes = [1], strides = [1]} : vector<16xi32> to vector<1xi32>
      %squeeze3A_270 = vector.extract %slice3A_269[0] : i32 from vector<1xi32>
      %dma_start3A_271 = arith.constant 19 : i32
      %dma_start3A_272 = arith.constant 0 : i32
      %dma_start3A_273 = tpu.memref_slice %arg7[%dma_start3A_271, %dma_start3A_272] : memref<32x256xf32, #tpu.memory_space<vmem>> -> memref<1x256xf32, #tpu.memory_space<vmem>>
      %dma_start3A_274 = arith.constant 0 : i32
      %dma_start3A_275 = tpu.memref_slice %arg6[%squeeze3A_270, %dma_start3A_274] : memref<4096x256xf32, #tpu.memory_space<vmem_shared>> -> memref<1x256xf32, #tpu.memory_space<vmem_shared>>
      %dma_start3A_276 = arith.constant 19 : i32
      %dma_start3A_277 = arith.constant 0 : i32
      %dma_start3A_278 = tpu.memref_slice %arg7[%dma_start3A_276, %dma_start3A_277] : memref<32x256xf32, #tpu.memory_space<vmem>> -> memref<1x256xf32, #tpu.memory_space<vmem>>
      %dma_start3A_279 = arith.constant 0 : i32
      %dma_start3A_280 = tpu.memref_slice %arg6[%squeeze3A_270, %dma_start3A_279] : memref<4096x256xf32, #tpu.memory_space<vmem_shared>> -> memref<1x256xf32, #tpu.memory_space<vmem_shared>>
      tpu.enqueue_dma source(%dma_start3A_280 : memref<1x256xf32, #tpu.memory_space<vmem_shared>>) target(%dma_start3A_278 : memref<1x256xf32, #tpu.memory_space<vmem>>) target_semaphore(%arg11 : memref<!tpu.dma_semaphore, #tpu.memory_space<semaphore_mem>>)
      %slice3A_281 = vector.extract_strided_slice %get3A_232 {offsets = [4], sizes = [1], strides = [1]} : vector<16xi32> to vector<1xi32>
      %squeeze3A_282 = vector.extract %slice3A_281[0] : i32 from vector<1xi32>
      %dma_start3A_283 = arith.constant 20 : i32
      %dma_start3A_284 = arith.constant 0 : i32
      %dma_start3A_285 = tpu.memref_slice %arg7[%dma_start3A_283, %dma_start3A_284] : memref<32x256xf32, #tpu.memory_space<vmem>> -> memref<1x256xf32, #tpu.memory_space<vmem>>
      %dma_start3A_286 = arith.constant 0 : i32
      %dma_start3A_287 = tpu.memref_slice %arg6[%squeeze3A_282, %dma_start3A_286] : memref<4096x256xf32, #tpu.memory_space<vmem_shared>> -> memref<1x256xf32, #tpu.memory_space<vmem_shared>>
      %dma_start3A_288 = arith.constant 20 : i32
      %dma_start3A_289 = arith.constant 0 : i32
      %dma_start3A_290 = tpu.memref_slice %arg7[%dma_start3A_288, %dma_start3A_289] : memref<32x256xf32, #tpu.memory_space<vmem>> -> memref<1x256xf32, #tpu.memory_space<vmem>>
      %dma_start3A_291 = arith.constant 0 : i32
      %dma_start3A_292 = tpu.memref_slice %arg6[%squeeze3A_282, %dma_start3A_291] : memref<4096x256xf32, #tpu.memory_space<vmem_shared>> -> memref<1x256xf32, #tpu.memory_space<vmem_shared>>
      tpu.enqueue_dma source(%dma_start3A_292 : memref<1x256xf32, #tpu.memory_space<vmem_shared>>) target(%dma_start3A_290 : memref<1x256xf32, #tpu.memory_space<vmem>>) target_semaphore(%arg11 : memref<!tpu.dma_semaphore, #tpu.memory_space<semaphore_mem>>)
      %slice3A_293 = vector.extract_strided_slice %get3A_232 {offsets = [5], sizes = [1], strides = [1]} : vector<16xi32> to vector<1xi32>
      %squeeze3A_294 = vector.extract %slice3A_293[0] : i32 from vector<1xi32>
      %dma_start3A_295 = arith.constant 21 : i32
      %dma_start3A_296 = arith.constant 0 : i32
      %dma_start3A_297 = tpu.memref_slice %arg7[%dma_start3A_295, %dma_start3A_296] : memref<32x256xf32, #tpu.memory_space<vmem>> -> memref<1x256xf32, #tpu.memory_space<vmem>>
      %dma_start3A_298 = arith.constant 0 : i32
      %dma_start3A_299 = tpu.memref_slice %arg6[%squeeze3A_294, %dma_start3A_298] : memref<4096x256xf32, #tpu.memory_space<vmem_shared>> -> memref<1x256xf32, #tpu.memory_space<vmem_shared>>
      %dma_start3A_300 = arith.constant 21 : i32
      %dma_start3A_301 = arith.constant 0 : i32
      %dma_start3A_302 = tpu.memref_slice %arg7[%dma_start3A_300, %dma_start3A_301] : memref<32x256xf32, #tpu.memory_space<vmem>> -> memref<1x256xf32, #tpu.memory_space<vmem>>
      %dma_start3A_303 = arith.constant 0 : i32
      %dma_start3A_304 = tpu.memref_slice %arg6[%squeeze3A_294, %dma_start3A_303] : memref<4096x256xf32, #tpu.memory_space<vmem_shared>> -> memref<1x256xf32, #tpu.memory_space<vmem_shared>>
      tpu.enqueue_dma source(%dma_start3A_304 : memref<1x256xf32, #tpu.memory_space<vmem_shared>>) target(%dma_start3A_302 : memref<1x256xf32, #tpu.memory_space<vmem>>) target_semaphore(%arg11 : memref<!tpu.dma_semaphore, #tpu.memory_space<semaphore_mem>>)
      %slice3A_305 = vector.extract_strided_slice %get3A_232 {offsets = [6], sizes = [1], strides = [1]} : vector<16xi32> to vector<1xi32>
      %squeeze3A_306 = vector.extract %slice3A_305[0] : i32 from vector<1xi32>
      %dma_start3A_307 = arith.constant 22 : i32
      %dma_start3A_308 = arith.constant 0 : i32
      %dma_start3A_309 = tpu.memref_slice %arg7[%dma_start3A_307, %dma_start3A_308] : memref<32x256xf32, #tpu.memory_space<vmem>> -> memref<1x256xf32, #tpu.memory_space<vmem>>
      %dma_start3A_310 = arith.constant 0 : i32
      %dma_start3A_311 = tpu.memref_slice %arg6[%squeeze3A_306, %dma_start3A_310] : memref<4096x256xf32, #tpu.memory_space<vmem_shared>> -> memref<1x256xf32, #tpu.memory_space<vmem_shared>>
      %dma_start3A_312 = arith.constant 22 : i32
      %dma_start3A_313 = arith.constant 0 : i32
      %dma_start3A_314 = tpu.memref_slice %arg7[%dma_start3A_312, %dma_start3A_313] : memref<32x256xf32, #tpu.memory_space<vmem>> -> memref<1x256xf32, #tpu.memory_space<vmem>>
      %dma_start3A_315 = arith.constant 0 : i32
      %dma_start3A_316 = tpu.memref_slice %arg6[%squeeze3A_306, %dma_start3A_315] : memref<4096x256xf32, #tpu.memory_space<vmem_shared>> -> memref<1x256xf32, #tpu.memory_space<vmem_shared>>
      tpu.enqueue_dma source(%dma_start3A_316 : memref<1x256xf32, #tpu.memory_space<vmem_shared>>) target(%dma_start3A_314 : memref<1x256xf32, #tpu.memory_space<vmem>>) target_semaphore(%arg11 : memref<!tpu.dma_semaphore, #tpu.memory_space<semaphore_mem>>)
      %slice3A_317 = vector.extract_strided_slice %get3A_232 {offsets = [7], sizes = [1], strides = [1]} : vector<16xi32> to vector<1xi32>
      %squeeze3A_318 = vector.extract %slice3A_317[0] : i32 from vector<1xi32>
      %dma_start3A_319 = arith.constant 23 : i32
      %dma_start3A_320 = arith.constant 0 : i32
      %dma_start3A_321 = tpu.memref_slice %arg7[%dma_start3A_319, %dma_start3A_320] : memref<32x256xf32, #tpu.memory_space<vmem>> -> memref<1x256xf32, #tpu.memory_space<vmem>>
      %dma_start3A_322 = arith.constant 0 : i32
      %dma_start3A_323 = tpu.memref_slice %arg6[%squeeze3A_318, %dma_start3A_322] : memref<4096x256xf32, #tpu.memory_space<vmem_shared>> -> memref<1x256xf32, #tpu.memory_space<vmem_shared>>
      %dma_start3A_324 = arith.constant 23 : i32
      %dma_start3A_325 = arith.constant 0 : i32
      %dma_start3A_326 = tpu.memref_slice %arg7[%dma_start3A_324, %dma_start3A_325] : memref<32x256xf32, #tpu.memory_space<vmem>> -> memref<1x256xf32, #tpu.memory_space<vmem>>
      %dma_start3A_327 = arith.constant 0 : i32
      %dma_start3A_328 = tpu.memref_slice %arg6[%squeeze3A_318, %dma_start3A_327] : memref<4096x256xf32, #tpu.memory_space<vmem_shared>> -> memref<1x256xf32, #tpu.memory_space<vmem_shared>>
      tpu.enqueue_dma source(%dma_start3A_328 : memref<1x256xf32, #tpu.memory_space<vmem_shared>>) target(%dma_start3A_326 : memref<1x256xf32, #tpu.memory_space<vmem>>) target_semaphore(%arg11 : memref<!tpu.dma_semaphore, #tpu.memory_space<semaphore_mem>>)
      %slice3A_329 = vector.extract_strided_slice %get3A_232 {offsets = [8], sizes = [1], strides = [1]} : vector<16xi32> to vector<1xi32>
      %squeeze3A_330 = vector.extract %slice3A_329[0] : i32 from vector<1xi32>
      %dma_start3A_331 = arith.constant 24 : i32
      %dma_start3A_332 = arith.constant 0 : i32
      %dma_start3A_333 = tpu.memref_slice %arg7[%dma_start3A_331, %dma_start3A_332] : memref<32x256xf32, #tpu.memory_space<vmem>> -> memref<1x256xf32, #tpu.memory_space<vmem>>
      %dma_start3A_334 = arith.constant 0 : i32
      %dma_start3A_335 = tpu.memref_slice %arg6[%squeeze3A_330, %dma_start3A_334] : memref<4096x256xf32, #tpu.memory_space<vmem_shared>> -> memref<1x256xf32, #tpu.memory_space<vmem_shared>>
      %dma_start3A_336 = arith.constant 24 : i32
      %dma_start3A_337 = arith.constant 0 : i32
      %dma_start3A_338 = tpu.memref_slice %arg7[%dma_start3A_336, %dma_start3A_337] : memref<32x256xf32, #tpu.memory_space<vmem>> -> memref<1x256xf32, #tpu.memory_space<vmem>>
      %dma_start3A_339 = arith.constant 0 : i32
      %dma_start3A_340 = tpu.memref_slice %arg6[%squeeze3A_330, %dma_start3A_339] : memref<4096x256xf32, #tpu.memory_space<vmem_shared>> -> memref<1x256xf32, #tpu.memory_space<vmem_shared>>
      tpu.enqueue_dma source(%dma_start3A_340 : memref<1x256xf32, #tpu.memory_space<vmem_shared>>) target(%dma_start3A_338 : memref<1x256xf32, #tpu.memory_space<vmem>>) target_semaphore(%arg11 : memref<!tpu.dma_semaphore, #tpu.memory_space<semaphore_mem>>)
      %slice3A_341 = vector.extract_strided_slice %get3A_232 {offsets = [9], sizes = [1], strides = [1]} : vector<16xi32> to vector<1xi32>
      %squeeze3A_342 = vector.extract %slice3A_341[0] : i32 from vector<1xi32>
      %dma_start3A_343 = arith.constant 25 : i32
      %dma_start3A_344 = arith.constant 0 : i32
      %dma_start3A_345 = tpu.memref_slice %arg7[%dma_start3A_343, %dma_start3A_344] : memref<32x256xf32, #tpu.memory_space<vmem>> -> memref<1x256xf32, #tpu.memory_space<vmem>>
      %dma_start3A_346 = arith.constant 0 : i32
      %dma_start3A_347 = tpu.memref_slice %arg6[%squeeze3A_342, %dma_start3A_346] : memref<4096x256xf32, #tpu.memory_space<vmem_shared>> -> memref<1x256xf32, #tpu.memory_space<vmem_shared>>
      %dma_start3A_348 = arith.constant 25 : i32
      %dma_start3A_349 = arith.constant 0 : i32
      %dma_start3A_350 = tpu.memref_slice %arg7[%dma_start3A_348, %dma_start3A_349] : memref<32x256xf32, #tpu.memory_space<vmem>> -> memref<1x256xf32, #tpu.memory_space<vmem>>
      %dma_start3A_351 = arith.constant 0 : i32
      %dma_start3A_352 = tpu.memref_slice %arg6[%squeeze3A_342, %dma_start3A_351] : memref<4096x256xf32, #tpu.memory_space<vmem_shared>> -> memref<1x256xf32, #tpu.memory_space<vmem_shared>>
      tpu.enqueue_dma source(%dma_start3A_352 : memref<1x256xf32, #tpu.memory_space<vmem_shared>>) target(%dma_start3A_350 : memref<1x256xf32, #tpu.memory_space<vmem>>) target_semaphore(%arg11 : memref<!tpu.dma_semaphore, #tpu.memory_space<semaphore_mem>>)
      %slice3A_353 = vector.extract_strided_slice %get3A_232 {offsets = [10], sizes = [1], strides = [1]} : vector<16xi32> to vector<1xi32>
      %squeeze3A_354 = vector.extract %slice3A_353[0] : i32 from vector<1xi32>
      %dma_start3A_355 = arith.constant 26 : i32
      %dma_start3A_356 = arith.constant 0 : i32
      %dma_start3A_357 = tpu.memref_slice %arg7[%dma_start3A_355, %dma_start3A_356] : memref<32x256xf32, #tpu.memory_space<vmem>> -> memref<1x256xf32, #tpu.memory_space<vmem>>
      %dma_start3A_358 = arith.constant 0 : i32
      %dma_start3A_359 = tpu.memref_slice %arg6[%squeeze3A_354, %dma_start3A_358] : memref<4096x256xf32, #tpu.memory_space<vmem_shared>> -> memref<1x256xf32, #tpu.memory_space<vmem_shared>>
      %dma_start3A_360 = arith.constant 26 : i32
      %dma_start3A_361 = arith.constant 0 : i32
      %dma_start3A_362 = tpu.memref_slice %arg7[%dma_start3A_360, %dma_start3A_361] : memref<32x256xf32, #tpu.memory_space<vmem>> -> memref<1x256xf32, #tpu.memory_space<vmem>>
      %dma_start3A_363 = arith.constant 0 : i32
      %dma_start3A_364 = tpu.memref_slice %arg6[%squeeze3A_354, %dma_start3A_363] : memref<4096x256xf32, #tpu.memory_space<vmem_shared>> -> memref<1x256xf32, #tpu.memory_space<vmem_shared>>
      tpu.enqueue_dma source(%dma_start3A_364 : memref<1x256xf32, #tpu.memory_space<vmem_shared>>) target(%dma_start3A_362 : memref<1x256xf32, #tpu.memory_space<vmem>>) target_semaphore(%arg11 : memref<!tpu.dma_semaphore, #tpu.memory_space<semaphore_mem>>)
      %slice3A_365 = vector.extract_strided_slice %get3A_232 {offsets = [11], sizes = [1], strides = [1]} : vector<16xi32> to vector<1xi32>
      %squeeze3A_366 = vector.extract %slice3A_365[0] : i32 from vector<1xi32>
      %dma_start3A_367 = arith.constant 27 : i32
      %dma_start3A_368 = arith.constant 0 : i32
      %dma_start3A_369 = tpu.memref_slice %arg7[%dma_start3A_367, %dma_start3A_368] : memref<32x256xf32, #tpu.memory_space<vmem>> -> memref<1x256xf32, #tpu.memory_space<vmem>>
      %dma_start3A_370 = arith.constant 0 : i32
      %dma_start3A_371 = tpu.memref_slice %arg6[%squeeze3A_366, %dma_start3A_370] : memref<4096x256xf32, #tpu.memory_space<vmem_shared>> -> memref<1x256xf32, #tpu.memory_space<vmem_shared>>
      %dma_start3A_372 = arith.constant 27 : i32
      %dma_start3A_373 = arith.constant 0 : i32
      %dma_start3A_374 = tpu.memref_slice %arg7[%dma_start3A_372, %dma_start3A_373] : memref<32x256xf32, #tpu.memory_space<vmem>> -> memref<1x256xf32, #tpu.memory_space<vmem>>
      %dma_start3A_375 = arith.constant 0 : i32
      %dma_start3A_376 = tpu.memref_slice %arg6[%squeeze3A_366, %dma_start3A_375] : memref<4096x256xf32, #tpu.memory_space<vmem_shared>> -> memref<1x256xf32, #tpu.memory_space<vmem_shared>>
      tpu.enqueue_dma source(%dma_start3A_376 : memref<1x256xf32, #tpu.memory_space<vmem_shared>>) target(%dma_start3A_374 : memref<1x256xf32, #tpu.memory_space<vmem>>) target_semaphore(%arg11 : memref<!tpu.dma_semaphore, #tpu.memory_space<semaphore_mem>>)
      %slice3A_377 = vector.extract_strided_slice %get3A_232 {offsets = [12], sizes = [1], strides = [1]} : vector<16xi32> to vector<1xi32>
      %squeeze3A_378 = vector.extract %slice3A_377[0] : i32 from vector<1xi32>
      %dma_start3A_379 = arith.constant 28 : i32
      %dma_start3A_380 = arith.constant 0 : i32
      %dma_start3A_381 = tpu.memref_slice %arg7[%dma_start3A_379, %dma_start3A_380] : memref<32x256xf32, #tpu.memory_space<vmem>> -> memref<1x256xf32, #tpu.memory_space<vmem>>
      %dma_start3A_382 = arith.constant 0 : i32
      %dma_start3A_383 = tpu.memref_slice %arg6[%squeeze3A_378, %dma_start3A_382] : memref<4096x256xf32, #tpu.memory_space<vmem_shared>> -> memref<1x256xf32, #tpu.memory_space<vmem_shared>>
      %dma_start3A_384 = arith.constant 28 : i32
      %dma_start3A_385 = arith.constant 0 : i32
      %dma_start3A_386 = tpu.memref_slice %arg7[%dma_start3A_384, %dma_start3A_385] : memref<32x256xf32, #tpu.memory_space<vmem>> -> memref<1x256xf32, #tpu.memory_space<vmem>>
      %dma_start3A_387 = arith.constant 0 : i32
      %dma_start3A_388 = tpu.memref_slice %arg6[%squeeze3A_378, %dma_start3A_387] : memref<4096x256xf32, #tpu.memory_space<vmem_shared>> -> memref<1x256xf32, #tpu.memory_space<vmem_shared>>
      tpu.enqueue_dma source(%dma_start3A_388 : memref<1x256xf32, #tpu.memory_space<vmem_shared>>) target(%dma_start3A_386 : memref<1x256xf32, #tpu.memory_space<vmem>>) target_semaphore(%arg11 : memref<!tpu.dma_semaphore, #tpu.memory_space<semaphore_mem>>)
      %slice3A_389 = vector.extract_strided_slice %get3A_232 {offsets = [13], sizes = [1], strides = [1]} : vector<16xi32> to vector<1xi32>
      %squeeze3A_390 = vector.extract %slice3A_389[0] : i32 from vector<1xi32>
      %dma_start3A_391 = arith.constant 29 : i32
      %dma_start3A_392 = arith.constant 0 : i32
      %dma_start3A_393 = tpu.memref_slice %arg7[%dma_start3A_391, %dma_start3A_392] : memref<32x256xf32, #tpu.memory_space<vmem>> -> memref<1x256xf32, #tpu.memory_space<vmem>>
      %dma_start3A_394 = arith.constant 0 : i32
      %dma_start3A_395 = tpu.memref_slice %arg6[%squeeze3A_390, %dma_start3A_394] : memref<4096x256xf32, #tpu.memory_space<vmem_shared>> -> memref<1x256xf32, #tpu.memory_space<vmem_shared>>
      %dma_start3A_396 = arith.constant 29 : i32
      %dma_start3A_397 = arith.constant 0 : i32
      %dma_start3A_398 = tpu.memref_slice %arg7[%dma_start3A_396, %dma_start3A_397] : memref<32x256xf32, #tpu.memory_space<vmem>> -> memref<1x256xf32, #tpu.memory_space<vmem>>
      %dma_start3A_399 = arith.constant 0 : i32
      %dma_start3A_400 = tpu.memref_slice %arg6[%squeeze3A_390, %dma_start3A_399] : memref<4096x256xf32, #tpu.memory_space<vmem_shared>> -> memref<1x256xf32, #tpu.memory_space<vmem_shared>>
      tpu.enqueue_dma source(%dma_start3A_400 : memref<1x256xf32, #tpu.memory_space<vmem_shared>>) target(%dma_start3A_398 : memref<1x256xf32, #tpu.memory_space<vmem>>) target_semaphore(%arg11 : memref<!tpu.dma_semaphore, #tpu.memory_space<semaphore_mem>>)
      %slice3A_401 = vector.extract_strided_slice %get3A_232 {offsets = [14], sizes = [1], strides = [1]} : vector<16xi32> to vector<1xi32>
      %squeeze3A_402 = vector.extract %slice3A_401[0] : i32 from vector<1xi32>
      %dma_start3A_403 = arith.constant 30 : i32
      %dma_start3A_404 = arith.constant 0 : i32
      %dma_start3A_405 = tpu.memref_slice %arg7[%dma_start3A_403, %dma_start3A_404] : memref<32x256xf32, #tpu.memory_space<vmem>> -> memref<1x256xf32, #tpu.memory_space<vmem>>
      %dma_start3A_406 = arith.constant 0 : i32
      %dma_start3A_407 = tpu.memref_slice %arg6[%squeeze3A_402, %dma_start3A_406] : memref<4096x256xf32, #tpu.memory_space<vmem_shared>> -> memref<1x256xf32, #tpu.memory_space<vmem_shared>>
      %dma_start3A_408 = arith.constant 30 : i32
      %dma_start3A_409 = arith.constant 0 : i32
      %dma_start3A_410 = tpu.memref_slice %arg7[%dma_start3A_408, %dma_start3A_409] : memref<32x256xf32, #tpu.memory_space<vmem>> -> memref<1x256xf32, #tpu.memory_space<vmem>>
      %dma_start3A_411 = arith.constant 0 : i32
      %dma_start3A_412 = tpu.memref_slice %arg6[%squeeze3A_402, %dma_start3A_411] : memref<4096x256xf32, #tpu.memory_space<vmem_shared>> -> memref<1x256xf32, #tpu.memory_space<vmem_shared>>
      tpu.enqueue_dma source(%dma_start3A_412 : memref<1x256xf32, #tpu.memory_space<vmem_shared>>) target(%dma_start3A_410 : memref<1x256xf32, #tpu.memory_space<vmem>>) target_semaphore(%arg11 : memref<!tpu.dma_semaphore, #tpu.memory_space<semaphore_mem>>)
      %slice3A_413 = vector.extract_strided_slice %get3A_232 {offsets = [15], sizes = [1], strides = [1]} : vector<16xi32> to vector<1xi32>
      %squeeze3A_414 = vector.extract %slice3A_413[0] : i32 from vector<1xi32>
      %dma_start3A_415 = arith.constant 31 : i32
      %dma_start3A_416 = arith.constant 0 : i32
      %dma_start3A_417 = tpu.memref_slice %arg7[%dma_start3A_415, %dma_start3A_416] : memref<32x256xf32, #tpu.memory_space<vmem>> -> memref<1x256xf32, #tpu.memory_space<vmem>>
      %dma_start3A_418 = arith.constant 0 : i32
      %dma_start3A_419 = tpu.memref_slice %arg6[%squeeze3A_414, %dma_start3A_418] : memref<4096x256xf32, #tpu.memory_space<vmem_shared>> -> memref<1x256xf32, #tpu.memory_space<vmem_shared>>
      %dma_start3A_420 = arith.constant 31 : i32
      %dma_start3A_421 = arith.constant 0 : i32
      %dma_start3A_422 = tpu.memref_slice %arg7[%dma_start3A_420, %dma_start3A_421] : memref<32x256xf32, #tpu.memory_space<vmem>> -> memref<1x256xf32, #tpu.memory_space<vmem>>
      %dma_start3A_423 = arith.constant 0 : i32
      %dma_start3A_424 = tpu.memref_slice %arg6[%squeeze3A_414, %dma_start3A_423] : memref<4096x256xf32, #tpu.memory_space<vmem_shared>> -> memref<1x256xf32, #tpu.memory_space<vmem_shared>>
      tpu.enqueue_dma source(%dma_start3A_424 : memref<1x256xf32, #tpu.memory_space<vmem_shared>>) target(%dma_start3A_422 : memref<1x256xf32, #tpu.memory_space<vmem>>) target_semaphore(%arg11 : memref<!tpu.dma_semaphore, #tpu.memory_space<semaphore_mem>>)
      %scan3A_425 = arith.constant 0 : i32
      %scan3A_426 = arith.constant 0 : i32
      %scan3A_427 = arith.constant 40 : i32
      %scan3A_428 = arith.addi %scan3A_426, %scan3A_427 : i32
      %scan3A_429 = arith.constant 1 : i32
      scf.for %scan3A_431 = %scan3A_426 to %scan3A_428 step %scan3A_429  : i32 {
        %mul3A_432 = arith.constant 4 : i32
        %mul3A_433 = arith.muli %scan3A_431, %mul3A_432 : i32
        %add3A_434 = arith.constant 0 : i32
        %add3A_435 = arith.addi %mul3A_433, %add3A_434 : i32
        %gt3A_436 = arith.constant 0 : i32
        %gt3A_437 = arith.cmpi sgt, %scan3A_27, %gt3A_436 : i32
        %gt3A_438 = arith.constant 0 : i32
        %gt3A_439 = arith.cmpi sgt, %scan3A_431, %gt3A_438 : i32
        %or3A = arith.ori %gt3A_437, %gt3A_439 : i1
        %convert_element_type3A_440 = arith.extui %or3A : i1 to i32
        %cond3A_441 = arith.constant 0 : i32
        %cond3A_442 = arith.cmpi ne, %convert_element_type3A_440, %cond3A_441 : i32
        scf.if %cond3A_442 {
          %dma_wait3A_1713 = arith.constant 0 : i32
          %dma_wait3A_1714 = tpu.memref_slice %arg4[%mul3A_2, %dma_wait3A_1713] : memref<819200x256xf32, #tpu.memory_space<hbm>> -> memref<32x256xf32, #tpu.memory_space<hbm>>
          %dma_wait3A_1715 = arith.constant 0 : i32
          %dma_wait3A_1716 = tpu.memref_slice %arg4[%mul3A_2, %dma_wait3A_1715] : memref<819200x256xf32, #tpu.memory_space<hbm>> -> memref<32x256xf32, #tpu.memory_space<hbm>>
          tpu.wait_dma2 semaphore(%arg16 : memref<!tpu.dma_semaphore, #tpu.memory_space<semaphore_mem>>) src(%arg8 : memref<32x256xf32, #tpu.memory_space<vmem>>) dst(%dma_wait3A_1716 : memref<32x256xf32, #tpu.memory_space<hbm>>)
        } else {
        }
        %add3A_443 = arith.constant 1 : i32
        %add3A_444 = arith.addi %add3A_435, %add3A_443 : i32
        %get3A_445 = arith.index_cast %add3A_444 : i32 to index
        %get3A_446 = arith.constant 0 : index
        %get3A_447 = tpu.vector_load %arg5[%get3A_445, %get3A_446] {strides = array<i32>} : memref<160x32xi32, #tpu.memory_space<vmem>>, vector<1x16xi32>,
        %get3A_448 = vector.shape_cast %get3A_447 : vector<1x16xi32> to vector<16xi32>
        %slice3A_449 = vector.extract_strided_slice %get3A_448 {offsets = [0], sizes = [1], strides = [1]} : vector<16xi32> to vector<1xi32>
        %squeeze3A_450 = vector.extract %slice3A_449[0] : i32 from vector<1xi32>
        %dma_start3A_451 = arith.constant 0 : i32
        %dma_start3A_452 = arith.constant 0 : i32
        %dma_start3A_453 = tpu.memref_slice %arg8[%dma_start3A_451, %dma_start3A_452] : memref<32x256xf32, #tpu.memory_space<vmem>> -> memref<1x256xf32, #tpu.memory_space<vmem>>
        %dma_start3A_454 = arith.constant 0 : i32
        %dma_start3A_455 = tpu.memref_slice %arg6[%squeeze3A_450, %dma_start3A_454] : memref<4096x256xf32, #tpu.memory_space<vmem_shared>> -> memref<1x256xf32, #tpu.memory_space<vmem_shared>>
        %dma_start3A_456 = arith.constant 0 : i32
        %dma_start3A_457 = arith.constant 0 : i32
        %dma_start3A_458 = tpu.memref_slice %arg8[%dma_start3A_456, %dma_start3A_457] : memref<32x256xf32, #tpu.memory_space<vmem>> -> memref<1x256xf32, #tpu.memory_space<vmem>>
        %dma_start3A_459 = arith.constant 0 : i32
        %dma_start3A_460 = tpu.memref_slice %arg6[%squeeze3A_450, %dma_start3A_459] : memref<4096x256xf32, #tpu.memory_space<vmem_shared>> -> memref<1x256xf32, #tpu.memory_space<vmem_shared>>
        tpu.enqueue_dma source(%dma_start3A_460 : memref<1x256xf32, #tpu.memory_space<vmem_shared>>) target(%dma_start3A_458 : memref<1x256xf32, #tpu.memory_space<vmem>>) target_semaphore(%arg12 : memref<!tpu.dma_semaphore, #tpu.memory_space<semaphore_mem>>)
        %slice3A_461 = vector.extract_strided_slice %get3A_448 {offsets = [1], sizes = [1], strides = [1]} : vector<16xi32> to vector<1xi32>
        %squeeze3A_462 = vector.extract %slice3A_461[0] : i32 from vector<1xi32>
        %dma_start3A_463 = arith.constant 1 : i32
        %dma_start3A_464 = arith.constant 0 : i32
        %dma_start3A_465 = tpu.memref_slice %arg8[%dma_start3A_463, %dma_start3A_464] : memref<32x256xf32, #tpu.memory_space<vmem>> -> memref<1x256xf32, #tpu.memory_space<vmem>>
        %dma_start3A_466 = arith.constant 0 : i32
        %dma_start3A_467 = tpu.memref_slice %arg6[%squeeze3A_462, %dma_start3A_466] : memref<4096x256xf32, #tpu.memory_space<vmem_shared>> -> memref<1x256xf32, #tpu.memory_space<vmem_shared>>
        %dma_start3A_468 = arith.constant 1 : i32
        %dma_start3A_469 = arith.constant 0 : i32
        %dma_start3A_470 = tpu.memref_slice %arg8[%dma_start3A_468, %dma_start3A_469] : memref<32x256xf32, #tpu.memory_space<vmem>> -> memref<1x256xf32, #tpu.memory_space<vmem>>
        %dma_start3A_471 = arith.constant 0 : i32
        %dma_start3A_472 = tpu.memref_slice %arg6[%squeeze3A_462, %dma_start3A_471] : memref<4096x256xf32, #tpu.memory_space<vmem_shared>> -> memref<1x256xf32, #tpu.memory_space<vmem_shared>>
        tpu.enqueue_dma source(%dma_start3A_472 : memref<1x256xf32, #tpu.memory_space<vmem_shared>>) target(%dma_start3A_470 : memref<1x256xf32, #tpu.memory_space<vmem>>) target_semaphore(%arg12 : memref<!tpu.dma_semaphore, #tpu.memory_space<semaphore_mem>>)
        %slice3A_473 = vector.extract_strided_slice %get3A_448 {offsets = [2], sizes = [1], strides = [1]} : vector<16xi32> to vector<1xi32>
        %squeeze3A_474 = vector.extract %slice3A_473[0] : i32 from vector<1xi32>
        %dma_start3A_475 = arith.constant 2 : i32
        %dma_start3A_476 = arith.constant 0 : i32
        %dma_start3A_477 = tpu.memref_slice %arg8[%dma_start3A_475, %dma_start3A_476] : memref<32x256xf32, #tpu.memory_space<vmem>> -> memref<1x256xf32, #tpu.memory_space<vmem>>
        %dma_start3A_478 = arith.constant 0 : i32
        %dma_start3A_479 = tpu.memref_slice %arg6[%squeeze3A_474, %dma_start3A_478] : memref<4096x256xf32, #tpu.memory_space<vmem_shared>> -> memref<1x256xf32, #tpu.memory_space<vmem_shared>>
        %dma_start3A_480 = arith.constant 2 : i32
        %dma_start3A_481 = arith.constant 0 : i32
        %dma_start3A_482 = tpu.memref_slice %arg8[%dma_start3A_480, %dma_start3A_481] : memref<32x256xf32, #tpu.memory_space<vmem>> -> memref<1x256xf32, #tpu.memory_space<vmem>>
        %dma_start3A_483 = arith.constant 0 : i32
        %dma_start3A_484 = tpu.memref_slice %arg6[%squeeze3A_474, %dma_start3A_483] : memref<4096x256xf32, #tpu.memory_space<vmem_shared>> -> memref<1x256xf32, #tpu.memory_space<vmem_shared>>
        tpu.enqueue_dma source(%dma_start3A_484 : memref<1x256xf32, #tpu.memory_space<vmem_shared>>) target(%dma_start3A_482 : memref<1x256xf32, #tpu.memory_space<vmem>>) target_semaphore(%arg12 : memref<!tpu.dma_semaphore, #tpu.memory_space<semaphore_mem>>)
        %slice3A_485 = vector.extract_strided_slice %get3A_448 {offsets = [3], sizes = [1], strides = [1]} : vector<16xi32> to vector<1xi32>
        %squeeze3A_486 = vector.extract %slice3A_485[0] : i32 from vector<1xi32>
        %dma_start3A_487 = arith.constant 3 : i32
        %dma_start3A_488 = arith.constant 0 : i32
        %dma_start3A_489 = tpu.memref_slice %arg8[%dma_start3A_487, %dma_start3A_488] : memref<32x256xf32, #tpu.memory_space<vmem>> -> memref<1x256xf32, #tpu.memory_space<vmem>>
        %dma_start3A_490 = arith.constant 0 : i32
        %dma_start3A_491 = tpu.memref_slice %arg6[%squeeze3A_486, %dma_start3A_490] : memref<4096x256xf32, #tpu.memory_space<vmem_shared>> -> memref<1x256xf32, #tpu.memory_space<vmem_shared>>
        %dma_start3A_492 = arith.constant 3 : i32
        %dma_start3A_493 = arith.constant 0 : i32
        %dma_start3A_494 = tpu.memref_slice %arg8[%dma_start3A_492, %dma_start3A_493] : memref<32x256xf32, #tpu.memory_space<vmem>> -> memref<1x256xf32, #tpu.memory_space<vmem>>
        %dma_start3A_495 = arith.constant 0 : i32
        %dma_start3A_496 = tpu.memref_slice %arg6[%squeeze3A_486, %dma_start3A_495] : memref<4096x256xf32, #tpu.memory_space<vmem_shared>> -> memref<1x256xf32, #tpu.memory_space<vmem_shared>>
        tpu.enqueue_dma source(%dma_start3A_496 : memref<1x256xf32, #tpu.memory_space<vmem_shared>>) target(%dma_start3A_494 : memref<1x256xf32, #tpu.memory_space<vmem>>) target_semaphore(%arg12 : memref<!tpu.dma_semaphore, #tpu.memory_space<semaphore_mem>>)
        %slice3A_497 = vector.extract_strided_slice %get3A_448 {offsets = [4], sizes = [1], strides = [1]} : vector<16xi32> to vector<1xi32>
        %squeeze3A_498 = vector.extract %slice3A_497[0] : i32 from vector<1xi32>
        %dma_start3A_499 = arith.constant 4 : i32
        %dma_start3A_500 = arith.constant 0 : i32
        %dma_start3A_501 = tpu.memref_slice %arg8[%dma_start3A_499, %dma_start3A_500] : memref<32x256xf32, #tpu.memory_space<vmem>> -> memref<1x256xf32, #tpu.memory_space<vmem>>
        %dma_start3A_502 = arith.constant 0 : i32
        %dma_start3A_503 = tpu.memref_slice %arg6[%squeeze3A_498, %dma_start3A_502] : memref<4096x256xf32, #tpu.memory_space<vmem_shared>> -> memref<1x256xf32, #tpu.memory_space<vmem_shared>>
        %dma_start3A_504 = arith.constant 4 : i32
        %dma_start3A_505 = arith.constant 0 : i32
        %dma_start3A_506 = tpu.memref_slice %arg8[%dma_start3A_504, %dma_start3A_505] : memref<32x256xf32, #tpu.memory_space<vmem>> -> memref<1x256xf32, #tpu.memory_space<vmem>>
        %dma_start3A_507 = arith.constant 0 : i32
        %dma_start3A_508 = tpu.memref_slice %arg6[%squeeze3A_498, %dma_start3A_507] : memref<4096x256xf32, #tpu.memory_space<vmem_shared>> -> memref<1x256xf32, #tpu.memory_space<vmem_shared>>
        tpu.enqueue_dma source(%dma_start3A_508 : memref<1x256xf32, #tpu.memory_space<vmem_shared>>) target(%dma_start3A_506 : memref<1x256xf32, #tpu.memory_space<vmem>>) target_semaphore(%arg12 : memref<!tpu.dma_semaphore, #tpu.memory_space<semaphore_mem>>)
        %slice3A_509 = vector.extract_strided_slice %get3A_448 {offsets = [5], sizes = [1], strides = [1]} : vector<16xi32> to vector<1xi32>
        %squeeze3A_510 = vector.extract %slice3A_509[0] : i32 from vector<1xi32>
        %dma_start3A_511 = arith.constant 5 : i32
        %dma_start3A_512 = arith.constant 0 : i32
        %dma_start3A_513 = tpu.memref_slice %arg8[%dma_start3A_511, %dma_start3A_512] : memref<32x256xf32, #tpu.memory_space<vmem>> -> memref<1x256xf32, #tpu.memory_space<vmem>>
        %dma_start3A_514 = arith.constant 0 : i32
        %dma_start3A_515 = tpu.memref_slice %arg6[%squeeze3A_510, %dma_start3A_514] : memref<4096x256xf32, #tpu.memory_space<vmem_shared>> -> memref<1x256xf32, #tpu.memory_space<vmem_shared>>
        %dma_start3A_516 = arith.constant 5 : i32
        %dma_start3A_517 = arith.constant 0 : i32
        %dma_start3A_518 = tpu.memref_slice %arg8[%dma_start3A_516, %dma_start3A_517] : memref<32x256xf32, #tpu.memory_space<vmem>> -> memref<1x256xf32, #tpu.memory_space<vmem>>
        %dma_start3A_519 = arith.constant 0 : i32
        %dma_start3A_520 = tpu.memref_slice %arg6[%squeeze3A_510, %dma_start3A_519] : memref<4096x256xf32, #tpu.memory_space<vmem_shared>> -> memref<1x256xf32, #tpu.memory_space<vmem_shared>>
        tpu.enqueue_dma source(%dma_start3A_520 : memref<1x256xf32, #tpu.memory_space<vmem_shared>>) target(%dma_start3A_518 : memref<1x256xf32, #tpu.memory_space<vmem>>) target_semaphore(%arg12 : memref<!tpu.dma_semaphore, #tpu.memory_space<semaphore_mem>>)
        %slice3A_521 = vector.extract_strided_slice %get3A_448 {offsets = [6], sizes = [1], strides = [1]} : vector<16xi32> to vector<1xi32>
        %squeeze3A_522 = vector.extract %slice3A_521[0] : i32 from vector<1xi32>
        %dma_start3A_523 = arith.constant 6 : i32
        %dma_start3A_524 = arith.constant 0 : i32
        %dma_start3A_525 = tpu.memref_slice %arg8[%dma_start3A_523, %dma_start3A_524] : memref<32x256xf32, #tpu.memory_space<vmem>> -> memref<1x256xf32, #tpu.memory_space<vmem>>
        %dma_start3A_526 = arith.constant 0 : i32
        %dma_start3A_527 = tpu.memref_slice %arg6[%squeeze3A_522, %dma_start3A_526] : memref<4096x256xf32, #tpu.memory_space<vmem_shared>> -> memref<1x256xf32, #tpu.memory_space<vmem_shared>>
        %dma_start3A_528 = arith.constant 6 : i32
        %dma_start3A_529 = arith.constant 0 : i32
        %dma_start3A_530 = tpu.memref_slice %arg8[%dma_start3A_528, %dma_start3A_529] : memref<32x256xf32, #tpu.memory_space<vmem>> -> memref<1x256xf32, #tpu.memory_space<vmem>>
        %dma_start3A_531 = arith.constant 0 : i32
        %dma_start3A_532 = tpu.memref_slice %arg6[%squeeze3A_522, %dma_start3A_531] : memref<4096x256xf32, #tpu.memory_space<vmem_shared>> -> memref<1x256xf32, #tpu.memory_space<vmem_shared>>
        tpu.enqueue_dma source(%dma_start3A_532 : memref<1x256xf32, #tpu.memory_space<vmem_shared>>) target(%dma_start3A_530 : memref<1x256xf32, #tpu.memory_space<vmem>>) target_semaphore(%arg12 : memref<!tpu.dma_semaphore, #tpu.memory_space<semaphore_mem>>)
        %slice3A_533 = vector.extract_strided_slice %get3A_448 {offsets = [7], sizes = [1], strides = [1]} : vector<16xi32> to vector<1xi32>
        %squeeze3A_534 = vector.extract %slice3A_533[0] : i32 from vector<1xi32>
        %dma_start3A_535 = arith.constant 7 : i32
        %dma_start3A_536 = arith.constant 0 : i32
        %dma_start3A_537 = tpu.memref_slice %arg8[%dma_start3A_535, %dma_start3A_536] : memref<32x256xf32, #tpu.memory_space<vmem>> -> memref<1x256xf32, #tpu.memory_space<vmem>>
        %dma_start3A_538 = arith.constant 0 : i32
        %dma_start3A_539 = tpu.memref_slice %arg6[%squeeze3A_534, %dma_start3A_538] : memref<4096x256xf32, #tpu.memory_space<vmem_shared>> -> memref<1x256xf32, #tpu.memory_space<vmem_shared>>
        %dma_start3A_540 = arith.constant 7 : i32
        %dma_start3A_541 = arith.constant 0 : i32
        %dma_start3A_542 = tpu.memref_slice %arg8[%dma_start3A_540, %dma_start3A_541] : memref<32x256xf32, #tpu.memory_space<vmem>> -> memref<1x256xf32, #tpu.memory_space<vmem>>
        %dma_start3A_543 = arith.constant 0 : i32
        %dma_start3A_544 = tpu.memref_slice %arg6[%squeeze3A_534, %dma_start3A_543] : memref<4096x256xf32, #tpu.memory_space<vmem_shared>> -> memref<1x256xf32, #tpu.memory_space<vmem_shared>>
        tpu.enqueue_dma source(%dma_start3A_544 : memref<1x256xf32, #tpu.memory_space<vmem_shared>>) target(%dma_start3A_542 : memref<1x256xf32, #tpu.memory_space<vmem>>) target_semaphore(%arg12 : memref<!tpu.dma_semaphore, #tpu.memory_space<semaphore_mem>>)
        %slice3A_545 = vector.extract_strided_slice %get3A_448 {offsets = [8], sizes = [1], strides = [1]} : vector<16xi32> to vector<1xi32>
        %squeeze3A_546 = vector.extract %slice3A_545[0] : i32 from vector<1xi32>
        %dma_start3A_547 = arith.constant 8 : i32
        %dma_start3A_548 = arith.constant 0 : i32
        %dma_start3A_549 = tpu.memref_slice %arg8[%dma_start3A_547, %dma_start3A_548] : memref<32x256xf32, #tpu.memory_space<vmem>> -> memref<1x256xf32, #tpu.memory_space<vmem>>
        %dma_start3A_550 = arith.constant 0 : i32
        %dma_start3A_551 = tpu.memref_slice %arg6[%squeeze3A_546, %dma_start3A_550] : memref<4096x256xf32, #tpu.memory_space<vmem_shared>> -> memref<1x256xf32, #tpu.memory_space<vmem_shared>>
        %dma_start3A_552 = arith.constant 8 : i32
        %dma_start3A_553 = arith.constant 0 : i32
        %dma_start3A_554 = tpu.memref_slice %arg8[%dma_start3A_552, %dma_start3A_553] : memref<32x256xf32, #tpu.memory_space<vmem>> -> memref<1x256xf32, #tpu.memory_space<vmem>>
        %dma_start3A_555 = arith.constant 0 : i32
        %dma_start3A_556 = tpu.memref_slice %arg6[%squeeze3A_546, %dma_start3A_555] : memref<4096x256xf32, #tpu.memory_space<vmem_shared>> -> memref<1x256xf32, #tpu.memory_space<vmem_shared>>
        tpu.enqueue_dma source(%dma_start3A_556 : memref<1x256xf32, #tpu.memory_space<vmem_shared>>) target(%dma_start3A_554 : memref<1x256xf32, #tpu.memory_space<vmem>>) target_semaphore(%arg12 : memref<!tpu.dma_semaphore, #tpu.memory_space<semaphore_mem>>)
        %slice3A_557 = vector.extract_strided_slice %get3A_448 {offsets = [9], sizes = [1], strides = [1]} : vector<16xi32> to vector<1xi32>
        %squeeze3A_558 = vector.extract %slice3A_557[0] : i32 from vector<1xi32>
        %dma_start3A_559 = arith.constant 9 : i32
        %dma_start3A_560 = arith.constant 0 : i32
        %dma_start3A_561 = tpu.memref_slice %arg8[%dma_start3A_559, %dma_start3A_560] : memref<32x256xf32, #tpu.memory_space<vmem>> -> memref<1x256xf32, #tpu.memory_space<vmem>>
        %dma_start3A_562 = arith.constant 0 : i32
        %dma_start3A_563 = tpu.memref_slice %arg6[%squeeze3A_558, %dma_start3A_562] : memref<4096x256xf32, #tpu.memory_space<vmem_shared>> -> memref<1x256xf32, #tpu.memory_space<vmem_shared>>
        %dma_start3A_564 = arith.constant 9 : i32
        %dma_start3A_565 = arith.constant 0 : i32
        %dma_start3A_566 = tpu.memref_slice %arg8[%dma_start3A_564, %dma_start3A_565] : memref<32x256xf32, #tpu.memory_space<vmem>> -> memref<1x256xf32, #tpu.memory_space<vmem>>
        %dma_start3A_567 = arith.constant 0 : i32
        %dma_start3A_568 = tpu.memref_slice %arg6[%squeeze3A_558, %dma_start3A_567] : memref<4096x256xf32, #tpu.memory_space<vmem_shared>> -> memref<1x256xf32, #tpu.memory_space<vmem_shared>>
        tpu.enqueue_dma source(%dma_start3A_568 : memref<1x256xf32, #tpu.memory_space<vmem_shared>>) target(%dma_start3A_566 : memref<1x256xf32, #tpu.memory_space<vmem>>) target_semaphore(%arg12 : memref<!tpu.dma_semaphore, #tpu.memory_space<semaphore_mem>>)
        %slice3A_569 = vector.extract_strided_slice %get3A_448 {offsets = [10], sizes = [1], strides = [1]} : vector<16xi32> to vector<1xi32>
        %squeeze3A_570 = vector.extract %slice3A_569[0] : i32 from vector<1xi32>
        %dma_start3A_571 = arith.constant 10 : i32
        %dma_start3A_572 = arith.constant 0 : i32
        %dma_start3A_573 = tpu.memref_slice %arg8[%dma_start3A_571, %dma_start3A_572] : memref<32x256xf32, #tpu.memory_space<vmem>> -> memref<1x256xf32, #tpu.memory_space<vmem>>
        %dma_start3A_574 = arith.constant 0 : i32
        %dma_start3A_575 = tpu.memref_slice %arg6[%squeeze3A_570, %dma_start3A_574] : memref<4096x256xf32, #tpu.memory_space<vmem_shared>> -> memref<1x256xf32, #tpu.memory_space<vmem_shared>>
        %dma_start3A_576 = arith.constant 10 : i32
        %dma_start3A_577 = arith.constant 0 : i32
        %dma_start3A_578 = tpu.memref_slice %arg8[%dma_start3A_576, %dma_start3A_577] : memref<32x256xf32, #tpu.memory_space<vmem>> -> memref<1x256xf32, #tpu.memory_space<vmem>>
        %dma_start3A_579 = arith.constant 0 : i32
        %dma_start3A_580 = tpu.memref_slice %arg6[%squeeze3A_570, %dma_start3A_579] : memref<4096x256xf32, #tpu.memory_space<vmem_shared>> -> memref<1x256xf32, #tpu.memory_space<vmem_shared>>
        tpu.enqueue_dma source(%dma_start3A_580 : memref<1x256xf32, #tpu.memory_space<vmem_shared>>) target(%dma_start3A_578 : memref<1x256xf32, #tpu.memory_space<vmem>>) target_semaphore(%arg12 : memref<!tpu.dma_semaphore, #tpu.memory_space<semaphore_mem>>)
        %slice3A_581 = vector.extract_strided_slice %get3A_448 {offsets = [11], sizes = [1], strides = [1]} : vector<16xi32> to vector<1xi32>
        %squeeze3A_582 = vector.extract %slice3A_581[0] : i32 from vector<1xi32>
        %dma_start3A_583 = arith.constant 11 : i32
        %dma_start3A_584 = arith.constant 0 : i32
        %dma_start3A_585 = tpu.memref_slice %arg8[%dma_start3A_583, %dma_start3A_584] : memref<32x256xf32, #tpu.memory_space<vmem>> -> memref<1x256xf32, #tpu.memory_space<vmem>>
        %dma_start3A_586 = arith.constant 0 : i32
        %dma_start3A_587 = tpu.memref_slice %arg6[%squeeze3A_582, %dma_start3A_586] : memref<4096x256xf32, #tpu.memory_space<vmem_shared>> -> memref<1x256xf32, #tpu.memory_space<vmem_shared>>
        %dma_start3A_588 = arith.constant 11 : i32
        %dma_start3A_589 = arith.constant 0 : i32
        %dma_start3A_590 = tpu.memref_slice %arg8[%dma_start3A_588, %dma_start3A_589] : memref<32x256xf32, #tpu.memory_space<vmem>> -> memref<1x256xf32, #tpu.memory_space<vmem>>
        %dma_start3A_591 = arith.constant 0 : i32
        %dma_start3A_592 = tpu.memref_slice %arg6[%squeeze3A_582, %dma_start3A_591] : memref<4096x256xf32, #tpu.memory_space<vmem_shared>> -> memref<1x256xf32, #tpu.memory_space<vmem_shared>>
        tpu.enqueue_dma source(%dma_start3A_592 : memref<1x256xf32, #tpu.memory_space<vmem_shared>>) target(%dma_start3A_590 : memref<1x256xf32, #tpu.memory_space<vmem>>) target_semaphore(%arg12 : memref<!tpu.dma_semaphore, #tpu.memory_space<semaphore_mem>>)
        %slice3A_593 = vector.extract_strided_slice %get3A_448 {offsets = [12], sizes = [1], strides = [1]} : vector<16xi32> to vector<1xi32>
        %squeeze3A_594 = vector.extract %slice3A_593[0] : i32 from vector<1xi32>
        %dma_start3A_595 = arith.constant 12 : i32
        %dma_start3A_596 = arith.constant 0 : i32
        %dma_start3A_597 = tpu.memref_slice %arg8[%dma_start3A_595, %dma_start3A_596] : memref<32x256xf32, #tpu.memory_space<vmem>> -> memref<1x256xf32, #tpu.memory_space<vmem>>
        %dma_start3A_598 = arith.constant 0 : i32
        %dma_start3A_599 = tpu.memref_slice %arg6[%squeeze3A_594, %dma_start3A_598] : memref<4096x256xf32, #tpu.memory_space<vmem_shared>> -> memref<1x256xf32, #tpu.memory_space<vmem_shared>>
        %dma_start3A_600 = arith.constant 12 : i32
        %dma_start3A_601 = arith.constant 0 : i32
        %dma_start3A_602 = tpu.memref_slice %arg8[%dma_start3A_600, %dma_start3A_601] : memref<32x256xf32, #tpu.memory_space<vmem>> -> memref<1x256xf32, #tpu.memory_space<vmem>>
        %dma_start3A_603 = arith.constant 0 : i32
        %dma_start3A_604 = tpu.memref_slice %arg6[%squeeze3A_594, %dma_start3A_603] : memref<4096x256xf32, #tpu.memory_space<vmem_shared>> -> memref<1x256xf32, #tpu.memory_space<vmem_shared>>
        tpu.enqueue_dma source(%dma_start3A_604 : memref<1x256xf32, #tpu.memory_space<vmem_shared>>) target(%dma_start3A_602 : memref<1x256xf32, #tpu.memory_space<vmem>>) target_semaphore(%arg12 : memref<!tpu.dma_semaphore, #tpu.memory_space<semaphore_mem>>)
        %slice3A_605 = vector.extract_strided_slice %get3A_448 {offsets = [13], sizes = [1], strides = [1]} : vector<16xi32> to vector<1xi32>
        %squeeze3A_606 = vector.extract %slice3A_605[0] : i32 from vector<1xi32>
        %dma_start3A_607 = arith.constant 13 : i32
        %dma_start3A_608 = arith.constant 0 : i32
        %dma_start3A_609 = tpu.memref_slice %arg8[%dma_start3A_607, %dma_start3A_608] : memref<32x256xf32, #tpu.memory_space<vmem>> -> memref<1x256xf32, #tpu.memory_space<vmem>>
        %dma_start3A_610 = arith.constant 0 : i32
        %dma_start3A_611 = tpu.memref_slice %arg6[%squeeze3A_606, %dma_start3A_610] : memref<4096x256xf32, #tpu.memory_space<vmem_shared>> -> memref<1x256xf32, #tpu.memory_space<vmem_shared>>
        %dma_start3A_612 = arith.constant 13 : i32
        %dma_start3A_613 = arith.constant 0 : i32
        %dma_start3A_614 = tpu.memref_slice %arg8[%dma_start3A_612, %dma_start3A_613] : memref<32x256xf32, #tpu.memory_space<vmem>> -> memref<1x256xf32, #tpu.memory_space<vmem>>
        %dma_start3A_615 = arith.constant 0 : i32
        %dma_start3A_616 = tpu.memref_slice %arg6[%squeeze3A_606, %dma_start3A_615] : memref<4096x256xf32, #tpu.memory_space<vmem_shared>> -> memref<1x256xf32, #tpu.memory_space<vmem_shared>>
        tpu.enqueue_dma source(%dma_start3A_616 : memref<1x256xf32, #tpu.memory_space<vmem_shared>>) target(%dma_start3A_614 : memref<1x256xf32, #tpu.memory_space<vmem>>) target_semaphore(%arg12 : memref<!tpu.dma_semaphore, #tpu.memory_space<semaphore_mem>>)
        %slice3A_617 = vector.extract_strided_slice %get3A_448 {offsets = [14], sizes = [1], strides = [1]} : vector<16xi32> to vector<1xi32>
        %squeeze3A_618 = vector.extract %slice3A_617[0] : i32 from vector<1xi32>
        %dma_start3A_619 = arith.constant 14 : i32
        %dma_start3A_620 = arith.constant 0 : i32
        %dma_start3A_621 = tpu.memref_slice %arg8[%dma_start3A_619, %dma_start3A_620] : memref<32x256xf32, #tpu.memory_space<vmem>> -> memref<1x256xf32, #tpu.memory_space<vmem>>
        %dma_start3A_622 = arith.constant 0 : i32
        %dma_start3A_623 = tpu.memref_slice %arg6[%squeeze3A_618, %dma_start3A_622] : memref<4096x256xf32, #tpu.memory_space<vmem_shared>> -> memref<1x256xf32, #tpu.memory_space<vmem_shared>>
        %dma_start3A_624 = arith.constant 14 : i32
        %dma_start3A_625 = arith.constant 0 : i32
        %dma_start3A_626 = tpu.memref_slice %arg8[%dma_start3A_624, %dma_start3A_625] : memref<32x256xf32, #tpu.memory_space<vmem>> -> memref<1x256xf32, #tpu.memory_space<vmem>>
        %dma_start3A_627 = arith.constant 0 : i32
        %dma_start3A_628 = tpu.memref_slice %arg6[%squeeze3A_618, %dma_start3A_627] : memref<4096x256xf32, #tpu.memory_space<vmem_shared>> -> memref<1x256xf32, #tpu.memory_space<vmem_shared>>
        tpu.enqueue_dma source(%dma_start3A_628 : memref<1x256xf32, #tpu.memory_space<vmem_shared>>) target(%dma_start3A_626 : memref<1x256xf32, #tpu.memory_space<vmem>>) target_semaphore(%arg12 : memref<!tpu.dma_semaphore, #tpu.memory_space<semaphore_mem>>)
        %slice3A_629 = vector.extract_strided_slice %get3A_448 {offsets = [15], sizes = [1], strides = [1]} : vector<16xi32> to vector<1xi32>
        %squeeze3A_630 = vector.extract %slice3A_629[0] : i32 from vector<1xi32>
        %dma_start3A_631 = arith.constant 15 : i32
        %dma_start3A_632 = arith.constant 0 : i32
        %dma_start3A_633 = tpu.memref_slice %arg8[%dma_start3A_631, %dma_start3A_632] : memref<32x256xf32, #tpu.memory_space<vmem>> -> memref<1x256xf32, #tpu.memory_space<vmem>>
        %dma_start3A_634 = arith.constant 0 : i32
        %dma_start3A_635 = tpu.memref_slice %arg6[%squeeze3A_630, %dma_start3A_634] : memref<4096x256xf32, #tpu.memory_space<vmem_shared>> -> memref<1x256xf32, #tpu.memory_space<vmem_shared>>
        %dma_start3A_636 = arith.constant 15 : i32
        %dma_start3A_637 = arith.constant 0 : i32
        %dma_start3A_638 = tpu.memref_slice %arg8[%dma_start3A_636, %dma_start3A_637] : memref<32x256xf32, #tpu.memory_space<vmem>> -> memref<1x256xf32, #tpu.memory_space<vmem>>
        %dma_start3A_639 = arith.constant 0 : i32
        %dma_start3A_640 = tpu.memref_slice %arg6[%squeeze3A_630, %dma_start3A_639] : memref<4096x256xf32, #tpu.memory_space<vmem_shared>> -> memref<1x256xf32, #tpu.memory_space<vmem_shared>>
        tpu.enqueue_dma source(%dma_start3A_640 : memref<1x256xf32, #tpu.memory_space<vmem_shared>>) target(%dma_start3A_638 : memref<1x256xf32, #tpu.memory_space<vmem>>) target_semaphore(%arg12 : memref<!tpu.dma_semaphore, #tpu.memory_space<semaphore_mem>>)
        %get3A_641 = arith.index_cast %add3A_444 : i32 to index
        %get3A_642 = arith.constant 16 : index
        %get3A_643 = tpu.vector_load %arg5[%get3A_641, %get3A_642] {strides = array<i32>} : memref<160x32xi32, #tpu.memory_space<vmem>>, vector<1x16xi32>,
        %get3A_644 = vector.shape_cast %get3A_643 : vector<1x16xi32> to vector<16xi32>
        %slice3A_645 = vector.extract_strided_slice %get3A_644 {offsets = [0], sizes = [1], strides = [1]} : vector<16xi32> to vector<1xi32>
        %squeeze3A_646 = vector.extract %slice3A_645[0] : i32 from vector<1xi32>
        %dma_start3A_647 = arith.constant 16 : i32
        %dma_start3A_648 = arith.constant 0 : i32
        %dma_start3A_649 = tpu.memref_slice %arg8[%dma_start3A_647, %dma_start3A_648] : memref<32x256xf32, #tpu.memory_space<vmem>> -> memref<1x256xf32, #tpu.memory_space<vmem>>
        %dma_start3A_650 = arith.constant 0 : i32
        %dma_start3A_651 = tpu.memref_slice %arg6[%squeeze3A_646, %dma_start3A_650] : memref<4096x256xf32, #tpu.memory_space<vmem_shared>> -> memref<1x256xf32, #tpu.memory_space<vmem_shared>>
        %dma_start3A_652 = arith.constant 16 : i32
        %dma_start3A_653 = arith.constant 0 : i32
        %dma_start3A_654 = tpu.memref_slice %arg8[%dma_start3A_652, %dma_start3A_653] : memref<32x256xf32, #tpu.memory_space<vmem>> -> memref<1x256xf32, #tpu.memory_space<vmem>>
        %dma_start3A_655 = arith.constant 0 : i32
        %dma_start3A_656 = tpu.memref_slice %arg6[%squeeze3A_646, %dma_start3A_655] : memref<4096x256xf32, #tpu.memory_space<vmem_shared>> -> memref<1x256xf32, #tpu.memory_space<vmem_shared>>
        tpu.enqueue_dma source(%dma_start3A_656 : memref<1x256xf32, #tpu.memory_space<vmem_shared>>) target(%dma_start3A_654 : memref<1x256xf32, #tpu.memory_space<vmem>>) target_semaphore(%arg12 : memref<!tpu.dma_semaphore, #tpu.memory_space<semaphore_mem>>)
        %slice3A_657 = vector.extract_strided_slice %get3A_644 {offsets = [1], sizes = [1], strides = [1]} : vector<16xi32> to vector<1xi32>
        %squeeze3A_658 = vector.extract %slice3A_657[0] : i32 from vector<1xi32>
        %dma_start3A_659 = arith.constant 17 : i32
        %dma_start3A_660 = arith.constant 0 : i32
        %dma_start3A_661 = tpu.memref_slice %arg8[%dma_start3A_659, %dma_start3A_660] : memref<32x256xf32, #tpu.memory_space<vmem>> -> memref<1x256xf32, #tpu.memory_space<vmem>>
        %dma_start3A_662 = arith.constant 0 : i32
        %dma_start3A_663 = tpu.memref_slice %arg6[%squeeze3A_658, %dma_start3A_662] : memref<4096x256xf32, #tpu.memory_space<vmem_shared>> -> memref<1x256xf32, #tpu.memory_space<vmem_shared>>
        %dma_start3A_664 = arith.constant 17 : i32
        %dma_start3A_665 = arith.constant 0 : i32
        %dma_start3A_666 = tpu.memref_slice %arg8[%dma_start3A_664, %dma_start3A_665] : memref<32x256xf32, #tpu.memory_space<vmem>> -> memref<1x256xf32, #tpu.memory_space<vmem>>
        %dma_start3A_667 = arith.constant 0 : i32
        %dma_start3A_668 = tpu.memref_slice %arg6[%squeeze3A_658, %dma_start3A_667] : memref<4096x256xf32, #tpu.memory_space<vmem_shared>> -> memref<1x256xf32, #tpu.memory_space<vmem_shared>>
        tpu.enqueue_dma source(%dma_start3A_668 : memref<1x256xf32, #tpu.memory_space<vmem_shared>>) target(%dma_start3A_666 : memref<1x256xf32, #tpu.memory_space<vmem>>) target_semaphore(%arg12 : memref<!tpu.dma_semaphore, #tpu.memory_space<semaphore_mem>>)
        %slice3A_669 = vector.extract_strided_slice %get3A_644 {offsets = [2], sizes = [1], strides = [1]} : vector<16xi32> to vector<1xi32>
        %squeeze3A_670 = vector.extract %slice3A_669[0] : i32 from vector<1xi32>
        %dma_start3A_671 = arith.constant 18 : i32
        %dma_start3A_672 = arith.constant 0 : i32
        %dma_start3A_673 = tpu.memref_slice %arg8[%dma_start3A_671, %dma_start3A_672] : memref<32x256xf32, #tpu.memory_space<vmem>> -> memref<1x256xf32, #tpu.memory_space<vmem>>
        %dma_start3A_674 = arith.constant 0 : i32
        %dma_start3A_675 = tpu.memref_slice %arg6[%squeeze3A_670, %dma_start3A_674] : memref<4096x256xf32, #tpu.memory_space<vmem_shared>> -> memref<1x256xf32, #tpu.memory_space<vmem_shared>>
        %dma_start3A_676 = arith.constant 18 : i32
        %dma_start3A_677 = arith.constant 0 : i32
        %dma_start3A_678 = tpu.memref_slice %arg8[%dma_start3A_676, %dma_start3A_677] : memref<32x256xf32, #tpu.memory_space<vmem>> -> memref<1x256xf32, #tpu.memory_space<vmem>>
        %dma_start3A_679 = arith.constant 0 : i32
        %dma_start3A_680 = tpu.memref_slice %arg6[%squeeze3A_670, %dma_start3A_679] : memref<4096x256xf32, #tpu.memory_space<vmem_shared>> -> memref<1x256xf32, #tpu.memory_space<vmem_shared>>
        tpu.enqueue_dma source(%dma_start3A_680 : memref<1x256xf32, #tpu.memory_space<vmem_shared>>) target(%dma_start3A_678 : memref<1x256xf32, #tpu.memory_space<vmem>>) target_semaphore(%arg12 : memref<!tpu.dma_semaphore, #tpu.memory_space<semaphore_mem>>)
        %slice3A_681 = vector.extract_strided_slice %get3A_644 {offsets = [3], sizes = [1], strides = [1]} : vector<16xi32> to vector<1xi32>
        %squeeze3A_682 = vector.extract %slice3A_681[0] : i32 from vector<1xi32>
        %dma_start3A_683 = arith.constant 19 : i32
        %dma_start3A_684 = arith.constant 0 : i32
        %dma_start3A_685 = tpu.memref_slice %arg8[%dma_start3A_683, %dma_start3A_684] : memref<32x256xf32, #tpu.memory_space<vmem>> -> memref<1x256xf32, #tpu.memory_space<vmem>>
        %dma_start3A_686 = arith.constant 0 : i32
        %dma_start3A_687 = tpu.memref_slice %arg6[%squeeze3A_682, %dma_start3A_686] : memref<4096x256xf32, #tpu.memory_space<vmem_shared>> -> memref<1x256xf32, #tpu.memory_space<vmem_shared>>
        %dma_start3A_688 = arith.constant 19 : i32
        %dma_start3A_689 = arith.constant 0 : i32
        %dma_start3A_690 = tpu.memref_slice %arg8[%dma_start3A_688, %dma_start3A_689] : memref<32x256xf32, #tpu.memory_space<vmem>> -> memref<1x256xf32, #tpu.memory_space<vmem>>
        %dma_start3A_691 = arith.constant 0 : i32
        %dma_start3A_692 = tpu.memref_slice %arg6[%squeeze3A_682, %dma_start3A_691] : memref<4096x256xf32, #tpu.memory_space<vmem_shared>> -> memref<1x256xf32, #tpu.memory_space<vmem_shared>>
        tpu.enqueue_dma source(%dma_start3A_692 : memref<1x256xf32, #tpu.memory_space<vmem_shared>>) target(%dma_start3A_690 : memref<1x256xf32, #tpu.memory_space<vmem>>) target_semaphore(%arg12 : memref<!tpu.dma_semaphore, #tpu.memory_space<semaphore_mem>>)
        %slice3A_693 = vector.extract_strided_slice %get3A_644 {offsets = [4], sizes = [1], strides = [1]} : vector<16xi32> to vector<1xi32>
        %squeeze3A_694 = vector.extract %slice3A_693[0] : i32 from vector<1xi32>
        %dma_start3A_695 = arith.constant 20 : i32
        %dma_start3A_696 = arith.constant 0 : i32
        %dma_start3A_697 = tpu.memref_slice %arg8[%dma_start3A_695, %dma_start3A_696] : memref<32x256xf32, #tpu.memory_space<vmem>> -> memref<1x256xf32, #tpu.memory_space<vmem>>
        %dma_start3A_698 = arith.constant 0 : i32
        %dma_start3A_699 = tpu.memref_slice %arg6[%squeeze3A_694, %dma_start3A_698] : memref<4096x256xf32, #tpu.memory_space<vmem_shared>> -> memref<1x256xf32, #tpu.memory_space<vmem_shared>>
        %dma_start3A_700 = arith.constant 20 : i32
        %dma_start3A_701 = arith.constant 0 : i32
        %dma_start3A_702 = tpu.memref_slice %arg8[%dma_start3A_700, %dma_start3A_701] : memref<32x256xf32, #tpu.memory_space<vmem>> -> memref<1x256xf32, #tpu.memory_space<vmem>>
        %dma_start3A_703 = arith.constant 0 : i32
        %dma_start3A_704 = tpu.memref_slice %arg6[%squeeze3A_694, %dma_start3A_703] : memref<4096x256xf32, #tpu.memory_space<vmem_shared>> -> memref<1x256xf32, #tpu.memory_space<vmem_shared>>
        tpu.enqueue_dma source(%dma_start3A_704 : memref<1x256xf32, #tpu.memory_space<vmem_shared>>) target(%dma_start3A_702 : memref<1x256xf32, #tpu.memory_space<vmem>>) target_semaphore(%arg12 : memref<!tpu.dma_semaphore, #tpu.memory_space<semaphore_mem>>)
        %slice3A_705 = vector.extract_strided_slice %get3A_644 {offsets = [5], sizes = [1], strides = [1]} : vector<16xi32> to vector<1xi32>
        %squeeze3A_706 = vector.extract %slice3A_705[0] : i32 from vector<1xi32>
        %dma_start3A_707 = arith.constant 21 : i32
        %dma_start3A_708 = arith.constant 0 : i32
        %dma_start3A_709 = tpu.memref_slice %arg8[%dma_start3A_707, %dma_start3A_708] : memref<32x256xf32, #tpu.memory_space<vmem>> -> memref<1x256xf32, #tpu.memory_space<vmem>>
        %dma_start3A_710 = arith.constant 0 : i32
        %dma_start3A_711 = tpu.memref_slice %arg6[%squeeze3A_706, %dma_start3A_710] : memref<4096x256xf32, #tpu.memory_space<vmem_shared>> -> memref<1x256xf32, #tpu.memory_space<vmem_shared>>
        %dma_start3A_712 = arith.constant 21 : i32
        %dma_start3A_713 = arith.constant 0 : i32
        %dma_start3A_714 = tpu.memref_slice %arg8[%dma_start3A_712, %dma_start3A_713] : memref<32x256xf32, #tpu.memory_space<vmem>> -> memref<1x256xf32, #tpu.memory_space<vmem>>
        %dma_start3A_715 = arith.constant 0 : i32
        %dma_start3A_716 = tpu.memref_slice %arg6[%squeeze3A_706, %dma_start3A_715] : memref<4096x256xf32, #tpu.memory_space<vmem_shared>> -> memref<1x256xf32, #tpu.memory_space<vmem_shared>>
        tpu.enqueue_dma source(%dma_start3A_716 : memref<1x256xf32, #tpu.memory_space<vmem_shared>>) target(%dma_start3A_714 : memref<1x256xf32, #tpu.memory_space<vmem>>) target_semaphore(%arg12 : memref<!tpu.dma_semaphore, #tpu.memory_space<semaphore_mem>>)
        %slice3A_717 = vector.extract_strided_slice %get3A_644 {offsets = [6], sizes = [1], strides = [1]} : vector<16xi32> to vector<1xi32>
        %squeeze3A_718 = vector.extract %slice3A_717[0] : i32 from vector<1xi32>
        %dma_start3A_719 = arith.constant 22 : i32
        %dma_start3A_720 = arith.constant 0 : i32
        %dma_start3A_721 = tpu.memref_slice %arg8[%dma_start3A_719, %dma_start3A_720] : memref<32x256xf32, #tpu.memory_space<vmem>> -> memref<1x256xf32, #tpu.memory_space<vmem>>
        %dma_start3A_722 = arith.constant 0 : i32
        %dma_start3A_723 = tpu.memref_slice %arg6[%squeeze3A_718, %dma_start3A_722] : memref<4096x256xf32, #tpu.memory_space<vmem_shared>> -> memref<1x256xf32, #tpu.memory_space<vmem_shared>>
        %dma_start3A_724 = arith.constant 22 : i32
        %dma_start3A_725 = arith.constant 0 : i32
        %dma_start3A_726 = tpu.memref_slice %arg8[%dma_start3A_724, %dma_start3A_725] : memref<32x256xf32, #tpu.memory_space<vmem>> -> memref<1x256xf32, #tpu.memory_space<vmem>>
        %dma_start3A_727 = arith.constant 0 : i32
        %dma_start3A_728 = tpu.memref_slice %arg6[%squeeze3A_718, %dma_start3A_727] : memref<4096x256xf32, #tpu.memory_space<vmem_shared>> -> memref<1x256xf32, #tpu.memory_space<vmem_shared>>
        tpu.enqueue_dma source(%dma_start3A_728 : memref<1x256xf32, #tpu.memory_space<vmem_shared>>) target(%dma_start3A_726 : memref<1x256xf32, #tpu.memory_space<vmem>>) target_semaphore(%arg12 : memref<!tpu.dma_semaphore, #tpu.memory_space<semaphore_mem>>)
        %slice3A_729 = vector.extract_strided_slice %get3A_644 {offsets = [7], sizes = [1], strides = [1]} : vector<16xi32> to vector<1xi32>
        %squeeze3A_730 = vector.extract %slice3A_729[0] : i32 from vector<1xi32>
        %dma_start3A_731 = arith.constant 23 : i32
        %dma_start3A_732 = arith.constant 0 : i32
        %dma_start3A_733 = tpu.memref_slice %arg8[%dma_start3A_731, %dma_start3A_732] : memref<32x256xf32, #tpu.memory_space<vmem>> -> memref<1x256xf32, #tpu.memory_space<vmem>>
        %dma_start3A_734 = arith.constant 0 : i32
        %dma_start3A_735 = tpu.memref_slice %arg6[%squeeze3A_730, %dma_start3A_734] : memref<4096x256xf32, #tpu.memory_space<vmem_shared>> -> memref<1x256xf32, #tpu.memory_space<vmem_shared>>
        %dma_start3A_736 = arith.constant 23 : i32
        %dma_start3A_737 = arith.constant 0 : i32
        %dma_start3A_738 = tpu.memref_slice %arg8[%dma_start3A_736, %dma_start3A_737] : memref<32x256xf32, #tpu.memory_space<vmem>> -> memref<1x256xf32, #tpu.memory_space<vmem>>
        %dma_start3A_739 = arith.constant 0 : i32
        %dma_start3A_740 = tpu.memref_slice %arg6[%squeeze3A_730, %dma_start3A_739] : memref<4096x256xf32, #tpu.memory_space<vmem_shared>> -> memref<1x256xf32, #tpu.memory_space<vmem_shared>>
        tpu.enqueue_dma source(%dma_start3A_740 : memref<1x256xf32, #tpu.memory_space<vmem_shared>>) target(%dma_start3A_738 : memref<1x256xf32, #tpu.memory_space<vmem>>) target_semaphore(%arg12 : memref<!tpu.dma_semaphore, #tpu.memory_space<semaphore_mem>>)
        %slice3A_741 = vector.extract_strided_slice %get3A_644 {offsets = [8], sizes = [1], strides = [1]} : vector<16xi32> to vector<1xi32>
        %squeeze3A_742 = vector.extract %slice3A_741[0] : i32 from vector<1xi32>
        %dma_start3A_743 = arith.constant 24 : i32
        %dma_start3A_744 = arith.constant 0 : i32
        %dma_start3A_745 = tpu.memref_slice %arg8[%dma_start3A_743, %dma_start3A_744] : memref<32x256xf32, #tpu.memory_space<vmem>> -> memref<1x256xf32, #tpu.memory_space<vmem>>
        %dma_start3A_746 = arith.constant 0 : i32
        %dma_start3A_747 = tpu.memref_slice %arg6[%squeeze3A_742, %dma_start3A_746] : memref<4096x256xf32, #tpu.memory_space<vmem_shared>> -> memref<1x256xf32, #tpu.memory_space<vmem_shared>>
        %dma_start3A_748 = arith.constant 24 : i32
        %dma_start3A_749 = arith.constant 0 : i32
        %dma_start3A_750 = tpu.memref_slice %arg8[%dma_start3A_748, %dma_start3A_749] : memref<32x256xf32, #tpu.memory_space<vmem>> -> memref<1x256xf32, #tpu.memory_space<vmem>>
        %dma_start3A_751 = arith.constant 0 : i32
        %dma_start3A_752 = tpu.memref_slice %arg6[%squeeze3A_742, %dma_start3A_751] : memref<4096x256xf32, #tpu.memory_space<vmem_shared>> -> memref<1x256xf32, #tpu.memory_space<vmem_shared>>
        tpu.enqueue_dma source(%dma_start3A_752 : memref<1x256xf32, #tpu.memory_space<vmem_shared>>) target(%dma_start3A_750 : memref<1x256xf32, #tpu.memory_space<vmem>>) target_semaphore(%arg12 : memref<!tpu.dma_semaphore, #tpu.memory_space<semaphore_mem>>)
        %slice3A_753 = vector.extract_strided_slice %get3A_644 {offsets = [9], sizes = [1], strides = [1]} : vector<16xi32> to vector<1xi32>
        %squeeze3A_754 = vector.extract %slice3A_753[0] : i32 from vector<1xi32>
        %dma_start3A_755 = arith.constant 25 : i32
        %dma_start3A_756 = arith.constant 0 : i32
        %dma_start3A_757 = tpu.memref_slice %arg8[%dma_start3A_755, %dma_start3A_756] : memref<32x256xf32, #tpu.memory_space<vmem>> -> memref<1x256xf32, #tpu.memory_space<vmem>>
        %dma_start3A_758 = arith.constant 0 : i32
        %dma_start3A_759 = tpu.memref_slice %arg6[%squeeze3A_754, %dma_start3A_758] : memref<4096x256xf32, #tpu.memory_space<vmem_shared>> -> memref<1x256xf32, #tpu.memory_space<vmem_shared>>
        %dma_start3A_760 = arith.constant 25 : i32
        %dma_start3A_761 = arith.constant 0 : i32
        %dma_start3A_762 = tpu.memref_slice %arg8[%dma_start3A_760, %dma_start3A_761] : memref<32x256xf32, #tpu.memory_space<vmem>> -> memref<1x256xf32, #tpu.memory_space<vmem>>
        %dma_start3A_763 = arith.constant 0 : i32
        %dma_start3A_764 = tpu.memref_slice %arg6[%squeeze3A_754, %dma_start3A_763] : memref<4096x256xf32, #tpu.memory_space<vmem_shared>> -> memref<1x256xf32, #tpu.memory_space<vmem_shared>>
        tpu.enqueue_dma source(%dma_start3A_764 : memref<1x256xf32, #tpu.memory_space<vmem_shared>>) target(%dma_start3A_762 : memref<1x256xf32, #tpu.memory_space<vmem>>) target_semaphore(%arg12 : memref<!tpu.dma_semaphore, #tpu.memory_space<semaphore_mem>>)
        %slice3A_765 = vector.extract_strided_slice %get3A_644 {offsets = [10], sizes = [1], strides = [1]} : vector<16xi32> to vector<1xi32>
        %squeeze3A_766 = vector.extract %slice3A_765[0] : i32 from vector<1xi32>
        %dma_start3A_767 = arith.constant 26 : i32
        %dma_start3A_768 = arith.constant 0 : i32
        %dma_start3A_769 = tpu.memref_slice %arg8[%dma_start3A_767, %dma_start3A_768] : memref<32x256xf32, #tpu.memory_space<vmem>> -> memref<1x256xf32, #tpu.memory_space<vmem>>
        %dma_start3A_770 = arith.constant 0 : i32
        %dma_start3A_771 = tpu.memref_slice %arg6[%squeeze3A_766, %dma_start3A_770] : memref<4096x256xf32, #tpu.memory_space<vmem_shared>> -> memref<1x256xf32, #tpu.memory_space<vmem_shared>>
        %dma_start3A_772 = arith.constant 26 : i32
        %dma_start3A_773 = arith.constant 0 : i32
        %dma_start3A_774 = tpu.memref_slice %arg8[%dma_start3A_772, %dma_start3A_773] : memref<32x256xf32, #tpu.memory_space<vmem>> -> memref<1x256xf32, #tpu.memory_space<vmem>>
        %dma_start3A_775 = arith.constant 0 : i32
        %dma_start3A_776 = tpu.memref_slice %arg6[%squeeze3A_766, %dma_start3A_775] : memref<4096x256xf32, #tpu.memory_space<vmem_shared>> -> memref<1x256xf32, #tpu.memory_space<vmem_shared>>
        tpu.enqueue_dma source(%dma_start3A_776 : memref<1x256xf32, #tpu.memory_space<vmem_shared>>) target(%dma_start3A_774 : memref<1x256xf32, #tpu.memory_space<vmem>>) target_semaphore(%arg12 : memref<!tpu.dma_semaphore, #tpu.memory_space<semaphore_mem>>)
        %slice3A_777 = vector.extract_strided_slice %get3A_644 {offsets = [11], sizes = [1], strides = [1]} : vector<16xi32> to vector<1xi32>
        %squeeze3A_778 = vector.extract %slice3A_777[0] : i32 from vector<1xi32>
        %dma_start3A_779 = arith.constant 27 : i32
        %dma_start3A_780 = arith.constant 0 : i32
        %dma_start3A_781 = tpu.memref_slice %arg8[%dma_start3A_779, %dma_start3A_780] : memref<32x256xf32, #tpu.memory_space<vmem>> -> memref<1x256xf32, #tpu.memory_space<vmem>>
        %dma_start3A_782 = arith.constant 0 : i32
        %dma_start3A_783 = tpu.memref_slice %arg6[%squeeze3A_778, %dma_start3A_782] : memref<4096x256xf32, #tpu.memory_space<vmem_shared>> -> memref<1x256xf32, #tpu.memory_space<vmem_shared>>
        %dma_start3A_784 = arith.constant 27 : i32
        %dma_start3A_785 = arith.constant 0 : i32
        %dma_start3A_786 = tpu.memref_slice %arg8[%dma_start3A_784, %dma_start3A_785] : memref<32x256xf32, #tpu.memory_space<vmem>> -> memref<1x256xf32, #tpu.memory_space<vmem>>
        %dma_start3A_787 = arith.constant 0 : i32
        %dma_start3A_788 = tpu.memref_slice %arg6[%squeeze3A_778, %dma_start3A_787] : memref<4096x256xf32, #tpu.memory_space<vmem_shared>> -> memref<1x256xf32, #tpu.memory_space<vmem_shared>>
        tpu.enqueue_dma source(%dma_start3A_788 : memref<1x256xf32, #tpu.memory_space<vmem_shared>>) target(%dma_start3A_786 : memref<1x256xf32, #tpu.memory_space<vmem>>) target_semaphore(%arg12 : memref<!tpu.dma_semaphore, #tpu.memory_space<semaphore_mem>>)
        %slice3A_789 = vector.extract_strided_slice %get3A_644 {offsets = [12], sizes = [1], strides = [1]} : vector<16xi32> to vector<1xi32>
        %squeeze3A_790 = vector.extract %slice3A_789[0] : i32 from vector<1xi32>
        %dma_start3A_791 = arith.constant 28 : i32
        %dma_start3A_792 = arith.constant 0 : i32
        %dma_start3A_793 = tpu.memref_slice %arg8[%dma_start3A_791, %dma_start3A_792] : memref<32x256xf32, #tpu.memory_space<vmem>> -> memref<1x256xf32, #tpu.memory_space<vmem>>
        %dma_start3A_794 = arith.constant 0 : i32
        %dma_start3A_795 = tpu.memref_slice %arg6[%squeeze3A_790, %dma_start3A_794] : memref<4096x256xf32, #tpu.memory_space<vmem_shared>> -> memref<1x256xf32, #tpu.memory_space<vmem_shared>>
        %dma_start3A_796 = arith.constant 28 : i32
        %dma_start3A_797 = arith.constant 0 : i32
        %dma_start3A_798 = tpu.memref_slice %arg8[%dma_start3A_796, %dma_start3A_797] : memref<32x256xf32, #tpu.memory_space<vmem>> -> memref<1x256xf32, #tpu.memory_space<vmem>>
        %dma_start3A_799 = arith.constant 0 : i32
        %dma_start3A_800 = tpu.memref_slice %arg6[%squeeze3A_790, %dma_start3A_799] : memref<4096x256xf32, #tpu.memory_space<vmem_shared>> -> memref<1x256xf32, #tpu.memory_space<vmem_shared>>
        tpu.enqueue_dma source(%dma_start3A_800 : memref<1x256xf32, #tpu.memory_space<vmem_shared>>) target(%dma_start3A_798 : memref<1x256xf32, #tpu.memory_space<vmem>>) target_semaphore(%arg12 : memref<!tpu.dma_semaphore, #tpu.memory_space<semaphore_mem>>)
        %slice3A_801 = vector.extract_strided_slice %get3A_644 {offsets = [13], sizes = [1], strides = [1]} : vector<16xi32> to vector<1xi32>
        %squeeze3A_802 = vector.extract %slice3A_801[0] : i32 from vector<1xi32>
        %dma_start3A_803 = arith.constant 29 : i32
        %dma_start3A_804 = arith.constant 0 : i32
        %dma_start3A_805 = tpu.memref_slice %arg8[%dma_start3A_803, %dma_start3A_804] : memref<32x256xf32, #tpu.memory_space<vmem>> -> memref<1x256xf32, #tpu.memory_space<vmem>>
        %dma_start3A_806 = arith.constant 0 : i32
        %dma_start3A_807 = tpu.memref_slice %arg6[%squeeze3A_802, %dma_start3A_806] : memref<4096x256xf32, #tpu.memory_space<vmem_shared>> -> memref<1x256xf32, #tpu.memory_space<vmem_shared>>
        %dma_start3A_808 = arith.constant 29 : i32
        %dma_start3A_809 = arith.constant 0 : i32
        %dma_start3A_810 = tpu.memref_slice %arg8[%dma_start3A_808, %dma_start3A_809] : memref<32x256xf32, #tpu.memory_space<vmem>> -> memref<1x256xf32, #tpu.memory_space<vmem>>
        %dma_start3A_811 = arith.constant 0 : i32
        %dma_start3A_812 = tpu.memref_slice %arg6[%squeeze3A_802, %dma_start3A_811] : memref<4096x256xf32, #tpu.memory_space<vmem_shared>> -> memref<1x256xf32, #tpu.memory_space<vmem_shared>>
        tpu.enqueue_dma source(%dma_start3A_812 : memref<1x256xf32, #tpu.memory_space<vmem_shared>>) target(%dma_start3A_810 : memref<1x256xf32, #tpu.memory_space<vmem>>) target_semaphore(%arg12 : memref<!tpu.dma_semaphore, #tpu.memory_space<semaphore_mem>>)
        %slice3A_813 = vector.extract_strided_slice %get3A_644 {offsets = [14], sizes = [1], strides = [1]} : vector<16xi32> to vector<1xi32>
        %squeeze3A_814 = vector.extract %slice3A_813[0] : i32 from vector<1xi32>
        %dma_start3A_815 = arith.constant 30 : i32
        %dma_start3A_816 = arith.constant 0 : i32
        %dma_start3A_817 = tpu.memref_slice %arg8[%dma_start3A_815, %dma_start3A_816] : memref<32x256xf32, #tpu.memory_space<vmem>> -> memref<1x256xf32, #tpu.memory_space<vmem>>
        %dma_start3A_818 = arith.constant 0 : i32
        %dma_start3A_819 = tpu.memref_slice %arg6[%squeeze3A_814, %dma_start3A_818] : memref<4096x256xf32, #tpu.memory_space<vmem_shared>> -> memref<1x256xf32, #tpu.memory_space<vmem_shared>>
        %dma_start3A_820 = arith.constant 30 : i32
        %dma_start3A_821 = arith.constant 0 : i32
        %dma_start3A_822 = tpu.memref_slice %arg8[%dma_start3A_820, %dma_start3A_821] : memref<32x256xf32, #tpu.memory_space<vmem>> -> memref<1x256xf32, #tpu.memory_space<vmem>>
        %dma_start3A_823 = arith.constant 0 : i32
        %dma_start3A_824 = tpu.memref_slice %arg6[%squeeze3A_814, %dma_start3A_823] : memref<4096x256xf32, #tpu.memory_space<vmem_shared>> -> memref<1x256xf32, #tpu.memory_space<vmem_shared>>
        tpu.enqueue_dma source(%dma_start3A_824 : memref<1x256xf32, #tpu.memory_space<vmem_shared>>) target(%dma_start3A_822 : memref<1x256xf32, #tpu.memory_space<vmem>>) target_semaphore(%arg12 : memref<!tpu.dma_semaphore, #tpu.memory_space<semaphore_mem>>)
        %slice3A_825 = vector.extract_strided_slice %get3A_644 {offsets = [15], sizes = [1], strides = [1]} : vector<16xi32> to vector<1xi32>
        %squeeze3A_826 = vector.extract %slice3A_825[0] : i32 from vector<1xi32>
        %dma_start3A_827 = arith.constant 31 : i32
        %dma_start3A_828 = arith.constant 0 : i32
        %dma_start3A_829 = tpu.memref_slice %arg8[%dma_start3A_827, %dma_start3A_828] : memref<32x256xf32, #tpu.memory_space<vmem>> -> memref<1x256xf32, #tpu.memory_space<vmem>>
        %dma_start3A_830 = arith.constant 0 : i32
        %dma_start3A_831 = tpu.memref_slice %arg6[%squeeze3A_826, %dma_start3A_830] : memref<4096x256xf32, #tpu.memory_space<vmem_shared>> -> memref<1x256xf32, #tpu.memory_space<vmem_shared>>
        %dma_start3A_832 = arith.constant 31 : i32
        %dma_start3A_833 = arith.constant 0 : i32
        %dma_start3A_834 = tpu.memref_slice %arg8[%dma_start3A_832, %dma_start3A_833] : memref<32x256xf32, #tpu.memory_space<vmem>> -> memref<1x256xf32, #tpu.memory_space<vmem>>
        %dma_start3A_835 = arith.constant 0 : i32
        %dma_start3A_836 = tpu.memref_slice %arg6[%squeeze3A_826, %dma_start3A_835] : memref<4096x256xf32, #tpu.memory_space<vmem_shared>> -> memref<1x256xf32, #tpu.memory_space<vmem_shared>>
        tpu.enqueue_dma source(%dma_start3A_836 : memref<1x256xf32, #tpu.memory_space<vmem_shared>>) target(%dma_start3A_834 : memref<1x256xf32, #tpu.memory_space<vmem>>) target_semaphore(%arg12 : memref<!tpu.dma_semaphore, #tpu.memory_space<semaphore_mem>>)
        %dma_wait3A_837 = arith.constant 0 : i32
        %dma_wait3A_838 = arith.constant 0 : i32
        %dma_wait3A_839 = tpu.memref_slice %arg6[%dma_wait3A_837, %dma_wait3A_838] : memref<4096x256xf32, #tpu.memory_space<vmem_shared>> -> memref<32x256xf32, #tpu.memory_space<vmem_shared>>
        %dma_wait3A_840 = arith.constant 0 : i32
        %dma_wait3A_841 = arith.constant 0 : i32
        %dma_wait3A_842 = tpu.memref_slice %arg6[%dma_wait3A_840, %dma_wait3A_841] : memref<4096x256xf32, #tpu.memory_space<vmem_shared>> -> memref<32x256xf32, #tpu.memory_space<vmem_shared>>
        tpu.wait_dma2 semaphore(%arg11 : memref<!tpu.dma_semaphore, #tpu.memory_space<semaphore_mem>>) src(%dma_wait3A_842 : memref<32x256xf32, #tpu.memory_space<vmem_shared>>) dst(%arg7 : memref<32x256xf32, #tpu.memory_space<vmem>>)
        %add3A_843 = arith.addi %mul3A_32, %add3A_435 : i32
        %mul3A_844 = arith.constant 32 : i32
        %mul3A_845 = arith.muli %add3A_843, %mul3A_844 : i32
        %add3A_846 = arith.addi %mul3A_2, %mul3A_845 : i32
        %dma_start3A_847 = arith.constant 0 : i32
        %dma_start3A_848 = tpu.memref_slice %arg4[%add3A_846, %dma_start3A_847] : memref<819200x256xf32, #tpu.memory_space<hbm>> -> memref<32x256xf32, #tpu.memory_space<hbm>>
        %dma_start3A_849 = arith.constant 0 : i32
        %dma_start3A_850 = tpu.memref_slice %arg4[%add3A_846, %dma_start3A_849] : memref<819200x256xf32, #tpu.memory_space<hbm>> -> memref<32x256xf32, #tpu.memory_space<hbm>>
        tpu.enqueue_dma source(%arg7 : memref<32x256xf32, #tpu.memory_space<vmem>>) target(%dma_start3A_850 : memref<32x256xf32, #tpu.memory_space<hbm>>) target_semaphore(%arg15 : memref<!tpu.dma_semaphore, #tpu.memory_space<semaphore_mem>>)
        %mul3A_851 = arith.constant 4 : i32
        %mul3A_852 = arith.muli %scan3A_431, %mul3A_851 : i32
        %add3A_853 = arith.constant 1 : i32
        %add3A_854 = arith.addi %mul3A_852, %add3A_853 : i32
        %gt3A_855 = arith.constant 0 : i32
        %gt3A_856 = arith.cmpi sgt, %scan3A_27, %gt3A_855 : i32
        %gt3A_857 = arith.constant 0 : i32
        %gt3A_858 = arith.cmpi sgt, %scan3A_431, %gt3A_857 : i32
        %or3A_859 = arith.ori %gt3A_856, %gt3A_858 : i1
        %convert_element_type3A_860 = arith.extui %or3A_859 : i1 to i32
        %cond3A_861 = arith.constant 0 : i32
        %cond3A_862 = arith.cmpi ne, %convert_element_type3A_860, %cond3A_861 : i32
        scf.if %cond3A_862 {
          %dma_wait3A_1713 = arith.constant 0 : i32
          %dma_wait3A_1714 = tpu.memref_slice %arg4[%mul3A_2, %dma_wait3A_1713] : memref<819200x256xf32, #tpu.memory_space<hbm>> -> memref<32x256xf32, #tpu.memory_space<hbm>>
          %dma_wait3A_1715 = arith.constant 0 : i32
          %dma_wait3A_1716 = tpu.memref_slice %arg4[%mul3A_2, %dma_wait3A_1715] : memref<819200x256xf32, #tpu.memory_space<hbm>> -> memref<32x256xf32, #tpu.memory_space<hbm>>
          tpu.wait_dma2 semaphore(%arg17 : memref<!tpu.dma_semaphore, #tpu.memory_space<semaphore_mem>>) src(%arg9 : memref<32x256xf32, #tpu.memory_space<vmem>>) dst(%dma_wait3A_1716 : memref<32x256xf32, #tpu.memory_space<hbm>>)
        } else {
        }
        %add3A_863 = arith.constant 1 : i32
        %add3A_864 = arith.addi %add3A_854, %add3A_863 : i32
        %get3A_865 = arith.index_cast %add3A_864 : i32 to index
        %get3A_866 = arith.constant 0 : index
        %get3A_867 = tpu.vector_load %arg5[%get3A_865, %get3A_866] {strides = array<i32>} : memref<160x32xi32, #tpu.memory_space<vmem>>, vector<1x16xi32>,
        %get3A_868 = vector.shape_cast %get3A_867 : vector<1x16xi32> to vector<16xi32>
        %slice3A_869 = vector.extract_strided_slice %get3A_868 {offsets = [0], sizes = [1], strides = [1]} : vector<16xi32> to vector<1xi32>
        %squeeze3A_870 = vector.extract %slice3A_869[0] : i32 from vector<1xi32>
        %dma_start3A_871 = arith.constant 0 : i32
        %dma_start3A_872 = arith.constant 0 : i32
        %dma_start3A_873 = tpu.memref_slice %arg9[%dma_start3A_871, %dma_start3A_872] : memref<32x256xf32, #tpu.memory_space<vmem>> -> memref<1x256xf32, #tpu.memory_space<vmem>>
        %dma_start3A_874 = arith.constant 0 : i32
        %dma_start3A_875 = tpu.memref_slice %arg6[%squeeze3A_870, %dma_start3A_874] : memref<4096x256xf32, #tpu.memory_space<vmem_shared>> -> memref<1x256xf32, #tpu.memory_space<vmem_shared>>
        %dma_start3A_876 = arith.constant 0 : i32
        %dma_start3A_877 = arith.constant 0 : i32
        %dma_start3A_878 = tpu.memref_slice %arg9[%dma_start3A_876, %dma_start3A_877] : memref<32x256xf32, #tpu.memory_space<vmem>> -> memref<1x256xf32, #tpu.memory_space<vmem>>
        %dma_start3A_879 = arith.constant 0 : i32
        %dma_start3A_880 = tpu.memref_slice %arg6[%squeeze3A_870, %dma_start3A_879] : memref<4096x256xf32, #tpu.memory_space<vmem_shared>> -> memref<1x256xf32, #tpu.memory_space<vmem_shared>>
        tpu.enqueue_dma source(%dma_start3A_880 : memref<1x256xf32, #tpu.memory_space<vmem_shared>>) target(%dma_start3A_878 : memref<1x256xf32, #tpu.memory_space<vmem>>) target_semaphore(%arg13 : memref<!tpu.dma_semaphore, #tpu.memory_space<semaphore_mem>>)
        %slice3A_881 = vector.extract_strided_slice %get3A_868 {offsets = [1], sizes = [1], strides = [1]} : vector<16xi32> to vector<1xi32>
        %squeeze3A_882 = vector.extract %slice3A_881[0] : i32 from vector<1xi32>
        %dma_start3A_883 = arith.constant 1 : i32
        %dma_start3A_884 = arith.constant 0 : i32
        %dma_start3A_885 = tpu.memref_slice %arg9[%dma_start3A_883, %dma_start3A_884] : memref<32x256xf32, #tpu.memory_space<vmem>> -> memref<1x256xf32, #tpu.memory_space<vmem>>
        %dma_start3A_886 = arith.constant 0 : i32
        %dma_start3A_887 = tpu.memref_slice %arg6[%squeeze3A_882, %dma_start3A_886] : memref<4096x256xf32, #tpu.memory_space<vmem_shared>> -> memref<1x256xf32, #tpu.memory_space<vmem_shared>>
        %dma_start3A_888 = arith.constant 1 : i32
        %dma_start3A_889 = arith.constant 0 : i32
        %dma_start3A_890 = tpu.memref_slice %arg9[%dma_start3A_888, %dma_start3A_889] : memref<32x256xf32, #tpu.memory_space<vmem>> -> memref<1x256xf32, #tpu.memory_space<vmem>>
        %dma_start3A_891 = arith.constant 0 : i32
        %dma_start3A_892 = tpu.memref_slice %arg6[%squeeze3A_882, %dma_start3A_891] : memref<4096x256xf32, #tpu.memory_space<vmem_shared>> -> memref<1x256xf32, #tpu.memory_space<vmem_shared>>
        tpu.enqueue_dma source(%dma_start3A_892 : memref<1x256xf32, #tpu.memory_space<vmem_shared>>) target(%dma_start3A_890 : memref<1x256xf32, #tpu.memory_space<vmem>>) target_semaphore(%arg13 : memref<!tpu.dma_semaphore, #tpu.memory_space<semaphore_mem>>)
        %slice3A_893 = vector.extract_strided_slice %get3A_868 {offsets = [2], sizes = [1], strides = [1]} : vector<16xi32> to vector<1xi32>
        %squeeze3A_894 = vector.extract %slice3A_893[0] : i32 from vector<1xi32>
        %dma_start3A_895 = arith.constant 2 : i32
        %dma_start3A_896 = arith.constant 0 : i32
        %dma_start3A_897 = tpu.memref_slice %arg9[%dma_start3A_895, %dma_start3A_896] : memref<32x256xf32, #tpu.memory_space<vmem>> -> memref<1x256xf32, #tpu.memory_space<vmem>>
        %dma_start3A_898 = arith.constant 0 : i32
        %dma_start3A_899 = tpu.memref_slice %arg6[%squeeze3A_894, %dma_start3A_898] : memref<4096x256xf32, #tpu.memory_space<vmem_shared>> -> memref<1x256xf32, #tpu.memory_space<vmem_shared>>
        %dma_start3A_900 = arith.constant 2 : i32
        %dma_start3A_901 = arith.constant 0 : i32
        %dma_start3A_902 = tpu.memref_slice %arg9[%dma_start3A_900, %dma_start3A_901] : memref<32x256xf32, #tpu.memory_space<vmem>> -> memref<1x256xf32, #tpu.memory_space<vmem>>
        %dma_start3A_903 = arith.constant 0 : i32
        %dma_start3A_904 = tpu.memref_slice %arg6[%squeeze3A_894, %dma_start3A_903] : memref<4096x256xf32, #tpu.memory_space<vmem_shared>> -> memref<1x256xf32, #tpu.memory_space<vmem_shared>>
        tpu.enqueue_dma source(%dma_start3A_904 : memref<1x256xf32, #tpu.memory_space<vmem_shared>>) target(%dma_start3A_902 : memref<1x256xf32, #tpu.memory_space<vmem>>) target_semaphore(%arg13 : memref<!tpu.dma_semaphore, #tpu.memory_space<semaphore_mem>>)
        %slice3A_905 = vector.extract_strided_slice %get3A_868 {offsets = [3], sizes = [1], strides = [1]} : vector<16xi32> to vector<1xi32>
        %squeeze3A_906 = vector.extract %slice3A_905[0] : i32 from vector<1xi32>
        %dma_start3A_907 = arith.constant 3 : i32
        %dma_start3A_908 = arith.constant 0 : i32
        %dma_start3A_909 = tpu.memref_slice %arg9[%dma_start3A_907, %dma_start3A_908] : memref<32x256xf32, #tpu.memory_space<vmem>> -> memref<1x256xf32, #tpu.memory_space<vmem>>
        %dma_start3A_910 = arith.constant 0 : i32
        %dma_start3A_911 = tpu.memref_slice %arg6[%squeeze3A_906, %dma_start3A_910] : memref<4096x256xf32, #tpu.memory_space<vmem_shared>> -> memref<1x256xf32, #tpu.memory_space<vmem_shared>>
        %dma_start3A_912 = arith.constant 3 : i32
        %dma_start3A_913 = arith.constant 0 : i32
        %dma_start3A_914 = tpu.memref_slice %arg9[%dma_start3A_912, %dma_start3A_913] : memref<32x256xf32, #tpu.memory_space<vmem>> -> memref<1x256xf32, #tpu.memory_space<vmem>>
        %dma_start3A_915 = arith.constant 0 : i32
        %dma_start3A_916 = tpu.memref_slice %arg6[%squeeze3A_906, %dma_start3A_915] : memref<4096x256xf32, #tpu.memory_space<vmem_shared>> -> memref<1x256xf32, #tpu.memory_space<vmem_shared>>
        tpu.enqueue_dma source(%dma_start3A_916 : memref<1x256xf32, #tpu.memory_space<vmem_shared>>) target(%dma_start3A_914 : memref<1x256xf32, #tpu.memory_space<vmem>>) target_semaphore(%arg13 : memref<!tpu.dma_semaphore, #tpu.memory_space<semaphore_mem>>)
        %slice3A_917 = vector.extract_strided_slice %get3A_868 {offsets = [4], sizes = [1], strides = [1]} : vector<16xi32> to vector<1xi32>
        %squeeze3A_918 = vector.extract %slice3A_917[0] : i32 from vector<1xi32>
        %dma_start3A_919 = arith.constant 4 : i32
        %dma_start3A_920 = arith.constant 0 : i32
        %dma_start3A_921 = tpu.memref_slice %arg9[%dma_start3A_919, %dma_start3A_920] : memref<32x256xf32, #tpu.memory_space<vmem>> -> memref<1x256xf32, #tpu.memory_space<vmem>>
        %dma_start3A_922 = arith.constant 0 : i32
        %dma_start3A_923 = tpu.memref_slice %arg6[%squeeze3A_918, %dma_start3A_922] : memref<4096x256xf32, #tpu.memory_space<vmem_shared>> -> memref<1x256xf32, #tpu.memory_space<vmem_shared>>
        %dma_start3A_924 = arith.constant 4 : i32
        %dma_start3A_925 = arith.constant 0 : i32
        %dma_start3A_926 = tpu.memref_slice %arg9[%dma_start3A_924, %dma_start3A_925] : memref<32x256xf32, #tpu.memory_space<vmem>> -> memref<1x256xf32, #tpu.memory_space<vmem>>
        %dma_start3A_927 = arith.constant 0 : i32
        %dma_start3A_928 = tpu.memref_slice %arg6[%squeeze3A_918, %dma_start3A_927] : memref<4096x256xf32, #tpu.memory_space<vmem_shared>> -> memref<1x256xf32, #tpu.memory_space<vmem_shared>>
        tpu.enqueue_dma source(%dma_start3A_928 : memref<1x256xf32, #tpu.memory_space<vmem_shared>>) target(%dma_start3A_926 : memref<1x256xf32, #tpu.memory_space<vmem>>) target_semaphore(%arg13 : memref<!tpu.dma_semaphore, #tpu.memory_space<semaphore_mem>>)
        %slice3A_929 = vector.extract_strided_slice %get3A_868 {offsets = [5], sizes = [1], strides = [1]} : vector<16xi32> to vector<1xi32>
        %squeeze3A_930 = vector.extract %slice3A_929[0] : i32 from vector<1xi32>
        %dma_start3A_931 = arith.constant 5 : i32
        %dma_start3A_932 = arith.constant 0 : i32
        %dma_start3A_933 = tpu.memref_slice %arg9[%dma_start3A_931, %dma_start3A_932] : memref<32x256xf32, #tpu.memory_space<vmem>> -> memref<1x256xf32, #tpu.memory_space<vmem>>
        %dma_start3A_934 = arith.constant 0 : i32
        %dma_start3A_935 = tpu.memref_slice %arg6[%squeeze3A_930, %dma_start3A_934] : memref<4096x256xf32, #tpu.memory_space<vmem_shared>> -> memref<1x256xf32, #tpu.memory_space<vmem_shared>>
        %dma_start3A_936 = arith.constant 5 : i32
        %dma_start3A_937 = arith.constant 0 : i32
        %dma_start3A_938 = tpu.memref_slice %arg9[%dma_start3A_936, %dma_start3A_937] : memref<32x256xf32, #tpu.memory_space<vmem>> -> memref<1x256xf32, #tpu.memory_space<vmem>>
        %dma_start3A_939 = arith.constant 0 : i32
        %dma_start3A_940 = tpu.memref_slice %arg6[%squeeze3A_930, %dma_start3A_939] : memref<4096x256xf32, #tpu.memory_space<vmem_shared>> -> memref<1x256xf32, #tpu.memory_space<vmem_shared>>
        tpu.enqueue_dma source(%dma_start3A_940 : memref<1x256xf32, #tpu.memory_space<vmem_shared>>) target(%dma_start3A_938 : memref<1x256xf32, #tpu.memory_space<vmem>>) target_semaphore(%arg13 : memref<!tpu.dma_semaphore, #tpu.memory_space<semaphore_mem>>)
        %slice3A_941 = vector.extract_strided_slice %get3A_868 {offsets = [6], sizes = [1], strides = [1]} : vector<16xi32> to vector<1xi32>
        %squeeze3A_942 = vector.extract %slice3A_941[0] : i32 from vector<1xi32>
        %dma_start3A_943 = arith.constant 6 : i32
        %dma_start3A_944 = arith.constant 0 : i32
        %dma_start3A_945 = tpu.memref_slice %arg9[%dma_start3A_943, %dma_start3A_944] : memref<32x256xf32, #tpu.memory_space<vmem>> -> memref<1x256xf32, #tpu.memory_space<vmem>>
        %dma_start3A_946 = arith.constant 0 : i32
        %dma_start3A_947 = tpu.memref_slice %arg6[%squeeze3A_942, %dma_start3A_946] : memref<4096x256xf32, #tpu.memory_space<vmem_shared>> -> memref<1x256xf32, #tpu.memory_space<vmem_shared>>
        %dma_start3A_948 = arith.constant 6 : i32
        %dma_start3A_949 = arith.constant 0 : i32
        %dma_start3A_950 = tpu.memref_slice %arg9[%dma_start3A_948, %dma_start3A_949] : memref<32x256xf32, #tpu.memory_space<vmem>> -> memref<1x256xf32, #tpu.memory_space<vmem>>
        %dma_start3A_951 = arith.constant 0 : i32
        %dma_start3A_952 = tpu.memref_slice %arg6[%squeeze3A_942, %dma_start3A_951] : memref<4096x256xf32, #tpu.memory_space<vmem_shared>> -> memref<1x256xf32, #tpu.memory_space<vmem_shared>>
        tpu.enqueue_dma source(%dma_start3A_952 : memref<1x256xf32, #tpu.memory_space<vmem_shared>>) target(%dma_start3A_950 : memref<1x256xf32, #tpu.memory_space<vmem>>) target_semaphore(%arg13 : memref<!tpu.dma_semaphore, #tpu.memory_space<semaphore_mem>>)
        %slice3A_953 = vector.extract_strided_slice %get3A_868 {offsets = [7], sizes = [1], strides = [1]} : vector<16xi32> to vector<1xi32>
        %squeeze3A_954 = vector.extract %slice3A_953[0] : i32 from vector<1xi32>
        %dma_start3A_955 = arith.constant 7 : i32
        %dma_start3A_956 = arith.constant 0 : i32
        %dma_start3A_957 = tpu.memref_slice %arg9[%dma_start3A_955, %dma_start3A_956] : memref<32x256xf32, #tpu.memory_space<vmem>> -> memref<1x256xf32, #tpu.memory_space<vmem>>
        %dma_start3A_958 = arith.constant 0 : i32
        %dma_start3A_959 = tpu.memref_slice %arg6[%squeeze3A_954, %dma_start3A_958] : memref<4096x256xf32, #tpu.memory_space<vmem_shared>> -> memref<1x256xf32, #tpu.memory_space<vmem_shared>>
        %dma_start3A_960 = arith.constant 7 : i32
        %dma_start3A_961 = arith.constant 0 : i32
        %dma_start3A_962 = tpu.memref_slice %arg9[%dma_start3A_960, %dma_start3A_961] : memref<32x256xf32, #tpu.memory_space<vmem>> -> memref<1x256xf32, #tpu.memory_space<vmem>>
        %dma_start3A_963 = arith.constant 0 : i32
        %dma_start3A_964 = tpu.memref_slice %arg6[%squeeze3A_954, %dma_start3A_963] : memref<4096x256xf32, #tpu.memory_space<vmem_shared>> -> memref<1x256xf32, #tpu.memory_space<vmem_shared>>
        tpu.enqueue_dma source(%dma_start3A_964 : memref<1x256xf32, #tpu.memory_space<vmem_shared>>) target(%dma_start3A_962 : memref<1x256xf32, #tpu.memory_space<vmem>>) target_semaphore(%arg13 : memref<!tpu.dma_semaphore, #tpu.memory_space<semaphore_mem>>)
        %slice3A_965 = vector.extract_strided_slice %get3A_868 {offsets = [8], sizes = [1], strides = [1]} : vector<16xi32> to vector<1xi32>
        %squeeze3A_966 = vector.extract %slice3A_965[0] : i32 from vector<1xi32>
        %dma_start3A_967 = arith.constant 8 : i32
        %dma_start3A_968 = arith.constant 0 : i32
        %dma_start3A_969 = tpu.memref_slice %arg9[%dma_start3A_967, %dma_start3A_968] : memref<32x256xf32, #tpu.memory_space<vmem>> -> memref<1x256xf32, #tpu.memory_space<vmem>>
        %dma_start3A_970 = arith.constant 0 : i32
        %dma_start3A_971 = tpu.memref_slice %arg6[%squeeze3A_966, %dma_start3A_970] : memref<4096x256xf32, #tpu.memory_space<vmem_shared>> -> memref<1x256xf32, #tpu.memory_space<vmem_shared>>
        %dma_start3A_972 = arith.constant 8 : i32
        %dma_start3A_973 = arith.constant 0 : i32
        %dma_start3A_974 = tpu.memref_slice %arg9[%dma_start3A_972, %dma_start3A_973] : memref<32x256xf32, #tpu.memory_space<vmem>> -> memref<1x256xf32, #tpu.memory_space<vmem>>
        %dma_start3A_975 = arith.constant 0 : i32
        %dma_start3A_976 = tpu.memref_slice %arg6[%squeeze3A_966, %dma_start3A_975] : memref<4096x256xf32, #tpu.memory_space<vmem_shared>> -> memref<1x256xf32, #tpu.memory_space<vmem_shared>>
        tpu.enqueue_dma source(%dma_start3A_976 : memref<1x256xf32, #tpu.memory_space<vmem_shared>>) target(%dma_start3A_974 : memref<1x256xf32, #tpu.memory_space<vmem>>) target_semaphore(%arg13 : memref<!tpu.dma_semaphore, #tpu.memory_space<semaphore_mem>>)
        %slice3A_977 = vector.extract_strided_slice %get3A_868 {offsets = [9], sizes = [1], strides = [1]} : vector<16xi32> to vector<1xi32>
        %squeeze3A_978 = vector.extract %slice3A_977[0] : i32 from vector<1xi32>
        %dma_start3A_979 = arith.constant 9 : i32
        %dma_start3A_980 = arith.constant 0 : i32
        %dma_start3A_981 = tpu.memref_slice %arg9[%dma_start3A_979, %dma_start3A_980] : memref<32x256xf32, #tpu.memory_space<vmem>> -> memref<1x256xf32, #tpu.memory_space<vmem>>
        %dma_start3A_982 = arith.constant 0 : i32
        %dma_start3A_983 = tpu.memref_slice %arg6[%squeeze3A_978, %dma_start3A_982] : memref<4096x256xf32, #tpu.memory_space<vmem_shared>> -> memref<1x256xf32, #tpu.memory_space<vmem_shared>>
        %dma_start3A_984 = arith.constant 9 : i32
        %dma_start3A_985 = arith.constant 0 : i32
        %dma_start3A_986 = tpu.memref_slice %arg9[%dma_start3A_984, %dma_start3A_985] : memref<32x256xf32, #tpu.memory_space<vmem>> -> memref<1x256xf32, #tpu.memory_space<vmem>>
        %dma_start3A_987 = arith.constant 0 : i32
        %dma_start3A_988 = tpu.memref_slice %arg6[%squeeze3A_978, %dma_start3A_987] : memref<4096x256xf32, #tpu.memory_space<vmem_shared>> -> memref<1x256xf32, #tpu.memory_space<vmem_shared>>
        tpu.enqueue_dma source(%dma_start3A_988 : memref<1x256xf32, #tpu.memory_space<vmem_shared>>) target(%dma_start3A_986 : memref<1x256xf32, #tpu.memory_space<vmem>>) target_semaphore(%arg13 : memref<!tpu.dma_semaphore, #tpu.memory_space<semaphore_mem>>)
        %slice3A_989 = vector.extract_strided_slice %get3A_868 {offsets = [10], sizes = [1], strides = [1]} : vector<16xi32> to vector<1xi32>
        %squeeze3A_990 = vector.extract %slice3A_989[0] : i32 from vector<1xi32>
        %dma_start3A_991 = arith.constant 10 : i32
        %dma_start3A_992 = arith.constant 0 : i32
        %dma_start3A_993 = tpu.memref_slice %arg9[%dma_start3A_991, %dma_start3A_992] : memref<32x256xf32, #tpu.memory_space<vmem>> -> memref<1x256xf32, #tpu.memory_space<vmem>>
        %dma_start3A_994 = arith.constant 0 : i32
        %dma_start3A_995 = tpu.memref_slice %arg6[%squeeze3A_990, %dma_start3A_994] : memref<4096x256xf32, #tpu.memory_space<vmem_shared>> -> memref<1x256xf32, #tpu.memory_space<vmem_shared>>
        %dma_start3A_996 = arith.constant 10 : i32
        %dma_start3A_997 = arith.constant 0 : i32
        %dma_start3A_998 = tpu.memref_slice %arg9[%dma_start3A_996, %dma_start3A_997] : memref<32x256xf32, #tpu.memory_space<vmem>> -> memref<1x256xf32, #tpu.memory_space<vmem>>
        %dma_start3A_999 = arith.constant 0 : i32
        %dma_start3A_1000 = tpu.memref_slice %arg6[%squeeze3A_990, %dma_start3A_999] : memref<4096x256xf32, #tpu.memory_space<vmem_shared>> -> memref<1x256xf32, #tpu.memory_space<vmem_shared>>
        tpu.enqueue_dma source(%dma_start3A_1000 : memref<1x256xf32, #tpu.memory_space<vmem_shared>>) target(%dma_start3A_998 : memref<1x256xf32, #tpu.memory_space<vmem>>) target_semaphore(%arg13 : memref<!tpu.dma_semaphore, #tpu.memory_space<semaphore_mem>>)
        %slice3A_1001 = vector.extract_strided_slice %get3A_868 {offsets = [11], sizes = [1], strides = [1]} : vector<16xi32> to vector<1xi32>
        %squeeze3A_1002 = vector.extract %slice3A_1001[0] : i32 from vector<1xi32>
        %dma_start3A_1003 = arith.constant 11 : i32
        %dma_start3A_1004 = arith.constant 0 : i32
        %dma_start3A_1005 = tpu.memref_slice %arg9[%dma_start3A_1003, %dma_start3A_1004] : memref<32x256xf32, #tpu.memory_space<vmem>> -> memref<1x256xf32, #tpu.memory_space<vmem>>
        %dma_start3A_1006 = arith.constant 0 : i32
        %dma_start3A_1007 = tpu.memref_slice %arg6[%squeeze3A_1002, %dma_start3A_1006] : memref<4096x256xf32, #tpu.memory_space<vmem_shared>> -> memref<1x256xf32, #tpu.memory_space<vmem_shared>>
        %dma_start3A_1008 = arith.constant 11 : i32
        %dma_start3A_1009 = arith.constant 0 : i32
        %dma_start3A_1010 = tpu.memref_slice %arg9[%dma_start3A_1008, %dma_start3A_1009] : memref<32x256xf32, #tpu.memory_space<vmem>> -> memref<1x256xf32, #tpu.memory_space<vmem>>
        %dma_start3A_1011 = arith.constant 0 : i32
        %dma_start3A_1012 = tpu.memref_slice %arg6[%squeeze3A_1002, %dma_start3A_1011] : memref<4096x256xf32, #tpu.memory_space<vmem_shared>> -> memref<1x256xf32, #tpu.memory_space<vmem_shared>>
        tpu.enqueue_dma source(%dma_start3A_1012 : memref<1x256xf32, #tpu.memory_space<vmem_shared>>) target(%dma_start3A_1010 : memref<1x256xf32, #tpu.memory_space<vmem>>) target_semaphore(%arg13 : memref<!tpu.dma_semaphore, #tpu.memory_space<semaphore_mem>>)
        %slice3A_1013 = vector.extract_strided_slice %get3A_868 {offsets = [12], sizes = [1], strides = [1]} : vector<16xi32> to vector<1xi32>
        %squeeze3A_1014 = vector.extract %slice3A_1013[0] : i32 from vector<1xi32>
        %dma_start3A_1015 = arith.constant 12 : i32
        %dma_start3A_1016 = arith.constant 0 : i32
        %dma_start3A_1017 = tpu.memref_slice %arg9[%dma_start3A_1015, %dma_start3A_1016] : memref<32x256xf32, #tpu.memory_space<vmem>> -> memref<1x256xf32, #tpu.memory_space<vmem>>
        %dma_start3A_1018 = arith.constant 0 : i32
        %dma_start3A_1019 = tpu.memref_slice %arg6[%squeeze3A_1014, %dma_start3A_1018] : memref<4096x256xf32, #tpu.memory_space<vmem_shared>> -> memref<1x256xf32, #tpu.memory_space<vmem_shared>>
        %dma_start3A_1020 = arith.constant 12 : i32
        %dma_start3A_1021 = arith.constant 0 : i32
        %dma_start3A_1022 = tpu.memref_slice %arg9[%dma_start3A_1020, %dma_start3A_1021] : memref<32x256xf32, #tpu.memory_space<vmem>> -> memref<1x256xf32, #tpu.memory_space<vmem>>
        %dma_start3A_1023 = arith.constant 0 : i32
        %dma_start3A_1024 = tpu.memref_slice %arg6[%squeeze3A_1014, %dma_start3A_1023] : memref<4096x256xf32, #tpu.memory_space<vmem_shared>> -> memref<1x256xf32, #tpu.memory_space<vmem_shared>>
        tpu.enqueue_dma source(%dma_start3A_1024 : memref<1x256xf32, #tpu.memory_space<vmem_shared>>) target(%dma_start3A_1022 : memref<1x256xf32, #tpu.memory_space<vmem>>) target_semaphore(%arg13 : memref<!tpu.dma_semaphore, #tpu.memory_space<semaphore_mem>>)
        %slice3A_1025 = vector.extract_strided_slice %get3A_868 {offsets = [13], sizes = [1], strides = [1]} : vector<16xi32> to vector<1xi32>
        %squeeze3A_1026 = vector.extract %slice3A_1025[0] : i32 from vector<1xi32>
        %dma_start3A_1027 = arith.constant 13 : i32
        %dma_start3A_1028 = arith.constant 0 : i32
        %dma_start3A_1029 = tpu.memref_slice %arg9[%dma_start3A_1027, %dma_start3A_1028] : memref<32x256xf32, #tpu.memory_space<vmem>> -> memref<1x256xf32, #tpu.memory_space<vmem>>
        %dma_start3A_1030 = arith.constant 0 : i32
        %dma_start3A_1031 = tpu.memref_slice %arg6[%squeeze3A_1026, %dma_start3A_1030] : memref<4096x256xf32, #tpu.memory_space<vmem_shared>> -> memref<1x256xf32, #tpu.memory_space<vmem_shared>>
        %dma_start3A_1032 = arith.constant 13 : i32
        %dma_start3A_1033 = arith.constant 0 : i32
        %dma_start3A_1034 = tpu.memref_slice %arg9[%dma_start3A_1032, %dma_start3A_1033] : memref<32x256xf32, #tpu.memory_space<vmem>> -> memref<1x256xf32, #tpu.memory_space<vmem>>
        %dma_start3A_1035 = arith.constant 0 : i32
        %dma_start3A_1036 = tpu.memref_slice %arg6[%squeeze3A_1026, %dma_start3A_1035] : memref<4096x256xf32, #tpu.memory_space<vmem_shared>> -> memref<1x256xf32, #tpu.memory_space<vmem_shared>>
        tpu.enqueue_dma source(%dma_start3A_1036 : memref<1x256xf32, #tpu.memory_space<vmem_shared>>) target(%dma_start3A_1034 : memref<1x256xf32, #tpu.memory_space<vmem>>) target_semaphore(%arg13 : memref<!tpu.dma_semaphore, #tpu.memory_space<semaphore_mem>>)
        %slice3A_1037 = vector.extract_strided_slice %get3A_868 {offsets = [14], sizes = [1], strides = [1]} : vector<16xi32> to vector<1xi32>
        %squeeze3A_1038 = vector.extract %slice3A_1037[0] : i32 from vector<1xi32>
        %dma_start3A_1039 = arith.constant 14 : i32
        %dma_start3A_1040 = arith.constant 0 : i32
        %dma_start3A_1041 = tpu.memref_slice %arg9[%dma_start3A_1039, %dma_start3A_1040] : memref<32x256xf32, #tpu.memory_space<vmem>> -> memref<1x256xf32, #tpu.memory_space<vmem>>
        %dma_start3A_1042 = arith.constant 0 : i32
        %dma_start3A_1043 = tpu.memref_slice %arg6[%squeeze3A_1038, %dma_start3A_1042] : memref<4096x256xf32, #tpu.memory_space<vmem_shared>> -> memref<1x256xf32, #tpu.memory_space<vmem_shared>>
        %dma_start3A_1044 = arith.constant 14 : i32
        %dma_start3A_1045 = arith.constant 0 : i32
        %dma_start3A_1046 = tpu.memref_slice %arg9[%dma_start3A_1044, %dma_start3A_1045] : memref<32x256xf32, #tpu.memory_space<vmem>> -> memref<1x256xf32, #tpu.memory_space<vmem>>
        %dma_start3A_1047 = arith.constant 0 : i32
        %dma_start3A_1048 = tpu.memref_slice %arg6[%squeeze3A_1038, %dma_start3A_1047] : memref<4096x256xf32, #tpu.memory_space<vmem_shared>> -> memref<1x256xf32, #tpu.memory_space<vmem_shared>>
        tpu.enqueue_dma source(%dma_start3A_1048 : memref<1x256xf32, #tpu.memory_space<vmem_shared>>) target(%dma_start3A_1046 : memref<1x256xf32, #tpu.memory_space<vmem>>) target_semaphore(%arg13 : memref<!tpu.dma_semaphore, #tpu.memory_space<semaphore_mem>>)
        %slice3A_1049 = vector.extract_strided_slice %get3A_868 {offsets = [15], sizes = [1], strides = [1]} : vector<16xi32> to vector<1xi32>
        %squeeze3A_1050 = vector.extract %slice3A_1049[0] : i32 from vector<1xi32>
        %dma_start3A_1051 = arith.constant 15 : i32
        %dma_start3A_1052 = arith.constant 0 : i32
        %dma_start3A_1053 = tpu.memref_slice %arg9[%dma_start3A_1051, %dma_start3A_1052] : memref<32x256xf32, #tpu.memory_space<vmem>> -> memref<1x256xf32, #tpu.memory_space<vmem>>
        %dma_start3A_1054 = arith.constant 0 : i32
        %dma_start3A_1055 = tpu.memref_slice %arg6[%squeeze3A_1050, %dma_start3A_1054] : memref<4096x256xf32, #tpu.memory_space<vmem_shared>> -> memref<1x256xf32, #tpu.memory_space<vmem_shared>>
        %dma_start3A_1056 = arith.constant 15 : i32
        %dma_start3A_1057 = arith.constant 0 : i32
        %dma_start3A_1058 = tpu.memref_slice %arg9[%dma_start3A_1056, %dma_start3A_1057] : memref<32x256xf32, #tpu.memory_space<vmem>> -> memref<1x256xf32, #tpu.memory_space<vmem>>
        %dma_start3A_1059 = arith.constant 0 : i32
        %dma_start3A_1060 = tpu.memref_slice %arg6[%squeeze3A_1050, %dma_start3A_1059] : memref<4096x256xf32, #tpu.memory_space<vmem_shared>> -> memref<1x256xf32, #tpu.memory_space<vmem_shared>>
        tpu.enqueue_dma source(%dma_start3A_1060 : memref<1x256xf32, #tpu.memory_space<vmem_shared>>) target(%dma_start3A_1058 : memref<1x256xf32, #tpu.memory_space<vmem>>) target_semaphore(%arg13 : memref<!tpu.dma_semaphore, #tpu.memory_space<semaphore_mem>>)
        %get3A_1061 = arith.index_cast %add3A_864 : i32 to index
        %get3A_1062 = arith.constant 16 : index
        %get3A_1063 = tpu.vector_load %arg5[%get3A_1061, %get3A_1062] {strides = array<i32>} : memref<160x32xi32, #tpu.memory_space<vmem>>, vector<1x16xi32>,
        %get3A_1064 = vector.shape_cast %get3A_1063 : vector<1x16xi32> to vector<16xi32>
        %slice3A_1065 = vector.extract_strided_slice %get3A_1064 {offsets = [0], sizes = [1], strides = [1]} : vector<16xi32> to vector<1xi32>
        %squeeze3A_1066 = vector.extract %slice3A_1065[0] : i32 from vector<1xi32>
        %dma_start3A_1067 = arith.constant 16 : i32
        %dma_start3A_1068 = arith.constant 0 : i32
        %dma_start3A_1069 = tpu.memref_slice %arg9[%dma_start3A_1067, %dma_start3A_1068] : memref<32x256xf32, #tpu.memory_space<vmem>> -> memref<1x256xf32, #tpu.memory_space<vmem>>
        %dma_start3A_1070 = arith.constant 0 : i32
        %dma_start3A_1071 = tpu.memref_slice %arg6[%squeeze3A_1066, %dma_start3A_1070] : memref<4096x256xf32, #tpu.memory_space<vmem_shared>> -> memref<1x256xf32, #tpu.memory_space<vmem_shared>>
        %dma_start3A_1072 = arith.constant 16 : i32
        %dma_start3A_1073 = arith.constant 0 : i32
        %dma_start3A_1074 = tpu.memref_slice %arg9[%dma_start3A_1072, %dma_start3A_1073] : memref<32x256xf32, #tpu.memory_space<vmem>> -> memref<1x256xf32, #tpu.memory_space<vmem>>
        %dma_start3A_1075 = arith.constant 0 : i32
        %dma_start3A_1076 = tpu.memref_slice %arg6[%squeeze3A_1066, %dma_start3A_1075] : memref<4096x256xf32, #tpu.memory_space<vmem_shared>> -> memref<1x256xf32, #tpu.memory_space<vmem_shared>>
        tpu.enqueue_dma source(%dma_start3A_1076 : memref<1x256xf32, #tpu.memory_space<vmem_shared>>) target(%dma_start3A_1074 : memref<1x256xf32, #tpu.memory_space<vmem>>) target_semaphore(%arg13 : memref<!tpu.dma_semaphore, #tpu.memory_space<semaphore_mem>>)
        %slice3A_1077 = vector.extract_strided_slice %get3A_1064 {offsets = [1], sizes = [1], strides = [1]} : vector<16xi32> to vector<1xi32>
        %squeeze3A_1078 = vector.extract %slice3A_1077[0] : i32 from vector<1xi32>
        %dma_start3A_1079 = arith.constant 17 : i32
        %dma_start3A_1080 = arith.constant 0 : i32
        %dma_start3A_1081 = tpu.memref_slice %arg9[%dma_start3A_1079, %dma_start3A_1080] : memref<32x256xf32, #tpu.memory_space<vmem>> -> memref<1x256xf32, #tpu.memory_space<vmem>>
        %dma_start3A_1082 = arith.constant 0 : i32
        %dma_start3A_1083 = tpu.memref_slice %arg6[%squeeze3A_1078, %dma_start3A_1082] : memref<4096x256xf32, #tpu.memory_space<vmem_shared>> -> memref<1x256xf32, #tpu.memory_space<vmem_shared>>
        %dma_start3A_1084 = arith.constant 17 : i32
        %dma_start3A_1085 = arith.constant 0 : i32
        %dma_start3A_1086 = tpu.memref_slice %arg9[%dma_start3A_1084, %dma_start3A_1085] : memref<32x256xf32, #tpu.memory_space<vmem>> -> memref<1x256xf32, #tpu.memory_space<vmem>>
        %dma_start3A_1087 = arith.constant 0 : i32
        %dma_start3A_1088 = tpu.memref_slice %arg6[%squeeze3A_1078, %dma_start3A_1087] : memref<4096x256xf32, #tpu.memory_space<vmem_shared>> -> memref<1x256xf32, #tpu.memory_space<vmem_shared>>
        tpu.enqueue_dma source(%dma_start3A_1088 : memref<1x256xf32, #tpu.memory_space<vmem_shared>>) target(%dma_start3A_1086 : memref<1x256xf32, #tpu.memory_space<vmem>>) target_semaphore(%arg13 : memref<!tpu.dma_semaphore, #tpu.memory_space<semaphore_mem>>)
        %slice3A_1089 = vector.extract_strided_slice %get3A_1064 {offsets = [2], sizes = [1], strides = [1]} : vector<16xi32> to vector<1xi32>
        %squeeze3A_1090 = vector.extract %slice3A_1089[0] : i32 from vector<1xi32>
        %dma_start3A_1091 = arith.constant 18 : i32
        %dma_start3A_1092 = arith.constant 0 : i32
        %dma_start3A_1093 = tpu.memref_slice %arg9[%dma_start3A_1091, %dma_start3A_1092] : memref<32x256xf32, #tpu.memory_space<vmem>> -> memref<1x256xf32, #tpu.memory_space<vmem>>
        %dma_start3A_1094 = arith.constant 0 : i32
        %dma_start3A_1095 = tpu.memref_slice %arg6[%squeeze3A_1090, %dma_start3A_1094] : memref<4096x256xf32, #tpu.memory_space<vmem_shared>> -> memref<1x256xf32, #tpu.memory_space<vmem_shared>>
        %dma_start3A_1096 = arith.constant 18 : i32
        %dma_start3A_1097 = arith.constant 0 : i32
        %dma_start3A_1098 = tpu.memref_slice %arg9[%dma_start3A_1096, %dma_start3A_1097] : memref<32x256xf32, #tpu.memory_space<vmem>> -> memref<1x256xf32, #tpu.memory_space<vmem>>
        %dma_start3A_1099 = arith.constant 0 : i32
        %dma_start3A_1100 = tpu.memref_slice %arg6[%squeeze3A_1090, %dma_start3A_1099] : memref<4096x256xf32, #tpu.memory_space<vmem_shared>> -> memref<1x256xf32, #tpu.memory_space<vmem_shared>>
        tpu.enqueue_dma source(%dma_start3A_1100 : memref<1x256xf32, #tpu.memory_space<vmem_shared>>) target(%dma_start3A_1098 : memref<1x256xf32, #tpu.memory_space<vmem>>) target_semaphore(%arg13 : memref<!tpu.dma_semaphore, #tpu.memory_space<semaphore_mem>>)
        %slice3A_1101 = vector.extract_strided_slice %get3A_1064 {offsets = [3], sizes = [1], strides = [1]} : vector<16xi32> to vector<1xi32>
        %squeeze3A_1102 = vector.extract %slice3A_1101[0] : i32 from vector<1xi32>
        %dma_start3A_1103 = arith.constant 19 : i32
        %dma_start3A_1104 = arith.constant 0 : i32
        %dma_start3A_1105 = tpu.memref_slice %arg9[%dma_start3A_1103, %dma_start3A_1104] : memref<32x256xf32, #tpu.memory_space<vmem>> -> memref<1x256xf32, #tpu.memory_space<vmem>>
        %dma_start3A_1106 = arith.constant 0 : i32
        %dma_start3A_1107 = tpu.memref_slice %arg6[%squeeze3A_1102, %dma_start3A_1106] : memref<4096x256xf32, #tpu.memory_space<vmem_shared>> -> memref<1x256xf32, #tpu.memory_space<vmem_shared>>
        %dma_start3A_1108 = arith.constant 19 : i32
        %dma_start3A_1109 = arith.constant 0 : i32
        %dma_start3A_1110 = tpu.memref_slice %arg9[%dma_start3A_1108, %dma_start3A_1109] : memref<32x256xf32, #tpu.memory_space<vmem>> -> memref<1x256xf32, #tpu.memory_space<vmem>>
        %dma_start3A_1111 = arith.constant 0 : i32
        %dma_start3A_1112 = tpu.memref_slice %arg6[%squeeze3A_1102, %dma_start3A_1111] : memref<4096x256xf32, #tpu.memory_space<vmem_shared>> -> memref<1x256xf32, #tpu.memory_space<vmem_shared>>
        tpu.enqueue_dma source(%dma_start3A_1112 : memref<1x256xf32, #tpu.memory_space<vmem_shared>>) target(%dma_start3A_1110 : memref<1x256xf32, #tpu.memory_space<vmem>>) target_semaphore(%arg13 : memref<!tpu.dma_semaphore, #tpu.memory_space<semaphore_mem>>)
        %slice3A_1113 = vector.extract_strided_slice %get3A_1064 {offsets = [4], sizes = [1], strides = [1]} : vector<16xi32> to vector<1xi32>
        %squeeze3A_1114 = vector.extract %slice3A_1113[0] : i32 from vector<1xi32>
        %dma_start3A_1115 = arith.constant 20 : i32
        %dma_start3A_1116 = arith.constant 0 : i32
        %dma_start3A_1117 = tpu.memref_slice %arg9[%dma_start3A_1115, %dma_start3A_1116] : memref<32x256xf32, #tpu.memory_space<vmem>> -> memref<1x256xf32, #tpu.memory_space<vmem>>
        %dma_start3A_1118 = arith.constant 0 : i32
        %dma_start3A_1119 = tpu.memref_slice %arg6[%squeeze3A_1114, %dma_start3A_1118] : memref<4096x256xf32, #tpu.memory_space<vmem_shared>> -> memref<1x256xf32, #tpu.memory_space<vmem_shared>>
        %dma_start3A_1120 = arith.constant 20 : i32
        %dma_start3A_1121 = arith.constant 0 : i32
        %dma_start3A_1122 = tpu.memref_slice %arg9[%dma_start3A_1120, %dma_start3A_1121] : memref<32x256xf32, #tpu.memory_space<vmem>> -> memref<1x256xf32, #tpu.memory_space<vmem>>
        %dma_start3A_1123 = arith.constant 0 : i32
        %dma_start3A_1124 = tpu.memref_slice %arg6[%squeeze3A_1114, %dma_start3A_1123] : memref<4096x256xf32, #tpu.memory_space<vmem_shared>> -> memref<1x256xf32, #tpu.memory_space<vmem_shared>>
        tpu.enqueue_dma source(%dma_start3A_1124 : memref<1x256xf32, #tpu.memory_space<vmem_shared>>) target(%dma_start3A_1122 : memref<1x256xf32, #tpu.memory_space<vmem>>) target_semaphore(%arg13 : memref<!tpu.dma_semaphore, #tpu.memory_space<semaphore_mem>>)
        %slice3A_1125 = vector.extract_strided_slice %get3A_1064 {offsets = [5], sizes = [1], strides = [1]} : vector<16xi32> to vector<1xi32>
        %squeeze3A_1126 = vector.extract %slice3A_1125[0] : i32 from vector<1xi32>
        %dma_start3A_1127 = arith.constant 21 : i32
        %dma_start3A_1128 = arith.constant 0 : i32
        %dma_start3A_1129 = tpu.memref_slice %arg9[%dma_start3A_1127, %dma_start3A_1128] : memref<32x256xf32, #tpu.memory_space<vmem>> -> memref<1x256xf32, #tpu.memory_space<vmem>>
        %dma_start3A_1130 = arith.constant 0 : i32
        %dma_start3A_1131 = tpu.memref_slice %arg6[%squeeze3A_1126, %dma_start3A_1130] : memref<4096x256xf32, #tpu.memory_space<vmem_shared>> -> memref<1x256xf32, #tpu.memory_space<vmem_shared>>
        %dma_start3A_1132 = arith.constant 21 : i32
        %dma_start3A_1133 = arith.constant 0 : i32
        %dma_start3A_1134 = tpu.memref_slice %arg9[%dma_start3A_1132, %dma_start3A_1133] : memref<32x256xf32, #tpu.memory_space<vmem>> -> memref<1x256xf32, #tpu.memory_space<vmem>>
        %dma_start3A_1135 = arith.constant 0 : i32
        %dma_start3A_1136 = tpu.memref_slice %arg6[%squeeze3A_1126, %dma_start3A_1135] : memref<4096x256xf32, #tpu.memory_space<vmem_shared>> -> memref<1x256xf32, #tpu.memory_space<vmem_shared>>
        tpu.enqueue_dma source(%dma_start3A_1136 : memref<1x256xf32, #tpu.memory_space<vmem_shared>>) target(%dma_start3A_1134 : memref<1x256xf32, #tpu.memory_space<vmem>>) target_semaphore(%arg13 : memref<!tpu.dma_semaphore, #tpu.memory_space<semaphore_mem>>)
        %slice3A_1137 = vector.extract_strided_slice %get3A_1064 {offsets = [6], sizes = [1], strides = [1]} : vector<16xi32> to vector<1xi32>
        %squeeze3A_1138 = vector.extract %slice3A_1137[0] : i32 from vector<1xi32>
        %dma_start3A_1139 = arith.constant 22 : i32
        %dma_start3A_1140 = arith.constant 0 : i32
        %dma_start3A_1141 = tpu.memref_slice %arg9[%dma_start3A_1139, %dma_start3A_1140] : memref<32x256xf32, #tpu.memory_space<vmem>> -> memref<1x256xf32, #tpu.memory_space<vmem>>
        %dma_start3A_1142 = arith.constant 0 : i32
        %dma_start3A_1143 = tpu.memref_slice %arg6[%squeeze3A_1138, %dma_start3A_1142] : memref<4096x256xf32, #tpu.memory_space<vmem_shared>> -> memref<1x256xf32, #tpu.memory_space<vmem_shared>>
        %dma_start3A_1144 = arith.constant 22 : i32
        %dma_start3A_1145 = arith.constant 0 : i32
        %dma_start3A_1146 = tpu.memref_slice %arg9[%dma_start3A_1144, %dma_start3A_1145] : memref<32x256xf32, #tpu.memory_space<vmem>> -> memref<1x256xf32, #tpu.memory_space<vmem>>
        %dma_start3A_1147 = arith.constant 0 : i32
        %dma_start3A_1148 = tpu.memref_slice %arg6[%squeeze3A_1138, %dma_start3A_1147] : memref<4096x256xf32, #tpu.memory_space<vmem_shared>> -> memref<1x256xf32, #tpu.memory_space<vmem_shared>>
        tpu.enqueue_dma source(%dma_start3A_1148 : memref<1x256xf32, #tpu.memory_space<vmem_shared>>) target(%dma_start3A_1146 : memref<1x256xf32, #tpu.memory_space<vmem>>) target_semaphore(%arg13 : memref<!tpu.dma_semaphore, #tpu.memory_space<semaphore_mem>>)
        %slice3A_1149 = vector.extract_strided_slice %get3A_1064 {offsets = [7], sizes = [1], strides = [1]} : vector<16xi32> to vector<1xi32>
        %squeeze3A_1150 = vector.extract %slice3A_1149[0] : i32 from vector<1xi32>
        %dma_start3A_1151 = arith.constant 23 : i32
        %dma_start3A_1152 = arith.constant 0 : i32
        %dma_start3A_1153 = tpu.memref_slice %arg9[%dma_start3A_1151, %dma_start3A_1152] : memref<32x256xf32, #tpu.memory_space<vmem>> -> memref<1x256xf32, #tpu.memory_space<vmem>>
        %dma_start3A_1154 = arith.constant 0 : i32
        %dma_start3A_1155 = tpu.memref_slice %arg6[%squeeze3A_1150, %dma_start3A_1154] : memref<4096x256xf32, #tpu.memory_space<vmem_shared>> -> memref<1x256xf32, #tpu.memory_space<vmem_shared>>
        %dma_start3A_1156 = arith.constant 23 : i32
        %dma_start3A_1157 = arith.constant 0 : i32
        %dma_start3A_1158 = tpu.memref_slice %arg9[%dma_start3A_1156, %dma_start3A_1157] : memref<32x256xf32, #tpu.memory_space<vmem>> -> memref<1x256xf32, #tpu.memory_space<vmem>>
        %dma_start3A_1159 = arith.constant 0 : i32
        %dma_start3A_1160 = tpu.memref_slice %arg6[%squeeze3A_1150, %dma_start3A_1159] : memref<4096x256xf32, #tpu.memory_space<vmem_shared>> -> memref<1x256xf32, #tpu.memory_space<vmem_shared>>
        tpu.enqueue_dma source(%dma_start3A_1160 : memref<1x256xf32, #tpu.memory_space<vmem_shared>>) target(%dma_start3A_1158 : memref<1x256xf32, #tpu.memory_space<vmem>>) target_semaphore(%arg13 : memref<!tpu.dma_semaphore, #tpu.memory_space<semaphore_mem>>)
        %slice3A_1161 = vector.extract_strided_slice %get3A_1064 {offsets = [8], sizes = [1], strides = [1]} : vector<16xi32> to vector<1xi32>
        %squeeze3A_1162 = vector.extract %slice3A_1161[0] : i32 from vector<1xi32>
        %dma_start3A_1163 = arith.constant 24 : i32
        %dma_start3A_1164 = arith.constant 0 : i32
        %dma_start3A_1165 = tpu.memref_slice %arg9[%dma_start3A_1163, %dma_start3A_1164] : memref<32x256xf32, #tpu.memory_space<vmem>> -> memref<1x256xf32, #tpu.memory_space<vmem>>
        %dma_start3A_1166 = arith.constant 0 : i32
        %dma_start3A_1167 = tpu.memref_slice %arg6[%squeeze3A_1162, %dma_start3A_1166] : memref<4096x256xf32, #tpu.memory_space<vmem_shared>> -> memref<1x256xf32, #tpu.memory_space<vmem_shared>>
        %dma_start3A_1168 = arith.constant 24 : i32
        %dma_start3A_1169 = arith.constant 0 : i32
        %dma_start3A_1170 = tpu.memref_slice %arg9[%dma_start3A_1168, %dma_start3A_1169] : memref<32x256xf32, #tpu.memory_space<vmem>> -> memref<1x256xf32, #tpu.memory_space<vmem>>
        %dma_start3A_1171 = arith.constant 0 : i32
        %dma_start3A_1172 = tpu.memref_slice %arg6[%squeeze3A_1162, %dma_start3A_1171] : memref<4096x256xf32, #tpu.memory_space<vmem_shared>> -> memref<1x256xf32, #tpu.memory_space<vmem_shared>>
        tpu.enqueue_dma source(%dma_start3A_1172 : memref<1x256xf32, #tpu.memory_space<vmem_shared>>) target(%dma_start3A_1170 : memref<1x256xf32, #tpu.memory_space<vmem>>) target_semaphore(%arg13 : memref<!tpu.dma_semaphore, #tpu.memory_space<semaphore_mem>>)
        %slice3A_1173 = vector.extract_strided_slice %get3A_1064 {offsets = [9], sizes = [1], strides = [1]} : vector<16xi32> to vector<1xi32>
        %squeeze3A_1174 = vector.extract %slice3A_1173[0] : i32 from vector<1xi32>
        %dma_start3A_1175 = arith.constant 25 : i32
        %dma_start3A_1176 = arith.constant 0 : i32
        %dma_start3A_1177 = tpu.memref_slice %arg9[%dma_start3A_1175, %dma_start3A_1176] : memref<32x256xf32, #tpu.memory_space<vmem>> -> memref<1x256xf32, #tpu.memory_space<vmem>>
        %dma_start3A_1178 = arith.constant 0 : i32
        %dma_start3A_1179 = tpu.memref_slice %arg6[%squeeze3A_1174, %dma_start3A_1178] : memref<4096x256xf32, #tpu.memory_space<vmem_shared>> -> memref<1x256xf32, #tpu.memory_space<vmem_shared>>
        %dma_start3A_1180 = arith.constant 25 : i32
        %dma_start3A_1181 = arith.constant 0 : i32
        %dma_start3A_1182 = tpu.memref_slice %arg9[%dma_start3A_1180, %dma_start3A_1181] : memref<32x256xf32, #tpu.memory_space<vmem>> -> memref<1x256xf32, #tpu.memory_space<vmem>>
        %dma_start3A_1183 = arith.constant 0 : i32
        %dma_start3A_1184 = tpu.memref_slice %arg6[%squeeze3A_1174, %dma_start3A_1183] : memref<4096x256xf32, #tpu.memory_space<vmem_shared>> -> memref<1x256xf32, #tpu.memory_space<vmem_shared>>
        tpu.enqueue_dma source(%dma_start3A_1184 : memref<1x256xf32, #tpu.memory_space<vmem_shared>>) target(%dma_start3A_1182 : memref<1x256xf32, #tpu.memory_space<vmem>>) target_semaphore(%arg13 : memref<!tpu.dma_semaphore, #tpu.memory_space<semaphore_mem>>)
        %slice3A_1185 = vector.extract_strided_slice %get3A_1064 {offsets = [10], sizes = [1], strides = [1]} : vector<16xi32> to vector<1xi32>
        %squeeze3A_1186 = vector.extract %slice3A_1185[0] : i32 from vector<1xi32>
        %dma_start3A_1187 = arith.constant 26 : i32
        %dma_start3A_1188 = arith.constant 0 : i32
        %dma_start3A_1189 = tpu.memref_slice %arg9[%dma_start3A_1187, %dma_start3A_1188] : memref<32x256xf32, #tpu.memory_space<vmem>> -> memref<1x256xf32, #tpu.memory_space<vmem>>
        %dma_start3A_1190 = arith.constant 0 : i32
        %dma_start3A_1191 = tpu.memref_slice %arg6[%squeeze3A_1186, %dma_start3A_1190] : memref<4096x256xf32, #tpu.memory_space<vmem_shared>> -> memref<1x256xf32, #tpu.memory_space<vmem_shared>>
        %dma_start3A_1192 = arith.constant 26 : i32
        %dma_start3A_1193 = arith.constant 0 : i32
        %dma_start3A_1194 = tpu.memref_slice %arg9[%dma_start3A_1192, %dma_start3A_1193] : memref<32x256xf32, #tpu.memory_space<vmem>> -> memref<1x256xf32, #tpu.memory_space<vmem>>
        %dma_start3A_1195 = arith.constant 0 : i32
        %dma_start3A_1196 = tpu.memref_slice %arg6[%squeeze3A_1186, %dma_start3A_1195] : memref<4096x256xf32, #tpu.memory_space<vmem_shared>> -> memref<1x256xf32, #tpu.memory_space<vmem_shared>>
        tpu.enqueue_dma source(%dma_start3A_1196 : memref<1x256xf32, #tpu.memory_space<vmem_shared>>) target(%dma_start3A_1194 : memref<1x256xf32, #tpu.memory_space<vmem>>) target_semaphore(%arg13 : memref<!tpu.dma_semaphore, #tpu.memory_space<semaphore_mem>>)
        %slice3A_1197 = vector.extract_strided_slice %get3A_1064 {offsets = [11], sizes = [1], strides = [1]} : vector<16xi32> to vector<1xi32>
        %squeeze3A_1198 = vector.extract %slice3A_1197[0] : i32 from vector<1xi32>
        %dma_start3A_1199 = arith.constant 27 : i32
        %dma_start3A_1200 = arith.constant 0 : i32
        %dma_start3A_1201 = tpu.memref_slice %arg9[%dma_start3A_1199, %dma_start3A_1200] : memref<32x256xf32, #tpu.memory_space<vmem>> -> memref<1x256xf32, #tpu.memory_space<vmem>>
        %dma_start3A_1202 = arith.constant 0 : i32
        %dma_start3A_1203 = tpu.memref_slice %arg6[%squeeze3A_1198, %dma_start3A_1202] : memref<4096x256xf32, #tpu.memory_space<vmem_shared>> -> memref<1x256xf32, #tpu.memory_space<vmem_shared>>
        %dma_start3A_1204 = arith.constant 27 : i32
        %dma_start3A_1205 = arith.constant 0 : i32
        %dma_start3A_1206 = tpu.memref_slice %arg9[%dma_start3A_1204, %dma_start3A_1205] : memref<32x256xf32, #tpu.memory_space<vmem>> -> memref<1x256xf32, #tpu.memory_space<vmem>>
        %dma_start3A_1207 = arith.constant 0 : i32
        %dma_start3A_1208 = tpu.memref_slice %arg6[%squeeze3A_1198, %dma_start3A_1207] : memref<4096x256xf32, #tpu.memory_space<vmem_shared>> -> memref<1x256xf32, #tpu.memory_space<vmem_shared>>
        tpu.enqueue_dma source(%dma_start3A_1208 : memref<1x256xf32, #tpu.memory_space<vmem_shared>>) target(%dma_start3A_1206 : memref<1x256xf32, #tpu.memory_space<vmem>>) target_semaphore(%arg13 : memref<!tpu.dma_semaphore, #tpu.memory_space<semaphore_mem>>)
        %slice3A_1209 = vector.extract_strided_slice %get3A_1064 {offsets = [12], sizes = [1], strides = [1]} : vector<16xi32> to vector<1xi32>
        %squeeze3A_1210 = vector.extract %slice3A_1209[0] : i32 from vector<1xi32>
        %dma_start3A_1211 = arith.constant 28 : i32
        %dma_start3A_1212 = arith.constant 0 : i32
        %dma_start3A_1213 = tpu.memref_slice %arg9[%dma_start3A_1211, %dma_start3A_1212] : memref<32x256xf32, #tpu.memory_space<vmem>> -> memref<1x256xf32, #tpu.memory_space<vmem>>
        %dma_start3A_1214 = arith.constant 0 : i32
        %dma_start3A_1215 = tpu.memref_slice %arg6[%squeeze3A_1210, %dma_start3A_1214] : memref<4096x256xf32, #tpu.memory_space<vmem_shared>> -> memref<1x256xf32, #tpu.memory_space<vmem_shared>>
        %dma_start3A_1216 = arith.constant 28 : i32
        %dma_start3A_1217 = arith.constant 0 : i32
        %dma_start3A_1218 = tpu.memref_slice %arg9[%dma_start3A_1216, %dma_start3A_1217] : memref<32x256xf32, #tpu.memory_space<vmem>> -> memref<1x256xf32, #tpu.memory_space<vmem>>
        %dma_start3A_1219 = arith.constant 0 : i32
        %dma_start3A_1220 = tpu.memref_slice %arg6[%squeeze3A_1210, %dma_start3A_1219] : memref<4096x256xf32, #tpu.memory_space<vmem_shared>> -> memref<1x256xf32, #tpu.memory_space<vmem_shared>>
        tpu.enqueue_dma source(%dma_start3A_1220 : memref<1x256xf32, #tpu.memory_space<vmem_shared>>) target(%dma_start3A_1218 : memref<1x256xf32, #tpu.memory_space<vmem>>) target_semaphore(%arg13 : memref<!tpu.dma_semaphore, #tpu.memory_space<semaphore_mem>>)
        %slice3A_1221 = vector.extract_strided_slice %get3A_1064 {offsets = [13], sizes = [1], strides = [1]} : vector<16xi32> to vector<1xi32>
        %squeeze3A_1222 = vector.extract %slice3A_1221[0] : i32 from vector<1xi32>
        %dma_start3A_1223 = arith.constant 29 : i32
        %dma_start3A_1224 = arith.constant 0 : i32
        %dma_start3A_1225 = tpu.memref_slice %arg9[%dma_start3A_1223, %dma_start3A_1224] : memref<32x256xf32, #tpu.memory_space<vmem>> -> memref<1x256xf32, #tpu.memory_space<vmem>>
        %dma_start3A_1226 = arith.constant 0 : i32
        %dma_start3A_1227 = tpu.memref_slice %arg6[%squeeze3A_1222, %dma_start3A_1226] : memref<4096x256xf32, #tpu.memory_space<vmem_shared>> -> memref<1x256xf32, #tpu.memory_space<vmem_shared>>
        %dma_start3A_1228 = arith.constant 29 : i32
        %dma_start3A_1229 = arith.constant 0 : i32
        %dma_start3A_1230 = tpu.memref_slice %arg9[%dma_start3A_1228, %dma_start3A_1229] : memref<32x256xf32, #tpu.memory_space<vmem>> -> memref<1x256xf32, #tpu.memory_space<vmem>>
        %dma_start3A_1231 = arith.constant 0 : i32
        %dma_start3A_1232 = tpu.memref_slice %arg6[%squeeze3A_1222, %dma_start3A_1231] : memref<4096x256xf32, #tpu.memory_space<vmem_shared>> -> memref<1x256xf32, #tpu.memory_space<vmem_shared>>
        tpu.enqueue_dma source(%dma_start3A_1232 : memref<1x256xf32, #tpu.memory_space<vmem_shared>>) target(%dma_start3A_1230 : memref<1x256xf32, #tpu.memory_space<vmem>>) target_semaphore(%arg13 : memref<!tpu.dma_semaphore, #tpu.memory_space<semaphore_mem>>)
        %slice3A_1233 = vector.extract_strided_slice %get3A_1064 {offsets = [14], sizes = [1], strides = [1]} : vector<16xi32> to vector<1xi32>
        %squeeze3A_1234 = vector.extract %slice3A_1233[0] : i32 from vector<1xi32>
        %dma_start3A_1235 = arith.constant 30 : i32
        %dma_start3A_1236 = arith.constant 0 : i32
        %dma_start3A_1237 = tpu.memref_slice %arg9[%dma_start3A_1235, %dma_start3A_1236] : memref<32x256xf32, #tpu.memory_space<vmem>> -> memref<1x256xf32, #tpu.memory_space<vmem>>
        %dma_start3A_1238 = arith.constant 0 : i32
        %dma_start3A_1239 = tpu.memref_slice %arg6[%squeeze3A_1234, %dma_start3A_1238] : memref<4096x256xf32, #tpu.memory_space<vmem_shared>> -> memref<1x256xf32, #tpu.memory_space<vmem_shared>>
        %dma_start3A_1240 = arith.constant 30 : i32
        %dma_start3A_1241 = arith.constant 0 : i32
        %dma_start3A_1242 = tpu.memref_slice %arg9[%dma_start3A_1240, %dma_start3A_1241] : memref<32x256xf32, #tpu.memory_space<vmem>> -> memref<1x256xf32, #tpu.memory_space<vmem>>
        %dma_start3A_1243 = arith.constant 0 : i32
        %dma_start3A_1244 = tpu.memref_slice %arg6[%squeeze3A_1234, %dma_start3A_1243] : memref<4096x256xf32, #tpu.memory_space<vmem_shared>> -> memref<1x256xf32, #tpu.memory_space<vmem_shared>>
        tpu.enqueue_dma source(%dma_start3A_1244 : memref<1x256xf32, #tpu.memory_space<vmem_shared>>) target(%dma_start3A_1242 : memref<1x256xf32, #tpu.memory_space<vmem>>) target_semaphore(%arg13 : memref<!tpu.dma_semaphore, #tpu.memory_space<semaphore_mem>>)
        %slice3A_1245 = vector.extract_strided_slice %get3A_1064 {offsets = [15], sizes = [1], strides = [1]} : vector<16xi32> to vector<1xi32>
        %squeeze3A_1246 = vector.extract %slice3A_1245[0] : i32 from vector<1xi32>
        %dma_start3A_1247 = arith.constant 31 : i32
        %dma_start3A_1248 = arith.constant 0 : i32
        %dma_start3A_1249 = tpu.memref_slice %arg9[%dma_start3A_1247, %dma_start3A_1248] : memref<32x256xf32, #tpu.memory_space<vmem>> -> memref<1x256xf32, #tpu.memory_space<vmem>>
        %dma_start3A_1250 = arith.constant 0 : i32
        %dma_start3A_1251 = tpu.memref_slice %arg6[%squeeze3A_1246, %dma_start3A_1250] : memref<4096x256xf32, #tpu.memory_space<vmem_shared>> -> memref<1x256xf32, #tpu.memory_space<vmem_shared>>
        %dma_start3A_1252 = arith.constant 31 : i32
        %dma_start3A_1253 = arith.constant 0 : i32
        %dma_start3A_1254 = tpu.memref_slice %arg9[%dma_start3A_1252, %dma_start3A_1253] : memref<32x256xf32, #tpu.memory_space<vmem>> -> memref<1x256xf32, #tpu.memory_space<vmem>>
        %dma_start3A_1255 = arith.constant 0 : i32
        %dma_start3A_1256 = tpu.memref_slice %arg6[%squeeze3A_1246, %dma_start3A_1255] : memref<4096x256xf32, #tpu.memory_space<vmem_shared>> -> memref<1x256xf32, #tpu.memory_space<vmem_shared>>
        tpu.enqueue_dma source(%dma_start3A_1256 : memref<1x256xf32, #tpu.memory_space<vmem_shared>>) target(%dma_start3A_1254 : memref<1x256xf32, #tpu.memory_space<vmem>>) target_semaphore(%arg13 : memref<!tpu.dma_semaphore, #tpu.memory_space<semaphore_mem>>)
        %dma_wait3A_1257 = arith.constant 0 : i32
        %dma_wait3A_1258 = arith.constant 0 : i32
        %dma_wait3A_1259 = tpu.memref_slice %arg6[%dma_wait3A_1257, %dma_wait3A_1258] : memref<4096x256xf32, #tpu.memory_space<vmem_shared>> -> memref<32x256xf32, #tpu.memory_space<vmem_shared>>
        %dma_wait3A_1260 = arith.constant 0 : i32
        %dma_wait3A_1261 = arith.constant 0 : i32
        %dma_wait3A_1262 = tpu.memref_slice %arg6[%dma_wait3A_1260, %dma_wait3A_1261] : memref<4096x256xf32, #tpu.memory_space<vmem_shared>> -> memref<32x256xf32, #tpu.memory_space<vmem_shared>>
        tpu.wait_dma2 semaphore(%arg12 : memref<!tpu.dma_semaphore, #tpu.memory_space<semaphore_mem>>) src(%dma_wait3A_1262 : memref<32x256xf32, #tpu.memory_space<vmem_shared>>) dst(%arg8 : memref<32x256xf32, #tpu.memory_space<vmem>>)
        %add3A_1263 = arith.addi %mul3A_32, %add3A_854 : i32
        %mul3A_1264 = arith.constant 32 : i32
        %mul3A_1265 = arith.muli %add3A_1263, %mul3A_1264 : i32
        %add3A_1266 = arith.addi %mul3A_2, %mul3A_1265 : i32
        %dma_start3A_1267 = arith.constant 0 : i32
        %dma_start3A_1268 = tpu.memref_slice %arg4[%add3A_1266, %dma_start3A_1267] : memref<819200x256xf32, #tpu.memory_space<hbm>> -> memref<32x256xf32, #tpu.memory_space<hbm>>
        %dma_start3A_1269 = arith.constant 0 : i32
        %dma_start3A_1270 = tpu.memref_slice %arg4[%add3A_1266, %dma_start3A_1269] : memref<819200x256xf32, #tpu.memory_space<hbm>> -> memref<32x256xf32, #tpu.memory_space<hbm>>
        tpu.enqueue_dma source(%arg8 : memref<32x256xf32, #tpu.memory_space<vmem>>) target(%dma_start3A_1270 : memref<32x256xf32, #tpu.memory_space<hbm>>) target_semaphore(%arg16 : memref<!tpu.dma_semaphore, #tpu.memory_space<semaphore_mem>>)
        %mul3A_1271 = arith.constant 4 : i32
        %mul3A_1272 = arith.muli %scan3A_431, %mul3A_1271 : i32
        %add3A_1273 = arith.constant 2 : i32
        %add3A_1274 = arith.addi %mul3A_1272, %add3A_1273 : i32
        %gt3A_1275 = arith.constant 0 : i32
        %gt3A_1276 = arith.cmpi sgt, %scan3A_27, %gt3A_1275 : i32
        %gt3A_1277 = arith.constant 0 : i32
        %gt3A_1278 = arith.cmpi sgt, %scan3A_431, %gt3A_1277 : i32
        %or3A_1279 = arith.ori %gt3A_1276, %gt3A_1278 : i1
        %convert_element_type3A_1280 = arith.extui %or3A_1279 : i1 to i32
        %cond3A_1281 = arith.constant 0 : i32
        %cond3A_1282 = arith.cmpi ne, %convert_element_type3A_1280, %cond3A_1281 : i32
        scf.if %cond3A_1282 {
          %dma_wait3A_1713 = arith.constant 0 : i32
          %dma_wait3A_1714 = tpu.memref_slice %arg4[%mul3A_2, %dma_wait3A_1713] : memref<819200x256xf32, #tpu.memory_space<hbm>> -> memref<32x256xf32, #tpu.memory_space<hbm>>
          %dma_wait3A_1715 = arith.constant 0 : i32
          %dma_wait3A_1716 = tpu.memref_slice %arg4[%mul3A_2, %dma_wait3A_1715] : memref<819200x256xf32, #tpu.memory_space<hbm>> -> memref<32x256xf32, #tpu.memory_space<hbm>>
          tpu.wait_dma2 semaphore(%arg18 : memref<!tpu.dma_semaphore, #tpu.memory_space<semaphore_mem>>) src(%arg10 : memref<32x256xf32, #tpu.memory_space<vmem>>) dst(%dma_wait3A_1716 : memref<32x256xf32, #tpu.memory_space<hbm>>)
        } else {
        }
        %add3A_1283 = arith.constant 1 : i32
        %add3A_1284 = arith.addi %add3A_1274, %add3A_1283 : i32
        %get3A_1285 = arith.index_cast %add3A_1284 : i32 to index
        %get3A_1286 = arith.constant 0 : index
        %get3A_1287 = tpu.vector_load %arg5[%get3A_1285, %get3A_1286] {strides = array<i32>} : memref<160x32xi32, #tpu.memory_space<vmem>>, vector<1x16xi32>,
        %get3A_1288 = vector.shape_cast %get3A_1287 : vector<1x16xi32> to vector<16xi32>
        %slice3A_1289 = vector.extract_strided_slice %get3A_1288 {offsets = [0], sizes = [1], strides = [1]} : vector<16xi32> to vector<1xi32>
        %squeeze3A_1290 = vector.extract %slice3A_1289[0] : i32 from vector<1xi32>
        %dma_start3A_1291 = arith.constant 0 : i32
        %dma_start3A_1292 = arith.constant 0 : i32
        %dma_start3A_1293 = tpu.memref_slice %arg10[%dma_start3A_1291, %dma_start3A_1292] : memref<32x256xf32, #tpu.memory_space<vmem>> -> memref<1x256xf32, #tpu.memory_space<vmem>>
        %dma_start3A_1294 = arith.constant 0 : i32
        %dma_start3A_1295 = tpu.memref_slice %arg6[%squeeze3A_1290, %dma_start3A_1294] : memref<4096x256xf32, #tpu.memory_space<vmem_shared>> -> memref<1x256xf32, #tpu.memory_space<vmem_shared>>
        %dma_start3A_1296 = arith.constant 0 : i32
        %dma_start3A_1297 = arith.constant 0 : i32
        %dma_start3A_1298 = tpu.memref_slice %arg10[%dma_start3A_1296, %dma_start3A_1297] : memref<32x256xf32, #tpu.memory_space<vmem>> -> memref<1x256xf32, #tpu.memory_space<vmem>>
        %dma_start3A_1299 = arith.constant 0 : i32
        %dma_start3A_1300 = tpu.memref_slice %arg6[%squeeze3A_1290, %dma_start3A_1299] : memref<4096x256xf32, #tpu.memory_space<vmem_shared>> -> memref<1x256xf32, #tpu.memory_space<vmem_shared>>
        tpu.enqueue_dma source(%dma_start3A_1300 : memref<1x256xf32, #tpu.memory_space<vmem_shared>>) target(%dma_start3A_1298 : memref<1x256xf32, #tpu.memory_space<vmem>>) target_semaphore(%arg14 : memref<!tpu.dma_semaphore, #tpu.memory_space<semaphore_mem>>)
        %slice3A_1301 = vector.extract_strided_slice %get3A_1288 {offsets = [1], sizes = [1], strides = [1]} : vector<16xi32> to vector<1xi32>
        %squeeze3A_1302 = vector.extract %slice3A_1301[0] : i32 from vector<1xi32>
        %dma_start3A_1303 = arith.constant 1 : i32
        %dma_start3A_1304 = arith.constant 0 : i32
        %dma_start3A_1305 = tpu.memref_slice %arg10[%dma_start3A_1303, %dma_start3A_1304] : memref<32x256xf32, #tpu.memory_space<vmem>> -> memref<1x256xf32, #tpu.memory_space<vmem>>
        %dma_start3A_1306 = arith.constant 0 : i32
        %dma_start3A_1307 = tpu.memref_slice %arg6[%squeeze3A_1302, %dma_start3A_1306] : memref<4096x256xf32, #tpu.memory_space<vmem_shared>> -> memref<1x256xf32, #tpu.memory_space<vmem_shared>>
        %dma_start3A_1308 = arith.constant 1 : i32
        %dma_start3A_1309 = arith.constant 0 : i32
        %dma_start3A_1310 = tpu.memref_slice %arg10[%dma_start3A_1308, %dma_start3A_1309] : memref<32x256xf32, #tpu.memory_space<vmem>> -> memref<1x256xf32, #tpu.memory_space<vmem>>
        %dma_start3A_1311 = arith.constant 0 : i32
        %dma_start3A_1312 = tpu.memref_slice %arg6[%squeeze3A_1302, %dma_start3A_1311] : memref<4096x256xf32, #tpu.memory_space<vmem_shared>> -> memref<1x256xf32, #tpu.memory_space<vmem_shared>>
        tpu.enqueue_dma source(%dma_start3A_1312 : memref<1x256xf32, #tpu.memory_space<vmem_shared>>) target(%dma_start3A_1310 : memref<1x256xf32, #tpu.memory_space<vmem>>) target_semaphore(%arg14 : memref<!tpu.dma_semaphore, #tpu.memory_space<semaphore_mem>>)
        %slice3A_1313 = vector.extract_strided_slice %get3A_1288 {offsets = [2], sizes = [1], strides = [1]} : vector<16xi32> to vector<1xi32>
        %squeeze3A_1314 = vector.extract %slice3A_1313[0] : i32 from vector<1xi32>
        %dma_start3A_1315 = arith.constant 2 : i32
        %dma_start3A_1316 = arith.constant 0 : i32
        %dma_start3A_1317 = tpu.memref_slice %arg10[%dma_start3A_1315, %dma_start3A_1316] : memref<32x256xf32, #tpu.memory_space<vmem>> -> memref<1x256xf32, #tpu.memory_space<vmem>>
        %dma_start3A_1318 = arith.constant 0 : i32
        %dma_start3A_1319 = tpu.memref_slice %arg6[%squeeze3A_1314, %dma_start3A_1318] : memref<4096x256xf32, #tpu.memory_space<vmem_shared>> -> memref<1x256xf32, #tpu.memory_space<vmem_shared>>
        %dma_start3A_1320 = arith.constant 2 : i32
        %dma_start3A_1321 = arith.constant 0 : i32
        %dma_start3A_1322 = tpu.memref_slice %arg10[%dma_start3A_1320, %dma_start3A_1321] : memref<32x256xf32, #tpu.memory_space<vmem>> -> memref<1x256xf32, #tpu.memory_space<vmem>>
        %dma_start3A_1323 = arith.constant 0 : i32
        %dma_start3A_1324 = tpu.memref_slice %arg6[%squeeze3A_1314, %dma_start3A_1323] : memref<4096x256xf32, #tpu.memory_space<vmem_shared>> -> memref<1x256xf32, #tpu.memory_space<vmem_shared>>
        tpu.enqueue_dma source(%dma_start3A_1324 : memref<1x256xf32, #tpu.memory_space<vmem_shared>>) target(%dma_start3A_1322 : memref<1x256xf32, #tpu.memory_space<vmem>>) target_semaphore(%arg14 : memref<!tpu.dma_semaphore, #tpu.memory_space<semaphore_mem>>)
        %slice3A_1325 = vector.extract_strided_slice %get3A_1288 {offsets = [3], sizes = [1], strides = [1]} : vector<16xi32> to vector<1xi32>
        %squeeze3A_1326 = vector.extract %slice3A_1325[0] : i32 from vector<1xi32>
        %dma_start3A_1327 = arith.constant 3 : i32
        %dma_start3A_1328 = arith.constant 0 : i32
        %dma_start3A_1329 = tpu.memref_slice %arg10[%dma_start3A_1327, %dma_start3A_1328] : memref<32x256xf32, #tpu.memory_space<vmem>> -> memref<1x256xf32, #tpu.memory_space<vmem>>
        %dma_start3A_1330 = arith.constant 0 : i32
        %dma_start3A_1331 = tpu.memref_slice %arg6[%squeeze3A_1326, %dma_start3A_1330] : memref<4096x256xf32, #tpu.memory_space<vmem_shared>> -> memref<1x256xf32, #tpu.memory_space<vmem_shared>>
        %dma_start3A_1332 = arith.constant 3 : i32
        %dma_start3A_1333 = arith.constant 0 : i32
        %dma_start3A_1334 = tpu.memref_slice %arg10[%dma_start3A_1332, %dma_start3A_1333] : memref<32x256xf32, #tpu.memory_space<vmem>> -> memref<1x256xf32, #tpu.memory_space<vmem>>
        %dma_start3A_1335 = arith.constant 0 : i32
        %dma_start3A_1336 = tpu.memref_slice %arg6[%squeeze3A_1326, %dma_start3A_1335] : memref<4096x256xf32, #tpu.memory_space<vmem_shared>> -> memref<1x256xf32, #tpu.memory_space<vmem_shared>>
        tpu.enqueue_dma source(%dma_start3A_1336 : memref<1x256xf32, #tpu.memory_space<vmem_shared>>) target(%dma_start3A_1334 : memref<1x256xf32, #tpu.memory_space<vmem>>) target_semaphore(%arg14 : memref<!tpu.dma_semaphore, #tpu.memory_space<semaphore_mem>>)
        %slice3A_1337 = vector.extract_strided_slice %get3A_1288 {offsets = [4], sizes = [1], strides = [1]} : vector<16xi32> to vector<1xi32>
        %squeeze3A_1338 = vector.extract %slice3A_1337[0] : i32 from vector<1xi32>
        %dma_start3A_1339 = arith.constant 4 : i32
        %dma_start3A_1340 = arith.constant 0 : i32
        %dma_start3A_1341 = tpu.memref_slice %arg10[%dma_start3A_1339, %dma_start3A_1340] : memref<32x256xf32, #tpu.memory_space<vmem>> -> memref<1x256xf32, #tpu.memory_space<vmem>>
        %dma_start3A_1342 = arith.constant 0 : i32
        %dma_start3A_1343 = tpu.memref_slice %arg6[%squeeze3A_1338, %dma_start3A_1342] : memref<4096x256xf32, #tpu.memory_space<vmem_shared>> -> memref<1x256xf32, #tpu.memory_space<vmem_shared>>
        %dma_start3A_1344 = arith.constant 4 : i32
        %dma_start3A_1345 = arith.constant 0 : i32
        %dma_start3A_1346 = tpu.memref_slice %arg10[%dma_start3A_1344, %dma_start3A_1345] : memref<32x256xf32, #tpu.memory_space<vmem>> -> memref<1x256xf32, #tpu.memory_space<vmem>>
        %dma_start3A_1347 = arith.constant 0 : i32
        %dma_start3A_1348 = tpu.memref_slice %arg6[%squeeze3A_1338, %dma_start3A_1347] : memref<4096x256xf32, #tpu.memory_space<vmem_shared>> -> memref<1x256xf32, #tpu.memory_space<vmem_shared>>
        tpu.enqueue_dma source(%dma_start3A_1348 : memref<1x256xf32, #tpu.memory_space<vmem_shared>>) target(%dma_start3A_1346 : memref<1x256xf32, #tpu.memory_space<vmem>>) target_semaphore(%arg14 : memref<!tpu.dma_semaphore, #tpu.memory_space<semaphore_mem>>)
        %slice3A_1349 = vector.extract_strided_slice %get3A_1288 {offsets = [5], sizes = [1], strides = [1]} : vector<16xi32> to vector<1xi32>
        %squeeze3A_1350 = vector.extract %slice3A_1349[0] : i32 from vector<1xi32>
        %dma_start3A_1351 = arith.constant 5 : i32
        %dma_start3A_1352 = arith.constant 0 : i32
        %dma_start3A_1353 = tpu.memref_slice %arg10[%dma_start3A_1351, %dma_start3A_1352] : memref<32x256xf32, #tpu.memory_space<vmem>> -> memref<1x256xf32, #tpu.memory_space<vmem>>
        %dma_start3A_1354 = arith.constant 0 : i32
        %dma_start3A_1355 = tpu.memref_slice %arg6[%squeeze3A_1350, %dma_start3A_1354] : memref<4096x256xf32, #tpu.memory_space<vmem_shared>> -> memref<1x256xf32, #tpu.memory_space<vmem_shared>>
        %dma_start3A_1356 = arith.constant 5 : i32
        %dma_start3A_1357 = arith.constant 0 : i32
        %dma_start3A_1358 = tpu.memref_slice %arg10[%dma_start3A_1356, %dma_start3A_1357] : memref<32x256xf32, #tpu.memory_space<vmem>> -> memref<1x256xf32, #tpu.memory_space<vmem>>
        %dma_start3A_1359 = arith.constant 0 : i32
        %dma_start3A_1360 = tpu.memref_slice %arg6[%squeeze3A_1350, %dma_start3A_1359] : memref<4096x256xf32, #tpu.memory_space<vmem_shared>> -> memref<1x256xf32, #tpu.memory_space<vmem_shared>>
        tpu.enqueue_dma source(%dma_start3A_1360 : memref<1x256xf32, #tpu.memory_space<vmem_shared>>) target(%dma_start3A_1358 : memref<1x256xf32, #tpu.memory_space<vmem>>) target_semaphore(%arg14 : memref<!tpu.dma_semaphore, #tpu.memory_space<semaphore_mem>>)
        %slice3A_1361 = vector.extract_strided_slice %get3A_1288 {offsets = [6], sizes = [1], strides = [1]} : vector<16xi32> to vector<1xi32>
        %squeeze3A_1362 = vector.extract %slice3A_1361[0] : i32 from vector<1xi32>
        %dma_start3A_1363 = arith.constant 6 : i32
        %dma_start3A_1364 = arith.constant 0 : i32
        %dma_start3A_1365 = tpu.memref_slice %arg10[%dma_start3A_1363, %dma_start3A_1364] : memref<32x256xf32, #tpu.memory_space<vmem>> -> memref<1x256xf32, #tpu.memory_space<vmem>>
        %dma_start3A_1366 = arith.constant 0 : i32
        %dma_start3A_1367 = tpu.memref_slice %arg6[%squeeze3A_1362, %dma_start3A_1366] : memref<4096x256xf32, #tpu.memory_space<vmem_shared>> -> memref<1x256xf32, #tpu.memory_space<vmem_shared>>
        %dma_start3A_1368 = arith.constant 6 : i32
        %dma_start3A_1369 = arith.constant 0 : i32
        %dma_start3A_1370 = tpu.memref_slice %arg10[%dma_start3A_1368, %dma_start3A_1369] : memref<32x256xf32, #tpu.memory_space<vmem>> -> memref<1x256xf32, #tpu.memory_space<vmem>>
        %dma_start3A_1371 = arith.constant 0 : i32
        %dma_start3A_1372 = tpu.memref_slice %arg6[%squeeze3A_1362, %dma_start3A_1371] : memref<4096x256xf32, #tpu.memory_space<vmem_shared>> -> memref<1x256xf32, #tpu.memory_space<vmem_shared>>
        tpu.enqueue_dma source(%dma_start3A_1372 : memref<1x256xf32, #tpu.memory_space<vmem_shared>>) target(%dma_start3A_1370 : memref<1x256xf32, #tpu.memory_space<vmem>>) target_semaphore(%arg14 : memref<!tpu.dma_semaphore, #tpu.memory_space<semaphore_mem>>)
        %slice3A_1373 = vector.extract_strided_slice %get3A_1288 {offsets = [7], sizes = [1], strides = [1]} : vector<16xi32> to vector<1xi32>
        %squeeze3A_1374 = vector.extract %slice3A_1373[0] : i32 from vector<1xi32>
        %dma_start3A_1375 = arith.constant 7 : i32
        %dma_start3A_1376 = arith.constant 0 : i32
        %dma_start3A_1377 = tpu.memref_slice %arg10[%dma_start3A_1375, %dma_start3A_1376] : memref<32x256xf32, #tpu.memory_space<vmem>> -> memref<1x256xf32, #tpu.memory_space<vmem>>
        %dma_start3A_1378 = arith.constant 0 : i32
        %dma_start3A_1379 = tpu.memref_slice %arg6[%squeeze3A_1374, %dma_start3A_1378] : memref<4096x256xf32, #tpu.memory_space<vmem_shared>> -> memref<1x256xf32, #tpu.memory_space<vmem_shared>>
        %dma_start3A_1380 = arith.constant 7 : i32
        %dma_start3A_1381 = arith.constant 0 : i32
        %dma_start3A_1382 = tpu.memref_slice %arg10[%dma_start3A_1380, %dma_start3A_1381] : memref<32x256xf32, #tpu.memory_space<vmem>> -> memref<1x256xf32, #tpu.memory_space<vmem>>
        %dma_start3A_1383 = arith.constant 0 : i32
        %dma_start3A_1384 = tpu.memref_slice %arg6[%squeeze3A_1374, %dma_start3A_1383] : memref<4096x256xf32, #tpu.memory_space<vmem_shared>> -> memref<1x256xf32, #tpu.memory_space<vmem_shared>>
        tpu.enqueue_dma source(%dma_start3A_1384 : memref<1x256xf32, #tpu.memory_space<vmem_shared>>) target(%dma_start3A_1382 : memref<1x256xf32, #tpu.memory_space<vmem>>) target_semaphore(%arg14 : memref<!tpu.dma_semaphore, #tpu.memory_space<semaphore_mem>>)
        %slice3A_1385 = vector.extract_strided_slice %get3A_1288 {offsets = [8], sizes = [1], strides = [1]} : vector<16xi32> to vector<1xi32>
        %squeeze3A_1386 = vector.extract %slice3A_1385[0] : i32 from vector<1xi32>
        %dma_start3A_1387 = arith.constant 8 : i32
        %dma_start3A_1388 = arith.constant 0 : i32
        %dma_start3A_1389 = tpu.memref_slice %arg10[%dma_start3A_1387, %dma_start3A_1388] : memref<32x256xf32, #tpu.memory_space<vmem>> -> memref<1x256xf32, #tpu.memory_space<vmem>>
        %dma_start3A_1390 = arith.constant 0 : i32
        %dma_start3A_1391 = tpu.memref_slice %arg6[%squeeze3A_1386, %dma_start3A_1390] : memref<4096x256xf32, #tpu.memory_space<vmem_shared>> -> memref<1x256xf32, #tpu.memory_space<vmem_shared>>
        %dma_start3A_1392 = arith.constant 8 : i32
        %dma_start3A_1393 = arith.constant 0 : i32
        %dma_start3A_1394 = tpu.memref_slice %arg10[%dma_start3A_1392, %dma_start3A_1393] : memref<32x256xf32, #tpu.memory_space<vmem>> -> memref<1x256xf32, #tpu.memory_space<vmem>>
        %dma_start3A_1395 = arith.constant 0 : i32
        %dma_start3A_1396 = tpu.memref_slice %arg6[%squeeze3A_1386, %dma_start3A_1395] : memref<4096x256xf32, #tpu.memory_space<vmem_shared>> -> memref<1x256xf32, #tpu.memory_space<vmem_shared>>
        tpu.enqueue_dma source(%dma_start3A_1396 : memref<1x256xf32, #tpu.memory_space<vmem_shared>>) target(%dma_start3A_1394 : memref<1x256xf32, #tpu.memory_space<vmem>>) target_semaphore(%arg14 : memref<!tpu.dma_semaphore, #tpu.memory_space<semaphore_mem>>)
        %slice3A_1397 = vector.extract_strided_slice %get3A_1288 {offsets = [9], sizes = [1], strides = [1]} : vector<16xi32> to vector<1xi32>
        %squeeze3A_1398 = vector.extract %slice3A_1397[0] : i32 from vector<1xi32>
        %dma_start3A_1399 = arith.constant 9 : i32
        %dma_start3A_1400 = arith.constant 0 : i32
        %dma_start3A_1401 = tpu.memref_slice %arg10[%dma_start3A_1399, %dma_start3A_1400] : memref<32x256xf32, #tpu.memory_space<vmem>> -> memref<1x256xf32, #tpu.memory_space<vmem>>
        %dma_start3A_1402 = arith.constant 0 : i32
        %dma_start3A_1403 = tpu.memref_slice %arg6[%squeeze3A_1398, %dma_start3A_1402] : memref<4096x256xf32, #tpu.memory_space<vmem_shared>> -> memref<1x256xf32, #tpu.memory_space<vmem_shared>>
        %dma_start3A_1404 = arith.constant 9 : i32
        %dma_start3A_1405 = arith.constant 0 : i32
        %dma_start3A_1406 = tpu.memref_slice %arg10[%dma_start3A_1404, %dma_start3A_1405] : memref<32x256xf32, #tpu.memory_space<vmem>> -> memref<1x256xf32, #tpu.memory_space<vmem>>
        %dma_start3A_1407 = arith.constant 0 : i32
        %dma_start3A_1408 = tpu.memref_slice %arg6[%squeeze3A_1398, %dma_start3A_1407] : memref<4096x256xf32, #tpu.memory_space<vmem_shared>> -> memref<1x256xf32, #tpu.memory_space<vmem_shared>>
        tpu.enqueue_dma source(%dma_start3A_1408 : memref<1x256xf32, #tpu.memory_space<vmem_shared>>) target(%dma_start3A_1406 : memref<1x256xf32, #tpu.memory_space<vmem>>) target_semaphore(%arg14 : memref<!tpu.dma_semaphore, #tpu.memory_space<semaphore_mem>>)
        %slice3A_1409 = vector.extract_strided_slice %get3A_1288 {offsets = [10], sizes = [1], strides = [1]} : vector<16xi32> to vector<1xi32>
        %squeeze3A_1410 = vector.extract %slice3A_1409[0] : i32 from vector<1xi32>
        %dma_start3A_1411 = arith.constant 10 : i32
        %dma_start3A_1412 = arith.constant 0 : i32
        %dma_start3A_1413 = tpu.memref_slice %arg10[%dma_start3A_1411, %dma_start3A_1412] : memref<32x256xf32, #tpu.memory_space<vmem>> -> memref<1x256xf32, #tpu.memory_space<vmem>>
        %dma_start3A_1414 = arith.constant 0 : i32
        %dma_start3A_1415 = tpu.memref_slice %arg6[%squeeze3A_1410, %dma_start3A_1414] : memref<4096x256xf32, #tpu.memory_space<vmem_shared>> -> memref<1x256xf32, #tpu.memory_space<vmem_shared>>
        %dma_start3A_1416 = arith.constant 10 : i32
        %dma_start3A_1417 = arith.constant 0 : i32
        %dma_start3A_1418 = tpu.memref_slice %arg10[%dma_start3A_1416, %dma_start3A_1417] : memref<32x256xf32, #tpu.memory_space<vmem>> -> memref<1x256xf32, #tpu.memory_space<vmem>>
        %dma_start3A_1419 = arith.constant 0 : i32
        %dma_start3A_1420 = tpu.memref_slice %arg6[%squeeze3A_1410, %dma_start3A_1419] : memref<4096x256xf32, #tpu.memory_space<vmem_shared>> -> memref<1x256xf32, #tpu.memory_space<vmem_shared>>
        tpu.enqueue_dma source(%dma_start3A_1420 : memref<1x256xf32, #tpu.memory_space<vmem_shared>>) target(%dma_start3A_1418 : memref<1x256xf32, #tpu.memory_space<vmem>>) target_semaphore(%arg14 : memref<!tpu.dma_semaphore, #tpu.memory_space<semaphore_mem>>)
        %slice3A_1421 = vector.extract_strided_slice %get3A_1288 {offsets = [11], sizes = [1], strides = [1]} : vector<16xi32> to vector<1xi32>
        %squeeze3A_1422 = vector.extract %slice3A_1421[0] : i32 from vector<1xi32>
        %dma_start3A_1423 = arith.constant 11 : i32
        %dma_start3A_1424 = arith.constant 0 : i32
        %dma_start3A_1425 = tpu.memref_slice %arg10[%dma_start3A_1423, %dma_start3A_1424] : memref<32x256xf32, #tpu.memory_space<vmem>> -> memref<1x256xf32, #tpu.memory_space<vmem>>
        %dma_start3A_1426 = arith.constant 0 : i32
        %dma_start3A_1427 = tpu.memref_slice %arg6[%squeeze3A_1422, %dma_start3A_1426] : memref<4096x256xf32, #tpu.memory_space<vmem_shared>> -> memref<1x256xf32, #tpu.memory_space<vmem_shared>>
        %dma_start3A_1428 = arith.constant 11 : i32
        %dma_start3A_1429 = arith.constant 0 : i32
        %dma_start3A_1430 = tpu.memref_slice %arg10[%dma_start3A_1428, %dma_start3A_1429] : memref<32x256xf32, #tpu.memory_space<vmem>> -> memref<1x256xf32, #tpu.memory_space<vmem>>
        %dma_start3A_1431 = arith.constant 0 : i32
        %dma_start3A_1432 = tpu.memref_slice %arg6[%squeeze3A_1422, %dma_start3A_1431] : memref<4096x256xf32, #tpu.memory_space<vmem_shared>> -> memref<1x256xf32, #tpu.memory_space<vmem_shared>>
        tpu.enqueue_dma source(%dma_start3A_1432 : memref<1x256xf32, #tpu.memory_space<vmem_shared>>) target(%dma_start3A_1430 : memref<1x256xf32, #tpu.memory_space<vmem>>) target_semaphore(%arg14 : memref<!tpu.dma_semaphore, #tpu.memory_space<semaphore_mem>>)
        %slice3A_1433 = vector.extract_strided_slice %get3A_1288 {offsets = [12], sizes = [1], strides = [1]} : vector<16xi32> to vector<1xi32>
        %squeeze3A_1434 = vector.extract %slice3A_1433[0] : i32 from vector<1xi32>
        %dma_start3A_1435 = arith.constant 12 : i32
        %dma_start3A_1436 = arith.constant 0 : i32
        %dma_start3A_1437 = tpu.memref_slice %arg10[%dma_start3A_1435, %dma_start3A_1436] : memref<32x256xf32, #tpu.memory_space<vmem>> -> memref<1x256xf32, #tpu.memory_space<vmem>>
        %dma_start3A_1438 = arith.constant 0 : i32
        %dma_start3A_1439 = tpu.memref_slice %arg6[%squeeze3A_1434, %dma_start3A_1438] : memref<4096x256xf32, #tpu.memory_space<vmem_shared>> -> memref<1x256xf32, #tpu.memory_space<vmem_shared>>
        %dma_start3A_1440 = arith.constant 12 : i32
        %dma_start3A_1441 = arith.constant 0 : i32
        %dma_start3A_1442 = tpu.memref_slice %arg10[%dma_start3A_1440, %dma_start3A_1441] : memref<32x256xf32, #tpu.memory_space<vmem>> -> memref<1x256xf32, #tpu.memory_space<vmem>>
        %dma_start3A_1443 = arith.constant 0 : i32
        %dma_start3A_1444 = tpu.memref_slice %arg6[%squeeze3A_1434, %dma_start3A_1443] : memref<4096x256xf32, #tpu.memory_space<vmem_shared>> -> memref<1x256xf32, #tpu.memory_space<vmem_shared>>
        tpu.enqueue_dma source(%dma_start3A_1444 : memref<1x256xf32, #tpu.memory_space<vmem_shared>>) target(%dma_start3A_1442 : memref<1x256xf32, #tpu.memory_space<vmem>>) target_semaphore(%arg14 : memref<!tpu.dma_semaphore, #tpu.memory_space<semaphore_mem>>)
        %slice3A_1445 = vector.extract_strided_slice %get3A_1288 {offsets = [13], sizes = [1], strides = [1]} : vector<16xi32> to vector<1xi32>
        %squeeze3A_1446 = vector.extract %slice3A_1445[0] : i32 from vector<1xi32>
        %dma_start3A_1447 = arith.constant 13 : i32
        %dma_start3A_1448 = arith.constant 0 : i32
        %dma_start3A_1449 = tpu.memref_slice %arg10[%dma_start3A_1447, %dma_start3A_1448] : memref<32x256xf32, #tpu.memory_space<vmem>> -> memref<1x256xf32, #tpu.memory_space<vmem>>
        %dma_start3A_1450 = arith.constant 0 : i32
        %dma_start3A_1451 = tpu.memref_slice %arg6[%squeeze3A_1446, %dma_start3A_1450] : memref<4096x256xf32, #tpu.memory_space<vmem_shared>> -> memref<1x256xf32, #tpu.memory_space<vmem_shared>>
        %dma_start3A_1452 = arith.constant 13 : i32
        %dma_start3A_1453 = arith.constant 0 : i32
        %dma_start3A_1454 = tpu.memref_slice %arg10[%dma_start3A_1452, %dma_start3A_1453] : memref<32x256xf32, #tpu.memory_space<vmem>> -> memref<1x256xf32, #tpu.memory_space<vmem>>
        %dma_start3A_1455 = arith.constant 0 : i32
        %dma_start3A_1456 = tpu.memref_slice %arg6[%squeeze3A_1446, %dma_start3A_1455] : memref<4096x256xf32, #tpu.memory_space<vmem_shared>> -> memref<1x256xf32, #tpu.memory_space<vmem_shared>>
        tpu.enqueue_dma source(%dma_start3A_1456 : memref<1x256xf32, #tpu.memory_space<vmem_shared>>) target(%dma_start3A_1454 : memref<1x256xf32, #tpu.memory_space<vmem>>) target_semaphore(%arg14 : memref<!tpu.dma_semaphore, #tpu.memory_space<semaphore_mem>>)
        %slice3A_1457 = vector.extract_strided_slice %get3A_1288 {offsets = [14], sizes = [1], strides = [1]} : vector<16xi32> to vector<1xi32>
        %squeeze3A_1458 = vector.extract %slice3A_1457[0] : i32 from vector<1xi32>
        %dma_start3A_1459 = arith.constant 14 : i32
        %dma_start3A_1460 = arith.constant 0 : i32
        %dma_start3A_1461 = tpu.memref_slice %arg10[%dma_start3A_1459, %dma_start3A_1460] : memref<32x256xf32, #tpu.memory_space<vmem>> -> memref<1x256xf32, #tpu.memory_space<vmem>>
        %dma_start3A_1462 = arith.constant 0 : i32
        %dma_start3A_1463 = tpu.memref_slice %arg6[%squeeze3A_1458, %dma_start3A_1462] : memref<4096x256xf32, #tpu.memory_space<vmem_shared>> -> memref<1x256xf32, #tpu.memory_space<vmem_shared>>
        %dma_start3A_1464 = arith.constant 14 : i32
        %dma_start3A_1465 = arith.constant 0 : i32
        %dma_start3A_1466 = tpu.memref_slice %arg10[%dma_start3A_1464, %dma_start3A_1465] : memref<32x256xf32, #tpu.memory_space<vmem>> -> memref<1x256xf32, #tpu.memory_space<vmem>>
        %dma_start3A_1467 = arith.constant 0 : i32
        %dma_start3A_1468 = tpu.memref_slice %arg6[%squeeze3A_1458, %dma_start3A_1467] : memref<4096x256xf32, #tpu.memory_space<vmem_shared>> -> memref<1x256xf32, #tpu.memory_space<vmem_shared>>
        tpu.enqueue_dma source(%dma_start3A_1468 : memref<1x256xf32, #tpu.memory_space<vmem_shared>>) target(%dma_start3A_1466 : memref<1x256xf32, #tpu.memory_space<vmem>>) target_semaphore(%arg14 : memref<!tpu.dma_semaphore, #tpu.memory_space<semaphore_mem>>)
        %slice3A_1469 = vector.extract_strided_slice %get3A_1288 {offsets = [15], sizes = [1], strides = [1]} : vector<16xi32> to vector<1xi32>
        %squeeze3A_1470 = vector.extract %slice3A_1469[0] : i32 from vector<1xi32>
        %dma_start3A_1471 = arith.constant 15 : i32
        %dma_start3A_1472 = arith.constant 0 : i32
        %dma_start3A_1473 = tpu.memref_slice %arg10[%dma_start3A_1471, %dma_start3A_1472] : memref<32x256xf32, #tpu.memory_space<vmem>> -> memref<1x256xf32, #tpu.memory_space<vmem>>
        %dma_start3A_1474 = arith.constant 0 : i32
        %dma_start3A_1475 = tpu.memref_slice %arg6[%squeeze3A_1470, %dma_start3A_1474] : memref<4096x256xf32, #tpu.memory_space<vmem_shared>> -> memref<1x256xf32, #tpu.memory_space<vmem_shared>>
        %dma_start3A_1476 = arith.constant 15 : i32
        %dma_start3A_1477 = arith.constant 0 : i32
        %dma_start3A_1478 = tpu.memref_slice %arg10[%dma_start3A_1476, %dma_start3A_1477] : memref<32x256xf32, #tpu.memory_space<vmem>> -> memref<1x256xf32, #tpu.memory_space<vmem>>
        %dma_start3A_1479 = arith.constant 0 : i32
        %dma_start3A_1480 = tpu.memref_slice %arg6[%squeeze3A_1470, %dma_start3A_1479] : memref<4096x256xf32, #tpu.memory_space<vmem_shared>> -> memref<1x256xf32, #tpu.memory_space<vmem_shared>>
        tpu.enqueue_dma source(%dma_start3A_1480 : memref<1x256xf32, #tpu.memory_space<vmem_shared>>) target(%dma_start3A_1478 : memref<1x256xf32, #tpu.memory_space<vmem>>) target_semaphore(%arg14 : memref<!tpu.dma_semaphore, #tpu.memory_space<semaphore_mem>>)
        %get3A_1481 = arith.index_cast %add3A_1284 : i32 to index
        %get3A_1482 = arith.constant 16 : index
        %get3A_1483 = tpu.vector_load %arg5[%get3A_1481, %get3A_1482] {strides = array<i32>} : memref<160x32xi32, #tpu.memory_space<vmem>>, vector<1x16xi32>,
        %get3A_1484 = vector.shape_cast %get3A_1483 : vector<1x16xi32> to vector<16xi32>
        %slice3A_1485 = vector.extract_strided_slice %get3A_1484 {offsets = [0], sizes = [1], strides = [1]} : vector<16xi32> to vector<1xi32>
        %squeeze3A_1486 = vector.extract %slice3A_1485[0] : i32 from vector<1xi32>
        %dma_start3A_1487 = arith.constant 16 : i32
        %dma_start3A_1488 = arith.constant 0 : i32
        %dma_start3A_1489 = tpu.memref_slice %arg10[%dma_start3A_1487, %dma_start3A_1488] : memref<32x256xf32, #tpu.memory_space<vmem>> -> memref<1x256xf32, #tpu.memory_space<vmem>>
        %dma_start3A_1490 = arith.constant 0 : i32
        %dma_start3A_1491 = tpu.memref_slice %arg6[%squeeze3A_1486, %dma_start3A_1490] : memref<4096x256xf32, #tpu.memory_space<vmem_shared>> -> memref<1x256xf32, #tpu.memory_space<vmem_shared>>
        %dma_start3A_1492 = arith.constant 16 : i32
        %dma_start3A_1493 = arith.constant 0 : i32
        %dma_start3A_1494 = tpu.memref_slice %arg10[%dma_start3A_1492, %dma_start3A_1493] : memref<32x256xf32, #tpu.memory_space<vmem>> -> memref<1x256xf32, #tpu.memory_space<vmem>>
        %dma_start3A_1495 = arith.constant 0 : i32
        %dma_start3A_1496 = tpu.memref_slice %arg6[%squeeze3A_1486, %dma_start3A_1495] : memref<4096x256xf32, #tpu.memory_space<vmem_shared>> -> memref<1x256xf32, #tpu.memory_space<vmem_shared>>
        tpu.enqueue_dma source(%dma_start3A_1496 : memref<1x256xf32, #tpu.memory_space<vmem_shared>>) target(%dma_start3A_1494 : memref<1x256xf32, #tpu.memory_space<vmem>>) target_semaphore(%arg14 : memref<!tpu.dma_semaphore, #tpu.memory_space<semaphore_mem>>)
        %slice3A_1497 = vector.extract_strided_slice %get3A_1484 {offsets = [1], sizes = [1], strides = [1]} : vector<16xi32> to vector<1xi32>
        %squeeze3A_1498 = vector.extract %slice3A_1497[0] : i32 from vector<1xi32>
        %dma_start3A_1499 = arith.constant 17 : i32
        %dma_start3A_1500 = arith.constant 0 : i32
        %dma_start3A_1501 = tpu.memref_slice %arg10[%dma_start3A_1499, %dma_start3A_1500] : memref<32x256xf32, #tpu.memory_space<vmem>> -> memref<1x256xf32, #tpu.memory_space<vmem>>
        %dma_start3A_1502 = arith.constant 0 : i32
        %dma_start3A_1503 = tpu.memref_slice %arg6[%squeeze3A_1498, %dma_start3A_1502] : memref<4096x256xf32, #tpu.memory_space<vmem_shared>> -> memref<1x256xf32, #tpu.memory_space<vmem_shared>>
        %dma_start3A_1504 = arith.constant 17 : i32
        %dma_start3A_1505 = arith.constant 0 : i32
        %dma_start3A_1506 = tpu.memref_slice %arg10[%dma_start3A_1504, %dma_start3A_1505] : memref<32x256xf32, #tpu.memory_space<vmem>> -> memref<1x256xf32, #tpu.memory_space<vmem>>
        %dma_start3A_1507 = arith.constant 0 : i32
        %dma_start3A_1508 = tpu.memref_slice %arg6[%squeeze3A_1498, %dma_start3A_1507] : memref<4096x256xf32, #tpu.memory_space<vmem_shared>> -> memref<1x256xf32, #tpu.memory_space<vmem_shared>>
        tpu.enqueue_dma source(%dma_start3A_1508 : memref<1x256xf32, #tpu.memory_space<vmem_shared>>) target(%dma_start3A_1506 : memref<1x256xf32, #tpu.memory_space<vmem>>) target_semaphore(%arg14 : memref<!tpu.dma_semaphore, #tpu.memory_space<semaphore_mem>>)
        %slice3A_1509 = vector.extract_strided_slice %get3A_1484 {offsets = [2], sizes = [1], strides = [1]} : vector<16xi32> to vector<1xi32>
        %squeeze3A_1510 = vector.extract %slice3A_1509[0] : i32 from vector<1xi32>
        %dma_start3A_1511 = arith.constant 18 : i32
        %dma_start3A_1512 = arith.constant 0 : i32
        %dma_start3A_1513 = tpu.memref_slice %arg10[%dma_start3A_1511, %dma_start3A_1512] : memref<32x256xf32, #tpu.memory_space<vmem>> -> memref<1x256xf32, #tpu.memory_space<vmem>>
        %dma_start3A_1514 = arith.constant 0 : i32
        %dma_start3A_1515 = tpu.memref_slice %arg6[%squeeze3A_1510, %dma_start3A_1514] : memref<4096x256xf32, #tpu.memory_space<vmem_shared>> -> memref<1x256xf32, #tpu.memory_space<vmem_shared>>
        %dma_start3A_1516 = arith.constant 18 : i32
        %dma_start3A_1517 = arith.constant 0 : i32
        %dma_start3A_1518 = tpu.memref_slice %arg10[%dma_start3A_1516, %dma_start3A_1517] : memref<32x256xf32, #tpu.memory_space<vmem>> -> memref<1x256xf32, #tpu.memory_space<vmem>>
        %dma_start3A_1519 = arith.constant 0 : i32
        %dma_start3A_1520 = tpu.memref_slice %arg6[%squeeze3A_1510, %dma_start3A_1519] : memref<4096x256xf32, #tpu.memory_space<vmem_shared>> -> memref<1x256xf32, #tpu.memory_space<vmem_shared>>
        tpu.enqueue_dma source(%dma_start3A_1520 : memref<1x256xf32, #tpu.memory_space<vmem_shared>>) target(%dma_start3A_1518 : memref<1x256xf32, #tpu.memory_space<vmem>>) target_semaphore(%arg14 : memref<!tpu.dma_semaphore, #tpu.memory_space<semaphore_mem>>)
        %slice3A_1521 = vector.extract_strided_slice %get3A_1484 {offsets = [3], sizes = [1], strides = [1]} : vector<16xi32> to vector<1xi32>
        %squeeze3A_1522 = vector.extract %slice3A_1521[0] : i32 from vector<1xi32>
        %dma_start3A_1523 = arith.constant 19 : i32
        %dma_start3A_1524 = arith.constant 0 : i32
        %dma_start3A_1525 = tpu.memref_slice %arg10[%dma_start3A_1523, %dma_start3A_1524] : memref<32x256xf32, #tpu.memory_space<vmem>> -> memref<1x256xf32, #tpu.memory_space<vmem>>
        %dma_start3A_1526 = arith.constant 0 : i32
        %dma_start3A_1527 = tpu.memref_slice %arg6[%squeeze3A_1522, %dma_start3A_1526] : memref<4096x256xf32, #tpu.memory_space<vmem_shared>> -> memref<1x256xf32, #tpu.memory_space<vmem_shared>>
        %dma_start3A_1528 = arith.constant 19 : i32
        %dma_start3A_1529 = arith.constant 0 : i32
        %dma_start3A_1530 = tpu.memref_slice %arg10[%dma_start3A_1528, %dma_start3A_1529] : memref<32x256xf32, #tpu.memory_space<vmem>> -> memref<1x256xf32, #tpu.memory_space<vmem>>
        %dma_start3A_1531 = arith.constant 0 : i32
        %dma_start3A_1532 = tpu.memref_slice %arg6[%squeeze3A_1522, %dma_start3A_1531] : memref<4096x256xf32, #tpu.memory_space<vmem_shared>> -> memref<1x256xf32, #tpu.memory_space<vmem_shared>>
        tpu.enqueue_dma source(%dma_start3A_1532 : memref<1x256xf32, #tpu.memory_space<vmem_shared>>) target(%dma_start3A_1530 : memref<1x256xf32, #tpu.memory_space<vmem>>) target_semaphore(%arg14 : memref<!tpu.dma_semaphore, #tpu.memory_space<semaphore_mem>>)
        %slice3A_1533 = vector.extract_strided_slice %get3A_1484 {offsets = [4], sizes = [1], strides = [1]} : vector<16xi32> to vector<1xi32>
        %squeeze3A_1534 = vector.extract %slice3A_1533[0] : i32 from vector<1xi32>
        %dma_start3A_1535 = arith.constant 20 : i32
        %dma_start3A_1536 = arith.constant 0 : i32
        %dma_start3A_1537 = tpu.memref_slice %arg10[%dma_start3A_1535, %dma_start3A_1536] : memref<32x256xf32, #tpu.memory_space<vmem>> -> memref<1x256xf32, #tpu.memory_space<vmem>>
        %dma_start3A_1538 = arith.constant 0 : i32
        %dma_start3A_1539 = tpu.memref_slice %arg6[%squeeze3A_1534, %dma_start3A_1538] : memref<4096x256xf32, #tpu.memory_space<vmem_shared>> -> memref<1x256xf32, #tpu.memory_space<vmem_shared>>
        %dma_start3A_1540 = arith.constant 20 : i32
        %dma_start3A_1541 = arith.constant 0 : i32
        %dma_start3A_1542 = tpu.memref_slice %arg10[%dma_start3A_1540, %dma_start3A_1541] : memref<32x256xf32, #tpu.memory_space<vmem>> -> memref<1x256xf32, #tpu.memory_space<vmem>>
        %dma_start3A_1543 = arith.constant 0 : i32
        %dma_start3A_1544 = tpu.memref_slice %arg6[%squeeze3A_1534, %dma_start3A_1543] : memref<4096x256xf32, #tpu.memory_space<vmem_shared>> -> memref<1x256xf32, #tpu.memory_space<vmem_shared>>
        tpu.enqueue_dma source(%dma_start3A_1544 : memref<1x256xf32, #tpu.memory_space<vmem_shared>>) target(%dma_start3A_1542 : memref<1x256xf32, #tpu.memory_space<vmem>>) target_semaphore(%arg14 : memref<!tpu.dma_semaphore, #tpu.memory_space<semaphore_mem>>)
        %slice3A_1545 = vector.extract_strided_slice %get3A_1484 {offsets = [5], sizes = [1], strides = [1]} : vector<16xi32> to vector<1xi32>
        %squeeze3A_1546 = vector.extract %slice3A_1545[0] : i32 from vector<1xi32>
        %dma_start3A_1547 = arith.constant 21 : i32
        %dma_start3A_1548 = arith.constant 0 : i32
        %dma_start3A_1549 = tpu.memref_slice %arg10[%dma_start3A_1547, %dma_start3A_1548] : memref<32x256xf32, #tpu.memory_space<vmem>> -> memref<1x256xf32, #tpu.memory_space<vmem>>
        %dma_start3A_1550 = arith.constant 0 : i32
        %dma_start3A_1551 = tpu.memref_slice %arg6[%squeeze3A_1546, %dma_start3A_1550] : memref<4096x256xf32, #tpu.memory_space<vmem_shared>> -> memref<1x256xf32, #tpu.memory_space<vmem_shared>>
        %dma_start3A_1552 = arith.constant 21 : i32
        %dma_start3A_1553 = arith.constant 0 : i32
        %dma_start3A_1554 = tpu.memref_slice %arg10[%dma_start3A_1552, %dma_start3A_1553] : memref<32x256xf32, #tpu.memory_space<vmem>> -> memref<1x256xf32, #tpu.memory_space<vmem>>
        %dma_start3A_1555 = arith.constant 0 : i32
        %dma_start3A_1556 = tpu.memref_slice %arg6[%squeeze3A_1546, %dma_start3A_1555] : memref<4096x256xf32, #tpu.memory_space<vmem_shared>> -> memref<1x256xf32, #tpu.memory_space<vmem_shared>>
        tpu.enqueue_dma source(%dma_start3A_1556 : memref<1x256xf32, #tpu.memory_space<vmem_shared>>) target(%dma_start3A_1554 : memref<1x256xf32, #tpu.memory_space<vmem>>) target_semaphore(%arg14 : memref<!tpu.dma_semaphore, #tpu.memory_space<semaphore_mem>>)
        %slice3A_1557 = vector.extract_strided_slice %get3A_1484 {offsets = [6], sizes = [1], strides = [1]} : vector<16xi32> to vector<1xi32>
        %squeeze3A_1558 = vector.extract %slice3A_1557[0] : i32 from vector<1xi32>
        %dma_start3A_1559 = arith.constant 22 : i32
        %dma_start3A_1560 = arith.constant 0 : i32
        %dma_start3A_1561 = tpu.memref_slice %arg10[%dma_start3A_1559, %dma_start3A_1560] : memref<32x256xf32, #tpu.memory_space<vmem>> -> memref<1x256xf32, #tpu.memory_space<vmem>>
        %dma_start3A_1562 = arith.constant 0 : i32
        %dma_start3A_1563 = tpu.memref_slice %arg6[%squeeze3A_1558, %dma_start3A_1562] : memref<4096x256xf32, #tpu.memory_space<vmem_shared>> -> memref<1x256xf32, #tpu.memory_space<vmem_shared>>
        %dma_start3A_1564 = arith.constant 22 : i32
        %dma_start3A_1565 = arith.constant 0 : i32
        %dma_start3A_1566 = tpu.memref_slice %arg10[%dma_start3A_1564, %dma_start3A_1565] : memref<32x256xf32, #tpu.memory_space<vmem>> -> memref<1x256xf32, #tpu.memory_space<vmem>>
        %dma_start3A_1567 = arith.constant 0 : i32
        %dma_start3A_1568 = tpu.memref_slice %arg6[%squeeze3A_1558, %dma_start3A_1567] : memref<4096x256xf32, #tpu.memory_space<vmem_shared>> -> memref<1x256xf32, #tpu.memory_space<vmem_shared>>
        tpu.enqueue_dma source(%dma_start3A_1568 : memref<1x256xf32, #tpu.memory_space<vmem_shared>>) target(%dma_start3A_1566 : memref<1x256xf32, #tpu.memory_space<vmem>>) target_semaphore(%arg14 : memref<!tpu.dma_semaphore, #tpu.memory_space<semaphore_mem>>)
        %slice3A_1569 = vector.extract_strided_slice %get3A_1484 {offsets = [7], sizes = [1], strides = [1]} : vector<16xi32> to vector<1xi32>
        %squeeze3A_1570 = vector.extract %slice3A_1569[0] : i32 from vector<1xi32>
        %dma_start3A_1571 = arith.constant 23 : i32
        %dma_start3A_1572 = arith.constant 0 : i32
        %dma_start3A_1573 = tpu.memref_slice %arg10[%dma_start3A_1571, %dma_start3A_1572] : memref<32x256xf32, #tpu.memory_space<vmem>> -> memref<1x256xf32, #tpu.memory_space<vmem>>
        %dma_start3A_1574 = arith.constant 0 : i32
        %dma_start3A_1575 = tpu.memref_slice %arg6[%squeeze3A_1570, %dma_start3A_1574] : memref<4096x256xf32, #tpu.memory_space<vmem_shared>> -> memref<1x256xf32, #tpu.memory_space<vmem_shared>>
        %dma_start3A_1576 = arith.constant 23 : i32
        %dma_start3A_1577 = arith.constant 0 : i32
        %dma_start3A_1578 = tpu.memref_slice %arg10[%dma_start3A_1576, %dma_start3A_1577] : memref<32x256xf32, #tpu.memory_space<vmem>> -> memref<1x256xf32, #tpu.memory_space<vmem>>
        %dma_start3A_1579 = arith.constant 0 : i32
        %dma_start3A_1580 = tpu.memref_slice %arg6[%squeeze3A_1570, %dma_start3A_1579] : memref<4096x256xf32, #tpu.memory_space<vmem_shared>> -> memref<1x256xf32, #tpu.memory_space<vmem_shared>>
        tpu.enqueue_dma source(%dma_start3A_1580 : memref<1x256xf32, #tpu.memory_space<vmem_shared>>) target(%dma_start3A_1578 : memref<1x256xf32, #tpu.memory_space<vmem>>) target_semaphore(%arg14 : memref<!tpu.dma_semaphore, #tpu.memory_space<semaphore_mem>>)
        %slice3A_1581 = vector.extract_strided_slice %get3A_1484 {offsets = [8], sizes = [1], strides = [1]} : vector<16xi32> to vector<1xi32>
        %squeeze3A_1582 = vector.extract %slice3A_1581[0] : i32 from vector<1xi32>
        %dma_start3A_1583 = arith.constant 24 : i32
        %dma_start3A_1584 = arith.constant 0 : i32
        %dma_start3A_1585 = tpu.memref_slice %arg10[%dma_start3A_1583, %dma_start3A_1584] : memref<32x256xf32, #tpu.memory_space<vmem>> -> memref<1x256xf32, #tpu.memory_space<vmem>>
        %dma_start3A_1586 = arith.constant 0 : i32
        %dma_start3A_1587 = tpu.memref_slice %arg6[%squeeze3A_1582, %dma_start3A_1586] : memref<4096x256xf32, #tpu.memory_space<vmem_shared>> -> memref<1x256xf32, #tpu.memory_space<vmem_shared>>
        %dma_start3A_1588 = arith.constant 24 : i32
        %dma_start3A_1589 = arith.constant 0 : i32
        %dma_start3A_1590 = tpu.memref_slice %arg10[%dma_start3A_1588, %dma_start3A_1589] : memref<32x256xf32, #tpu.memory_space<vmem>> -> memref<1x256xf32, #tpu.memory_space<vmem>>
        %dma_start3A_1591 = arith.constant 0 : i32
        %dma_start3A_1592 = tpu.memref_slice %arg6[%squeeze3A_1582, %dma_start3A_1591] : memref<4096x256xf32, #tpu.memory_space<vmem_shared>> -> memref<1x256xf32, #tpu.memory_space<vmem_shared>>
        tpu.enqueue_dma source(%dma_start3A_1592 : memref<1x256xf32, #tpu.memory_space<vmem_shared>>) target(%dma_start3A_1590 : memref<1x256xf32, #tpu.memory_space<vmem>>) target_semaphore(%arg14 : memref<!tpu.dma_semaphore, #tpu.memory_space<semaphore_mem>>)
        %slice3A_1593 = vector.extract_strided_slice %get3A_1484 {offsets = [9], sizes = [1], strides = [1]} : vector<16xi32> to vector<1xi32>
        %squeeze3A_1594 = vector.extract %slice3A_1593[0] : i32 from vector<1xi32>
        %dma_start3A_1595 = arith.constant 25 : i32
        %dma_start3A_1596 = arith.constant 0 : i32
        %dma_start3A_1597 = tpu.memref_slice %arg10[%dma_start3A_1595, %dma_start3A_1596] : memref<32x256xf32, #tpu.memory_space<vmem>> -> memref<1x256xf32, #tpu.memory_space<vmem>>
        %dma_start3A_1598 = arith.constant 0 : i32
        %dma_start3A_1599 = tpu.memref_slice %arg6[%squeeze3A_1594, %dma_start3A_1598] : memref<4096x256xf32, #tpu.memory_space<vmem_shared>> -> memref<1x256xf32, #tpu.memory_space<vmem_shared>>
        %dma_start3A_1600 = arith.constant 25 : i32
        %dma_start3A_1601 = arith.constant 0 : i32
        %dma_start3A_1602 = tpu.memref_slice %arg10[%dma_start3A_1600, %dma_start3A_1601] : memref<32x256xf32, #tpu.memory_space<vmem>> -> memref<1x256xf32, #tpu.memory_space<vmem>>
        %dma_start3A_1603 = arith.constant 0 : i32
        %dma_start3A_1604 = tpu.memref_slice %arg6[%squeeze3A_1594, %dma_start3A_1603] : memref<4096x256xf32, #tpu.memory_space<vmem_shared>> -> memref<1x256xf32, #tpu.memory_space<vmem_shared>>
        tpu.enqueue_dma source(%dma_start3A_1604 : memref<1x256xf32, #tpu.memory_space<vmem_shared>>) target(%dma_start3A_1602 : memref<1x256xf32, #tpu.memory_space<vmem>>) target_semaphore(%arg14 : memref<!tpu.dma_semaphore, #tpu.memory_space<semaphore_mem>>)
        %slice3A_1605 = vector.extract_strided_slice %get3A_1484 {offsets = [10], sizes = [1], strides = [1]} : vector<16xi32> to vector<1xi32>
        %squeeze3A_1606 = vector.extract %slice3A_1605[0] : i32 from vector<1xi32>
        %dma_start3A_1607 = arith.constant 26 : i32
        %dma_start3A_1608 = arith.constant 0 : i32
        %dma_start3A_1609 = tpu.memref_slice %arg10[%dma_start3A_1607, %dma_start3A_1608] : memref<32x256xf32, #tpu.memory_space<vmem>> -> memref<1x256xf32, #tpu.memory_space<vmem>>
        %dma_start3A_1610 = arith.constant 0 : i32
        %dma_start3A_1611 = tpu.memref_slice %arg6[%squeeze3A_1606, %dma_start3A_1610] : memref<4096x256xf32, #tpu.memory_space<vmem_shared>> -> memref<1x256xf32, #tpu.memory_space<vmem_shared>>
        %dma_start3A_1612 = arith.constant 26 : i32
        %dma_start3A_1613 = arith.constant 0 : i32
        %dma_start3A_1614 = tpu.memref_slice %arg10[%dma_start3A_1612, %dma_start3A_1613] : memref<32x256xf32, #tpu.memory_space<vmem>> -> memref<1x256xf32, #tpu.memory_space<vmem>>
        %dma_start3A_1615 = arith.constant 0 : i32
        %dma_start3A_1616 = tpu.memref_slice %arg6[%squeeze3A_1606, %dma_start3A_1615] : memref<4096x256xf32, #tpu.memory_space<vmem_shared>> -> memref<1x256xf32, #tpu.memory_space<vmem_shared>>
        tpu.enqueue_dma source(%dma_start3A_1616 : memref<1x256xf32, #tpu.memory_space<vmem_shared>>) target(%dma_start3A_1614 : memref<1x256xf32, #tpu.memory_space<vmem>>) target_semaphore(%arg14 : memref<!tpu.dma_semaphore, #tpu.memory_space<semaphore_mem>>)
        %slice3A_1617 = vector.extract_strided_slice %get3A_1484 {offsets = [11], sizes = [1], strides = [1]} : vector<16xi32> to vector<1xi32>
        %squeeze3A_1618 = vector.extract %slice3A_1617[0] : i32 from vector<1xi32>
        %dma_start3A_1619 = arith.constant 27 : i32
        %dma_start3A_1620 = arith.constant 0 : i32
        %dma_start3A_1621 = tpu.memref_slice %arg10[%dma_start3A_1619, %dma_start3A_1620] : memref<32x256xf32, #tpu.memory_space<vmem>> -> memref<1x256xf32, #tpu.memory_space<vmem>>
        %dma_start3A_1622 = arith.constant 0 : i32
        %dma_start3A_1623 = tpu.memref_slice %arg6[%squeeze3A_1618, %dma_start3A_1622] : memref<4096x256xf32, #tpu.memory_space<vmem_shared>> -> memref<1x256xf32, #tpu.memory_space<vmem_shared>>
        %dma_start3A_1624 = arith.constant 27 : i32
        %dma_start3A_1625 = arith.constant 0 : i32
        %dma_start3A_1626 = tpu.memref_slice %arg10[%dma_start3A_1624, %dma_start3A_1625] : memref<32x256xf32, #tpu.memory_space<vmem>> -> memref<1x256xf32, #tpu.memory_space<vmem>>
        %dma_start3A_1627 = arith.constant 0 : i32
        %dma_start3A_1628 = tpu.memref_slice %arg6[%squeeze3A_1618, %dma_start3A_1627] : memref<4096x256xf32, #tpu.memory_space<vmem_shared>> -> memref<1x256xf32, #tpu.memory_space<vmem_shared>>
        tpu.enqueue_dma source(%dma_start3A_1628 : memref<1x256xf32, #tpu.memory_space<vmem_shared>>) target(%dma_start3A_1626 : memref<1x256xf32, #tpu.memory_space<vmem>>) target_semaphore(%arg14 : memref<!tpu.dma_semaphore, #tpu.memory_space<semaphore_mem>>)
        %slice3A_1629 = vector.extract_strided_slice %get3A_1484 {offsets = [12], sizes = [1], strides = [1]} : vector<16xi32> to vector<1xi32>
        %squeeze3A_1630 = vector.extract %slice3A_1629[0] : i32 from vector<1xi32>
        %dma_start3A_1631 = arith.constant 28 : i32
        %dma_start3A_1632 = arith.constant 0 : i32
        %dma_start3A_1633 = tpu.memref_slice %arg10[%dma_start3A_1631, %dma_start3A_1632] : memref<32x256xf32, #tpu.memory_space<vmem>> -> memref<1x256xf32, #tpu.memory_space<vmem>>
        %dma_start3A_1634 = arith.constant 0 : i32
        %dma_start3A_1635 = tpu.memref_slice %arg6[%squeeze3A_1630, %dma_start3A_1634] : memref<4096x256xf32, #tpu.memory_space<vmem_shared>> -> memref<1x256xf32, #tpu.memory_space<vmem_shared>>
        %dma_start3A_1636 = arith.constant 28 : i32
        %dma_start3A_1637 = arith.constant 0 : i32
        %dma_start3A_1638 = tpu.memref_slice %arg10[%dma_start3A_1636, %dma_start3A_1637] : memref<32x256xf32, #tpu.memory_space<vmem>> -> memref<1x256xf32, #tpu.memory_space<vmem>>
        %dma_start3A_1639 = arith.constant 0 : i32
        %dma_start3A_1640 = tpu.memref_slice %arg6[%squeeze3A_1630, %dma_start3A_1639] : memref<4096x256xf32, #tpu.memory_space<vmem_shared>> -> memref<1x256xf32, #tpu.memory_space<vmem_shared>>
        tpu.enqueue_dma source(%dma_start3A_1640 : memref<1x256xf32, #tpu.memory_space<vmem_shared>>) target(%dma_start3A_1638 : memref<1x256xf32, #tpu.memory_space<vmem>>) target_semaphore(%arg14 : memref<!tpu.dma_semaphore, #tpu.memory_space<semaphore_mem>>)
        %slice3A_1641 = vector.extract_strided_slice %get3A_1484 {offsets = [13], sizes = [1], strides = [1]} : vector<16xi32> to vector<1xi32>
        %squeeze3A_1642 = vector.extract %slice3A_1641[0] : i32 from vector<1xi32>
        %dma_start3A_1643 = arith.constant 29 : i32
        %dma_start3A_1644 = arith.constant 0 : i32
        %dma_start3A_1645 = tpu.memref_slice %arg10[%dma_start3A_1643, %dma_start3A_1644] : memref<32x256xf32, #tpu.memory_space<vmem>> -> memref<1x256xf32, #tpu.memory_space<vmem>>
        %dma_start3A_1646 = arith.constant 0 : i32
        %dma_start3A_1647 = tpu.memref_slice %arg6[%squeeze3A_1642, %dma_start3A_1646] : memref<4096x256xf32, #tpu.memory_space<vmem_shared>> -> memref<1x256xf32, #tpu.memory_space<vmem_shared>>
        %dma_start3A_1648 = arith.constant 29 : i32
        %dma_start3A_1649 = arith.constant 0 : i32
        %dma_start3A_1650 = tpu.memref_slice %arg10[%dma_start3A_1648, %dma_start3A_1649] : memref<32x256xf32, #tpu.memory_space<vmem>> -> memref<1x256xf32, #tpu.memory_space<vmem>>
        %dma_start3A_1651 = arith.constant 0 : i32
        %dma_start3A_1652 = tpu.memref_slice %arg6[%squeeze3A_1642, %dma_start3A_1651] : memref<4096x256xf32, #tpu.memory_space<vmem_shared>> -> memref<1x256xf32, #tpu.memory_space<vmem_shared>>
        tpu.enqueue_dma source(%dma_start3A_1652 : memref<1x256xf32, #tpu.memory_space<vmem_shared>>) target(%dma_start3A_1650 : memref<1x256xf32, #tpu.memory_space<vmem>>) target_semaphore(%arg14 : memref<!tpu.dma_semaphore, #tpu.memory_space<semaphore_mem>>)
        %slice3A_1653 = vector.extract_strided_slice %get3A_1484 {offsets = [14], sizes = [1], strides = [1]} : vector<16xi32> to vector<1xi32>
        %squeeze3A_1654 = vector.extract %slice3A_1653[0] : i32 from vector<1xi32>
        %dma_start3A_1655 = arith.constant 30 : i32
        %dma_start3A_1656 = arith.constant 0 : i32
        %dma_start3A_1657 = tpu.memref_slice %arg10[%dma_start3A_1655, %dma_start3A_1656] : memref<32x256xf32, #tpu.memory_space<vmem>> -> memref<1x256xf32, #tpu.memory_space<vmem>>
        %dma_start3A_1658 = arith.constant 0 : i32
        %dma_start3A_1659 = tpu.memref_slice %arg6[%squeeze3A_1654, %dma_start3A_1658] : memref<4096x256xf32, #tpu.memory_space<vmem_shared>> -> memref<1x256xf32, #tpu.memory_space<vmem_shared>>
        %dma_start3A_1660 = arith.constant 30 : i32
        %dma_start3A_1661 = arith.constant 0 : i32
        %dma_start3A_1662 = tpu.memref_slice %arg10[%dma_start3A_1660, %dma_start3A_1661] : memref<32x256xf32, #tpu.memory_space<vmem>> -> memref<1x256xf32, #tpu.memory_space<vmem>>
        %dma_start3A_1663 = arith.constant 0 : i32
        %dma_start3A_1664 = tpu.memref_slice %arg6[%squeeze3A_1654, %dma_start3A_1663] : memref<4096x256xf32, #tpu.memory_space<vmem_shared>> -> memref<1x256xf32, #tpu.memory_space<vmem_shared>>
        tpu.enqueue_dma source(%dma_start3A_1664 : memref<1x256xf32, #tpu.memory_space<vmem_shared>>) target(%dma_start3A_1662 : memref<1x256xf32, #tpu.memory_space<vmem>>) target_semaphore(%arg14 : memref<!tpu.dma_semaphore, #tpu.memory_space<semaphore_mem>>)
        %slice3A_1665 = vector.extract_strided_slice %get3A_1484 {offsets = [15], sizes = [1], strides = [1]} : vector<16xi32> to vector<1xi32>
        %squeeze3A_1666 = vector.extract %slice3A_1665[0] : i32 from vector<1xi32>
        %dma_start3A_1667 = arith.constant 31 : i32
        %dma_start3A_1668 = arith.constant 0 : i32
        %dma_start3A_1669 = tpu.memref_slice %arg10[%dma_start3A_1667, %dma_start3A_1668] : memref<32x256xf32, #tpu.memory_space<vmem>> -> memref<1x256xf32, #tpu.memory_space<vmem>>
        %dma_start3A_1670 = arith.constant 0 : i32
        %dma_start3A_1671 = tpu.memref_slice %arg6[%squeeze3A_1666, %dma_start3A_1670] : memref<4096x256xf32, #tpu.memory_space<vmem_shared>> -> memref<1x256xf32, #tpu.memory_space<vmem_shared>>
        %dma_start3A_1672 = arith.constant 31 : i32
        %dma_start3A_1673 = arith.constant 0 : i32
        %dma_start3A_1674 = tpu.memref_slice %arg10[%dma_start3A_1672, %dma_start3A_1673] : memref<32x256xf32, #tpu.memory_space<vmem>> -> memref<1x256xf32, #tpu.memory_space<vmem>>
        %dma_start3A_1675 = arith.constant 0 : i32
        %dma_start3A_1676 = tpu.memref_slice %arg6[%squeeze3A_1666, %dma_start3A_1675] : memref<4096x256xf32, #tpu.memory_space<vmem_shared>> -> memref<1x256xf32, #tpu.memory_space<vmem_shared>>
        tpu.enqueue_dma source(%dma_start3A_1676 : memref<1x256xf32, #tpu.memory_space<vmem_shared>>) target(%dma_start3A_1674 : memref<1x256xf32, #tpu.memory_space<vmem>>) target_semaphore(%arg14 : memref<!tpu.dma_semaphore, #tpu.memory_space<semaphore_mem>>)
        %dma_wait3A_1677 = arith.constant 0 : i32
        %dma_wait3A_1678 = arith.constant 0 : i32
        %dma_wait3A_1679 = tpu.memref_slice %arg6[%dma_wait3A_1677, %dma_wait3A_1678] : memref<4096x256xf32, #tpu.memory_space<vmem_shared>> -> memref<32x256xf32, #tpu.memory_space<vmem_shared>>
        %dma_wait3A_1680 = arith.constant 0 : i32
        %dma_wait3A_1681 = arith.constant 0 : i32
        %dma_wait3A_1682 = tpu.memref_slice %arg6[%dma_wait3A_1680, %dma_wait3A_1681] : memref<4096x256xf32, #tpu.memory_space<vmem_shared>> -> memref<32x256xf32, #tpu.memory_space<vmem_shared>>
        tpu.wait_dma2 semaphore(%arg13 : memref<!tpu.dma_semaphore, #tpu.memory_space<semaphore_mem>>) src(%dma_wait3A_1682 : memref<32x256xf32, #tpu.memory_space<vmem_shared>>) dst(%arg9 : memref<32x256xf32, #tpu.memory_space<vmem>>)
        %add3A_1683 = arith.addi %mul3A_32, %add3A_1274 : i32
        %mul3A_1684 = arith.constant 32 : i32
        %mul3A_1685 = arith.muli %add3A_1683, %mul3A_1684 : i32
        %add3A_1686 = arith.addi %mul3A_2, %mul3A_1685 : i32
        %dma_start3A_1687 = arith.constant 0 : i32
        %dma_start3A_1688 = tpu.memref_slice %arg4[%add3A_1686, %dma_start3A_1687] : memref<819200x256xf32, #tpu.memory_space<hbm>> -> memref<32x256xf32, #tpu.memory_space<hbm>>
        %dma_start3A_1689 = arith.constant 0 : i32
        %dma_start3A_1690 = tpu.memref_slice %arg4[%add3A_1686, %dma_start3A_1689] : memref<819200x256xf32, #tpu.memory_space<hbm>> -> memref<32x256xf32, #tpu.memory_space<hbm>>
        tpu.enqueue_dma source(%arg9 : memref<32x256xf32, #tpu.memory_space<vmem>>) target(%dma_start3A_1690 : memref<32x256xf32, #tpu.memory_space<hbm>>) target_semaphore(%arg17 : memref<!tpu.dma_semaphore, #tpu.memory_space<semaphore_mem>>)
        %mul3A_1691 = arith.constant 4 : i32
        %mul3A_1692 = arith.muli %scan3A_431, %mul3A_1691 : i32
        %add3A_1693 = arith.constant 3 : i32
        %add3A_1694 = arith.addi %mul3A_1692, %add3A_1693 : i32
        %lt3A = arith.constant 39 : i32
        %lt3A_1695 = arith.cmpi slt, %scan3A_431, %lt3A : i32
        %convert_element_type3A_1696 = arith.extui %lt3A_1695 : i1 to i32
        %cond3A_1697 = arith.constant 0 : i32
        %cond3A_1698 = arith.cmpi ne, %convert_element_type3A_1696, %cond3A_1697 : i32
        scf.if %cond3A_1698 {
          %dma_wait3A_1713 = arith.constant 0 : i32
          %dma_wait3A_1714 = tpu.memref_slice %arg4[%mul3A_2, %dma_wait3A_1713] : memref<819200x256xf32, #tpu.memory_space<hbm>> -> memref<32x256xf32, #tpu.memory_space<hbm>>
          %dma_wait3A_1715 = arith.constant 0 : i32
          %dma_wait3A_1716 = tpu.memref_slice %arg4[%mul3A_2, %dma_wait3A_1715] : memref<819200x256xf32, #tpu.memory_space<hbm>> -> memref<32x256xf32, #tpu.memory_space<hbm>>
          tpu.wait_dma2 semaphore(%arg15 : memref<!tpu.dma_semaphore, #tpu.memory_space<semaphore_mem>>) src(%arg7 : memref<32x256xf32, #tpu.memory_space<vmem>>) dst(%dma_wait3A_1716 : memref<32x256xf32, #tpu.memory_space<hbm>>)
          %add3A_1717 = arith.constant 1 : i32
          %add3A_1718 = arith.addi %add3A_1694, %add3A_1717 : i32
          %get3A_1719 = arith.index_cast %add3A_1718 : i32 to index
          %get3A_1720 = arith.constant 0 : index
          %get3A_1721 = tpu.vector_load %arg5[%get3A_1719, %get3A_1720] {strides = array<i32>} : memref<160x32xi32, #tpu.memory_space<vmem>>, vector<1x16xi32>,
          %get3A_1722 = vector.shape_cast %get3A_1721 : vector<1x16xi32> to vector<16xi32>
          %slice3A_1723 = vector.extract_strided_slice %get3A_1722 {offsets = [0], sizes = [1], strides = [1]} : vector<16xi32> to vector<1xi32>
          %squeeze3A_1724 = vector.extract %slice3A_1723[0] : i32 from vector<1xi32>
          %dma_start3A_1725 = arith.constant 0 : i32
          %dma_start3A_1726 = arith.constant 0 : i32
          %dma_start3A_1727 = tpu.memref_slice %arg7[%dma_start3A_1725, %dma_start3A_1726] : memref<32x256xf32, #tpu.memory_space<vmem>> -> memref<1x256xf32, #tpu.memory_space<vmem>>
          %dma_start3A_1728 = arith.constant 0 : i32
          %dma_start3A_1729 = tpu.memref_slice %arg6[%squeeze3A_1724, %dma_start3A_1728] : memref<4096x256xf32, #tpu.memory_space<vmem_shared>> -> memref<1x256xf32, #tpu.memory_space<vmem_shared>>
          %dma_start3A_1730 = arith.constant 0 : i32
          %dma_start3A_1731 = arith.constant 0 : i32
          %dma_start3A_1732 = tpu.memref_slice %arg7[%dma_start3A_1730, %dma_start3A_1731] : memref<32x256xf32, #tpu.memory_space<vmem>> -> memref<1x256xf32, #tpu.memory_space<vmem>>
          %dma_start3A_1733 = arith.constant 0 : i32
          %dma_start3A_1734 = tpu.memref_slice %arg6[%squeeze3A_1724, %dma_start3A_1733] : memref<4096x256xf32, #tpu.memory_space<vmem_shared>> -> memref<1x256xf32, #tpu.memory_space<vmem_shared>>
          tpu.enqueue_dma source(%dma_start3A_1734 : memref<1x256xf32, #tpu.memory_space<vmem_shared>>) target(%dma_start3A_1732 : memref<1x256xf32, #tpu.memory_space<vmem>>) target_semaphore(%arg11 : memref<!tpu.dma_semaphore, #tpu.memory_space<semaphore_mem>>)
          %slice3A_1735 = vector.extract_strided_slice %get3A_1722 {offsets = [1], sizes = [1], strides = [1]} : vector<16xi32> to vector<1xi32>
          %squeeze3A_1736 = vector.extract %slice3A_1735[0] : i32 from vector<1xi32>
          %dma_start3A_1737 = arith.constant 1 : i32
          %dma_start3A_1738 = arith.constant 0 : i32
          %dma_start3A_1739 = tpu.memref_slice %arg7[%dma_start3A_1737, %dma_start3A_1738] : memref<32x256xf32, #tpu.memory_space<vmem>> -> memref<1x256xf32, #tpu.memory_space<vmem>>
          %dma_start3A_1740 = arith.constant 0 : i32
          %dma_start3A_1741 = tpu.memref_slice %arg6[%squeeze3A_1736, %dma_start3A_1740] : memref<4096x256xf32, #tpu.memory_space<vmem_shared>> -> memref<1x256xf32, #tpu.memory_space<vmem_shared>>
          %dma_start3A_1742 = arith.constant 1 : i32
          %dma_start3A_1743 = arith.constant 0 : i32
          %dma_start3A_1744 = tpu.memref_slice %arg7[%dma_start3A_1742, %dma_start3A_1743] : memref<32x256xf32, #tpu.memory_space<vmem>> -> memref<1x256xf32, #tpu.memory_space<vmem>>
          %dma_start3A_1745 = arith.constant 0 : i32
          %dma_start3A_1746 = tpu.memref_slice %arg6[%squeeze3A_1736, %dma_start3A_1745] : memref<4096x256xf32, #tpu.memory_space<vmem_shared>> -> memref<1x256xf32, #tpu.memory_space<vmem_shared>>
          tpu.enqueue_dma source(%dma_start3A_1746 : memref<1x256xf32, #tpu.memory_space<vmem_shared>>) target(%dma_start3A_1744 : memref<1x256xf32, #tpu.memory_space<vmem>>) target_semaphore(%arg11 : memref<!tpu.dma_semaphore, #tpu.memory_space<semaphore_mem>>)
          %slice3A_1747 = vector.extract_strided_slice %get3A_1722 {offsets = [2], sizes = [1], strides = [1]} : vector<16xi32> to vector<1xi32>
          %squeeze3A_1748 = vector.extract %slice3A_1747[0] : i32 from vector<1xi32>
          %dma_start3A_1749 = arith.constant 2 : i32
          %dma_start3A_1750 = arith.constant 0 : i32
          %dma_start3A_1751 = tpu.memref_slice %arg7[%dma_start3A_1749, %dma_start3A_1750] : memref<32x256xf32, #tpu.memory_space<vmem>> -> memref<1x256xf32, #tpu.memory_space<vmem>>
          %dma_start3A_1752 = arith.constant 0 : i32
          %dma_start3A_1753 = tpu.memref_slice %arg6[%squeeze3A_1748, %dma_start3A_1752] : memref<4096x256xf32, #tpu.memory_space<vmem_shared>> -> memref<1x256xf32, #tpu.memory_space<vmem_shared>>
          %dma_start3A_1754 = arith.constant 2 : i32
          %dma_start3A_1755 = arith.constant 0 : i32
          %dma_start3A_1756 = tpu.memref_slice %arg7[%dma_start3A_1754, %dma_start3A_1755] : memref<32x256xf32, #tpu.memory_space<vmem>> -> memref<1x256xf32, #tpu.memory_space<vmem>>
          %dma_start3A_1757 = arith.constant 0 : i32
          %dma_start3A_1758 = tpu.memref_slice %arg6[%squeeze3A_1748, %dma_start3A_1757] : memref<4096x256xf32, #tpu.memory_space<vmem_shared>> -> memref<1x256xf32, #tpu.memory_space<vmem_shared>>
          tpu.enqueue_dma source(%dma_start3A_1758 : memref<1x256xf32, #tpu.memory_space<vmem_shared>>) target(%dma_start3A_1756 : memref<1x256xf32, #tpu.memory_space<vmem>>) target_semaphore(%arg11 : memref<!tpu.dma_semaphore, #tpu.memory_space<semaphore_mem>>)
          %slice3A_1759 = vector.extract_strided_slice %get3A_1722 {offsets = [3], sizes = [1], strides = [1]} : vector<16xi32> to vector<1xi32>
          %squeeze3A_1760 = vector.extract %slice3A_1759[0] : i32 from vector<1xi32>
          %dma_start3A_1761 = arith.constant 3 : i32
          %dma_start3A_1762 = arith.constant 0 : i32
          %dma_start3A_1763 = tpu.memref_slice %arg7[%dma_start3A_1761, %dma_start3A_1762] : memref<32x256xf32, #tpu.memory_space<vmem>> -> memref<1x256xf32, #tpu.memory_space<vmem>>
          %dma_start3A_1764 = arith.constant 0 : i32
          %dma_start3A_1765 = tpu.memref_slice %arg6[%squeeze3A_1760, %dma_start3A_1764] : memref<4096x256xf32, #tpu.memory_space<vmem_shared>> -> memref<1x256xf32, #tpu.memory_space<vmem_shared>>
          %dma_start3A_1766 = arith.constant 3 : i32
          %dma_start3A_1767 = arith.constant 0 : i32
          %dma_start3A_1768 = tpu.memref_slice %arg7[%dma_start3A_1766, %dma_start3A_1767] : memref<32x256xf32, #tpu.memory_space<vmem>> -> memref<1x256xf32, #tpu.memory_space<vmem>>
          %dma_start3A_1769 = arith.constant 0 : i32
          %dma_start3A_1770 = tpu.memref_slice %arg6[%squeeze3A_1760, %dma_start3A_1769] : memref<4096x256xf32, #tpu.memory_space<vmem_shared>> -> memref<1x256xf32, #tpu.memory_space<vmem_shared>>
          tpu.enqueue_dma source(%dma_start3A_1770 : memref<1x256xf32, #tpu.memory_space<vmem_shared>>) target(%dma_start3A_1768 : memref<1x256xf32, #tpu.memory_space<vmem>>) target_semaphore(%arg11 : memref<!tpu.dma_semaphore, #tpu.memory_space<semaphore_mem>>)
          %slice3A_1771 = vector.extract_strided_slice %get3A_1722 {offsets = [4], sizes = [1], strides = [1]} : vector<16xi32> to vector<1xi32>
          %squeeze3A_1772 = vector.extract %slice3A_1771[0] : i32 from vector<1xi32>
          %dma_start3A_1773 = arith.constant 4 : i32
          %dma_start3A_1774 = arith.constant 0 : i32
          %dma_start3A_1775 = tpu.memref_slice %arg7[%dma_start3A_1773, %dma_start3A_1774] : memref<32x256xf32, #tpu.memory_space<vmem>> -> memref<1x256xf32, #tpu.memory_space<vmem>>
          %dma_start3A_1776 = arith.constant 0 : i32
          %dma_start3A_1777 = tpu.memref_slice %arg6[%squeeze3A_1772, %dma_start3A_1776] : memref<4096x256xf32, #tpu.memory_space<vmem_shared>> -> memref<1x256xf32, #tpu.memory_space<vmem_shared>>
          %dma_start3A_1778 = arith.constant 4 : i32
          %dma_start3A_1779 = arith.constant 0 : i32
          %dma_start3A_1780 = tpu.memref_slice %arg7[%dma_start3A_1778, %dma_start3A_1779] : memref<32x256xf32, #tpu.memory_space<vmem>> -> memref<1x256xf32, #tpu.memory_space<vmem>>
          %dma_start3A_1781 = arith.constant 0 : i32
          %dma_start3A_1782 = tpu.memref_slice %arg6[%squeeze3A_1772, %dma_start3A_1781] : memref<4096x256xf32, #tpu.memory_space<vmem_shared>> -> memref<1x256xf32, #tpu.memory_space<vmem_shared>>
          tpu.enqueue_dma source(%dma_start3A_1782 : memref<1x256xf32, #tpu.memory_space<vmem_shared>>) target(%dma_start3A_1780 : memref<1x256xf32, #tpu.memory_space<vmem>>) target_semaphore(%arg11 : memref<!tpu.dma_semaphore, #tpu.memory_space<semaphore_mem>>)
          %slice3A_1783 = vector.extract_strided_slice %get3A_1722 {offsets = [5], sizes = [1], strides = [1]} : vector<16xi32> to vector<1xi32>
          %squeeze3A_1784 = vector.extract %slice3A_1783[0] : i32 from vector<1xi32>
          %dma_start3A_1785 = arith.constant 5 : i32
          %dma_start3A_1786 = arith.constant 0 : i32
          %dma_start3A_1787 = tpu.memref_slice %arg7[%dma_start3A_1785, %dma_start3A_1786] : memref<32x256xf32, #tpu.memory_space<vmem>> -> memref<1x256xf32, #tpu.memory_space<vmem>>
          %dma_start3A_1788 = arith.constant 0 : i32
          %dma_start3A_1789 = tpu.memref_slice %arg6[%squeeze3A_1784, %dma_start3A_1788] : memref<4096x256xf32, #tpu.memory_space<vmem_shared>> -> memref<1x256xf32, #tpu.memory_space<vmem_shared>>
          %dma_start3A_1790 = arith.constant 5 : i32
          %dma_start3A_1791 = arith.constant 0 : i32
          %dma_start3A_1792 = tpu.memref_slice %arg7[%dma_start3A_1790, %dma_start3A_1791] : memref<32x256xf32, #tpu.memory_space<vmem>> -> memref<1x256xf32, #tpu.memory_space<vmem>>
          %dma_start3A_1793 = arith.constant 0 : i32
          %dma_start3A_1794 = tpu.memref_slice %arg6[%squeeze3A_1784, %dma_start3A_1793] : memref<4096x256xf32, #tpu.memory_space<vmem_shared>> -> memref<1x256xf32, #tpu.memory_space<vmem_shared>>
          tpu.enqueue_dma source(%dma_start3A_1794 : memref<1x256xf32, #tpu.memory_space<vmem_shared>>) target(%dma_start3A_1792 : memref<1x256xf32, #tpu.memory_space<vmem>>) target_semaphore(%arg11 : memref<!tpu.dma_semaphore, #tpu.memory_space<semaphore_mem>>)
          %slice3A_1795 = vector.extract_strided_slice %get3A_1722 {offsets = [6], sizes = [1], strides = [1]} : vector<16xi32> to vector<1xi32>
          %squeeze3A_1796 = vector.extract %slice3A_1795[0] : i32 from vector<1xi32>
          %dma_start3A_1797 = arith.constant 6 : i32
          %dma_start3A_1798 = arith.constant 0 : i32
          %dma_start3A_1799 = tpu.memref_slice %arg7[%dma_start3A_1797, %dma_start3A_1798] : memref<32x256xf32, #tpu.memory_space<vmem>> -> memref<1x256xf32, #tpu.memory_space<vmem>>
          %dma_start3A_1800 = arith.constant 0 : i32
          %dma_start3A_1801 = tpu.memref_slice %arg6[%squeeze3A_1796, %dma_start3A_1800] : memref<4096x256xf32, #tpu.memory_space<vmem_shared>> -> memref<1x256xf32, #tpu.memory_space<vmem_shared>>
          %dma_start3A_1802 = arith.constant 6 : i32
          %dma_start3A_1803 = arith.constant 0 : i32
          %dma_start3A_1804 = tpu.memref_slice %arg7[%dma_start3A_1802, %dma_start3A_1803] : memref<32x256xf32, #tpu.memory_space<vmem>> -> memref<1x256xf32, #tpu.memory_space<vmem>>
          %dma_start3A_1805 = arith.constant 0 : i32
          %dma_start3A_1806 = tpu.memref_slice %arg6[%squeeze3A_1796, %dma_start3A_1805] : memref<4096x256xf32, #tpu.memory_space<vmem_shared>> -> memref<1x256xf32, #tpu.memory_space<vmem_shared>>
          tpu.enqueue_dma source(%dma_start3A_1806 : memref<1x256xf32, #tpu.memory_space<vmem_shared>>) target(%dma_start3A_1804 : memref<1x256xf32, #tpu.memory_space<vmem>>) target_semaphore(%arg11 : memref<!tpu.dma_semaphore, #tpu.memory_space<semaphore_mem>>)
          %slice3A_1807 = vector.extract_strided_slice %get3A_1722 {offsets = [7], sizes = [1], strides = [1]} : vector<16xi32> to vector<1xi32>
          %squeeze3A_1808 = vector.extract %slice3A_1807[0] : i32 from vector<1xi32>
          %dma_start3A_1809 = arith.constant 7 : i32
          %dma_start3A_1810 = arith.constant 0 : i32
          %dma_start3A_1811 = tpu.memref_slice %arg7[%dma_start3A_1809, %dma_start3A_1810] : memref<32x256xf32, #tpu.memory_space<vmem>> -> memref<1x256xf32, #tpu.memory_space<vmem>>
          %dma_start3A_1812 = arith.constant 0 : i32
          %dma_start3A_1813 = tpu.memref_slice %arg6[%squeeze3A_1808, %dma_start3A_1812] : memref<4096x256xf32, #tpu.memory_space<vmem_shared>> -> memref<1x256xf32, #tpu.memory_space<vmem_shared>>
          %dma_start3A_1814 = arith.constant 7 : i32
          %dma_start3A_1815 = arith.constant 0 : i32
          %dma_start3A_1816 = tpu.memref_slice %arg7[%dma_start3A_1814, %dma_start3A_1815] : memref<32x256xf32, #tpu.memory_space<vmem>> -> memref<1x256xf32, #tpu.memory_space<vmem>>
          %dma_start3A_1817 = arith.constant 0 : i32
          %dma_start3A_1818 = tpu.memref_slice %arg6[%squeeze3A_1808, %dma_start3A_1817] : memref<4096x256xf32, #tpu.memory_space<vmem_shared>> -> memref<1x256xf32, #tpu.memory_space<vmem_shared>>
          tpu.enqueue_dma source(%dma_start3A_1818 : memref<1x256xf32, #tpu.memory_space<vmem_shared>>) target(%dma_start3A_1816 : memref<1x256xf32, #tpu.memory_space<vmem>>) target_semaphore(%arg11 : memref<!tpu.dma_semaphore, #tpu.memory_space<semaphore_mem>>)
          %slice3A_1819 = vector.extract_strided_slice %get3A_1722 {offsets = [8], sizes = [1], strides = [1]} : vector<16xi32> to vector<1xi32>
          %squeeze3A_1820 = vector.extract %slice3A_1819[0] : i32 from vector<1xi32>
          %dma_start3A_1821 = arith.constant 8 : i32
          %dma_start3A_1822 = arith.constant 0 : i32
          %dma_start3A_1823 = tpu.memref_slice %arg7[%dma_start3A_1821, %dma_start3A_1822] : memref<32x256xf32, #tpu.memory_space<vmem>> -> memref<1x256xf32, #tpu.memory_space<vmem>>
          %dma_start3A_1824 = arith.constant 0 : i32
          %dma_start3A_1825 = tpu.memref_slice %arg6[%squeeze3A_1820, %dma_start3A_1824] : memref<4096x256xf32, #tpu.memory_space<vmem_shared>> -> memref<1x256xf32, #tpu.memory_space<vmem_shared>>
          %dma_start3A_1826 = arith.constant 8 : i32
          %dma_start3A_1827 = arith.constant 0 : i32
          %dma_start3A_1828 = tpu.memref_slice %arg7[%dma_start3A_1826, %dma_start3A_1827] : memref<32x256xf32, #tpu.memory_space<vmem>> -> memref<1x256xf32, #tpu.memory_space<vmem>>
          %dma_start3A_1829 = arith.constant 0 : i32
          %dma_start3A_1830 = tpu.memref_slice %arg6[%squeeze3A_1820, %dma_start3A_1829] : memref<4096x256xf32, #tpu.memory_space<vmem_shared>> -> memref<1x256xf32, #tpu.memory_space<vmem_shared>>
          tpu.enqueue_dma source(%dma_start3A_1830 : memref<1x256xf32, #tpu.memory_space<vmem_shared>>) target(%dma_start3A_1828 : memref<1x256xf32, #tpu.memory_space<vmem>>) target_semaphore(%arg11 : memref<!tpu.dma_semaphore, #tpu.memory_space<semaphore_mem>>)
          %slice3A_1831 = vector.extract_strided_slice %get3A_1722 {offsets = [9], sizes = [1], strides = [1]} : vector<16xi32> to vector<1xi32>
          %squeeze3A_1832 = vector.extract %slice3A_1831[0] : i32 from vector<1xi32>
          %dma_start3A_1833 = arith.constant 9 : i32
          %dma_start3A_1834 = arith.constant 0 : i32
          %dma_start3A_1835 = tpu.memref_slice %arg7[%dma_start3A_1833, %dma_start3A_1834] : memref<32x256xf32, #tpu.memory_space<vmem>> -> memref<1x256xf32, #tpu.memory_space<vmem>>
          %dma_start3A_1836 = arith.constant 0 : i32
          %dma_start3A_1837 = tpu.memref_slice %arg6[%squeeze3A_1832, %dma_start3A_1836] : memref<4096x256xf32, #tpu.memory_space<vmem_shared>> -> memref<1x256xf32, #tpu.memory_space<vmem_shared>>
          %dma_start3A_1838 = arith.constant 9 : i32
          %dma_start3A_1839 = arith.constant 0 : i32
          %dma_start3A_1840 = tpu.memref_slice %arg7[%dma_start3A_1838, %dma_start3A_1839] : memref<32x256xf32, #tpu.memory_space<vmem>> -> memref<1x256xf32, #tpu.memory_space<vmem>>
          %dma_start3A_1841 = arith.constant 0 : i32
          %dma_start3A_1842 = tpu.memref_slice %arg6[%squeeze3A_1832, %dma_start3A_1841] : memref<4096x256xf32, #tpu.memory_space<vmem_shared>> -> memref<1x256xf32, #tpu.memory_space<vmem_shared>>
          tpu.enqueue_dma source(%dma_start3A_1842 : memref<1x256xf32, #tpu.memory_space<vmem_shared>>) target(%dma_start3A_1840 : memref<1x256xf32, #tpu.memory_space<vmem>>) target_semaphore(%arg11 : memref<!tpu.dma_semaphore, #tpu.memory_space<semaphore_mem>>)
          %slice3A_1843 = vector.extract_strided_slice %get3A_1722 {offsets = [10], sizes = [1], strides = [1]} : vector<16xi32> to vector<1xi32>
          %squeeze3A_1844 = vector.extract %slice3A_1843[0] : i32 from vector<1xi32>
          %dma_start3A_1845 = arith.constant 10 : i32
          %dma_start3A_1846 = arith.constant 0 : i32
          %dma_start3A_1847 = tpu.memref_slice %arg7[%dma_start3A_1845, %dma_start3A_1846] : memref<32x256xf32, #tpu.memory_space<vmem>> -> memref<1x256xf32, #tpu.memory_space<vmem>>
          %dma_start3A_1848 = arith.constant 0 : i32
          %dma_start3A_1849 = tpu.memref_slice %arg6[%squeeze3A_1844, %dma_start3A_1848] : memref<4096x256xf32, #tpu.memory_space<vmem_shared>> -> memref<1x256xf32, #tpu.memory_space<vmem_shared>>
          %dma_start3A_1850 = arith.constant 10 : i32
          %dma_start3A_1851 = arith.constant 0 : i32
          %dma_start3A_1852 = tpu.memref_slice %arg7[%dma_start3A_1850, %dma_start3A_1851] : memref<32x256xf32, #tpu.memory_space<vmem>> -> memref<1x256xf32, #tpu.memory_space<vmem>>
          %dma_start3A_1853 = arith.constant 0 : i32
          %dma_start3A_1854 = tpu.memref_slice %arg6[%squeeze3A_1844, %dma_start3A_1853] : memref<4096x256xf32, #tpu.memory_space<vmem_shared>> -> memref<1x256xf32, #tpu.memory_space<vmem_shared>>
          tpu.enqueue_dma source(%dma_start3A_1854 : memref<1x256xf32, #tpu.memory_space<vmem_shared>>) target(%dma_start3A_1852 : memref<1x256xf32, #tpu.memory_space<vmem>>) target_semaphore(%arg11 : memref<!tpu.dma_semaphore, #tpu.memory_space<semaphore_mem>>)
          %slice3A_1855 = vector.extract_strided_slice %get3A_1722 {offsets = [11], sizes = [1], strides = [1]} : vector<16xi32> to vector<1xi32>
          %squeeze3A_1856 = vector.extract %slice3A_1855[0] : i32 from vector<1xi32>
          %dma_start3A_1857 = arith.constant 11 : i32
          %dma_start3A_1858 = arith.constant 0 : i32
          %dma_start3A_1859 = tpu.memref_slice %arg7[%dma_start3A_1857, %dma_start3A_1858] : memref<32x256xf32, #tpu.memory_space<vmem>> -> memref<1x256xf32, #tpu.memory_space<vmem>>
          %dma_start3A_1860 = arith.constant 0 : i32
          %dma_start3A_1861 = tpu.memref_slice %arg6[%squeeze3A_1856, %dma_start3A_1860] : memref<4096x256xf32, #tpu.memory_space<vmem_shared>> -> memref<1x256xf32, #tpu.memory_space<vmem_shared>>
          %dma_start3A_1862 = arith.constant 11 : i32
          %dma_start3A_1863 = arith.constant 0 : i32
          %dma_start3A_1864 = tpu.memref_slice %arg7[%dma_start3A_1862, %dma_start3A_1863] : memref<32x256xf32, #tpu.memory_space<vmem>> -> memref<1x256xf32, #tpu.memory_space<vmem>>
          %dma_start3A_1865 = arith.constant 0 : i32
          %dma_start3A_1866 = tpu.memref_slice %arg6[%squeeze3A_1856, %dma_start3A_1865] : memref<4096x256xf32, #tpu.memory_space<vmem_shared>> -> memref<1x256xf32, #tpu.memory_space<vmem_shared>>
          tpu.enqueue_dma source(%dma_start3A_1866 : memref<1x256xf32, #tpu.memory_space<vmem_shared>>) target(%dma_start3A_1864 : memref<1x256xf32, #tpu.memory_space<vmem>>) target_semaphore(%arg11 : memref<!tpu.dma_semaphore, #tpu.memory_space<semaphore_mem>>)
          %slice3A_1867 = vector.extract_strided_slice %get3A_1722 {offsets = [12], sizes = [1], strides = [1]} : vector<16xi32> to vector<1xi32>
          %squeeze3A_1868 = vector.extract %slice3A_1867[0] : i32 from vector<1xi32>
          %dma_start3A_1869 = arith.constant 12 : i32
          %dma_start3A_1870 = arith.constant 0 : i32
          %dma_start3A_1871 = tpu.memref_slice %arg7[%dma_start3A_1869, %dma_start3A_1870] : memref<32x256xf32, #tpu.memory_space<vmem>> -> memref<1x256xf32, #tpu.memory_space<vmem>>
          %dma_start3A_1872 = arith.constant 0 : i32
          %dma_start3A_1873 = tpu.memref_slice %arg6[%squeeze3A_1868, %dma_start3A_1872] : memref<4096x256xf32, #tpu.memory_space<vmem_shared>> -> memref<1x256xf32, #tpu.memory_space<vmem_shared>>
          %dma_start3A_1874 = arith.constant 12 : i32
          %dma_start3A_1875 = arith.constant 0 : i32
          %dma_start3A_1876 = tpu.memref_slice %arg7[%dma_start3A_1874, %dma_start3A_1875] : memref<32x256xf32, #tpu.memory_space<vmem>> -> memref<1x256xf32, #tpu.memory_space<vmem>>
          %dma_start3A_1877 = arith.constant 0 : i32
          %dma_start3A_1878 = tpu.memref_slice %arg6[%squeeze3A_1868, %dma_start3A_1877] : memref<4096x256xf32, #tpu.memory_space<vmem_shared>> -> memref<1x256xf32, #tpu.memory_space<vmem_shared>>
          tpu.enqueue_dma source(%dma_start3A_1878 : memref<1x256xf32, #tpu.memory_space<vmem_shared>>) target(%dma_start3A_1876 : memref<1x256xf32, #tpu.memory_space<vmem>>) target_semaphore(%arg11 : memref<!tpu.dma_semaphore, #tpu.memory_space<semaphore_mem>>)
          %slice3A_1879 = vector.extract_strided_slice %get3A_1722 {offsets = [13], sizes = [1], strides = [1]} : vector<16xi32> to vector<1xi32>
          %squeeze3A_1880 = vector.extract %slice3A_1879[0] : i32 from vector<1xi32>
          %dma_start3A_1881 = arith.constant 13 : i32
          %dma_start3A_1882 = arith.constant 0 : i32
          %dma_start3A_1883 = tpu.memref_slice %arg7[%dma_start3A_1881, %dma_start3A_1882] : memref<32x256xf32, #tpu.memory_space<vmem>> -> memref<1x256xf32, #tpu.memory_space<vmem>>
          %dma_start3A_1884 = arith.constant 0 : i32
          %dma_start3A_1885 = tpu.memref_slice %arg6[%squeeze3A_1880, %dma_start3A_1884] : memref<4096x256xf32, #tpu.memory_space<vmem_shared>> -> memref<1x256xf32, #tpu.memory_space<vmem_shared>>
          %dma_start3A_1886 = arith.constant 13 : i32
          %dma_start3A_1887 = arith.constant 0 : i32
          %dma_start3A_1888 = tpu.memref_slice %arg7[%dma_start3A_1886, %dma_start3A_1887] : memref<32x256xf32, #tpu.memory_space<vmem>> -> memref<1x256xf32, #tpu.memory_space<vmem>>
          %dma_start3A_1889 = arith.constant 0 : i32
          %dma_start3A_1890 = tpu.memref_slice %arg6[%squeeze3A_1880, %dma_start3A_1889] : memref<4096x256xf32, #tpu.memory_space<vmem_shared>> -> memref<1x256xf32, #tpu.memory_space<vmem_shared>>
          tpu.enqueue_dma source(%dma_start3A_1890 : memref<1x256xf32, #tpu.memory_space<vmem_shared>>) target(%dma_start3A_1888 : memref<1x256xf32, #tpu.memory_space<vmem>>) target_semaphore(%arg11 : memref<!tpu.dma_semaphore, #tpu.memory_space<semaphore_mem>>)
          %slice3A_1891 = vector.extract_strided_slice %get3A_1722 {offsets = [14], sizes = [1], strides = [1]} : vector<16xi32> to vector<1xi32>
          %squeeze3A_1892 = vector.extract %slice3A_1891[0] : i32 from vector<1xi32>
          %dma_start3A_1893 = arith.constant 14 : i32
          %dma_start3A_1894 = arith.constant 0 : i32
          %dma_start3A_1895 = tpu.memref_slice %arg7[%dma_start3A_1893, %dma_start3A_1894] : memref<32x256xf32, #tpu.memory_space<vmem>> -> memref<1x256xf32, #tpu.memory_space<vmem>>
          %dma_start3A_1896 = arith.constant 0 : i32
          %dma_start3A_1897 = tpu.memref_slice %arg6[%squeeze3A_1892, %dma_start3A_1896] : memref<4096x256xf32, #tpu.memory_space<vmem_shared>> -> memref<1x256xf32, #tpu.memory_space<vmem_shared>>
          %dma_start3A_1898 = arith.constant 14 : i32
          %dma_start3A_1899 = arith.constant 0 : i32
          %dma_start3A_1900 = tpu.memref_slice %arg7[%dma_start3A_1898, %dma_start3A_1899] : memref<32x256xf32, #tpu.memory_space<vmem>> -> memref<1x256xf32, #tpu.memory_space<vmem>>
          %dma_start3A_1901 = arith.constant 0 : i32
          %dma_start3A_1902 = tpu.memref_slice %arg6[%squeeze3A_1892, %dma_start3A_1901] : memref<4096x256xf32, #tpu.memory_space<vmem_shared>> -> memref<1x256xf32, #tpu.memory_space<vmem_shared>>
          tpu.enqueue_dma source(%dma_start3A_1902 : memref<1x256xf32, #tpu.memory_space<vmem_shared>>) target(%dma_start3A_1900 : memref<1x256xf32, #tpu.memory_space<vmem>>) target_semaphore(%arg11 : memref<!tpu.dma_semaphore, #tpu.memory_space<semaphore_mem>>)
          %slice3A_1903 = vector.extract_strided_slice %get3A_1722 {offsets = [15], sizes = [1], strides = [1]} : vector<16xi32> to vector<1xi32>
          %squeeze3A_1904 = vector.extract %slice3A_1903[0] : i32 from vector<1xi32>
          %dma_start3A_1905 = arith.constant 15 : i32
          %dma_start3A_1906 = arith.constant 0 : i32
          %dma_start3A_1907 = tpu.memref_slice %arg7[%dma_start3A_1905, %dma_start3A_1906] : memref<32x256xf32, #tpu.memory_space<vmem>> -> memref<1x256xf32, #tpu.memory_space<vmem>>
          %dma_start3A_1908 = arith.constant 0 : i32
          %dma_start3A_1909 = tpu.memref_slice %arg6[%squeeze3A_1904, %dma_start3A_1908] : memref<4096x256xf32, #tpu.memory_space<vmem_shared>> -> memref<1x256xf32, #tpu.memory_space<vmem_shared>>
          %dma_start3A_1910 = arith.constant 15 : i32
          %dma_start3A_1911 = arith.constant 0 : i32
          %dma_start3A_1912 = tpu.memref_slice %arg7[%dma_start3A_1910, %dma_start3A_1911] : memref<32x256xf32, #tpu.memory_space<vmem>> -> memref<1x256xf32, #tpu.memory_space<vmem>>
          %dma_start3A_1913 = arith.constant 0 : i32
          %dma_start3A_1914 = tpu.memref_slice %arg6[%squeeze3A_1904, %dma_start3A_1913] : memref<4096x256xf32, #tpu.memory_space<vmem_shared>> -> memref<1x256xf32, #tpu.memory_space<vmem_shared>>
          tpu.enqueue_dma source(%dma_start3A_1914 : memref<1x256xf32, #tpu.memory_space<vmem_shared>>) target(%dma_start3A_1912 : memref<1x256xf32, #tpu.memory_space<vmem>>) target_semaphore(%arg11 : memref<!tpu.dma_semaphore, #tpu.memory_space<semaphore_mem>>)
          %get3A_1915 = arith.index_cast %add3A_1718 : i32 to index
          %get3A_1916 = arith.constant 16 : index
          %get3A_1917 = tpu.vector_load %arg5[%get3A_1915, %get3A_1916] {strides = array<i32>} : memref<160x32xi32, #tpu.memory_space<vmem>>, vector<1x16xi32>,
          %get3A_1918 = vector.shape_cast %get3A_1917 : vector<1x16xi32> to vector<16xi32>
          %slice3A_1919 = vector.extract_strided_slice %get3A_1918 {offsets = [0], sizes = [1], strides = [1]} : vector<16xi32> to vector<1xi32>
          %squeeze3A_1920 = vector.extract %slice3A_1919[0] : i32 from vector<1xi32>
          %dma_start3A_1921 = arith.constant 16 : i32
          %dma_start3A_1922 = arith.constant 0 : i32
          %dma_start3A_1923 = tpu.memref_slice %arg7[%dma_start3A_1921, %dma_start3A_1922] : memref<32x256xf32, #tpu.memory_space<vmem>> -> memref<1x256xf32, #tpu.memory_space<vmem>>
          %dma_start3A_1924 = arith.constant 0 : i32
          %dma_start3A_1925 = tpu.memref_slice %arg6[%squeeze3A_1920, %dma_start3A_1924] : memref<4096x256xf32, #tpu.memory_space<vmem_shared>> -> memref<1x256xf32, #tpu.memory_space<vmem_shared>>
          %dma_start3A_1926 = arith.constant 16 : i32
          %dma_start3A_1927 = arith.constant 0 : i32
          %dma_start3A_1928 = tpu.memref_slice %arg7[%dma_start3A_1926, %dma_start3A_1927] : memref<32x256xf32, #tpu.memory_space<vmem>> -> memref<1x256xf32, #tpu.memory_space<vmem>>
          %dma_start3A_1929 = arith.constant 0 : i32
          %dma_start3A_1930 = tpu.memref_slice %arg6[%squeeze3A_1920, %dma_start3A_1929] : memref<4096x256xf32, #tpu.memory_space<vmem_shared>> -> memref<1x256xf32, #tpu.memory_space<vmem_shared>>
          tpu.enqueue_dma source(%dma_start3A_1930 : memref<1x256xf32, #tpu.memory_space<vmem_shared>>) target(%dma_start3A_1928 : memref<1x256xf32, #tpu.memory_space<vmem>>) target_semaphore(%arg11 : memref<!tpu.dma_semaphore, #tpu.memory_space<semaphore_mem>>)
          %slice3A_1931 = vector.extract_strided_slice %get3A_1918 {offsets = [1], sizes = [1], strides = [1]} : vector<16xi32> to vector<1xi32>
          %squeeze3A_1932 = vector.extract %slice3A_1931[0] : i32 from vector<1xi32>
          %dma_start3A_1933 = arith.constant 17 : i32
          %dma_start3A_1934 = arith.constant 0 : i32
          %dma_start3A_1935 = tpu.memref_slice %arg7[%dma_start3A_1933, %dma_start3A_1934] : memref<32x256xf32, #tpu.memory_space<vmem>> -> memref<1x256xf32, #tpu.memory_space<vmem>>
          %dma_start3A_1936 = arith.constant 0 : i32
          %dma_start3A_1937 = tpu.memref_slice %arg6[%squeeze3A_1932, %dma_start3A_1936] : memref<4096x256xf32, #tpu.memory_space<vmem_shared>> -> memref<1x256xf32, #tpu.memory_space<vmem_shared>>
          %dma_start3A_1938 = arith.constant 17 : i32
          %dma_start3A_1939 = arith.constant 0 : i32
          %dma_start3A_1940 = tpu.memref_slice %arg7[%dma_start3A_1938, %dma_start3A_1939] : memref<32x256xf32, #tpu.memory_space<vmem>> -> memref<1x256xf32, #tpu.memory_space<vmem>>
          %dma_start3A_1941 = arith.constant 0 : i32
          %dma_start3A_1942 = tpu.memref_slice %arg6[%squeeze3A_1932, %dma_start3A_1941] : memref<4096x256xf32, #tpu.memory_space<vmem_shared>> -> memref<1x256xf32, #tpu.memory_space<vmem_shared>>
          tpu.enqueue_dma source(%dma_start3A_1942 : memref<1x256xf32, #tpu.memory_space<vmem_shared>>) target(%dma_start3A_1940 : memref<1x256xf32, #tpu.memory_space<vmem>>) target_semaphore(%arg11 : memref<!tpu.dma_semaphore, #tpu.memory_space<semaphore_mem>>)
          %slice3A_1943 = vector.extract_strided_slice %get3A_1918 {offsets = [2], sizes = [1], strides = [1]} : vector<16xi32> to vector<1xi32>
          %squeeze3A_1944 = vector.extract %slice3A_1943[0] : i32 from vector<1xi32>
          %dma_start3A_1945 = arith.constant 18 : i32
          %dma_start3A_1946 = arith.constant 0 : i32
          %dma_start3A_1947 = tpu.memref_slice %arg7[%dma_start3A_1945, %dma_start3A_1946] : memref<32x256xf32, #tpu.memory_space<vmem>> -> memref<1x256xf32, #tpu.memory_space<vmem>>
          %dma_start3A_1948 = arith.constant 0 : i32
          %dma_start3A_1949 = tpu.memref_slice %arg6[%squeeze3A_1944, %dma_start3A_1948] : memref<4096x256xf32, #tpu.memory_space<vmem_shared>> -> memref<1x256xf32, #tpu.memory_space<vmem_shared>>
          %dma_start3A_1950 = arith.constant 18 : i32
          %dma_start3A_1951 = arith.constant 0 : i32
          %dma_start3A_1952 = tpu.memref_slice %arg7[%dma_start3A_1950, %dma_start3A_1951] : memref<32x256xf32, #tpu.memory_space<vmem>> -> memref<1x256xf32, #tpu.memory_space<vmem>>
          %dma_start3A_1953 = arith.constant 0 : i32
          %dma_start3A_1954 = tpu.memref_slice %arg6[%squeeze3A_1944, %dma_start3A_1953] : memref<4096x256xf32, #tpu.memory_space<vmem_shared>> -> memref<1x256xf32, #tpu.memory_space<vmem_shared>>
          tpu.enqueue_dma source(%dma_start3A_1954 : memref<1x256xf32, #tpu.memory_space<vmem_shared>>) target(%dma_start3A_1952 : memref<1x256xf32, #tpu.memory_space<vmem>>) target_semaphore(%arg11 : memref<!tpu.dma_semaphore, #tpu.memory_space<semaphore_mem>>)
          %slice3A_1955 = vector.extract_strided_slice %get3A_1918 {offsets = [3], sizes = [1], strides = [1]} : vector<16xi32> to vector<1xi32>
          %squeeze3A_1956 = vector.extract %slice3A_1955[0] : i32 from vector<1xi32>
          %dma_start3A_1957 = arith.constant 19 : i32
          %dma_start3A_1958 = arith.constant 0 : i32
          %dma_start3A_1959 = tpu.memref_slice %arg7[%dma_start3A_1957, %dma_start3A_1958] : memref<32x256xf32, #tpu.memory_space<vmem>> -> memref<1x256xf32, #tpu.memory_space<vmem>>
          %dma_start3A_1960 = arith.constant 0 : i32
          %dma_start3A_1961 = tpu.memref_slice %arg6[%squeeze3A_1956, %dma_start3A_1960] : memref<4096x256xf32, #tpu.memory_space<vmem_shared>> -> memref<1x256xf32, #tpu.memory_space<vmem_shared>>
          %dma_start3A_1962 = arith.constant 19 : i32
          %dma_start3A_1963 = arith.constant 0 : i32
          %dma_start3A_1964 = tpu.memref_slice %arg7[%dma_start3A_1962, %dma_start3A_1963] : memref<32x256xf32, #tpu.memory_space<vmem>> -> memref<1x256xf32, #tpu.memory_space<vmem>>
          %dma_start3A_1965 = arith.constant 0 : i32
          %dma_start3A_1966 = tpu.memref_slice %arg6[%squeeze3A_1956, %dma_start3A_1965] : memref<4096x256xf32, #tpu.memory_space<vmem_shared>> -> memref<1x256xf32, #tpu.memory_space<vmem_shared>>
          tpu.enqueue_dma source(%dma_start3A_1966 : memref<1x256xf32, #tpu.memory_space<vmem_shared>>) target(%dma_start3A_1964 : memref<1x256xf32, #tpu.memory_space<vmem>>) target_semaphore(%arg11 : memref<!tpu.dma_semaphore, #tpu.memory_space<semaphore_mem>>)
          %slice3A_1967 = vector.extract_strided_slice %get3A_1918 {offsets = [4], sizes = [1], strides = [1]} : vector<16xi32> to vector<1xi32>
          %squeeze3A_1968 = vector.extract %slice3A_1967[0] : i32 from vector<1xi32>
          %dma_start3A_1969 = arith.constant 20 : i32
          %dma_start3A_1970 = arith.constant 0 : i32
          %dma_start3A_1971 = tpu.memref_slice %arg7[%dma_start3A_1969, %dma_start3A_1970] : memref<32x256xf32, #tpu.memory_space<vmem>> -> memref<1x256xf32, #tpu.memory_space<vmem>>
          %dma_start3A_1972 = arith.constant 0 : i32
          %dma_start3A_1973 = tpu.memref_slice %arg6[%squeeze3A_1968, %dma_start3A_1972] : memref<4096x256xf32, #tpu.memory_space<vmem_shared>> -> memref<1x256xf32, #tpu.memory_space<vmem_shared>>
          %dma_start3A_1974 = arith.constant 20 : i32
          %dma_start3A_1975 = arith.constant 0 : i32
          %dma_start3A_1976 = tpu.memref_slice %arg7[%dma_start3A_1974, %dma_start3A_1975] : memref<32x256xf32, #tpu.memory_space<vmem>> -> memref<1x256xf32, #tpu.memory_space<vmem>>
          %dma_start3A_1977 = arith.constant 0 : i32
          %dma_start3A_1978 = tpu.memref_slice %arg6[%squeeze3A_1968, %dma_start3A_1977] : memref<4096x256xf32, #tpu.memory_space<vmem_shared>> -> memref<1x256xf32, #tpu.memory_space<vmem_shared>>
          tpu.enqueue_dma source(%dma_start3A_1978 : memref<1x256xf32, #tpu.memory_space<vmem_shared>>) target(%dma_start3A_1976 : memref<1x256xf32, #tpu.memory_space<vmem>>) target_semaphore(%arg11 : memref<!tpu.dma_semaphore, #tpu.memory_space<semaphore_mem>>)
          %slice3A_1979 = vector.extract_strided_slice %get3A_1918 {offsets = [5], sizes = [1], strides = [1]} : vector<16xi32> to vector<1xi32>
          %squeeze3A_1980 = vector.extract %slice3A_1979[0] : i32 from vector<1xi32>
          %dma_start3A_1981 = arith.constant 21 : i32
          %dma_start3A_1982 = arith.constant 0 : i32
          %dma_start3A_1983 = tpu.memref_slice %arg7[%dma_start3A_1981, %dma_start3A_1982] : memref<32x256xf32, #tpu.memory_space<vmem>> -> memref<1x256xf32, #tpu.memory_space<vmem>>
          %dma_start3A_1984 = arith.constant 0 : i32
          %dma_start3A_1985 = tpu.memref_slice %arg6[%squeeze3A_1980, %dma_start3A_1984] : memref<4096x256xf32, #tpu.memory_space<vmem_shared>> -> memref<1x256xf32, #tpu.memory_space<vmem_shared>>
          %dma_start3A_1986 = arith.constant 21 : i32
          %dma_start3A_1987 = arith.constant 0 : i32
          %dma_start3A_1988 = tpu.memref_slice %arg7[%dma_start3A_1986, %dma_start3A_1987] : memref<32x256xf32, #tpu.memory_space<vmem>> -> memref<1x256xf32, #tpu.memory_space<vmem>>
          %dma_start3A_1989 = arith.constant 0 : i32
          %dma_start3A_1990 = tpu.memref_slice %arg6[%squeeze3A_1980, %dma_start3A_1989] : memref<4096x256xf32, #tpu.memory_space<vmem_shared>> -> memref<1x256xf32, #tpu.memory_space<vmem_shared>>
          tpu.enqueue_dma source(%dma_start3A_1990 : memref<1x256xf32, #tpu.memory_space<vmem_shared>>) target(%dma_start3A_1988 : memref<1x256xf32, #tpu.memory_space<vmem>>) target_semaphore(%arg11 : memref<!tpu.dma_semaphore, #tpu.memory_space<semaphore_mem>>)
          %slice3A_1991 = vector.extract_strided_slice %get3A_1918 {offsets = [6], sizes = [1], strides = [1]} : vector<16xi32> to vector<1xi32>
          %squeeze3A_1992 = vector.extract %slice3A_1991[0] : i32 from vector<1xi32>
          %dma_start3A_1993 = arith.constant 22 : i32
          %dma_start3A_1994 = arith.constant 0 : i32
          %dma_start3A_1995 = tpu.memref_slice %arg7[%dma_start3A_1993, %dma_start3A_1994] : memref<32x256xf32, #tpu.memory_space<vmem>> -> memref<1x256xf32, #tpu.memory_space<vmem>>
          %dma_start3A_1996 = arith.constant 0 : i32
          %dma_start3A_1997 = tpu.memref_slice %arg6[%squeeze3A_1992, %dma_start3A_1996] : memref<4096x256xf32, #tpu.memory_space<vmem_shared>> -> memref<1x256xf32, #tpu.memory_space<vmem_shared>>
          %dma_start3A_1998 = arith.constant 22 : i32
          %dma_start3A_1999 = arith.constant 0 : i32
          %dma_start3A_2000 = tpu.memref_slice %arg7[%dma_start3A_1998, %dma_start3A_1999] : memref<32x256xf32, #tpu.memory_space<vmem>> -> memref<1x256xf32, #tpu.memory_space<vmem>>
          %dma_start3A_2001 = arith.constant 0 : i32
          %dma_start3A_2002 = tpu.memref_slice %arg6[%squeeze3A_1992, %dma_start3A_2001] : memref<4096x256xf32, #tpu.memory_space<vmem_shared>> -> memref<1x256xf32, #tpu.memory_space<vmem_shared>>
          tpu.enqueue_dma source(%dma_start3A_2002 : memref<1x256xf32, #tpu.memory_space<vmem_shared>>) target(%dma_start3A_2000 : memref<1x256xf32, #tpu.memory_space<vmem>>) target_semaphore(%arg11 : memref<!tpu.dma_semaphore, #tpu.memory_space<semaphore_mem>>)
          %slice3A_2003 = vector.extract_strided_slice %get3A_1918 {offsets = [7], sizes = [1], strides = [1]} : vector<16xi32> to vector<1xi32>
          %squeeze3A_2004 = vector.extract %slice3A_2003[0] : i32 from vector<1xi32>
          %dma_start3A_2005 = arith.constant 23 : i32
          %dma_start3A_2006 = arith.constant 0 : i32
          %dma_start3A_2007 = tpu.memref_slice %arg7[%dma_start3A_2005, %dma_start3A_2006] : memref<32x256xf32, #tpu.memory_space<vmem>> -> memref<1x256xf32, #tpu.memory_space<vmem>>
          %dma_start3A_2008 = arith.constant 0 : i32
          %dma_start3A_2009 = tpu.memref_slice %arg6[%squeeze3A_2004, %dma_start3A_2008] : memref<4096x256xf32, #tpu.memory_space<vmem_shared>> -> memref<1x256xf32, #tpu.memory_space<vmem_shared>>
          %dma_start3A_2010 = arith.constant 23 : i32
          %dma_start3A_2011 = arith.constant 0 : i32
          %dma_start3A_2012 = tpu.memref_slice %arg7[%dma_start3A_2010, %dma_start3A_2011] : memref<32x256xf32, #tpu.memory_space<vmem>> -> memref<1x256xf32, #tpu.memory_space<vmem>>
          %dma_start3A_2013 = arith.constant 0 : i32
          %dma_start3A_2014 = tpu.memref_slice %arg6[%squeeze3A_2004, %dma_start3A_2013] : memref<4096x256xf32, #tpu.memory_space<vmem_shared>> -> memref<1x256xf32, #tpu.memory_space<vmem_shared>>
          tpu.enqueue_dma source(%dma_start3A_2014 : memref<1x256xf32, #tpu.memory_space<vmem_shared>>) target(%dma_start3A_2012 : memref<1x256xf32, #tpu.memory_space<vmem>>) target_semaphore(%arg11 : memref<!tpu.dma_semaphore, #tpu.memory_space<semaphore_mem>>)
          %slice3A_2015 = vector.extract_strided_slice %get3A_1918 {offsets = [8], sizes = [1], strides = [1]} : vector<16xi32> to vector<1xi32>
          %squeeze3A_2016 = vector.extract %slice3A_2015[0] : i32 from vector<1xi32>
          %dma_start3A_2017 = arith.constant 24 : i32
          %dma_start3A_2018 = arith.constant 0 : i32
          %dma_start3A_2019 = tpu.memref_slice %arg7[%dma_start3A_2017, %dma_start3A_2018] : memref<32x256xf32, #tpu.memory_space<vmem>> -> memref<1x256xf32, #tpu.memory_space<vmem>>
          %dma_start3A_2020 = arith.constant 0 : i32
          %dma_start3A_2021 = tpu.memref_slice %arg6[%squeeze3A_2016, %dma_start3A_2020] : memref<4096x256xf32, #tpu.memory_space<vmem_shared>> -> memref<1x256xf32, #tpu.memory_space<vmem_shared>>
          %dma_start3A_2022 = arith.constant 24 : i32
          %dma_start3A_2023 = arith.constant 0 : i32
          %dma_start3A_2024 = tpu.memref_slice %arg7[%dma_start3A_2022, %dma_start3A_2023] : memref<32x256xf32, #tpu.memory_space<vmem>> -> memref<1x256xf32, #tpu.memory_space<vmem>>
          %dma_start3A_2025 = arith.constant 0 : i32
          %dma_start3A_2026 = tpu.memref_slice %arg6[%squeeze3A_2016, %dma_start3A_2025] : memref<4096x256xf32, #tpu.memory_space<vmem_shared>> -> memref<1x256xf32, #tpu.memory_space<vmem_shared>>
          tpu.enqueue_dma source(%dma_start3A_2026 : memref<1x256xf32, #tpu.memory_space<vmem_shared>>) target(%dma_start3A_2024 : memref<1x256xf32, #tpu.memory_space<vmem>>) target_semaphore(%arg11 : memref<!tpu.dma_semaphore, #tpu.memory_space<semaphore_mem>>)
          %slice3A_2027 = vector.extract_strided_slice %get3A_1918 {offsets = [9], sizes = [1], strides = [1]} : vector<16xi32> to vector<1xi32>
          %squeeze3A_2028 = vector.extract %slice3A_2027[0] : i32 from vector<1xi32>
          %dma_start3A_2029 = arith.constant 25 : i32
          %dma_start3A_2030 = arith.constant 0 : i32
          %dma_start3A_2031 = tpu.memref_slice %arg7[%dma_start3A_2029, %dma_start3A_2030] : memref<32x256xf32, #tpu.memory_space<vmem>> -> memref<1x256xf32, #tpu.memory_space<vmem>>
          %dma_start3A_2032 = arith.constant 0 : i32
          %dma_start3A_2033 = tpu.memref_slice %arg6[%squeeze3A_2028, %dma_start3A_2032] : memref<4096x256xf32, #tpu.memory_space<vmem_shared>> -> memref<1x256xf32, #tpu.memory_space<vmem_shared>>
          %dma_start3A_2034 = arith.constant 25 : i32
          %dma_start3A_2035 = arith.constant 0 : i32
          %dma_start3A_2036 = tpu.memref_slice %arg7[%dma_start3A_2034, %dma_start3A_2035] : memref<32x256xf32, #tpu.memory_space<vmem>> -> memref<1x256xf32, #tpu.memory_space<vmem>>
          %dma_start3A_2037 = arith.constant 0 : i32
          %dma_start3A_2038 = tpu.memref_slice %arg6[%squeeze3A_2028, %dma_start3A_2037] : memref<4096x256xf32, #tpu.memory_space<vmem_shared>> -> memref<1x256xf32, #tpu.memory_space<vmem_shared>>
          tpu.enqueue_dma source(%dma_start3A_2038 : memref<1x256xf32, #tpu.memory_space<vmem_shared>>) target(%dma_start3A_2036 : memref<1x256xf32, #tpu.memory_space<vmem>>) target_semaphore(%arg11 : memref<!tpu.dma_semaphore, #tpu.memory_space<semaphore_mem>>)
          %slice3A_2039 = vector.extract_strided_slice %get3A_1918 {offsets = [10], sizes = [1], strides = [1]} : vector<16xi32> to vector<1xi32>
          %squeeze3A_2040 = vector.extract %slice3A_2039[0] : i32 from vector<1xi32>
          %dma_start3A_2041 = arith.constant 26 : i32
          %dma_start3A_2042 = arith.constant 0 : i32
          %dma_start3A_2043 = tpu.memref_slice %arg7[%dma_start3A_2041, %dma_start3A_2042] : memref<32x256xf32, #tpu.memory_space<vmem>> -> memref<1x256xf32, #tpu.memory_space<vmem>>
          %dma_start3A_2044 = arith.constant 0 : i32
          %dma_start3A_2045 = tpu.memref_slice %arg6[%squeeze3A_2040, %dma_start3A_2044] : memref<4096x256xf32, #tpu.memory_space<vmem_shared>> -> memref<1x256xf32, #tpu.memory_space<vmem_shared>>
          %dma_start3A_2046 = arith.constant 26 : i32
          %dma_start3A_2047 = arith.constant 0 : i32
          %dma_start3A_2048 = tpu.memref_slice %arg7[%dma_start3A_2046, %dma_start3A_2047] : memref<32x256xf32, #tpu.memory_space<vmem>> -> memref<1x256xf32, #tpu.memory_space<vmem>>
          %dma_start3A_2049 = arith.constant 0 : i32
          %dma_start3A_2050 = tpu.memref_slice %arg6[%squeeze3A_2040, %dma_start3A_2049] : memref<4096x256xf32, #tpu.memory_space<vmem_shared>> -> memref<1x256xf32, #tpu.memory_space<vmem_shared>>
          tpu.enqueue_dma source(%dma_start3A_2050 : memref<1x256xf32, #tpu.memory_space<vmem_shared>>) target(%dma_start3A_2048 : memref<1x256xf32, #tpu.memory_space<vmem>>) target_semaphore(%arg11 : memref<!tpu.dma_semaphore, #tpu.memory_space<semaphore_mem>>)
          %slice3A_2051 = vector.extract_strided_slice %get3A_1918 {offsets = [11], sizes = [1], strides = [1]} : vector<16xi32> to vector<1xi32>
          %squeeze3A_2052 = vector.extract %slice3A_2051[0] : i32 from vector<1xi32>
          %dma_start3A_2053 = arith.constant 27 : i32
          %dma_start3A_2054 = arith.constant 0 : i32
          %dma_start3A_2055 = tpu.memref_slice %arg7[%dma_start3A_2053, %dma_start3A_2054] : memref<32x256xf32, #tpu.memory_space<vmem>> -> memref<1x256xf32, #tpu.memory_space<vmem>>
          %dma_start3A_2056 = arith.constant 0 : i32
          %dma_start3A_2057 = tpu.memref_slice %arg6[%squeeze3A_2052, %dma_start3A_2056] : memref<4096x256xf32, #tpu.memory_space<vmem_shared>> -> memref<1x256xf32, #tpu.memory_space<vmem_shared>>
          %dma_start3A_2058 = arith.constant 27 : i32
          %dma_start3A_2059 = arith.constant 0 : i32
          %dma_start3A_2060 = tpu.memref_slice %arg7[%dma_start3A_2058, %dma_start3A_2059] : memref<32x256xf32, #tpu.memory_space<vmem>> -> memref<1x256xf32, #tpu.memory_space<vmem>>
          %dma_start3A_2061 = arith.constant 0 : i32
          %dma_start3A_2062 = tpu.memref_slice %arg6[%squeeze3A_2052, %dma_start3A_2061] : memref<4096x256xf32, #tpu.memory_space<vmem_shared>> -> memref<1x256xf32, #tpu.memory_space<vmem_shared>>
          tpu.enqueue_dma source(%dma_start3A_2062 : memref<1x256xf32, #tpu.memory_space<vmem_shared>>) target(%dma_start3A_2060 : memref<1x256xf32, #tpu.memory_space<vmem>>) target_semaphore(%arg11 : memref<!tpu.dma_semaphore, #tpu.memory_space<semaphore_mem>>)
          %slice3A_2063 = vector.extract_strided_slice %get3A_1918 {offsets = [12], sizes = [1], strides = [1]} : vector<16xi32> to vector<1xi32>
          %squeeze3A_2064 = vector.extract %slice3A_2063[0] : i32 from vector<1xi32>
          %dma_start3A_2065 = arith.constant 28 : i32
          %dma_start3A_2066 = arith.constant 0 : i32
          %dma_start3A_2067 = tpu.memref_slice %arg7[%dma_start3A_2065, %dma_start3A_2066] : memref<32x256xf32, #tpu.memory_space<vmem>> -> memref<1x256xf32, #tpu.memory_space<vmem>>
          %dma_start3A_2068 = arith.constant 0 : i32
          %dma_start3A_2069 = tpu.memref_slice %arg6[%squeeze3A_2064, %dma_start3A_2068] : memref<4096x256xf32, #tpu.memory_space<vmem_shared>> -> memref<1x256xf32, #tpu.memory_space<vmem_shared>>
          %dma_start3A_2070 = arith.constant 28 : i32
          %dma_start3A_2071 = arith.constant 0 : i32
          %dma_start3A_2072 = tpu.memref_slice %arg7[%dma_start3A_2070, %dma_start3A_2071] : memref<32x256xf32, #tpu.memory_space<vmem>> -> memref<1x256xf32, #tpu.memory_space<vmem>>
          %dma_start3A_2073 = arith.constant 0 : i32
          %dma_start3A_2074 = tpu.memref_slice %arg6[%squeeze3A_2064, %dma_start3A_2073] : memref<4096x256xf32, #tpu.memory_space<vmem_shared>> -> memref<1x256xf32, #tpu.memory_space<vmem_shared>>
          tpu.enqueue_dma source(%dma_start3A_2074 : memref<1x256xf32, #tpu.memory_space<vmem_shared>>) target(%dma_start3A_2072 : memref<1x256xf32, #tpu.memory_space<vmem>>) target_semaphore(%arg11 : memref<!tpu.dma_semaphore, #tpu.memory_space<semaphore_mem>>)
          %slice3A_2075 = vector.extract_strided_slice %get3A_1918 {offsets = [13], sizes = [1], strides = [1]} : vector<16xi32> to vector<1xi32>
          %squeeze3A_2076 = vector.extract %slice3A_2075[0] : i32 from vector<1xi32>
          %dma_start3A_2077 = arith.constant 29 : i32
          %dma_start3A_2078 = arith.constant 0 : i32
          %dma_start3A_2079 = tpu.memref_slice %arg7[%dma_start3A_2077, %dma_start3A_2078] : memref<32x256xf32, #tpu.memory_space<vmem>> -> memref<1x256xf32, #tpu.memory_space<vmem>>
          %dma_start3A_2080 = arith.constant 0 : i32
          %dma_start3A_2081 = tpu.memref_slice %arg6[%squeeze3A_2076, %dma_start3A_2080] : memref<4096x256xf32, #tpu.memory_space<vmem_shared>> -> memref<1x256xf32, #tpu.memory_space<vmem_shared>>
          %dma_start3A_2082 = arith.constant 29 : i32
          %dma_start3A_2083 = arith.constant 0 : i32
          %dma_start3A_2084 = tpu.memref_slice %arg7[%dma_start3A_2082, %dma_start3A_2083] : memref<32x256xf32, #tpu.memory_space<vmem>> -> memref<1x256xf32, #tpu.memory_space<vmem>>
          %dma_start3A_2085 = arith.constant 0 : i32
          %dma_start3A_2086 = tpu.memref_slice %arg6[%squeeze3A_2076, %dma_start3A_2085] : memref<4096x256xf32, #tpu.memory_space<vmem_shared>> -> memref<1x256xf32, #tpu.memory_space<vmem_shared>>
          tpu.enqueue_dma source(%dma_start3A_2086 : memref<1x256xf32, #tpu.memory_space<vmem_shared>>) target(%dma_start3A_2084 : memref<1x256xf32, #tpu.memory_space<vmem>>) target_semaphore(%arg11 : memref<!tpu.dma_semaphore, #tpu.memory_space<semaphore_mem>>)
          %slice3A_2087 = vector.extract_strided_slice %get3A_1918 {offsets = [14], sizes = [1], strides = [1]} : vector<16xi32> to vector<1xi32>
          %squeeze3A_2088 = vector.extract %slice3A_2087[0] : i32 from vector<1xi32>
          %dma_start3A_2089 = arith.constant 30 : i32
          %dma_start3A_2090 = arith.constant 0 : i32
          %dma_start3A_2091 = tpu.memref_slice %arg7[%dma_start3A_2089, %dma_start3A_2090] : memref<32x256xf32, #tpu.memory_space<vmem>> -> memref<1x256xf32, #tpu.memory_space<vmem>>
          %dma_start3A_2092 = arith.constant 0 : i32
          %dma_start3A_2093 = tpu.memref_slice %arg6[%squeeze3A_2088, %dma_start3A_2092] : memref<4096x256xf32, #tpu.memory_space<vmem_shared>> -> memref<1x256xf32, #tpu.memory_space<vmem_shared>>
          %dma_start3A_2094 = arith.constant 30 : i32
          %dma_start3A_2095 = arith.constant 0 : i32
          %dma_start3A_2096 = tpu.memref_slice %arg7[%dma_start3A_2094, %dma_start3A_2095] : memref<32x256xf32, #tpu.memory_space<vmem>> -> memref<1x256xf32, #tpu.memory_space<vmem>>
          %dma_start3A_2097 = arith.constant 0 : i32
          %dma_start3A_2098 = tpu.memref_slice %arg6[%squeeze3A_2088, %dma_start3A_2097] : memref<4096x256xf32, #tpu.memory_space<vmem_shared>> -> memref<1x256xf32, #tpu.memory_space<vmem_shared>>
          tpu.enqueue_dma source(%dma_start3A_2098 : memref<1x256xf32, #tpu.memory_space<vmem_shared>>) target(%dma_start3A_2096 : memref<1x256xf32, #tpu.memory_space<vmem>>) target_semaphore(%arg11 : memref<!tpu.dma_semaphore, #tpu.memory_space<semaphore_mem>>)
          %slice3A_2099 = vector.extract_strided_slice %get3A_1918 {offsets = [15], sizes = [1], strides = [1]} : vector<16xi32> to vector<1xi32>
          %squeeze3A_2100 = vector.extract %slice3A_2099[0] : i32 from vector<1xi32>
          %dma_start3A_2101 = arith.constant 31 : i32
          %dma_start3A_2102 = arith.constant 0 : i32
          %dma_start3A_2103 = tpu.memref_slice %arg7[%dma_start3A_2101, %dma_start3A_2102] : memref<32x256xf32, #tpu.memory_space<vmem>> -> memref<1x256xf32, #tpu.memory_space<vmem>>
          %dma_start3A_2104 = arith.constant 0 : i32
          %dma_start3A_2105 = tpu.memref_slice %arg6[%squeeze3A_2100, %dma_start3A_2104] : memref<4096x256xf32, #tpu.memory_space<vmem_shared>> -> memref<1x256xf32, #tpu.memory_space<vmem_shared>>
          %dma_start3A_2106 = arith.constant 31 : i32
          %dma_start3A_2107 = arith.constant 0 : i32
          %dma_start3A_2108 = tpu.memref_slice %arg7[%dma_start3A_2106, %dma_start3A_2107] : memref<32x256xf32, #tpu.memory_space<vmem>> -> memref<1x256xf32, #tpu.memory_space<vmem>>
          %dma_start3A_2109 = arith.constant 0 : i32
          %dma_start3A_2110 = tpu.memref_slice %arg6[%squeeze3A_2100, %dma_start3A_2109] : memref<4096x256xf32, #tpu.memory_space<vmem_shared>> -> memref<1x256xf32, #tpu.memory_space<vmem_shared>>
          tpu.enqueue_dma source(%dma_start3A_2110 : memref<1x256xf32, #tpu.memory_space<vmem_shared>>) target(%dma_start3A_2108 : memref<1x256xf32, #tpu.memory_space<vmem>>) target_semaphore(%arg11 : memref<!tpu.dma_semaphore, #tpu.memory_space<semaphore_mem>>)
        } else {
        }
        %dma_wait3A_1699 = arith.constant 0 : i32
        %dma_wait3A_1700 = arith.constant 0 : i32
        %dma_wait3A_1701 = tpu.memref_slice %arg6[%dma_wait3A_1699, %dma_wait3A_1700] : memref<4096x256xf32, #tpu.memory_space<vmem_shared>> -> memref<32x256xf32, #tpu.memory_space<vmem_shared>>
        %dma_wait3A_1702 = arith.constant 0 : i32
        %dma_wait3A_1703 = arith.constant 0 : i32
        %dma_wait3A_1704 = tpu.memref_slice %arg6[%dma_wait3A_1702, %dma_wait3A_1703] : memref<4096x256xf32, #tpu.memory_space<vmem_shared>> -> memref<32x256xf32, #tpu.memory_space<vmem_shared>>
        tpu.wait_dma2 semaphore(%arg14 : memref<!tpu.dma_semaphore, #tpu.memory_space<semaphore_mem>>) src(%dma_wait3A_1704 : memref<32x256xf32, #tpu.memory_space<vmem_shared>>) dst(%arg10 : memref<32x256xf32, #tpu.memory_space<vmem>>)
        %add3A_1705 = arith.addi %mul3A_32, %add3A_1694 : i32
        %mul3A_1706 = arith.constant 32 : i32
        %mul3A_1707 = arith.muli %add3A_1705, %mul3A_1706 : i32
        %add3A_1708 = arith.addi %mul3A_2, %mul3A_1707 : i32
        %dma_start3A_1709 = arith.constant 0 : i32
        %dma_start3A_1710 = tpu.memref_slice %arg4[%add3A_1708, %dma_start3A_1709] : memref<819200x256xf32, #tpu.memory_space<hbm>> -> memref<32x256xf32, #tpu.memory_space<hbm>>
        %dma_start3A_1711 = arith.constant 0 : i32
        %dma_start3A_1712 = tpu.memref_slice %arg4[%add3A_1708, %dma_start3A_1711] : memref<819200x256xf32, #tpu.memory_space<hbm>> -> memref<32x256xf32, #tpu.memory_space<hbm>>
        tpu.enqueue_dma source(%arg10 : memref<32x256xf32, #tpu.memory_space<vmem>>) target(%dma_start3A_1712 : memref<32x256xf32, #tpu.memory_space<hbm>>) target_semaphore(%arg18 : memref<!tpu.dma_semaphore, #tpu.memory_space<semaphore_mem>>)
      }
      %scan3A_430 = arith.constant 40 : i32
    }
    %scan3A_11 = arith.constant 5 : i32
    %dma_wait3A = arith.constant 0 : i32
    %dma_wait3A_12 = tpu.memref_slice %arg4[%mul3A_2, %dma_wait3A] : memref<819200x256xf32, #tpu.memory_space<hbm>> -> memref<32x256xf32, #tpu.memory_space<hbm>>
    %dma_wait3A_13 = arith.constant 0 : i32
    %dma_wait3A_14 = tpu.memref_slice %arg4[%mul3A_2, %dma_wait3A_13] : memref<819200x256xf32, #tpu.memory_space<hbm>> -> memref<32x256xf32, #tpu.memory_space<hbm>>
    tpu.wait_dma2 semaphore(%arg15 : memref<!tpu.dma_semaphore, #tpu.memory_space<semaphore_mem>>) src(%arg7 : memref<32x256xf32, #tpu.memory_space<vmem>>) dst(%dma_wait3A_14 : memref<32x256xf32, #tpu.memory_space<hbm>>)
    %dma_wait3A_15 = arith.constant 0 : i32
    %dma_wait3A_16 = tpu.memref_slice %arg4[%mul3A_2, %dma_wait3A_15] : memref<819200x256xf32, #tpu.memory_space<hbm>> -> memref<32x256xf32, #tpu.memory_space<hbm>>
    %dma_wait3A_17 = arith.constant 0 : i32
    %dma_wait3A_18 = tpu.memref_slice %arg4[%mul3A_2, %dma_wait3A_17] : memref<819200x256xf32, #tpu.memory_space<hbm>> -> memref<32x256xf32, #tpu.memory_space<hbm>>
    tpu.wait_dma2 semaphore(%arg16 : memref<!tpu.dma_semaphore, #tpu.memory_space<semaphore_mem>>) src(%arg8 : memref<32x256xf32, #tpu.memory_space<vmem>>) dst(%dma_wait3A_18 : memref<32x256xf32, #tpu.memory_space<hbm>>)
    %dma_wait3A_19 = arith.constant 0 : i32
    %dma_wait3A_20 = tpu.memref_slice %arg4[%mul3A_2, %dma_wait3A_19] : memref<819200x256xf32, #tpu.memory_space<hbm>> -> memref<32x256xf32, #tpu.memory_space<hbm>>
    %dma_wait3A_21 = arith.constant 0 : i32
    %dma_wait3A_22 = tpu.memref_slice %arg4[%mul3A_2, %dma_wait3A_21] : memref<819200x256xf32, #tpu.memory_space<hbm>> -> memref<32x256xf32, #tpu.memory_space<hbm>>
    tpu.wait_dma2 semaphore(%arg17 : memref<!tpu.dma_semaphore, #tpu.memory_space<semaphore_mem>>) src(%arg9 : memref<32x256xf32, #tpu.memory_space<vmem>>) dst(%dma_wait3A_22 : memref<32x256xf32, #tpu.memory_space<hbm>>)
    %dma_wait3A_23 = arith.constant 0 : i32
    %dma_wait3A_24 = tpu.memref_slice %arg4[%mul3A_2, %dma_wait3A_23] : memref<819200x256xf32, #tpu.memory_space<hbm>> -> memref<32x256xf32, #tpu.memory_space<hbm>>
    %dma_wait3A_25 = arith.constant 0 : i32
    %dma_wait3A_26 = tpu.memref_slice %arg4[%mul3A_2, %dma_wait3A_25] : memref<819200x256xf32, #tpu.memory_space<hbm>> -> memref<32x256xf32, #tpu.memory_space<hbm>>
    tpu.wait_dma2 semaphore(%arg18 : memref<!tpu.dma_semaphore, #tpu.memory_space<semaphore_mem>>) src(%arg10 : memref<32x256xf32, #tpu.memory_space<vmem>>) dst(%dma_wait3A_26 : memref<32x256xf32, #tpu.memory_space<hbm>>)
    return
  }
}

</mosaic_0001>

<sc_bundles>
// kernel: kernel.3.cloned.1.call-start
scs
__scs_entry_jumppad:
0x0: {  	(pc) =	sbr.rel $0x88, $3  }
0x1: {  	(tag) =	ssettag $0x0;
	lr =	simm.s32 $0x1  }
0x2: {  	[smem:$0x3F9F] =	sst lr;
	_ =	strace $0xD0000000  }
0x3: {  	_ = 	snop  }
0x4: {  	_ = 	snop  }
0x5: {  	_ = 	snop  }
0x6: {  	_ = 	snop  }
0x7: {  	_ = 	snop  }
__scs_overlays_trampoline_lowered:
0x8: {  	[smem:$0x3FAE] =	sst s0  }
0x9: {  	[smem:$0x3FAF] =	sst s1  }
0xa: {  	[smem:$0x3FB0] =	sst s2  }
0xb: {  	[smem:$0x3FB1] =	sst s3  }
0xc: {  	[smem:$0x3FB2] =	sst s4  }
0xd: {  	[smem:$0x3FB3] =	sst s5  }
0xe: {  	[smem:$0x3FB4] =	sst s6  }
0xf: {  	[smem:$0x3FB5] =	sst s7  }
0x10: {  	[smem:$0x3FB6] =	sst s8  }
0x11: {  	[smem:$0x3FB7] =	sst s9;
	s0 =	simm.s32 @!p0 $0x0  }
0x12: {  	s1 =	sld [smem:$0x3F9D];
	s0 =	simm.s32 @p0 $0x1  }
0x13: {  	[smem:$0x3FB8] =	sst s0;
	s0 =	simm.s32 @!p1 $0x0  }
0x14: {  	s2 =	sld [smem:$0x3F9C];
	s0 =	simm.s32 @p1 $0x1  }
0x15: {  	[smem:$0x3FB9] =	sst s0;
	s0 =	simm.s32 @!p2 $0x0  }
0x16: {  	s3 =	sld [smem:$0x3FDB];
	s0 =	simm.s32 @p2 $0x1  }
0x17: {  	s4 =	simm.s32 $0x1BF5;
	[smem:$0x3FBB] =	sst s0  }
0x18: {  	s0 =	sld [smem:$0x3F9E];
	_ =	swait.ge [sflag:s4], $0x0  }
0x19: {  	s7 =	sld [smem:$0x3F9F]  }
0x1a: {  	s8 =	sadd.s32 $0xFFFFE003, lr  }
0x1b: {  	s9 =	sadd.s32 $0xFFFFFEF7, lr;
	s5 =	simm.s32 $0xFFFFFFFF;
	p2 =	slt.u32 s8, $0xFFFFF086  }
0x1c: {  	p1 =	slt.u32 s9, $0xF7A;
	s5 =	simm.s32 @!p2 $0x0  }
0x1d: {  	s5 =	simm.s32 @p1 $0x1;
	p0 =	seq.s32 s7, s2  }
0x1e: {  	s7 =	smul.u32 @!p0 $0xF7A, s2;
	p2 =	seq.s32 @!p0 s5, $0x0  }
0x1f: {  	s9 =	smul.u32 $0xF7A, s1;
	s8 =	simm.s32 @!p0 $0x1BF5;
	p2 =	por !p2, p0  }
0x20: {  	[sflag:s8] =	ssyncset.s32 @!p0 $0xFFFFF086;
	s6 =	sadd.s32 @!p0 s3, s7;
	s7 =	simm.s32 @!p0 $0x108  }
0x21: {  	s3 =	sadd.s32 s3, s9;
	s6 =	sadd.s32 @!p0 $0x88, s6;
	s7 =	simm.s32 @p2 $0x1082  }
0x22: {  	[simem:s7], [sflag:s8] =	dma.local @!p0 [hbm:s6], $0xF7A  }
0x23: {  	s9 =	sor.u32 $0xD0000000, s2;
	s6 =	simm.s32 $0x108;
	_ =	swait.ge @!p0 [sflag:s8], $0x0  }
0x24: {  	s3 =	sadd.s32 $0x88, s3;
	s6 =	simm.s32 @!p1 $0x1082;
	[sflag:s4] =	ssyncset.s32 $0xFFFFF086  }
0x25: {  	[simem:s6], [sflag:s4] =	dma.local [hbm:s3], $0xF7A  }
0x26: {  	[smem:$0x3F9F] =	sst s1;
	(tag) =	ssettag s2;
	_ =	strace s9  }
0x27: {  	s1 =	sld [smem:$0x3FAF]  }
0x28: {  	s2 =	sld [smem:$0x3FB0]  }
0x29: {  	s4 =	sld [smem:$0x3FB2]  }
0x2a: {  	p0 =	seq.s32 s5, $0x0;
	s5 =	sld [smem:$0x3FB3]  }
0x2b: {  	s6 =	sld [smem:$0x3FB4]  }
0x2c: {  	s7 =	sld [smem:$0x3FB5]  }
0x2d: {  	s3 =	simm.s32 $0x108;
	s8 =	sld [smem:$0x3FB6]  }
0x2e: {  	s3 =	simm.s32 @!p0 $0x1082;
	s9 =	sld [smem:$0x3FB7]  }
0x2f: {  	lr =	sadd.s32 s0, s3;
	s0 =	sld [smem:$0x3FAE]  }
0x30: {  	s3 =	sld [smem:$0x3FB1]  }
0x31: {  	[smem:$0x3FBA] =	sst s10  }
0x32: {  	s10 =	sld [smem:$0x3FB8];
	_ =	sdelay $0x3  }
0x33: {  	p0 =	seq.s32 s10, $0x1;
	s10 =	sld [smem:$0x3FBA];
	_ =	sdelay $0x3  }
0x34: {  	[smem:$0x3FBA] =	sst s10  }
0x35: {  	s10 =	sld [smem:$0x3FB9];
	_ =	sdelay $0x3  }
0x36: {  	p1 =	seq.s32 s10, $0x1;
	s10 =	sld [smem:$0x3FBA];
	_ =	sdelay $0x3  }
0x37: {  	[smem:$0x3FBA] =	sst s10  }
0x38: {  	s10 =	sld [smem:$0x3FBB]  }
0x39: {  	_ = 	snop;
	(pc) =	sbr.ind lr, $3  }
0x3a: {  	_ = 	snop  }
0x3b: {  	_ = 	snop  }
0x3c: {  	p2 =	seq.s32 s10, $0x1;
	s10 =	sld [smem:$0x3FBA]  }
0x3d: {  	_ =	shalt  }
0x3e: {  	_ =	shalt  }
0x3f: {  	_ =	shalt  }
0x40: {  	_ =	shalt  }
0x41: {  	_ =	shalt  }
0x42: {  	_ =	shalt  }
0x43: {  	_ =	shalt  }
0x44: {  	_ =	shalt  }
0x45: {  	_ =	shalt  }
0x46: {  	_ =	shalt  }
0x47: {  	_ =	shalt  }
0x48: {  	_ =	shalt  }
0x49: {  	_ =	shalt  }
0x4a: {  	_ =	shalt  }
0x4b: {  	_ =	shalt  }
0x4c: {  	_ =	shalt  }
0x4d: {  	_ =	shalt  }
0x4e: {  	_ =	shalt  }
0x4f: {  	_ =	shalt  }
0x50: {  	_ =	shalt  }
0x51: {  	_ =	shalt  }
0x52: {  	_ =	shalt  }
0x53: {  	_ =	shalt  }
0x54: {  	_ =	shalt  }
0x55: {  	_ =	shalt  }
0x56: {  	_ =	shalt  }
0x57: {  	_ =	shalt  }
0x58: {  	_ =	shalt  }
0x59: {  	_ =	shalt  }
0x5a: {  	_ =	shalt  }
0x5b: {  	_ =	shalt  }
0x5c: {  	_ =	shalt  }
0x5d: {  	_ =	shalt  }
0x5e: {  	_ =	shalt  }
0x5f: {  	_ =	shalt  }
0x60: {  	_ =	shalt  }
0x61: {  	_ =	shalt  }
0x62: {  	_ =	shalt  }
0x63: {  	_ =	shalt  }
0x64: {  	_ =	shalt  }
0x65: {  	_ =	shalt  }
0x66: {  	_ =	shalt  }
0x67: {  	_ =	shalt  }
0x68: {  	_ =	shalt  }
0x69: {  	_ =	shalt  }
0x6a: {  	_ =	shalt  }
0x6b: {  	_ =	shalt  }
0x6c: {  	_ =	shalt  }
0x6d: {  	_ =	shalt  }
0x6e: {  	_ =	shalt  }
0x6f: {  	_ =	shalt  }
0x70: {  	_ =	shalt  }
0x71: {  	_ =	shalt  }
0x72: {  	_ =	shalt  }
0x73: {  	_ =	shalt  }
0x74: {  	_ =	shalt  }
0x75: {  	_ =	shalt  }
0x76: {  	_ =	shalt  }
0x77: {  	_ =	shalt  }
0x78: {  	_ =	shalt  }
0x79: {  	_ =	shalt  }
0x7a: {  	_ =	shalt  }
0x7b: {  	_ =	shalt  }
0x7c: {  	_ =	shalt  }
0x7d: {  	_ =	shalt  }
0x7e: {  	_ =	shalt  }
0x7f: {  	_ =	shalt  }
0x80: {  	_ =	shalt  }
0x81: {  	_ =	shalt  }
0x82: {  	_ =	shalt  }
0x83: {  	_ =	shalt  }
0x84: {  	_ =	shalt  }
0x85: {  	_ =	shalt  }
0x86: {  	_ =	shalt  }
0x87: {  	_ =	shalt  }
.Lfunc_end0:
.L_simem_size_0:
called_computation_lowered:
.L_overlay_start_0:
0x88: {  	s2 =	sld [smem:$0x3FD9]  }
0x89: {  	s3 =	sld [smem:$0x3FFE];
	_ =	sdelay $0x1  }
0x8a: {  	s1 =	srdreg.scid  }
0x8b: {  	s0 =	sand.u32 $0x1, s1  }
0x8c: {  	s17 =	sshll.u32 s0, $0xA;
	s2 =	sadd.s32 s3, s2  }
0x8d: {  	s2 =	sadd.s32 s2, s17  }
0x8e: {  	[smem:$0x3FC6] =	sst s2  }
0x8f: {  	_ = 	snop  }
0x90: {  	s2 =	sld [smem:$0x3FC8]  }
0x91: {  	s18 =	sld [smem:$0x3FD0];
	(tm) =	ssettm $0x1  }
0x92: {  	s4 =	sld [smem:$0x3FFB];
	_ =	sdelay $0x3  }
0x93: {  	_ =	strace s4  }
0x94: {  	s4 =	sld [smem:$0x3FFC];
	_ =	sdelay $0x3  }
0x95: {  	_ =	strace s4  }
0x96: {  	s4 =	sld [smem:$0x3FFD];
	_ =	sdelay $0x3  }
0x97: {  	_ =	strace s4  }
0x98: {  	_ =	strace $0x8FFFFFFF  }
0x99: {  	s19 =	sld [smem:$0x3FDB];
	_ =	sdelay $0x1  }
0x9a: {  	s5 =	simm.s32 $_scs_section_size  }
0x9b: {  	s6 =	simm.s32 $_size__tile_overlayer_lowered;
	s7 =	simm.s32 $_tile_overlayer_lowered  }
0x9c: {  	s22 =	simm.s32 $0x1BFF;
	s21 =	sshll.u32 s7, $0x1;
	s4 =	sadd.s32 s5, s19  }
0x9d: {  	s8 =	simm.s32 $0x0;
	s20 =	sshll.u32 s6, $0x1;
	s6 =	sadd.s32 s21, s4  }
0x9e: {  	[timem:s8], [sflag:s22] =	dma.local [hbm:s6], s20  }
0x9f: {  	_ =	swait.ge [sflag:s22], s20  }
0xa0: {  	s5 =	ssub.s32 $0x0, s20;
	[sflag:s22] =	ssyncset.done $0x0  }
0xa1: {  	[sflag:s22] =	ssyncadd.s32 s5;
	_ =	sdelay $0x1  }
0xa2: {  	s23 =	simm.s32 $0x1B8B  }
0xa3: {  	_ =	swait.ge [sflag:s23], $0x1  }
0xa4: {  	[sflag:s23] =	ssyncset.done $0x0  }
0xa5: {  	s25 =	simm.s32 $0x1B8E;
	s24 =	sld [smem:$0x3FFE];
	[sflag:s23] =	ssyncadd.s32 $0xFFFFFFFF  }
0xa6: {  	s26 =	simm.s32 $execute0_lowered;
	[smem:$0x3FD2] =	sst s25  }
0xa7: {  	s6 =	sshll.u32 s26, $0x1;
	_ =	strace $0x80000046;
	[dreg:$0x1] =	wrdreg $0xFFFFFFFF  }
0xa8: {  	s28 =	simm.s32 $_size_execute0_lowered;
	s4 =	sadd.s32 s4, s6;
	[dreg:$0x0] =	wrdreg $0x0  }
0xa9: {  	s6 =	sshll.u32 s28, $0x1;
	[dreg:$0x2] =	wrdreg s4  }
0xaa: {  	[dreg:$0x3] =	wrdreg s6  }
0xab: {  	[dreg:$0x4] =	wrdreg $0xC0  }
0xac: {  	_ =	task [dreg:s8], $0x5FFFF  }
0xad: {  	[dreg:$0x1] =	wrdreg $0xFFFFFFFF  }
0xae: {  	[dreg:$0x0] =	wrdreg $0x60  }
0xaf: {  	[dreg:$0x2] =	wrdreg s2  }
0xb0: {  	[dreg:$0x3] =	wrdreg s24  }
0xb1: {  	[dreg:$0x4] =	wrdreg s18  }
0xb2: {  	[dreg:$0x5] =	wrdreg $0x50000  }
0xb3: {  	[dreg:$0x6] =	wrdreg $0x9  }
0xb4: {  	_ =	task.clear_ibuf [dreg:s8], $0x7FFFF;
	_ =	strace $0x90000046  }
0xb5: {  	s29 =	simm.s32 $0x9;
	_ =	strace $0x80000048  }
0xb6: {  	_ =	swait.ge [sflag:s29], $0x1  }
0xb7: {  	[sflag:s29] =	ssyncadd.s32 $0xFFFFFFFF  }
0xb8: {  	_ =	strace $0x90000048  }
0xb9: {  	_ =	sfence  }
0xba: {  	s30 =	sld [smem:$0x0];
	_ =	sdelay $0x2  }
0xbb: {  	s31 =	sshll.u32 s1, $0xD;
	s1 =	sshrl.u32 s1, $0x2  }
0xbc: {  	s3 =	sand.u32 $0x4000, s31;
	s1 =	sadd.s32 s1, s30  }
0xbd: {  	s0 =	sor.u32 s3, s0;
	s1 =	sshll.u32 s1, $0x11  }
0xbe: {  	s0 =	sor.u32 s1, s0  }
0xbf: {  	s0 =	sadd.s32 $0x8F2B, s0  }
0xc0: {  	[sflag:s0] =	ssyncadd.remote.s32 $0x1  }
0xc1: {  	_ =	sfence.sel $0xFFFF  }
0xc2: {  	[dreg:$0x0] =	wrdreg $0xFFFFFFFF;
	(pc) =	sbr.abs _section_cstart, $3  }
0xc3: {  	[dreg:$0x1] =	wrdreg $0xFFFFFFFF  }
0xc4: {  	_ =	task.clear_ibuf [dreg:s8], $0x2FFFF;
	_ =	strace $0x9FFFFFFF  }
0xc5: {  	(tm) =	ssettm $0x7FFFFFFF  }
tec
execute0_lowered:
.L_overlay_start_1:
0x0: {  	(tag) =	ssettag $0x1  }
0x1: {  	s0 =	rddreg [dreg:$0x0]  }
0x2: {  	s3 =	rddreg [dreg:$0x1]  }
0x3: {  	s4 =	rddreg [dreg:$0x2]  }
0x4: {  	s1 =	rddreg [dreg:$0x3];
	s2 =	simm.s32 $0x0;
	s5 =	srdreg.scid  }
0x5: {  	s11 =	stileid.u32;
	s15 =	simm.s32 $0x15000;
	s31 =	simm.s32 $0x17400  }
0x6: {  	s13 =	simm.s32 $0x1CA80;
	s12 =	simm.s32 $0x1CB80;
	s14 =	simm.s32 $0x4  }
0x7: {  	s16 =	simm.s32 $0x5;
	s18 =	simm.s32 $0x0;
	[smem:$0x7FF] =	sst s2  }
0x8: {  	s5 =	sand.u32 $0x1, s5;
	s3 =	sadd.s32 $0x400, s3;
	s7 =	smul.u32 $0xC80000, s11  }
0x9: {  	s8 =	sshll.u32 s11, $0x1;
	s9 =	sshll.u32 s11, $0xD;
	s21 =	sshll.u32 s11, $0x10  }
0xa: {  	s22 =	sshll.u32 s11, $0x6;
	s11 =	simm.s32 $0x1CF00;
	_ =	strace $0x80000047  }
0xb: {  	s6 =	ssub.s32 $0x2, s5;
	[dreg:$0x5] =	wrdreg s3;
	s10 =	smul.u32 $0x640000, s5  }
0xc: {  	s5 =	sor.u32 s5, s8;
	s0 =	sadd.s32 s0, s9;
	s8 =	simm.s32 $0x1CE00  }
0xd: {  	s9 =	simm.s32 $0x1CE80;
	s20 =	sshrl.u32 s6, $0x1;
	[dreg:$0x6] =	wrdreg s0  }
0xe: {  	s0 =	sadd.s32 s21, s1;
	s5 =	smul.u32 $0x5, s5;
	s21 =	simm.s32 $0x1B000  }
0xf: {  	s3 =	ssub.s32 s6, s20;
	s7 =	sadd.s32 s10, s7;
	s6 =	sor.u32 $0x1C09, s22  }
0x10: {  	s0 =	sshrl.u32 s0, $0x3;
	s20 =	simm.s32 $0x2;
	[dreg:$0x7] =	wrdreg s6  }
0x11: {  	s10 =	simm.s32 $0x1CB00;
	s23 =	sshrl.u32 s7, $0x3;
	[dreg:$0x8] =	wrdreg s5  }
0x12: {  	s3 =	smax.u32 s3, $0x1;
	s25 =	sor.u32 $0x2000, s7;
	s26 =	sor.u32 $0x4000, s7  }
0x13: {  	s28 =	sor.u32 $0x6000, s7;
	[dreg:$0xe] =	wrdreg s0;
	s7 =	simm.s32 $0x3  }
0x14: {  	[dreg:$0x9] =	wrdreg s3;
	s24 =	sadd.s32 s23, s4;
	s3 =	sshrl.u32 s25, $0x3  }
.Ltmp0:
0x15: {  	s5 =	sshrl.u32 s26, $0x3;
	s6 =	sshrl.u32 s28, $0x3;
	(pc) =	sbr.rel .LBB2_1-.Ltmp0, $4  }
0x16: {  	s23 =	simm.s32 $0x17000;
	[dreg:$0xa] =	wrdreg s24;
	s3 =	sadd.s32 s3, s4  }
0x17: {  	s29 =	sadd.s32 s5, s4;
	s30 =	sadd.s32 s6, s4;
	[dreg:$0xb] =	wrdreg s3  }
0x18: {  	s5 =	simm.s32 $0x1;
	s6 =	simm.s32 $0x19000;
	[dreg:$0xc] =	wrdreg s29  }
0x19: {  	s4 =	simm.s32 $0x1CF80;
	[dreg:$0xd] =	wrdreg s30;
	s3 =	simm.s32 $0x1CA00  }
.LBB2_7:
0x1a: {  	_ =	swait.ge [sflag:s16], $0x2000  }
0x1b: {  	[sflag:s16] =	ssyncset.done $0x0  }
0x1c: {  	s0 =	simm.s32 $0x6;
	[sflag:s16] =	ssyncadd.s32 $0xFFFFE000  }
0x1d: {  	_ =	swait.ge [sflag:s0], $0x2000  }
0x1e: {  	[sflag:s0] =	ssyncset.done $0x0  }
0x1f: {  	s29 =	simm.s32 $0x7;
	[sflag:s0] =	ssyncadd.s32 $0xFFFFE000  }
0x20: {  	_ =	swait.ge [sflag:s29], $0x2000  }
0x21: {  	[sflag:s29] =	ssyncset.done $0x0  }
0x22: {  	s30 =	simm.s32 $0x8;
	[sflag:s29] =	ssyncadd.s32 $0xFFFFE000  }
0x23: {  	_ =	swait.ge [sflag:s30], $0x2000  }
0x24: {  	s18 =	rddreg [dreg:$0xf]  }
0x25: {  	s17 =	rddreg [dreg:$0x9];
	s18 =	sadd.s32 $0x1, s18  }
0x26: {  	p0 =	sne.s32 s18, s17  }
.Ltmp1:
0x27: {  	_ = 	snop;
	(pc) =	sbr.rel @!p0 .LBB2_8-.Ltmp1, $3  }
0x28: {  	_ =	sdelay $0x1  }
0x29: {  	[sflag:s30] =	ssyncset.done $0x0  }
0x2a: {  	[sflag:s30] =	ssyncadd.s32 $0xFFFFE000  }
.LBB2_1:
0x2b: {  	[dreg:$0xf] =	wrdreg s18  }
0x2c: {  	s17 =	rddreg [dreg:$0x6]  }
0x2d: {  	s29 =	rddreg [dreg:$0x7]  }
0x2e: {  	s19 =	rddreg [dreg:$0xe];
	s30 =	simm.s32 $0x9  }
0x2f: {  	[spmem:s19], [sflag:s29] =	dma.local [hbm:s17], $0x2000  }
0x30: {  	_ =	swait.ge [sflag:s30], $0x2000  }
0x31: {  	[sflag:s30] =	ssyncset.done $0x0  }
0x32: {  	[sflag:s30] =	ssyncadd.s32 $0xFFFFE000  }
.Ltmp2:
0x33: {  	[bflag:$0x0] =	sbarrier.arrive $0xFFFF;
	(pc) =	sbr.rel .LBB2_2-.Ltmp2, $4  }
0x34: {  	s17 =	rddreg [dreg:$0xd]  }
0x35: {  	s18 =	rddreg [dreg:$0xc]  }
0x36: {  	s19 =	rddreg [dreg:$0xb]  }
0x37: {  	s24 =	simm.s32 $0x0;
	s22 =	rddreg [dreg:$0xa]  }
.LBB2_6:
0x38: {  	s24 =	sadd.s32 $0x1, s24  }
0x39: {  	p0 =	sne.s32 s24, $0x5  }
.Ltmp3:
0x3a: {  	_ = 	snop;
	(pc) =	sbr.rel @!p0 .LBB2_7-.Ltmp3, $3  }
0x3b: {  	_ =	sdelay $0x1  }
0x3c: {  	s22 =	sadd.s32 $0x28000, s22  }
0x3d: {  	s19 =	sadd.s32 $0x28000, s19;
	s18 =	sadd.s32 $0x28000, s18;
	s17 =	sadd.s32 $0x28000, s17  }
.LBB2_2:
0x3e: {  	s25 =	rddreg [dreg:$0x8]  }
0x3f: {  	s25 =	sadd.s32 s25, s24  }
0x40: {  	s25 =	smul.u32 $0xA00, s25  }
0x41: {  	s26 =	rddreg [dreg:$0x5]  }
0x42: {  	s30 =	simm.s32 $0x9;
	s25 =	sadd.s32 s26, s25  }
0x43: {  	[tilespmem:s2], [sflag:$0x9] =	stream.linear.gather [hbm4b:s25+s2], $0x5000, $0x38;
	[tilespmem:$0x1D000] =	vst v63  }
0x44: {  	_ =	swait.ge [sflag:s30], $0x5000  }
0x45: {  	p0 =	seq.s32 s24, $0x0;
	[sflag:s30] =	ssyncset.done $0x0  }
0x46: {  	s25 =	simm.s32 @!p0 $0x5;
	[sflag:s30] =	ssyncadd.s32 $0xFFFFB000  }
0x47: {  	_ =	swait.ge @!p0 [sflag:s25], $0x2000  }
0x48: {  	[sflag:s25] =	ssyncset.done @!p0 $0x0  }
0x49: {  	[sflag:s25] =	ssyncadd.s32 @!p0 $0xFFFFE000  }
0x4a: {  	v0 =	vld [tilespmem:$0x0];
	_ =	sdelay $0x4  }
0x4b: {  	(v2sf) =	vpush v0, $0x0;
	_ =	sdelay $0x6  }
0x4c: {  	(v2sf) =	vpush v0, $0x1;
	_ =	sdelay $0x7  }
0x4d: {  	s0 =	spop (v2sf);
	(v2sf) =	vpush v0, $0x2;
	_ =	sdelay $0x3  }
0x4e: {  	s29 =	sshll.u32 s0, $0x8;
	(v2sf) =	vpush v0, $0x3  }
0x4f: {  	s25 =	sshll.u32 s0, $0x7;
	s26 =	sand.u32 $0xFFFFF800, s29  }
0x50: {  	s25 =	sand.u32 $0x380, s25;
	s26 =	sadd.s32 s26, s1  }
0x51: {  	s0 =	spop (v2sf);
	s25 =	sadd.s32 s25, s26  }
0x52: {  	[tilespmem:s15], [sflag:$0x1] =	stream.linear.gather [spmem:s25], $0x80, $0x38;
	[tilespmem:$0x1D000] =	vst v63  }
0x53: {  	s30 =	simm.s32 $0x15400;
	s29 =	sshll.u32 s0, $0x8;
	s25 =	sadd.s32 $0x400, s25  }
0x54: {  	[tilespmem:s30], [sflag:$0x1] =	stream.linear.gather [spmem:s25], $0x80, $0x38;
	[tilespmem:$0x1D000] =	vst v63  }
0x55: {  	s26 =	sand.u32 $0xFFFFF800, s29;
	s25 =	sshll.u32 s0, $0x7  }
0x56: {  	s26 =	sadd.s32 s26, s1;
	s25 =	sand.u32 $0x380, s25  }
0x57: {  	s30 =	simm.s32 $0x15080;
	s25 =	sadd.s32 s25, s26  }
0x58: {  	[tilespmem:s30], [sflag:$0x1] =	stream.linear.gather [spmem:s25], $0x80, $0x38;
	[tilespmem:$0x1D000] =	vst v63  }
0x59: {  	s29 =	spop (v2sf);
	(v2sf) =	vpush v0, $0x4  }
0x5a: {  	s0 =	simm.s32 $0x15480;
	s25 =	sadd.s32 $0x400, s25  }
0x5b: {  	[tilespmem:s0], [sflag:$0x1] =	stream.linear.gather [spmem:s25], $0x80, $0x38;
	[tilespmem:$0x1D000] =	vst v63  }
0x5c: {  	s30 =	sshll.u32 s29, $0x8  }
0x5d: {  	s26 =	sand.u32 $0xFFFFF800, s30;
	s30 =	spop (v2sf);
	(v2sf) =	vpush v0, $0x5  }
0x5e: {  	s25 =	sshll.u32 s29, $0x7  }
0x5f: {  	s25 =	sand.u32 $0x380, s25;
	s26 =	sadd.s32 s26, s1  }
0x60: {  	s0 =	simm.s32 $0x15100;
	s25 =	sadd.s32 s25, s26  }
0x61: {  	[tilespmem:s0], [sflag:$0x1] =	stream.linear.gather [spmem:s25], $0x80, $0x38;
	[tilespmem:$0x1D000] =	vst v63  }
0x62: {  	s29 =	simm.s32 $0x15500;
	s25 =	sadd.s32 $0x400, s25;
	s0 =	sshll.u32 s30, $0x8  }
0x63: {  	[tilespmem:s29], [sflag:$0x1] =	stream.linear.gather [spmem:s25], $0x80, $0x38;
	[tilespmem:$0x1D000] =	vst v63  }
0x64: {  	s26 =	sand.u32 $0xFFFFF800, s0;
	s25 =	sshll.u32 s30, $0x7  }
0x65: {  	s26 =	sadd.s32 s26, s1;
	s25 =	sand.u32 $0x380, s25  }
0x66: {  	s29 =	simm.s32 $0x15180;
	s25 =	sadd.s32 s25, s26  }
0x67: {  	[tilespmem:s29], [sflag:$0x1] =	stream.linear.gather [spmem:s25], $0x80, $0x38;
	[tilespmem:$0x1D000] =	vst v63  }
0x68: {  	s0 =	spop (v2sf);
	(v2sf) =	vpush v0, $0x6  }
0x69: {  	s30 =	simm.s32 $0x15580;
	s25 =	sadd.s32 $0x400, s25  }
0x6a: {  	[tilespmem:s30], [sflag:$0x1] =	stream.linear.gather [spmem:s25], $0x80, $0x38;
	[tilespmem:$0x1D000] =	vst v63  }
0x6b: {  	s29 =	sshll.u32 s0, $0x8  }
0x6c: {  	s26 =	sand.u32 $0xFFFFF800, s29;
	s29 =	spop (v2sf);
	(v2sf) =	vpush v0, $0x7  }
0x6d: {  	s25 =	sshll.u32 s0, $0x7  }
0x6e: {  	s25 =	sand.u32 $0x380, s25;
	s26 =	sadd.s32 s26, s1  }
0x6f: {  	s30 =	simm.s32 $0x15200;
	s25 =	sadd.s32 s25, s26  }
0x70: {  	[tilespmem:s30], [sflag:$0x1] =	stream.linear.gather [spmem:s25], $0x80, $0x38;
	[tilespmem:$0x1D000] =	vst v63  }
0x71: {  	s0 =	simm.s32 $0x15600;
	s25 =	sadd.s32 $0x400, s25;
	s30 =	sshll.u32 s29, $0x8  }
0x72: {  	[tilespmem:s0], [sflag:$0x1] =	stream.linear.gather [spmem:s25], $0x80, $0x38;
	[tilespmem:$0x1D000] =	vst v63  }
0x73: {  	s26 =	sand.u32 $0xFFFFF800, s30;
	s25 =	sshll.u32 s29, $0x7  }
0x74: {  	s26 =	sadd.s32 s26, s1;
	s25 =	sand.u32 $0x380, s25  }
0x75: {  	s0 =	simm.s32 $0x15280;
	s25 =	sadd.s32 s25, s26  }
0x76: {  	[tilespmem:s0], [sflag:$0x1] =	stream.linear.gather [spmem:s25], $0x80, $0x38;
	[tilespmem:$0x1D000] =	vst v63  }
0x77: {  	s30 =	spop (v2sf);
	(v2sf) =	vpush v0, $0x8  }
0x78: {  	s29 =	simm.s32 $0x15680;
	s25 =	sadd.s32 $0x400, s25  }
0x79: {  	[tilespmem:s29], [sflag:$0x1] =	stream.linear.gather [spmem:s25], $0x80, $0x38;
	[tilespmem:$0x1D000] =	vst v63  }
0x7a: {  	s0 =	sshll.u32 s30, $0x8  }
0x7b: {  	s26 =	sand.u32 $0xFFFFF800, s0;
	s0 =	spop (v2sf);
	(v2sf) =	vpush v0, $0x9  }
0x7c: {  	s25 =	sshll.u32 s30, $0x7  }
0x7d: {  	s25 =	sand.u32 $0x380, s25;
	s26 =	sadd.s32 s26, s1  }
0x7e: {  	s29 =	simm.s32 $0x15300;
	s25 =	sadd.s32 s25, s26  }
0x7f: {  	[tilespmem:s29], [sflag:$0x1] =	stream.linear.gather [spmem:s25], $0x80, $0x38;
	[tilespmem:$0x1D000] =	vst v63  }
0x80: {  	s30 =	simm.s32 $0x15700;
	s25 =	sadd.s32 $0x400, s25;
	s29 =	sshll.u32 s0, $0x8  }
0x81: {  	[tilespmem:s30], [sflag:$0x1] =	stream.linear.gather [spmem:s25], $0x80, $0x38;
	[tilespmem:$0x1D000] =	vst v63  }
0x82: {  	s26 =	sand.u32 $0xFFFFF800, s29;
	s25 =	sshll.u32 s0, $0x7  }
0x83: {  	s26 =	sadd.s32 s26, s1;
	s25 =	sand.u32 $0x380, s25  }
0x84: {  	s30 =	simm.s32 $0x15380;
	s25 =	sadd.s32 s25, s26  }
0x85: {  	[tilespmem:s30], [sflag:$0x1] =	stream.linear.gather [spmem:s25], $0x80, $0x38;
	[tilespmem:$0x1D000] =	vst v63  }
0x86: {  	s29 =	spop (v2sf);
	(v2sf) =	vpush v0, $0xA  }
0x87: {  	s0 =	simm.s32 $0x15780;
	s25 =	sadd.s32 $0x400, s25  }
0x88: {  	[tilespmem:s0], [sflag:$0x1] =	stream.linear.gather [spmem:s25], $0x80, $0x38;
	[tilespmem:$0x1D000] =	vst v63  }
0x89: {  	s30 =	sshll.u32 s29, $0x8  }
0x8a: {  	s26 =	sand.u32 $0xFFFFF800, s30;
	s30 =	spop (v2sf);
	(v2sf) =	vpush v0, $0xB  }
0x8b: {  	s25 =	sshll.u32 s29, $0x7  }
0x8c: {  	s25 =	sand.u32 $0x380, s25;
	s26 =	sadd.s32 s26, s1  }
0x8d: {  	s0 =	simm.s32 $0x15800;
	s25 =	sadd.s32 s25, s26  }
0x8e: {  	[tilespmem:s0], [sflag:$0x1] =	stream.linear.gather [spmem:s25], $0x80, $0x38;
	[tilespmem:$0x1D000] =	vst v63  }
0x8f: {  	s29 =	simm.s32 $0x15C00;
	s25 =	sadd.s32 $0x400, s25;
	s0 =	sshll.u32 s30, $0x8  }
0x90: {  	[tilespmem:s29], [sflag:$0x1] =	stream.linear.gather [spmem:s25], $0x80, $0x38;
	[tilespmem:$0x1D000] =	vst v63  }
0x91: {  	s26 =	sand.u32 $0xFFFFF800, s0;
	s25 =	sshll.u32 s30, $0x7  }
0x92: {  	s26 =	sadd.s32 s26, s1;
	s25 =	sand.u32 $0x380, s25  }
0x93: {  	s29 =	simm.s32 $0x15880;
	s25 =	sadd.s32 s25, s26  }
0x94: {  	[tilespmem:s29], [sflag:$0x1] =	stream.linear.gather [spmem:s25], $0x80, $0x38;
	[tilespmem:$0x1D000] =	vst v63  }
0x95: {  	s0 =	spop (v2sf);
	(v2sf) =	vpush v0, $0xC  }
0x96: {  	s30 =	simm.s32 $0x15C80;
	s25 =	sadd.s32 $0x400, s25  }
0x97: {  	[tilespmem:s30], [sflag:$0x1] =	stream.linear.gather [spmem:s25], $0x80, $0x38;
	[tilespmem:$0x1D000] =	vst v63  }
0x98: {  	s29 =	sshll.u32 s0, $0x8  }
0x99: {  	s26 =	sand.u32 $0xFFFFF800, s29;
	s29 =	spop (v2sf);
	(v2sf) =	vpush v0, $0xD  }
0x9a: {  	s25 =	sshll.u32 s0, $0x7  }
0x9b: {  	s25 =	sand.u32 $0x380, s25;
	s26 =	sadd.s32 s26, s1  }
0x9c: {  	s30 =	simm.s32 $0x15900;
	s25 =	sadd.s32 s25, s26  }
0x9d: {  	[tilespmem:s30], [sflag:$0x1] =	stream.linear.gather [spmem:s25], $0x80, $0x38;
	[tilespmem:$0x1D000] =	vst v63  }
0x9e: {  	s0 =	simm.s32 $0x15D00;
	s25 =	sadd.s32 $0x400, s25;
	s30 =	sshll.u32 s29, $0x8  }
0x9f: {  	[tilespmem:s0], [sflag:$0x1] =	stream.linear.gather [spmem:s25], $0x80, $0x38;
	[tilespmem:$0x1D000] =	vst v63  }
0xa0: {  	s26 =	sand.u32 $0xFFFFF800, s30;
	s25 =	sshll.u32 s29, $0x7  }
0xa1: {  	s26 =	sadd.s32 s26, s1;
	s25 =	sand.u32 $0x380, s25  }
0xa2: {  	s0 =	simm.s32 $0x15980;
	s25 =	sadd.s32 s25, s26  }
0xa3: {  	[tilespmem:s0], [sflag:$0x1] =	stream.linear.gather [spmem:s25], $0x80, $0x38;
	[tilespmem:$0x1D000] =	vst v63  }
0xa4: {  	s29 =	simm.s32 $0x15D80;
	s25 =	sadd.s32 $0x400, s25;
	s30 =	spop (v2sf);
	(v2sf) =	vpush v0, $0xE  }
0xa5: {  	[tilespmem:s29], [sflag:$0x1] =	stream.linear.gather [spmem:s25], $0x80, $0x38;
	[tilespmem:$0x1D000] =	vst v63  }
0xa6: {  	s0 =	sshll.u32 s30, $0x8  }
0xa7: {  	s25 =	sshll.u32 s30, $0x7;
	s26 =	sand.u32 $0xFFFFF800, s0  }
0xa8: {  	s25 =	sand.u32 $0x380, s25;
	s0 =	spop (v2sf);
	(v2sf) =	vpush v0, $0xF;
	s26 =	sadd.s32 s26, s1  }
0xa9: {  	s29 =	simm.s32 $0x15A00;
	s25 =	sadd.s32 s25, s26  }
0xaa: {  	[tilespmem:s29], [sflag:$0x1] =	stream.linear.gather [spmem:s25], $0x80, $0x38;
	[tilespmem:$0x1D000] =	vst v63  }
0xab: {  	s30 =	simm.s32 $0x15E00;
	s25 =	sadd.s32 $0x400, s25;
	s29 =	sshll.u32 s0, $0x8  }
0xac: {  	[tilespmem:s30], [sflag:$0x1] =	stream.linear.gather [spmem:s25], $0x80, $0x38;
	[tilespmem:$0x1D000] =	vst v63  }
0xad: {  	s26 =	sand.u32 $0xFFFFF800, s29;
	s25 =	sshll.u32 s0, $0x7  }
0xae: {  	s26 =	sadd.s32 s26, s1;
	s25 =	sand.u32 $0x380, s25  }
0xaf: {  	s30 =	simm.s32 $0x15A80;
	s25 =	sadd.s32 s25, s26  }
0xb0: {  	[tilespmem:s30], [sflag:$0x1] =	stream.linear.gather [spmem:s25], $0x80, $0x38;
	[tilespmem:$0x1D000] =	vst v63  }
0xb1: {  	s0 =	simm.s32 $0x15E80;
	s25 =	sadd.s32 $0x400, s25  }
0xb2: {  	[tilespmem:s0], [sflag:$0x1] =	stream.linear.gather [spmem:s25], $0x80, $0x38;
	[tilespmem:$0x1D000] =	vst v63  }
0xb3: {  	s29 =	spop (v2sf)  }
0xb4: {  	s30 =	sshll.u32 s29, $0x8  }
0xb5: {  	s25 =	sshll.u32 s29, $0x7;
	s26 =	sand.u32 $0xFFFFF800, s30  }
0xb6: {  	s25 =	sand.u32 $0x380, s25;
	s26 =	sadd.s32 s26, s1  }
0xb7: {  	s0 =	simm.s32 $0x15B00;
	s30 =	spop (v2sf);
	s25 =	sadd.s32 s25, s26  }
0xb8: {  	[tilespmem:s0], [sflag:$0x1] =	stream.linear.gather [spmem:s25], $0x80, $0x38;
	[tilespmem:$0x1D000] =	vst v63  }
0xb9: {  	s29 =	simm.s32 $0x15F00;
	s25 =	sadd.s32 $0x400, s25;
	s0 =	sshll.u32 s30, $0x8  }
0xba: {  	[tilespmem:s29], [sflag:$0x1] =	stream.linear.gather [spmem:s25], $0x80, $0x38;
	[tilespmem:$0x1D000] =	vst v63  }
0xbb: {  	s26 =	sand.u32 $0xFFFFF800, s0;
	s25 =	sshll.u32 s30, $0x7  }
0xbc: {  	s26 =	sadd.s32 s26, s1;
	s25 =	sand.u32 $0x380, s25  }
0xbd: {  	s29 =	simm.s32 $0x15B80;
	s25 =	sadd.s32 s25, s26  }
0xbe: {  	[tilespmem:s29], [sflag:$0x1] =	stream.linear.gather [spmem:s25], $0x80, $0x38;
	[tilespmem:$0x1D000] =	vst v63  }
0xbf: {  	s30 =	simm.s32 $0x15F80;
	s25 =	sadd.s32 $0x400, s25  }
0xc0: {  	[tilespmem:s30], [sflag:$0x1] =	stream.linear.gather [spmem:s25], $0x80, $0x38;
	[tilespmem:$0x1D000] =	vst v63  }
0xc1: {  	v63 =	vld [tilespmem:$0x10];
	_ =	sdelay $0x4  }
0xc2: {  	(v2sf) =	vpush v63, $0x0;
	_ =	sdelay $0x3  }
0xc3: {  	(v2sf) =	vpush v63, $0x1;
	_ =	sdelay $0x5  }
0xc4: {  	(v2sf) =	vpush v63, $0x2;
	_ =	sdelay $0x4  }
0xc5: {  	s0 =	spop (v2sf);
	(v2sf) =	vpush v63, $0x3  }
0xc6: {  	s29 =	sshll.u32 s0, $0x8  }
0xc7: {  	s25 =	sshll.u32 s0, $0x7;
	s26 =	sand.u32 $0xFFFFF800, s29  }
0xc8: {  	s25 =	sand.u32 $0x380, s25;
	s26 =	sadd.s32 s26, s1  }
0xc9: {  	s30 =	simm.s32 $0x16000;
	s29 =	spop (v2sf);
	s25 =	sadd.s32 s25, s26  }
0xca: {  	(v2sf) =	vpush v63, $0x4;
	[tilespmem:s30], [sflag:$0x1] =	stream.linear.gather [spmem:s25], $0x80, $0x38;
	[tilespmem:$0x1D000] =	vst v63  }
0xcb: {  	s0 =	simm.s32 $0x16400;
	s25 =	sadd.s32 $0x400, s25;
	s30 =	sshll.u32 s29, $0x8  }
0xcc: {  	[tilespmem:s0], [sflag:$0x1] =	stream.linear.gather [spmem:s25], $0x80, $0x38;
	[tilespmem:$0x1D000] =	vst v63  }
0xcd: {  	s26 =	sand.u32 $0xFFFFF800, s30;
	s25 =	sshll.u32 s29, $0x7  }
0xce: {  	s26 =	sadd.s32 s26, s1;
	s25 =	sand.u32 $0x380, s25  }
0xcf: {  	s0 =	simm.s32 $0x16080;
	s29 =	spop (v2sf);
	s25 =	sadd.s32 s25, s26  }
0xd0: {  	[tilespmem:s0], [sflag:$0x1] =	stream.linear.gather [spmem:s25], $0x80, $0x38;
	[tilespmem:$0x1D000] =	vst v63  }
0xd1: {  	s28 =	simm.s32 $0x16480;
	s30 =	sshll.u32 s29, $0x8;
	s25 =	sadd.s32 $0x400, s25  }
0xd2: {  	[tilespmem:s28], [sflag:$0x1] =	stream.linear.gather [spmem:s25], $0x80, $0x38;
	[tilespmem:$0x1D000] =	vst v63  }
0xd3: {  	s26 =	sshll.u32 s29, $0x7;
	s25 =	sand.u32 $0xFFFFF800, s30  }
0xd4: {  	s26 =	sand.u32 $0x380, s26;
	s25 =	sadd.s32 s25, s1;
	s30 =	spop (v2sf);
	(v2sf) =	vpush v63, $0x5  }
0xd5: {  	s0 =	simm.s32 $0x16100;
	s25 =	sadd.s32 s26, s25  }
0xd6: {  	[tilespmem:s0], [sflag:$0x1] =	stream.linear.gather [spmem:s25], $0x80, $0x38;
	[tilespmem:$0x1D000] =	vst v63  }
0xd7: {  	s29 =	simm.s32 $0x16500;
	s25 =	sadd.s32 $0x400, s25  }
0xd8: {  	[tilespmem:s29], [sflag:$0x1] =	stream.linear.gather [spmem:s25], $0x80, $0x38;
	[tilespmem:$0x1D000] =	vst v63  }
0xd9: {  	s0 =	sshll.u32 s30, $0x8;
	s25 =	sshll.u32 s30, $0x7;
	s30 =	spop (v2sf);
	(v2sf) =	vpush v63, $0x6  }
0xda: {  	_ =	sdelay $0x1  }
0xdb: {  	s26 =	sand.u32 $0xFFFFF800, s0  }
0xdc: {  	s25 =	sand.u32 $0x380, s25;
	s26 =	sadd.s32 s26, s1  }
0xdd: {  	s29 =	simm.s32 $0x16180;
	s25 =	sadd.s32 s25, s26  }
0xde: {  	[tilespmem:s29], [sflag:$0x1] =	stream.linear.gather [spmem:s25], $0x80, $0x38;
	[tilespmem:$0x1D000] =	vst v63  }
0xdf: {  	s28 =	simm.s32 $0x16580;
	s0 =	sshll.u32 s30, $0x8;
	s25 =	sadd.s32 $0x400, s25  }
0xe0: {  	[tilespmem:s28], [sflag:$0x1] =	stream.linear.gather [spmem:s25], $0x80, $0x38;
	[tilespmem:$0x1D000] =	vst v63  }
0xe1: {  	s26 =	sshll.u32 s30, $0x7;
	s25 =	sand.u32 $0xFFFFF800, s0  }
0xe2: {  	s26 =	sand.u32 $0x380, s26;
	s25 =	sadd.s32 s25, s1;
	s0 =	spop (v2sf);
	(v2sf) =	vpush v63, $0x7  }
0xe3: {  	s29 =	simm.s32 $0x16200;
	s25 =	sadd.s32 s26, s25  }
0xe4: {  	[tilespmem:s29], [sflag:$0x1] =	stream.linear.gather [spmem:s25], $0x80, $0x38;
	[tilespmem:$0x1D000] =	vst v63  }
0xe5: {  	s30 =	simm.s32 $0x16600;
	s25 =	sadd.s32 $0x400, s25  }
0xe6: {  	[tilespmem:s30], [sflag:$0x1] =	stream.linear.gather [spmem:s25], $0x80, $0x38;
	[tilespmem:$0x1D000] =	vst v63  }
0xe7: {  	s29 =	sshll.u32 s0, $0x8;
	s25 =	sshll.u32 s0, $0x7;
	s0 =	spop (v2sf);
	(v2sf) =	vpush v63, $0x8  }
0xe8: {  	_ =	sdelay $0x1  }
0xe9: {  	s26 =	sand.u32 $0xFFFFF800, s29  }
0xea: {  	s25 =	sand.u32 $0x380, s25;
	s26 =	sadd.s32 s26, s1  }
0xeb: {  	s30 =	simm.s32 $0x16280;
	s25 =	sadd.s32 s25, s26  }
0xec: {  	[tilespmem:s30], [sflag:$0x1] =	stream.linear.gather [spmem:s25], $0x80, $0x38;
	[tilespmem:$0x1D000] =	vst v63  }
0xed: {  	s28 =	simm.s32 $0x16680;
	s29 =	sshll.u32 s0, $0x8;
	s25 =	sadd.s32 $0x400, s25  }
0xee: {  	[tilespmem:s28], [sflag:$0x1] =	stream.linear.gather [spmem:s25], $0x80, $0x38;
	[tilespmem:$0x1D000] =	vst v63  }
0xef: {  	s26 =	sshll.u32 s0, $0x7;
	s25 =	sand.u32 $0xFFFFF800, s29  }
0xf0: {  	s26 =	sand.u32 $0x380, s26;
	s25 =	sadd.s32 s25, s1;
	s29 =	spop (v2sf);
	(v2sf) =	vpush v63, $0x9  }
0xf1: {  	s30 =	simm.s32 $0x16300;
	s25 =	sadd.s32 s26, s25  }
0xf2: {  	[tilespmem:s30], [sflag:$0x1] =	stream.linear.gather [spmem:s25], $0x80, $0x38;
	[tilespmem:$0x1D000] =	vst v63  }
0xf3: {  	s0 =	simm.s32 $0x16700;
	s25 =	sadd.s32 $0x400, s25  }
0xf4: {  	[tilespmem:s0], [sflag:$0x1] =	stream.linear.gather [spmem:s25], $0x80, $0x38;
	[tilespmem:$0x1D000] =	vst v63  }
0xf5: {  	s30 =	sshll.u32 s29, $0x8;
	s25 =	sshll.u32 s29, $0x7;
	s29 =	spop (v2sf);
	(v2sf) =	vpush v63, $0xA  }
0xf6: {  	_ =	sdelay $0x1  }
0xf7: {  	s26 =	sand.u32 $0xFFFFF800, s30  }
0xf8: {  	s25 =	sand.u32 $0x380, s25;
	s26 =	sadd.s32 s26, s1  }
0xf9: {  	s0 =	simm.s32 $0x16380;
	s25 =	sadd.s32 s25, s26  }
0xfa: {  	[tilespmem:s0], [sflag:$0x1] =	stream.linear.gather [spmem:s25], $0x80, $0x38;
	[tilespmem:$0x1D000] =	vst v63  }
0xfb: {  	s28 =	simm.s32 $0x16780;
	s30 =	sshll.u32 s29, $0x8;
	s25 =	sadd.s32 $0x400, s25  }
0xfc: {  	[tilespmem:s28], [sflag:$0x1] =	stream.linear.gather [spmem:s25], $0x80, $0x38;
	[tilespmem:$0x1D000] =	vst v63  }
0xfd: {  	s26 =	sshll.u32 s29, $0x7;
	s25 =	sand.u32 $0xFFFFF800, s30  }
0xfe: {  	s26 =	sand.u32 $0x380, s26;
	s25 =	sadd.s32 s25, s1;
	s30 =	spop (v2sf);
	(v2sf) =	vpush v63, $0xB  }
0xff: {  	s0 =	simm.s32 $0x16800;
	s25 =	sadd.s32 s26, s25  }
0x100: {  	[tilespmem:s0], [sflag:$0x1] =	stream.linear.gather [spmem:s25], $0x80, $0x38;
	[tilespmem:$0x1D000] =	vst v63  }
0x101: {  	s29 =	simm.s32 $0x16C00;
	s25 =	sadd.s32 $0x400, s25  }
0x102: {  	[tilespmem:s29], [sflag:$0x1] =	stream.linear.gather [spmem:s25], $0x80, $0x38;
	[tilespmem:$0x1D000] =	vst v63  }
0x103: {  	s0 =	sshll.u32 s30, $0x8;
	s25 =	sshll.u32 s30, $0x7;
	s30 =	spop (v2sf);
	(v2sf) =	vpush v63, $0xC  }
0x104: {  	_ = 	snop  }
0x105: {  	s26 =	sand.u32 $0xFFFFF800, s0  }
0x106: {  	s25 =	sand.u32 $0x380, s25;
	s26 =	sadd.s32 s26, s1  }
0x107: {  	s29 =	simm.s32 $0x16880;
	s25 =	sadd.s32 s25, s26  }
0x108: {  	[tilespmem:s29], [sflag:$0x1] =	stream.linear.gather [spmem:s25], $0x80, $0x38;
	[tilespmem:$0x1D000] =	vst v63  }
0x109: {  	s28 =	simm.s32 $0x16C80;
	s0 =	sshll.u32 s30, $0x8;
	s25 =	sadd.s32 $0x400, s25  }
0x10a: {  	[tilespmem:s28], [sflag:$0x1] =	stream.linear.gather [spmem:s25], $0x80, $0x38;
	[tilespmem:$0x1D000] =	vst v63  }
0x10b: {  	s26 =	sshll.u32 s30, $0x7;
	s25 =	sand.u32 $0xFFFFF800, s0  }
0x10c: {  	s26 =	sand.u32 $0x380, s26;
	s25 =	sadd.s32 s25, s1  }
0x10d: {  	s29 =	simm.s32 $0x16900;
	s25 =	sadd.s32 s26, s25;
	s0 =	spop (v2sf);
	(v2sf) =	vpush v63, $0xD  }
0x10e: {  	[tilespmem:s29], [sflag:$0x1] =	stream.linear.gather [spmem:s25], $0x80, $0x38;
	[tilespmem:$0x1D000] =	vst v63  }
0x10f: {  	s30 =	simm.s32 $0x16D00;
	s25 =	sadd.s32 $0x400, s25  }
0x110: {  	[tilespmem:s30], [sflag:$0x1] =	stream.linear.gather [spmem:s25], $0x80, $0x38;
	[tilespmem:$0x1D000] =	vst v63  }
0x111: {  	s29 =	sshll.u32 s0, $0x8  }
0x112: {  	s25 =	sshll.u32 s0, $0x7;
	s26 =	sand.u32 $0xFFFFF800, s29;
	s0 =	spop (v2sf);
	(v2sf) =	vpush v63, $0xE  }
0x113: {  	s25 =	sand.u32 $0x380, s25;
	s26 =	sadd.s32 s26, s1  }
0x114: {  	s30 =	simm.s32 $0x16980;
	s25 =	sadd.s32 s25, s26  }
0x115: {  	[tilespmem:s30], [sflag:$0x1] =	stream.linear.gather [spmem:s25], $0x80, $0x38;
	[tilespmem:$0x1D000] =	vst v63  }
0x116: {  	s28 =	simm.s32 $0x16D80;
	s29 =	sshll.u32 s0, $0x8;
	s25 =	sadd.s32 $0x400, s25  }
0x117: {  	[tilespmem:s28], [sflag:$0x1] =	stream.linear.gather [spmem:s25], $0x80, $0x38;
	[tilespmem:$0x1D000] =	vst v63  }
0x118: {  	s26 =	sshll.u32 s0, $0x7;
	s25 =	sand.u32 $0xFFFFF800, s29  }
0x119: {  	s26 =	sand.u32 $0x380, s26;
	s25 =	sadd.s32 s25, s1  }
0x11a: {  	s30 =	simm.s32 $0x16A00;
	s25 =	sadd.s32 s26, s25  }
0x11b: {  	[tilespmem:s30], [sflag:$0x1] =	stream.linear.gather [spmem:s25], $0x80, $0x38;
	[tilespmem:$0x1D000] =	vst v63  }
0x11c: {  	s0 =	simm.s32 $0x16E00;
	s25 =	sadd.s32 $0x400, s25;
	s29 =	spop (v2sf);
	(v2sf) =	vpush v63, $0xF  }
0x11d: {  	[tilespmem:s0], [sflag:$0x1] =	stream.linear.gather [spmem:s25], $0x80, $0x38;
	[tilespmem:$0x1D000] =	vst v63  }
0x11e: {  	s30 =	sshll.u32 s29, $0x8  }
0x11f: {  	s25 =	sshll.u32 s29, $0x7;
	s26 =	sand.u32 $0xFFFFF800, s30  }
0x120: {  	s25 =	sand.u32 $0x380, s25;
	s26 =	sadd.s32 s26, s1  }
0x121: {  	s0 =	simm.s32 $0x16A80;
	s29 =	spop (v2sf);
	s25 =	sadd.s32 s25, s26  }
0x122: {  	[tilespmem:s0], [sflag:$0x1] =	stream.linear.gather [spmem:s25], $0x80, $0x38;
	[tilespmem:$0x1D000] =	vst v63  }
0x123: {  	s28 =	simm.s32 $0x16E80;
	s30 =	sshll.u32 s29, $0x8;
	s25 =	sadd.s32 $0x400, s25  }
0x124: {  	[tilespmem:s28], [sflag:$0x1] =	stream.linear.gather [spmem:s25], $0x80, $0x38;
	[tilespmem:$0x1D000] =	vst v63  }
0x125: {  	s26 =	sshll.u32 s29, $0x7;
	s25 =	sand.u32 $0xFFFFF800, s30  }
0x126: {  	s26 =	sand.u32 $0x380, s26;
	s25 =	sadd.s32 s25, s1  }
0x127: {  	s0 =	simm.s32 $0x16B00;
	s25 =	sadd.s32 s26, s25  }
0x128: {  	[tilespmem:s0], [sflag:$0x1] =	stream.linear.gather [spmem:s25], $0x80, $0x38;
	[tilespmem:$0x1D000] =	vst v63  }
0x129: {  	s29 =	simm.s32 $0x16F00;
	s25 =	sadd.s32 $0x400, s25  }
0x12a: {  	[tilespmem:s29], [sflag:$0x1] =	stream.linear.gather [spmem:s25], $0x80, $0x38;
	[tilespmem:$0x1D000] =	vst v63  }
0x12b: {  	s30 =	spop (v2sf)  }
0x12c: {  	s0 =	sshll.u32 s30, $0x8  }
0x12d: {  	s25 =	sshll.u32 s30, $0x7;
	s26 =	sand.u32 $0xFFFFF800, s0  }
0x12e: {  	s25 =	sand.u32 $0x380, s25;
	s26 =	sadd.s32 s26, s1  }
.Ltmp4:
0x12f: {  	s29 =	simm.s32 $0x16B80;
	s25 =	sadd.s32 s25, s26;
	(pc) =	sbr.rel .LBB2_3-.Ltmp4, $4  }
0x130: {  	[tilespmem:s29], [sflag:$0x1] =	stream.linear.gather [spmem:s25], $0x80, $0x38;
	[tilespmem:$0x1D000] =	vst v63  }
0x131: {  	s30 =	simm.s32 $0x16F80;
	s25 =	sadd.s32 $0x400, s25  }
0x132: {  	[tilespmem:s30], [sflag:$0x1] =	stream.linear.gather [spmem:s25], $0x80, $0x38;
	[tilespmem:$0x1D000] =	vst v63  }
0x133: {  	s28 =	simm.s32 $0x0;
	s26 =	simm.s32 $0x110;
	s25 =	simm.s32 $0x0  }
.LBB2_5:
0x134: {  	s29 =	sadd.s32 s25, s17;
	s25 =	sadd.s32 $0x1000, s25  }
0x135: {  	p0 =	sne.s32 s25, $0x28000  }
.Ltmp5:
0x136: {  	_ = 	snop;
	(pc) =	sbr.rel @!p0 .LBB2_6-.Ltmp5, $4  }
0x137: {  	_ =	swait.ge [sflag:s14], $0x2000  }
0x138: {  	[sflag:s14] =	ssyncset.done $0x0  }
0x139: {  	s28 =	sadd.s32 $0x1, s28;
	s26 =	sadd.s32 $0x200, s26;
	[sflag:s14] =	ssyncadd.s32 $0xFFFFE000  }
0x13a: {  	[hbm4b:s29+s2] =	stream.linear.scatter [tilespmem:s21], [sflag:$0x8], $0x2000, $0x38;
	[tilespmem:$0x1D000] =	vst v63  }
.LBB2_3:
0x13b: {  	s29 =	sor.u32 s24, s28  }
0x13c: {  	p0 =	seq.s32 s29, $0x0  }
0x13d: {  	s29 =	simm.s32 @!p0 $0x6  }
0x13e: {  	_ =	swait.ge @!p0 [sflag:s29], $0x2000  }
0x13f: {  	[sflag:s29] =	ssyncset.done @!p0 $0x0  }
0x140: {  	[sflag:s29] =	ssyncadd.s32 @!p0 $0xFFFFE000  }
0x141: {  	v0 =	vld [tilespmem:s26+$0xFFFFFF70];
	_ =	sdelay $0x4  }
0x142: {  	(v2sf) =	vpush v0, $0x0;
	_ =	sdelay $0x7  }
0x143: {  	(v2sf) =	vpush v0, $0x1;
	_ =	sdelay $0x6  }
0x144: {  	s0 =	spop (v2sf)  }
0x145: {  	(v2sf) =	vpush v0, $0x2;
	s30 =	sshll.u32 s0, $0x8  }
0x146: {  	s29 =	sshll.u32 s0, $0x7;
	s30 =	sand.u32 $0xFFFFF800, s30  }
0x147: {  	s29 =	sand.u32 $0x380, s29;
	s30 =	sadd.s32 s30, s1  }
0x148: {  	s29 =	sadd.s32 s29, s30  }
0x149: {  	[tilespmem:s23], [sflag:$0x2] =	stream.linear.gather [spmem:s29], $0x80, $0x38;
	[tilespmem:$0x1D000] =	vst v63  }
0x14a: {  	s29 =	sadd.s32 $0x400, s29  }
0x14b: {  	[tilespmem:s31], [sflag:$0x2] =	stream.linear.gather [spmem:s29], $0x80, $0x38;
	[tilespmem:$0x1D000] =	vst v63  }
0x14c: {  	s29 =	spop (v2sf)  }
0x14d: {  	(v2sf) =	vpush v0, $0x3;
	s0 =	sshll.u32 s29, $0x8  }
0x14e: {  	s29 =	sshll.u32 s29, $0x7;
	s30 =	sand.u32 $0xFFFFF800, s0  }
0x14f: {  	s29 =	sand.u32 $0x380, s29;
	s30 =	sadd.s32 s30, s1  }
0x150: {  	s0 =	simm.s32 $0x17080;
	s29 =	sadd.s32 s29, s30  }
0x151: {  	[tilespmem:s0], [sflag:$0x2] =	stream.linear.gather [spmem:s29], $0x80, $0x38;
	[tilespmem:$0x1D000] =	vst v63  }
0x152: {  	s29 =	sadd.s32 $0x400, s29;
	s0 =	simm.s32 $0x17480  }
0x153: {  	[tilespmem:s0], [sflag:$0x2] =	stream.linear.gather [spmem:s29], $0x80, $0x38;
	[tilespmem:$0x1D000] =	vst v63  }
0x154: {  	s29 =	spop (v2sf)  }
0x155: {  	(v2sf) =	vpush v0, $0x4;
	s0 =	sshll.u32 s29, $0x8  }
0x156: {  	s29 =	sshll.u32 s29, $0x7;
	s30 =	sand.u32 $0xFFFFF800, s0  }
0x157: {  	s29 =	sand.u32 $0x380, s29;
	s30 =	sadd.s32 s30, s1  }
0x158: {  	s0 =	simm.s32 $0x17100;
	s29 =	sadd.s32 s29, s30  }
0x159: {  	[tilespmem:s0], [sflag:$0x2] =	stream.linear.gather [spmem:s29], $0x80, $0x38;
	[tilespmem:$0x1D000] =	vst v63  }
0x15a: {  	s29 =	sadd.s32 $0x400, s29;
	s0 =	simm.s32 $0x17500  }
0x15b: {  	[tilespmem:s0], [sflag:$0x2] =	stream.linear.gather [spmem:s29], $0x80, $0x38;
	[tilespmem:$0x1D000] =	vst v63  }
0x15c: {  	s29 =	spop (v2sf)  }
0x15d: {  	(v2sf) =	vpush v0, $0x5;
	s0 =	sshll.u32 s29, $0x8  }
0x15e: {  	s29 =	sshll.u32 s29, $0x7;
	s30 =	sand.u32 $0xFFFFF800, s0  }
0x15f: {  	s29 =	sand.u32 $0x380, s29;
	s30 =	sadd.s32 s30, s1  }
0x160: {  	s0 =	simm.s32 $0x17180;
	s29 =	sadd.s32 s29, s30  }
0x161: {  	[tilespmem:s0], [sflag:$0x2] =	stream.linear.gather [spmem:s29], $0x80, $0x38;
	[tilespmem:$0x1D000] =	vst v63  }
0x162: {  	s29 =	sadd.s32 $0x400, s29;
	s0 =	simm.s32 $0x17580  }
0x163: {  	[tilespmem:s0], [sflag:$0x2] =	stream.linear.gather [spmem:s29], $0x80, $0x38;
	[tilespmem:$0x1D000] =	vst v63  }
0x164: {  	s29 =	spop (v2sf)  }
0x165: {  	(v2sf) =	vpush v0, $0x6;
	s0 =	sshll.u32 s29, $0x8  }
0x166: {  	s29 =	sshll.u32 s29, $0x7;
	s30 =	sand.u32 $0xFFFFF800, s0  }
0x167: {  	s29 =	sand.u32 $0x380, s29;
	s30 =	sadd.s32 s30, s1  }
0x168: {  	s0 =	simm.s32 $0x17200;
	s29 =	sadd.s32 s29, s30  }
0x169: {  	[tilespmem:s0], [sflag:$0x2] =	stream.linear.gather [spmem:s29], $0x80, $0x38;
	[tilespmem:$0x1D000] =	vst v63  }
0x16a: {  	s29 =	sadd.s32 $0x400, s29;
	s0 =	simm.s32 $0x17600  }
0x16b: {  	[tilespmem:s0], [sflag:$0x2] =	stream.linear.gather [spmem:s29], $0x80, $0x38;
	[tilespmem:$0x1D000] =	vst v63  }
0x16c: {  	s29 =	spop (v2sf)  }
0x16d: {  	(v2sf) =	vpush v0, $0x7;
	s0 =	sshll.u32 s29, $0x8  }
0x16e: {  	s29 =	sshll.u32 s29, $0x7;
	s30 =	sand.u32 $0xFFFFF800, s0  }
0x16f: {  	s29 =	sand.u32 $0x380, s29;
	s30 =	sadd.s32 s30, s1  }
0x170: {  	s0 =	simm.s32 $0x17280;
	s29 =	sadd.s32 s29, s30  }
0x171: {  	[tilespmem:s0], [sflag:$0x2] =	stream.linear.gather [spmem:s29], $0x80, $0x38;
	[tilespmem:$0x1D000] =	vst v63  }
0x172: {  	s29 =	sadd.s32 $0x400, s29;
	s0 =	simm.s32 $0x17680  }
0x173: {  	[tilespmem:s0], [sflag:$0x2] =	stream.linear.gather [spmem:s29], $0x80, $0x38;
	[tilespmem:$0x1D000] =	vst v63  }
0x174: {  	s29 =	spop (v2sf)  }
0x175: {  	(v2sf) =	vpush v0, $0x8;
	s0 =	sshll.u32 s29, $0x8  }
0x176: {  	s29 =	sshll.u32 s29, $0x7;
	s30 =	sand.u32 $0xFFFFF800, s0  }
0x177: {  	s29 =	sand.u32 $0x380, s29;
	s30 =	sadd.s32 s30, s1  }
0x178: {  	s0 =	simm.s32 $0x17300;
	s29 =	sadd.s32 s29, s30  }
0x179: {  	[tilespmem:s0], [sflag:$0x2] =	stream.linear.gather [spmem:s29], $0x80, $0x38;
	[tilespmem:$0x1D000] =	vst v63  }
0x17a: {  	s29 =	sadd.s32 $0x400, s29;
	s0 =	simm.s32 $0x17700  }
0x17b: {  	[tilespmem:s0], [sflag:$0x2] =	stream.linear.gather [spmem:s29], $0x80, $0x38;
	[tilespmem:$0x1D000] =	vst v63  }
0x17c: {  	s29 =	spop (v2sf)  }
0x17d: {  	(v2sf) =	vpush v0, $0x9;
	s0 =	sshll.u32 s29, $0x8  }
0x17e: {  	s29 =	sshll.u32 s29, $0x7;
	s30 =	sand.u32 $0xFFFFF800, s0  }
0x17f: {  	s29 =	sand.u32 $0x380, s29;
	s30 =	sadd.s32 s30, s1  }
0x180: {  	s0 =	simm.s32 $0x17380;
	s29 =	sadd.s32 s29, s30  }
0x181: {  	[tilespmem:s0], [sflag:$0x2] =	stream.linear.gather [spmem:s29], $0x80, $0x38;
	[tilespmem:$0x1D000] =	vst v63  }
0x182: {  	s29 =	sadd.s32 $0x400, s29;
	s0 =	simm.s32 $0x17780  }
0x183: {  	[tilespmem:s0], [sflag:$0x2] =	stream.linear.gather [spmem:s29], $0x80, $0x38;
	[tilespmem:$0x1D000] =	vst v63  }
0x184: {  	s29 =	spop (v2sf)  }
0x185: {  	(v2sf) =	vpush v0, $0xA;
	s0 =	sshll.u32 s29, $0x8  }
0x186: {  	s29 =	sshll.u32 s29, $0x7;
	s30 =	sand.u32 $0xFFFFF800, s0  }
0x187: {  	s29 =	sand.u32 $0x380, s29;
	s30 =	sadd.s32 s30, s1  }
0x188: {  	s0 =	simm.s32 $0x17800;
	s29 =	sadd.s32 s29, s30  }
0x189: {  	[tilespmem:s0], [sflag:$0x2] =	stream.linear.gather [spmem:s29], $0x80, $0x38;
	[tilespmem:$0x1D000] =	vst v63  }
0x18a: {  	s29 =	sadd.s32 $0x400, s29;
	s0 =	simm.s32 $0x17C00  }
0x18b: {  	[tilespmem:s0], [sflag:$0x2] =	stream.linear.gather [spmem:s29], $0x80, $0x38;
	[tilespmem:$0x1D000] =	vst v63  }
0x18c: {  	s29 =	spop (v2sf)  }
0x18d: {  	(v2sf) =	vpush v0, $0xB;
	s0 =	sshll.u32 s29, $0x8  }
0x18e: {  	s29 =	sshll.u32 s29, $0x7;
	s30 =	sand.u32 $0xFFFFF800, s0  }
0x18f: {  	s29 =	sand.u32 $0x380, s29;
	s30 =	sadd.s32 s30, s1  }
0x190: {  	s0 =	simm.s32 $0x17880;
	s29 =	sadd.s32 s29, s30  }
0x191: {  	[tilespmem:s0], [sflag:$0x2] =	stream.linear.gather [spmem:s29], $0x80, $0x38;
	[tilespmem:$0x1D000] =	vst v63  }
0x192: {  	s29 =	sadd.s32 $0x400, s29;
	s0 =	simm.s32 $0x17C80  }
0x193: {  	[tilespmem:s0], [sflag:$0x2] =	stream.linear.gather [spmem:s29], $0x80, $0x38;
	[tilespmem:$0x1D000] =	vst v63  }
0x194: {  	s29 =	spop (v2sf)  }
0x195: {  	(v2sf) =	vpush v0, $0xC;
	s0 =	sshll.u32 s29, $0x8  }
0x196: {  	s29 =	sshll.u32 s29, $0x7;
	s30 =	sand.u32 $0xFFFFF800, s0  }
0x197: {  	s29 =	sand.u32 $0x380, s29;
	s30 =	sadd.s32 s30, s1  }
0x198: {  	s0 =	simm.s32 $0x17900;
	s29 =	sadd.s32 s29, s30  }
0x199: {  	[tilespmem:s0], [sflag:$0x2] =	stream.linear.gather [spmem:s29], $0x80, $0x38;
	[tilespmem:$0x1D000] =	vst v63  }
0x19a: {  	s29 =	sadd.s32 $0x400, s29;
	s0 =	simm.s32 $0x17D00  }
0x19b: {  	[tilespmem:s0], [sflag:$0x2] =	stream.linear.gather [spmem:s29], $0x80, $0x38;
	[tilespmem:$0x1D000] =	vst v63  }
0x19c: {  	s29 =	spop (v2sf)  }
0x19d: {  	(v2sf) =	vpush v0, $0xD;
	s0 =	sshll.u32 s29, $0x8  }
0x19e: {  	s29 =	sshll.u32 s29, $0x7;
	s30 =	sand.u32 $0xFFFFF800, s0  }
0x19f: {  	s29 =	sand.u32 $0x380, s29;
	s30 =	sadd.s32 s30, s1  }
0x1a0: {  	s0 =	simm.s32 $0x17980;
	s29 =	sadd.s32 s29, s30  }
0x1a1: {  	[tilespmem:s0], [sflag:$0x2] =	stream.linear.gather [spmem:s29], $0x80, $0x38;
	[tilespmem:$0x1D000] =	vst v63  }
0x1a2: {  	s29 =	sadd.s32 $0x400, s29;
	s0 =	simm.s32 $0x17D80  }
0x1a3: {  	[tilespmem:s0], [sflag:$0x2] =	stream.linear.gather [spmem:s29], $0x80, $0x38;
	[tilespmem:$0x1D000] =	vst v63  }
0x1a4: {  	s29 =	spop (v2sf)  }
0x1a5: {  	(v2sf) =	vpush v0, $0xE;
	s0 =	sshll.u32 s29, $0x8  }
0x1a6: {  	s29 =	sshll.u32 s29, $0x7;
	s30 =	sand.u32 $0xFFFFF800, s0  }
0x1a7: {  	s29 =	sand.u32 $0x380, s29;
	s30 =	sadd.s32 s30, s1  }
0x1a8: {  	s0 =	simm.s32 $0x17A00;
	s29 =	sadd.s32 s29, s30  }
0x1a9: {  	[tilespmem:s0], [sflag:$0x2] =	stream.linear.gather [spmem:s29], $0x80, $0x38;
	[tilespmem:$0x1D000] =	vst v63  }
0x1aa: {  	s29 =	sadd.s32 $0x400, s29;
	s0 =	simm.s32 $0x17E00  }
0x1ab: {  	[tilespmem:s0], [sflag:$0x2] =	stream.linear.gather [spmem:s29], $0x80, $0x38;
	[tilespmem:$0x1D000] =	vst v63  }
0x1ac: {  	s29 =	spop (v2sf)  }
0x1ad: {  	(v2sf) =	vpush v0, $0xF;
	s0 =	sshll.u32 s29, $0x8  }
0x1ae: {  	s29 =	sshll.u32 s29, $0x7;
	s30 =	sand.u32 $0xFFFFF800, s0  }
0x1af: {  	s29 =	sand.u32 $0x380, s29;
	s30 =	sadd.s32 s30, s1  }
0x1b0: {  	s0 =	simm.s32 $0x17A80;
	s29 =	sadd.s32 s29, s30  }
0x1b1: {  	[tilespmem:s0], [sflag:$0x2] =	stream.linear.gather [spmem:s29], $0x80, $0x38;
	[tilespmem:$0x1D000] =	vst v63  }
0x1b2: {  	s29 =	sadd.s32 $0x400, s29;
	s0 =	simm.s32 $0x17E80  }
0x1b3: {  	[tilespmem:s0], [sflag:$0x2] =	stream.linear.gather [spmem:s29], $0x80, $0x38;
	[tilespmem:$0x1D000] =	vst v63  }
0x1b4: {  	s29 =	spop (v2sf)  }
0x1b5: {  	s0 =	sshll.u32 s29, $0x8  }
0x1b6: {  	s29 =	sshll.u32 s29, $0x7;
	s30 =	sand.u32 $0xFFFFF800, s0  }
0x1b7: {  	s29 =	sand.u32 $0x380, s29;
	s30 =	sadd.s32 s30, s1  }
0x1b8: {  	s0 =	simm.s32 $0x17B00;
	s29 =	sadd.s32 s29, s30  }
0x1b9: {  	[tilespmem:s0], [sflag:$0x2] =	stream.linear.gather [spmem:s29], $0x80, $0x38;
	[tilespmem:$0x1D000] =	vst v63  }
0x1ba: {  	s29 =	sadd.s32 $0x400, s29;
	s0 =	simm.s32 $0x17F00  }
0x1bb: {  	[tilespmem:s0], [sflag:$0x2] =	stream.linear.gather [spmem:s29], $0x80, $0x38;
	[tilespmem:$0x1D000] =	vst v63  }
0x1bc: {  	s29 =	spop (v2sf)  }
0x1bd: {  	s0 =	sshll.u32 s29, $0x8  }
0x1be: {  	s29 =	sshll.u32 s29, $0x7;
	s30 =	sand.u32 $0xFFFFF800, s0  }
0x1bf: {  	s29 =	sand.u32 $0x380, s29;
	s30 =	sadd.s32 s30, s1  }
0x1c0: {  	s0 =	simm.s32 $0x17B80;
	s29 =	sadd.s32 s29, s30  }
0x1c1: {  	[tilespmem:s0], [sflag:$0x2] =	stream.linear.gather [spmem:s29], $0x80, $0x38;
	[tilespmem:$0x1D000] =	vst v63  }
0x1c2: {  	s29 =	sadd.s32 $0x400, s29;
	s0 =	simm.s32 $0x17F80  }
0x1c3: {  	[tilespmem:s0], [sflag:$0x2] =	stream.linear.gather [spmem:s29], $0x80, $0x38;
	[tilespmem:$0x1D000] =	vst v63  }
0x1c4: {  	v59 =	vld [tilespmem:s26+$0xFFFFFF80];
	_ =	sdelay $0x4  }
0x1c5: {  	(v2sf) =	vpush v59, $0x0;
	_ =	sdelay $0x7  }
0x1c6: {  	(v2sf) =	vpush v59, $0x1;
	_ =	sdelay $0x6  }
0x1c7: {  	s29 =	spop (v2sf)  }
0x1c8: {  	(v2sf) =	vpush v59, $0x2;
	s0 =	sshll.u32 s29, $0x8  }
0x1c9: {  	s29 =	sshll.u32 s29, $0x7;
	s30 =	sand.u32 $0xFFFFF800, s0  }
0x1ca: {  	s29 =	sand.u32 $0x380, s29;
	s30 =	sadd.s32 s30, s1  }
0x1cb: {  	s0 =	simm.s32 $0x18000;
	s29 =	sadd.s32 s29, s30  }
0x1cc: {  	[tilespmem:s0], [sflag:$0x2] =	stream.linear.gather [spmem:s29], $0x80, $0x38;
	[tilespmem:$0x1D000] =	vst v63  }
0x1cd: {  	s29 =	sadd.s32 $0x400, s29;
	s0 =	simm.s32 $0x18400  }
0x1ce: {  	[tilespmem:s0], [sflag:$0x2] =	stream.linear.gather [spmem:s29], $0x80, $0x38;
	[tilespmem:$0x1D000] =	vst v63  }
0x1cf: {  	s29 =	spop (v2sf)  }
0x1d0: {  	(v2sf) =	vpush v59, $0x3;
	s0 =	sshll.u32 s29, $0x8  }
0x1d1: {  	s29 =	sshll.u32 s29, $0x7;
	s30 =	sand.u32 $0xFFFFF800, s0  }
0x1d2: {  	s29 =	sand.u32 $0x380, s29;
	s30 =	sadd.s32 s30, s1  }
0x1d3: {  	s0 =	simm.s32 $0x18080;
	s29 =	sadd.s32 s29, s30  }
0x1d4: {  	[tilespmem:s0], [sflag:$0x2] =	stream.linear.gather [spmem:s29], $0x80, $0x38;
	[tilespmem:$0x1D000] =	vst v63  }
0x1d5: {  	s29 =	sadd.s32 $0x400, s29;
	s0 =	simm.s32 $0x18480  }
0x1d6: {  	[tilespmem:s0], [sflag:$0x2] =	stream.linear.gather [spmem:s29], $0x80, $0x38;
	[tilespmem:$0x1D000] =	vst v63  }
0x1d7: {  	s29 =	spop (v2sf)  }
0x1d8: {  	(v2sf) =	vpush v59, $0x4;
	s0 =	sshll.u32 s29, $0x8  }
0x1d9: {  	s29 =	sshll.u32 s29, $0x7;
	s30 =	sand.u32 $0xFFFFF800, s0  }
0x1da: {  	s29 =	sand.u32 $0x380, s29;
	s30 =	sadd.s32 s30, s1  }
0x1db: {  	s0 =	simm.s32 $0x18100;
	s29 =	sadd.s32 s29, s30  }
0x1dc: {  	[tilespmem:s0], [sflag:$0x2] =	stream.linear.gather [spmem:s29], $0x80, $0x38;
	[tilespmem:$0x1D000] =	vst v63  }
0x1dd: {  	s29 =	sadd.s32 $0x400, s29;
	s0 =	simm.s32 $0x18500  }
0x1de: {  	[tilespmem:s0], [sflag:$0x2] =	stream.linear.gather [spmem:s29], $0x80, $0x38;
	[tilespmem:$0x1D000] =	vst v63  }
0x1df: {  	s29 =	spop (v2sf)  }
0x1e0: {  	(v2sf) =	vpush v59, $0x5;
	s0 =	sshll.u32 s29, $0x8  }
0x1e1: {  	s29 =	sshll.u32 s29, $0x7;
	s30 =	sand.u32 $0xFFFFF800, s0  }
0x1e2: {  	s29 =	sand.u32 $0x380, s29;
	s30 =	sadd.s32 s30, s1  }
0x1e3: {  	s0 =	simm.s32 $0x18180;
	s29 =	sadd.s32 s29, s30  }
0x1e4: {  	[tilespmem:s0], [sflag:$0x2] =	stream.linear.gather [spmem:s29], $0x80, $0x38;
	[tilespmem:$0x1D000] =	vst v63  }
0x1e5: {  	s29 =	sadd.s32 $0x400, s29;
	s0 =	simm.s32 $0x18580  }
0x1e6: {  	[tilespmem:s0], [sflag:$0x2] =	stream.linear.gather [spmem:s29], $0x80, $0x38;
	[tilespmem:$0x1D000] =	vst v63  }
0x1e7: {  	s29 =	spop (v2sf)  }
0x1e8: {  	(v2sf) =	vpush v59, $0x6;
	s0 =	sshll.u32 s29, $0x8  }
0x1e9: {  	s29 =	sshll.u32 s29, $0x7;
	s30 =	sand.u32 $0xFFFFF800, s0  }
0x1ea: {  	s29 =	sand.u32 $0x380, s29;
	s30 =	sadd.s32 s30, s1  }
0x1eb: {  	s0 =	simm.s32 $0x18200;
	s29 =	sadd.s32 s29, s30  }
0x1ec: {  	[tilespmem:s0], [sflag:$0x2] =	stream.linear.gather [spmem:s29], $0x80, $0x38;
	[tilespmem:$0x1D000] =	vst v63  }
0x1ed: {  	s29 =	sadd.s32 $0x400, s29;
	s0 =	simm.s32 $0x18600  }
0x1ee: {  	[tilespmem:s0], [sflag:$0x2] =	stream.linear.gather [spmem:s29], $0x80, $0x38;
	[tilespmem:$0x1D000] =	vst v63  }
0x1ef: {  	s29 =	spop (v2sf)  }
0x1f0: {  	(v2sf) =	vpush v59, $0x7;
	s0 =	sshll.u32 s29, $0x8  }
0x1f1: {  	s29 =	sshll.u32 s29, $0x7;
	s30 =	sand.u32 $0xFFFFF800, s0  }
0x1f2: {  	s29 =	sand.u32 $0x380, s29;
	s30 =	sadd.s32 s30, s1  }
0x1f3: {  	s0 =	simm.s32 $0x18280;
	s29 =	sadd.s32 s29, s30  }
0x1f4: {  	[tilespmem:s0], [sflag:$0x2] =	stream.linear.gather [spmem:s29], $0x80, $0x38;
	[tilespmem:$0x1D000] =	vst v63  }
0x1f5: {  	s29 =	sadd.s32 $0x400, s29;
	s0 =	simm.s32 $0x18680  }
0x1f6: {  	[tilespmem:s0], [sflag:$0x2] =	stream.linear.gather [spmem:s29], $0x80, $0x38;
	[tilespmem:$0x1D000] =	vst v63  }
0x1f7: {  	s29 =	spop (v2sf)  }
0x1f8: {  	(v2sf) =	vpush v59, $0x8;
	s0 =	sshll.u32 s29, $0x8  }
0x1f9: {  	s29 =	sshll.u32 s29, $0x7;
	s30 =	sand.u32 $0xFFFFF800, s0  }
0x1fa: {  	s29 =	sand.u32 $0x380, s29;
	s30 =	sadd.s32 s30, s1  }
0x1fb: {  	s0 =	simm.s32 $0x18300;
	s29 =	sadd.s32 s29, s30  }
0x1fc: {  	[tilespmem:s0], [sflag:$0x2] =	stream.linear.gather [spmem:s29], $0x80, $0x38;
	[tilespmem:$0x1D000] =	vst v63  }
0x1fd: {  	s29 =	sadd.s32 $0x400, s29;
	s0 =	simm.s32 $0x18700  }
0x1fe: {  	[tilespmem:s0], [sflag:$0x2] =	stream.linear.gather [spmem:s29], $0x80, $0x38;
	[tilespmem:$0x1D000] =	vst v63  }
0x1ff: {  	s29 =	spop (v2sf)  }
0x200: {  	(v2sf) =	vpush v59, $0x9;
	s0 =	sshll.u32 s29, $0x8  }
0x201: {  	s29 =	sshll.u32 s29, $0x7;
	s30 =	sand.u32 $0xFFFFF800, s0  }
0x202: {  	s29 =	sand.u32 $0x380, s29;
	s30 =	sadd.s32 s30, s1  }
0x203: {  	s0 =	simm.s32 $0x18380;
	s29 =	sadd.s32 s29, s30  }
0x204: {  	[tilespmem:s0], [sflag:$0x2] =	stream.linear.gather [spmem:s29], $0x80, $0x38;
	[tilespmem:$0x1D000] =	vst v63  }
0x205: {  	s29 =	sadd.s32 $0x400, s29;
	s0 =	simm.s32 $0x18780  }
0x206: {  	[tilespmem:s0], [sflag:$0x2] =	stream.linear.gather [spmem:s29], $0x80, $0x38;
	[tilespmem:$0x1D000] =	vst v63  }
0x207: {  	s29 =	spop (v2sf)  }
0x208: {  	(v2sf) =	vpush v59, $0xA;
	s0 =	sshll.u32 s29, $0x8  }
0x209: {  	s29 =	sshll.u32 s29, $0x7;
	s30 =	sand.u32 $0xFFFFF800, s0  }
0x20a: {  	s29 =	sand.u32 $0x380, s29;
	s30 =	sadd.s32 s30, s1  }
0x20b: {  	s0 =	simm.s32 $0x18800;
	s29 =	sadd.s32 s29, s30  }
0x20c: {  	[tilespmem:s0], [sflag:$0x2] =	stream.linear.gather [spmem:s29], $0x80, $0x38;
	[tilespmem:$0x1D000] =	vst v63  }
0x20d: {  	s29 =	sadd.s32 $0x400, s29;
	s0 =	simm.s32 $0x18C00  }
0x20e: {  	[tilespmem:s0], [sflag:$0x2] =	stream.linear.gather [spmem:s29], $0x80, $0x38;
	[tilespmem:$0x1D000] =	vst v63  }
0x20f: {  	s29 =	spop (v2sf)  }
0x210: {  	(v2sf) =	vpush v59, $0xB;
	s0 =	sshll.u32 s29, $0x8  }
0x211: {  	s29 =	sshll.u32 s29, $0x7;
	s30 =	sand.u32 $0xFFFFF800, s0  }
0x212: {  	s29 =	sand.u32 $0x380, s29;
	s30 =	sadd.s32 s30, s1  }
0x213: {  	s0 =	simm.s32 $0x18880;
	s29 =	sadd.s32 s29, s30  }
0x214: {  	[tilespmem:s0], [sflag:$0x2] =	stream.linear.gather [spmem:s29], $0x80, $0x38;
	[tilespmem:$0x1D000] =	vst v63  }
0x215: {  	s29 =	sadd.s32 $0x400, s29;
	s0 =	simm.s32 $0x18C80  }
0x216: {  	[tilespmem:s0], [sflag:$0x2] =	stream.linear.gather [spmem:s29], $0x80, $0x38;
	[tilespmem:$0x1D000] =	vst v63  }
0x217: {  	s29 =	spop (v2sf)  }
0x218: {  	(v2sf) =	vpush v59, $0xC;
	s0 =	sshll.u32 s29, $0x8  }
0x219: {  	s29 =	sshll.u32 s29, $0x7;
	s30 =	sand.u32 $0xFFFFF800, s0  }
0x21a: {  	s29 =	sand.u32 $0x380, s29;
	s30 =	sadd.s32 s30, s1  }
0x21b: {  	s0 =	simm.s32 $0x18900;
	s29 =	sadd.s32 s29, s30  }
0x21c: {  	[tilespmem:s0], [sflag:$0x2] =	stream.linear.gather [spmem:s29], $0x80, $0x38;
	[tilespmem:$0x1D000] =	vst v63  }
0x21d: {  	s29 =	sadd.s32 $0x400, s29;
	s0 =	simm.s32 $0x18D00  }
0x21e: {  	[tilespmem:s0], [sflag:$0x2] =	stream.linear.gather [spmem:s29], $0x80, $0x38;
	[tilespmem:$0x1D000] =	vst v63  }
0x21f: {  	s29 =	spop (v2sf)  }
0x220: {  	(v2sf) =	vpush v59, $0xD;
	s0 =	sshll.u32 s29, $0x8  }
0x221: {  	s29 =	sshll.u32 s29, $0x7;
	s30 =	sand.u32 $0xFFFFF800, s0  }
0x222: {  	s29 =	sand.u32 $0x380, s29;
	s30 =	sadd.s32 s30, s1  }
0x223: {  	s0 =	simm.s32 $0x18980;
	s29 =	sadd.s32 s29, s30  }
0x224: {  	[tilespmem:s0], [sflag:$0x2] =	stream.linear.gather [spmem:s29], $0x80, $0x38;
	[tilespmem:$0x1D000] =	vst v63  }
0x225: {  	s29 =	sadd.s32 $0x400, s29;
	s0 =	simm.s32 $0x18D80  }
0x226: {  	[tilespmem:s0], [sflag:$0x2] =	stream.linear.gather [spmem:s29], $0x80, $0x38;
	[tilespmem:$0x1D000] =	vst v63  }
0x227: {  	s29 =	spop (v2sf)  }
0x228: {  	(v2sf) =	vpush v59, $0xE;
	s0 =	sshll.u32 s29, $0x8  }
0x229: {  	s29 =	sshll.u32 s29, $0x7;
	s30 =	sand.u32 $0xFFFFF800, s0  }
0x22a: {  	s29 =	sand.u32 $0x380, s29;
	s30 =	sadd.s32 s30, s1  }
0x22b: {  	s0 =	simm.s32 $0x18A00;
	s29 =	sadd.s32 s29, s30  }
0x22c: {  	[tilespmem:s0], [sflag:$0x2] =	stream.linear.gather [spmem:s29], $0x80, $0x38;
	[tilespmem:$0x1D000] =	vst v63  }
0x22d: {  	s29 =	sadd.s32 $0x400, s29;
	s0 =	simm.s32 $0x18E00  }
0x22e: {  	[tilespmem:s0], [sflag:$0x2] =	stream.linear.gather [spmem:s29], $0x80, $0x38;
	[tilespmem:$0x1D000] =	vst v63  }
0x22f: {  	s29 =	spop (v2sf)  }
0x230: {  	(v2sf) =	vpush v59, $0xF;
	s0 =	sshll.u32 s29, $0x8  }
0x231: {  	s29 =	sshll.u32 s29, $0x7;
	s30 =	sand.u32 $0xFFFFF800, s0  }
0x232: {  	s29 =	sand.u32 $0x380, s29;
	s30 =	sadd.s32 s30, s1  }
0x233: {  	s0 =	simm.s32 $0x18A80;
	s29 =	sadd.s32 s29, s30  }
0x234: {  	[tilespmem:s0], [sflag:$0x2] =	stream.linear.gather [spmem:s29], $0x80, $0x38;
	[tilespmem:$0x1D000] =	vst v63  }
0x235: {  	s29 =	sadd.s32 $0x400, s29;
	s0 =	simm.s32 $0x18E80  }
0x236: {  	[tilespmem:s0], [sflag:$0x2] =	stream.linear.gather [spmem:s29], $0x80, $0x38;
	[tilespmem:$0x1D000] =	vst v63  }
0x237: {  	s29 =	spop (v2sf)  }
0x238: {  	s0 =	sshll.u32 s29, $0x8  }
0x239: {  	s29 =	sshll.u32 s29, $0x7;
	s30 =	sand.u32 $0xFFFFF800, s0  }
0x23a: {  	s29 =	sand.u32 $0x380, s29;
	s30 =	sadd.s32 s30, s1  }
0x23b: {  	s0 =	simm.s32 $0x18B00;
	s29 =	sadd.s32 s29, s30  }
0x23c: {  	[tilespmem:s0], [sflag:$0x2] =	stream.linear.gather [spmem:s29], $0x80, $0x38;
	[tilespmem:$0x1D000] =	vst v63  }
0x23d: {  	s29 =	sadd.s32 $0x400, s29;
	s0 =	simm.s32 $0x18F00  }
0x23e: {  	[tilespmem:s0], [sflag:$0x2] =	stream.linear.gather [spmem:s29], $0x80, $0x38;
	[tilespmem:$0x1D000] =	vst v63  }
0x23f: {  	s29 =	spop (v2sf)  }
0x240: {  	s0 =	sshll.u32 s29, $0x8  }
0x241: {  	s29 =	sshll.u32 s29, $0x7;
	s30 =	sand.u32 $0xFFFFF800, s0  }
0x242: {  	s29 =	sand.u32 $0x380, s29;
	s30 =	sadd.s32 s30, s1  }
0x243: {  	s0 =	simm.s32 $0x18B80;
	s29 =	sadd.s32 s29, s30  }
0x244: {  	[tilespmem:s0], [sflag:$0x2] =	stream.linear.gather [spmem:s29], $0x80, $0x38;
	[tilespmem:$0x1D000] =	vst v63  }
0x245: {  	s29 =	sadd.s32 $0x400, s29;
	s0 =	simm.s32 $0x18F80  }
0x246: {  	[tilespmem:s0], [sflag:$0x2] =	stream.linear.gather [spmem:s29], $0x80, $0x38;
	[tilespmem:$0x1D000] =	vst v63  }
0x247: {  	_ =	swait.ge [sflag:s5], $0x2000  }
0x248: {  	[sflag:s5] =	ssyncset.done $0x0  }
0x249: {  	s30 =	sadd.s32 s25, s22;
	s29 =	simm.s32 @!p0 $0x7;
	[sflag:s5] =	ssyncadd.s32 $0xFFFFE000  }
0x24a: {  	[hbm4b:s30+s2] =	stream.linear.scatter [tilespmem:s15], [sflag:$0x5], $0x2000, $0x38;
	[tilespmem:$0x1D000] =	vst v63  }
0x24b: {  	_ =	swait.ge @!p0 [sflag:s29], $0x2000  }
0x24c: {  	[sflag:s29] =	ssyncset.done @!p0 $0x0  }
0x24d: {  	[sflag:s29] =	ssyncadd.s32 @!p0 $0xFFFFE000  }
0x24e: {  	v60 =	vld [tilespmem:s26+$0xFFFFFFF0];
	_ =	sdelay $0x4  }
0x24f: {  	(v2sf) =	vpush v60, $0x0;
	_ =	sdelay $0x7  }
0x250: {  	(v2sf) =	vpush v60, $0x1;
	_ =	sdelay $0x6  }
0x251: {  	s29 =	spop (v2sf)  }
0x252: {  	(v2sf) =	vpush v60, $0x2;
	s0 =	sshll.u32 s29, $0x8  }
0x253: {  	s29 =	sshll.u32 s29, $0x7;
	s30 =	sand.u32 $0xFFFFF800, s0  }
0x254: {  	s29 =	sand.u32 $0x380, s29;
	s30 =	sadd.s32 s30, s1  }
0x255: {  	s29 =	sadd.s32 s29, s30  }
0x256: {  	[tilespmem:s6], [sflag:$0x3] =	stream.linear.gather [spmem:s29], $0x80, $0x38;
	[tilespmem:$0x1D000] =	vst v63  }
0x257: {  	s0 =	simm.s32 $0x19400;
	s29 =	sadd.s32 $0x400, s29  }
0x258: {  	[tilespmem:s0], [sflag:$0x3] =	stream.linear.gather [spmem:s29], $0x80, $0x38;
	[tilespmem:$0x1D000] =	vst v63  }
0x259: {  	s29 =	spop (v2sf)  }
0x25a: {  	(v2sf) =	vpush v60, $0x3;
	s0 =	sshll.u32 s29, $0x8  }
0x25b: {  	s29 =	sshll.u32 s29, $0x7;
	s30 =	sand.u32 $0xFFFFF800, s0  }
0x25c: {  	s29 =	sand.u32 $0x380, s29;
	s30 =	sadd.s32 s30, s1  }
0x25d: {  	s0 =	simm.s32 $0x19080;
	s29 =	sadd.s32 s29, s30  }
0x25e: {  	[tilespmem:s0], [sflag:$0x3] =	stream.linear.gather [spmem:s29], $0x80, $0x38;
	[tilespmem:$0x1D000] =	vst v63  }
0x25f: {  	s29 =	sadd.s32 $0x400, s29;
	s0 =	simm.s32 $0x19480  }
0x260: {  	[tilespmem:s0], [sflag:$0x3] =	stream.linear.gather [spmem:s29], $0x80, $0x38;
	[tilespmem:$0x1D000] =	vst v63  }
0x261: {  	s29 =	spop (v2sf)  }
0x262: {  	(v2sf) =	vpush v60, $0x4;
	s0 =	sshll.u32 s29, $0x8  }
0x263: {  	s29 =	sshll.u32 s29, $0x7;
	s30 =	sand.u32 $0xFFFFF800, s0  }
0x264: {  	s29 =	sand.u32 $0x380, s29;
	s30 =	sadd.s32 s30, s1  }
0x265: {  	s0 =	simm.s32 $0x19100;
	s29 =	sadd.s32 s29, s30  }
0x266: {  	[tilespmem:s0], [sflag:$0x3] =	stream.linear.gather [spmem:s29], $0x80, $0x38;
	[tilespmem:$0x1D000] =	vst v63  }
0x267: {  	s29 =	sadd.s32 $0x400, s29;
	s0 =	simm.s32 $0x19500  }
0x268: {  	[tilespmem:s0], [sflag:$0x3] =	stream.linear.gather [spmem:s29], $0x80, $0x38;
	[tilespmem:$0x1D000] =	vst v63  }
0x269: {  	s29 =	spop (v2sf)  }
0x26a: {  	(v2sf) =	vpush v60, $0x5;
	s0 =	sshll.u32 s29, $0x8  }
0x26b: {  	s29 =	sshll.u32 s29, $0x7;
	s30 =	sand.u32 $0xFFFFF800, s0  }
0x26c: {  	s29 =	sand.u32 $0x380, s29;
	s30 =	sadd.s32 s30, s1  }
0x26d: {  	s0 =	simm.s32 $0x19180;
	s29 =	sadd.s32 s29, s30  }
0x26e: {  	[tilespmem:s0], [sflag:$0x3] =	stream.linear.gather [spmem:s29], $0x80, $0x38;
	[tilespmem:$0x1D000] =	vst v63  }
0x26f: {  	s29 =	sadd.s32 $0x400, s29;
	s0 =	simm.s32 $0x19580  }
0x270: {  	[tilespmem:s0], [sflag:$0x3] =	stream.linear.gather [spmem:s29], $0x80, $0x38;
	[tilespmem:$0x1D000] =	vst v63  }
0x271: {  	s29 =	spop (v2sf)  }
0x272: {  	(v2sf) =	vpush v60, $0x6;
	s0 =	sshll.u32 s29, $0x8  }
0x273: {  	s29 =	sshll.u32 s29, $0x7;
	s30 =	sand.u32 $0xFFFFF800, s0  }
0x274: {  	s29 =	sand.u32 $0x380, s29;
	s30 =	sadd.s32 s30, s1  }
0x275: {  	s0 =	simm.s32 $0x19200;
	s29 =	sadd.s32 s29, s30  }
0x276: {  	[tilespmem:s0], [sflag:$0x3] =	stream.linear.gather [spmem:s29], $0x80, $0x38;
	[tilespmem:$0x1D000] =	vst v63  }
0x277: {  	s29 =	sadd.s32 $0x400, s29;
	s0 =	simm.s32 $0x19600  }
0x278: {  	[tilespmem:s0], [sflag:$0x3] =	stream.linear.gather [spmem:s29], $0x80, $0x38;
	[tilespmem:$0x1D000] =	vst v63  }
0x279: {  	s29 =	spop (v2sf)  }
0x27a: {  	(v2sf) =	vpush v60, $0x7;
	s0 =	sshll.u32 s29, $0x8  }
0x27b: {  	s29 =	sshll.u32 s29, $0x7;
	s30 =	sand.u32 $0xFFFFF800, s0  }
0x27c: {  	s29 =	sand.u32 $0x380, s29;
	s30 =	sadd.s32 s30, s1  }
0x27d: {  	s0 =	simm.s32 $0x19280;
	s29 =	sadd.s32 s29, s30  }
0x27e: {  	[tilespmem:s0], [sflag:$0x3] =	stream.linear.gather [spmem:s29], $0x80, $0x38;
	[tilespmem:$0x1D000] =	vst v63  }
0x27f: {  	s29 =	sadd.s32 $0x400, s29;
	s0 =	simm.s32 $0x19680  }
0x280: {  	[tilespmem:s0], [sflag:$0x3] =	stream.linear.gather [spmem:s29], $0x80, $0x38;
	[tilespmem:$0x1D000] =	vst v63  }
0x281: {  	s29 =	spop (v2sf)  }
0x282: {  	(v2sf) =	vpush v60, $0x8;
	s0 =	sshll.u32 s29, $0x8  }
0x283: {  	s29 =	sshll.u32 s29, $0x7;
	s30 =	sand.u32 $0xFFFFF800, s0  }
0x284: {  	s29 =	sand.u32 $0x380, s29;
	s30 =	sadd.s32 s30, s1  }
0x285: {  	s0 =	simm.s32 $0x19300;
	s29 =	sadd.s32 s29, s30  }
0x286: {  	[tilespmem:s0], [sflag:$0x3] =	stream.linear.gather [spmem:s29], $0x80, $0x38;
	[tilespmem:$0x1D000] =	vst v63  }
0x287: {  	s29 =	sadd.s32 $0x400, s29;
	s0 =	simm.s32 $0x19700  }
0x288: {  	[tilespmem:s0], [sflag:$0x3] =	stream.linear.gather [spmem:s29], $0x80, $0x38;
	[tilespmem:$0x1D000] =	vst v63  }
0x289: {  	s29 =	spop (v2sf)  }
0x28a: {  	(v2sf) =	vpush v60, $0x9;
	s0 =	sshll.u32 s29, $0x8  }
0x28b: {  	s29 =	sshll.u32 s29, $0x7;
	s30 =	sand.u32 $0xFFFFF800, s0  }
0x28c: {  	s29 =	sand.u32 $0x380, s29;
	s30 =	sadd.s32 s30, s1  }
0x28d: {  	s0 =	simm.s32 $0x19380;
	s29 =	sadd.s32 s29, s30  }
0x28e: {  	[tilespmem:s0], [sflag:$0x3] =	stream.linear.gather [spmem:s29], $0x80, $0x38;
	[tilespmem:$0x1D000] =	vst v63  }
0x28f: {  	s29 =	sadd.s32 $0x400, s29;
	s0 =	simm.s32 $0x19780  }
0x290: {  	[tilespmem:s0], [sflag:$0x3] =	stream.linear.gather [spmem:s29], $0x80, $0x38;
	[tilespmem:$0x1D000] =	vst v63  }
0x291: {  	s29 =	spop (v2sf)  }
0x292: {  	(v2sf) =	vpush v60, $0xA;
	s0 =	sshll.u32 s29, $0x8  }
0x293: {  	s29 =	sshll.u32 s29, $0x7;
	s30 =	sand.u32 $0xFFFFF800, s0  }
0x294: {  	s29 =	sand.u32 $0x380, s29;
	s30 =	sadd.s32 s30, s1  }
0x295: {  	s0 =	simm.s32 $0x19800;
	s29 =	sadd.s32 s29, s30  }
0x296: {  	[tilespmem:s0], [sflag:$0x3] =	stream.linear.gather [spmem:s29], $0x80, $0x38;
	[tilespmem:$0x1D000] =	vst v63  }
0x297: {  	s29 =	sadd.s32 $0x400, s29;
	s0 =	simm.s32 $0x19C00  }
0x298: {  	[tilespmem:s0], [sflag:$0x3] =	stream.linear.gather [spmem:s29], $0x80, $0x38;
	[tilespmem:$0x1D000] =	vst v63  }
0x299: {  	s29 =	spop (v2sf)  }
0x29a: {  	(v2sf) =	vpush v60, $0xB;
	s0 =	sshll.u32 s29, $0x8  }
0x29b: {  	s29 =	sshll.u32 s29, $0x7;
	s30 =	sand.u32 $0xFFFFF800, s0  }
0x29c: {  	s29 =	sand.u32 $0x380, s29;
	s30 =	sadd.s32 s30, s1  }
0x29d: {  	s0 =	simm.s32 $0x19880;
	s29 =	sadd.s32 s29, s30  }
0x29e: {  	[tilespmem:s0], [sflag:$0x3] =	stream.linear.gather [spmem:s29], $0x80, $0x38;
	[tilespmem:$0x1D000] =	vst v63  }
0x29f: {  	s29 =	sadd.s32 $0x400, s29;
	s0 =	simm.s32 $0x19C80  }
0x2a0: {  	[tilespmem:s0], [sflag:$0x3] =	stream.linear.gather [spmem:s29], $0x80, $0x38;
	[tilespmem:$0x1D000] =	vst v63  }
0x2a1: {  	s29 =	spop (v2sf)  }
0x2a2: {  	(v2sf) =	vpush v60, $0xC;
	s0 =	sshll.u32 s29, $0x8  }
0x2a3: {  	s29 =	sshll.u32 s29, $0x7;
	s30 =	sand.u32 $0xFFFFF800, s0  }
0x2a4: {  	s29 =	sand.u32 $0x380, s29;
	s30 =	sadd.s32 s30, s1  }
0x2a5: {  	s0 =	simm.s32 $0x19900;
	s29 =	sadd.s32 s29, s30  }
0x2a6: {  	[tilespmem:s0], [sflag:$0x3] =	stream.linear.gather [spmem:s29], $0x80, $0x38;
	[tilespmem:$0x1D000] =	vst v63  }
0x2a7: {  	s29 =	sadd.s32 $0x400, s29;
	s0 =	simm.s32 $0x19D00  }
0x2a8: {  	[tilespmem:s0], [sflag:$0x3] =	stream.linear.gather [spmem:s29], $0x80, $0x38;
	[tilespmem:$0x1D000] =	vst v63  }
0x2a9: {  	s29 =	spop (v2sf)  }
0x2aa: {  	(v2sf) =	vpush v60, $0xD;
	s0 =	sshll.u32 s29, $0x8  }
0x2ab: {  	s29 =	sshll.u32 s29, $0x7;
	s30 =	sand.u32 $0xFFFFF800, s0  }
0x2ac: {  	s29 =	sand.u32 $0x380, s29;
	s30 =	sadd.s32 s30, s1  }
0x2ad: {  	s0 =	simm.s32 $0x19980;
	s29 =	sadd.s32 s29, s30  }
0x2ae: {  	[tilespmem:s0], [sflag:$0x3] =	stream.linear.gather [spmem:s29], $0x80, $0x38;
	[tilespmem:$0x1D000] =	vst v63  }
0x2af: {  	s29 =	sadd.s32 $0x400, s29;
	s0 =	simm.s32 $0x19D80  }
0x2b0: {  	[tilespmem:s0], [sflag:$0x3] =	stream.linear.gather [spmem:s29], $0x80, $0x38;
	[tilespmem:$0x1D000] =	vst v63  }
0x2b1: {  	s29 =	spop (v2sf)  }
0x2b2: {  	(v2sf) =	vpush v60, $0xE;
	s0 =	sshll.u32 s29, $0x8  }
0x2b3: {  	s29 =	sshll.u32 s29, $0x7;
	s30 =	sand.u32 $0xFFFFF800, s0  }
0x2b4: {  	s29 =	sand.u32 $0x380, s29;
	s30 =	sadd.s32 s30, s1  }
0x2b5: {  	s0 =	simm.s32 $0x19A00;
	s29 =	sadd.s32 s29, s30  }
0x2b6: {  	[tilespmem:s0], [sflag:$0x3] =	stream.linear.gather [spmem:s29], $0x80, $0x38;
	[tilespmem:$0x1D000] =	vst v63  }
0x2b7: {  	s29 =	sadd.s32 $0x400, s29;
	s0 =	simm.s32 $0x19E00  }
0x2b8: {  	[tilespmem:s0], [sflag:$0x3] =	stream.linear.gather [spmem:s29], $0x80, $0x38;
	[tilespmem:$0x1D000] =	vst v63  }
0x2b9: {  	s29 =	spop (v2sf)  }
0x2ba: {  	(v2sf) =	vpush v60, $0xF;
	s0 =	sshll.u32 s29, $0x8  }
0x2bb: {  	s29 =	sshll.u32 s29, $0x7;
	s30 =	sand.u32 $0xFFFFF800, s0  }
0x2bc: {  	s29 =	sand.u32 $0x380, s29;
	s30 =	sadd.s32 s30, s1  }
0x2bd: {  	s0 =	simm.s32 $0x19A80;
	s29 =	sadd.s32 s29, s30  }
0x2be: {  	[tilespmem:s0], [sflag:$0x3] =	stream.linear.gather [spmem:s29], $0x80, $0x38;
	[tilespmem:$0x1D000] =	vst v63  }
0x2bf: {  	s29 =	sadd.s32 $0x400, s29;
	s0 =	simm.s32 $0x19E80  }
0x2c0: {  	[tilespmem:s0], [sflag:$0x3] =	stream.linear.gather [spmem:s29], $0x80, $0x38;
	[tilespmem:$0x1D000] =	vst v63  }
0x2c1: {  	s29 =	spop (v2sf)  }
0x2c2: {  	s0 =	sshll.u32 s29, $0x8  }
0x2c3: {  	s29 =	sshll.u32 s29, $0x7;
	s30 =	sand.u32 $0xFFFFF800, s0  }
0x2c4: {  	s29 =	sand.u32 $0x380, s29;
	s30 =	sadd.s32 s30, s1  }
0x2c5: {  	s0 =	simm.s32 $0x19B00;
	s29 =	sadd.s32 s29, s30  }
0x2c6: {  	[tilespmem:s0], [sflag:$0x3] =	stream.linear.gather [spmem:s29], $0x80, $0x38;
	[tilespmem:$0x1D000] =	vst v63  }
0x2c7: {  	s29 =	sadd.s32 $0x400, s29;
	s0 =	simm.s32 $0x19F00  }
0x2c8: {  	[tilespmem:s0], [sflag:$0x3] =	stream.linear.gather [spmem:s29], $0x80, $0x38;
	[tilespmem:$0x1D000] =	vst v63  }
0x2c9: {  	s29 =	spop (v2sf)  }
0x2ca: {  	s0 =	sshll.u32 s29, $0x8  }
0x2cb: {  	s29 =	sshll.u32 s29, $0x7;
	s30 =	sand.u32 $0xFFFFF800, s0  }
0x2cc: {  	s29 =	sand.u32 $0x380, s29;
	s30 =	sadd.s32 s30, s1  }
0x2cd: {  	s0 =	simm.s32 $0x19B80;
	s29 =	sadd.s32 s29, s30  }
0x2ce: {  	[tilespmem:s0], [sflag:$0x3] =	stream.linear.gather [spmem:s29], $0x80, $0x38;
	[tilespmem:$0x1D000] =	vst v63  }
0x2cf: {  	s29 =	sadd.s32 $0x400, s29;
	s0 =	simm.s32 $0x19F80  }
0x2d0: {  	[tilespmem:s0], [sflag:$0x3] =	stream.linear.gather [spmem:s29], $0x80, $0x38;
	[tilespmem:$0x1D000] =	vst v63  }
0x2d1: {  	v61 =	vld [tilespmem:s26+$0x0];
	_ =	sdelay $0x4  }
0x2d2: {  	(v2sf) =	vpush v61, $0x0;
	_ =	sdelay $0x7  }
0x2d3: {  	(v2sf) =	vpush v61, $0x1;
	_ =	sdelay $0x6  }
0x2d4: {  	s29 =	spop (v2sf)  }
0x2d5: {  	(v2sf) =	vpush v61, $0x2;
	s0 =	sshll.u32 s29, $0x8  }
0x2d6: {  	s29 =	sshll.u32 s29, $0x7;
	s30 =	sand.u32 $0xFFFFF800, s0  }
0x2d7: {  	s29 =	sand.u32 $0x380, s29;
	s30 =	sadd.s32 s30, s1  }
0x2d8: {  	s0 =	simm.s32 $0x1A000;
	s29 =	sadd.s32 s29, s30  }
0x2d9: {  	[tilespmem:s0], [sflag:$0x3] =	stream.linear.gather [spmem:s29], $0x80, $0x38;
	[tilespmem:$0x1D000] =	vst v63  }
0x2da: {  	s29 =	sadd.s32 $0x400, s29;
	s0 =	simm.s32 $0x1A400  }
0x2db: {  	[tilespmem:s0], [sflag:$0x3] =	stream.linear.gather [spmem:s29], $0x80, $0x38;
	[tilespmem:$0x1D000] =	vst v63  }
0x2dc: {  	s29 =	spop (v2sf)  }
0x2dd: {  	(v2sf) =	vpush v61, $0x3;
	s0 =	sshll.u32 s29, $0x8  }
0x2de: {  	s29 =	sshll.u32 s29, $0x7;
	s30 =	sand.u32 $0xFFFFF800, s0  }
0x2df: {  	s29 =	sand.u32 $0x380, s29;
	s30 =	sadd.s32 s30, s1  }
0x2e0: {  	s0 =	simm.s32 $0x1A080;
	s29 =	sadd.s32 s29, s30  }
0x2e1: {  	[tilespmem:s0], [sflag:$0x3] =	stream.linear.gather [spmem:s29], $0x80, $0x38;
	[tilespmem:$0x1D000] =	vst v63  }
0x2e2: {  	s29 =	sadd.s32 $0x400, s29;
	s0 =	simm.s32 $0x1A480  }
0x2e3: {  	[tilespmem:s0], [sflag:$0x3] =	stream.linear.gather [spmem:s29], $0x80, $0x38;
	[tilespmem:$0x1D000] =	vst v63  }
0x2e4: {  	s29 =	spop (v2sf)  }
0x2e5: {  	(v2sf) =	vpush v61, $0x4;
	s0 =	sshll.u32 s29, $0x8  }
0x2e6: {  	s29 =	sshll.u32 s29, $0x7;
	s30 =	sand.u32 $0xFFFFF800, s0  }
0x2e7: {  	s29 =	sand.u32 $0x380, s29;
	s30 =	sadd.s32 s30, s1  }
0x2e8: {  	s0 =	simm.s32 $0x1A100;
	s29 =	sadd.s32 s29, s30  }
0x2e9: {  	[tilespmem:s0], [sflag:$0x3] =	stream.linear.gather [spmem:s29], $0x80, $0x38;
	[tilespmem:$0x1D000] =	vst v63  }
0x2ea: {  	s29 =	sadd.s32 $0x400, s29;
	s0 =	simm.s32 $0x1A500  }
0x2eb: {  	[tilespmem:s0], [sflag:$0x3] =	stream.linear.gather [spmem:s29], $0x80, $0x38;
	[tilespmem:$0x1D000] =	vst v63  }
0x2ec: {  	s29 =	spop (v2sf)  }
0x2ed: {  	(v2sf) =	vpush v61, $0x5;
	s0 =	sshll.u32 s29, $0x8  }
0x2ee: {  	s29 =	sshll.u32 s29, $0x7;
	s30 =	sand.u32 $0xFFFFF800, s0  }
0x2ef: {  	s29 =	sand.u32 $0x380, s29;
	s30 =	sadd.s32 s30, s1  }
0x2f0: {  	s0 =	simm.s32 $0x1A180;
	s29 =	sadd.s32 s29, s30  }
0x2f1: {  	[tilespmem:s0], [sflag:$0x3] =	stream.linear.gather [spmem:s29], $0x80, $0x38;
	[tilespmem:$0x1D000] =	vst v63  }
0x2f2: {  	s29 =	sadd.s32 $0x400, s29;
	s0 =	simm.s32 $0x1A580  }
0x2f3: {  	[tilespmem:s0], [sflag:$0x3] =	stream.linear.gather [spmem:s29], $0x80, $0x38;
	[tilespmem:$0x1D000] =	vst v63  }
0x2f4: {  	s29 =	spop (v2sf)  }
0x2f5: {  	(v2sf) =	vpush v61, $0x6;
	s0 =	sshll.u32 s29, $0x8  }
0x2f6: {  	s29 =	sshll.u32 s29, $0x7;
	s30 =	sand.u32 $0xFFFFF800, s0  }
0x2f7: {  	s29 =	sand.u32 $0x380, s29;
	s30 =	sadd.s32 s30, s1  }
0x2f8: {  	s0 =	simm.s32 $0x1A200;
	s29 =	sadd.s32 s29, s30  }
0x2f9: {  	[tilespmem:s0], [sflag:$0x3] =	stream.linear.gather [spmem:s29], $0x80, $0x38;
	[tilespmem:$0x1D000] =	vst v63  }
0x2fa: {  	s29 =	sadd.s32 $0x400, s29;
	s0 =	simm.s32 $0x1A600  }
0x2fb: {  	[tilespmem:s0], [sflag:$0x3] =	stream.linear.gather [spmem:s29], $0x80, $0x38;
	[tilespmem:$0x1D000] =	vst v63  }
0x2fc: {  	s29 =	spop (v2sf)  }
0x2fd: {  	(v2sf) =	vpush v61, $0x7;
	s0 =	sshll.u32 s29, $0x8  }
0x2fe: {  	s29 =	sshll.u32 s29, $0x7;
	s30 =	sand.u32 $0xFFFFF800, s0  }
0x2ff: {  	s29 =	sand.u32 $0x380, s29;
	s30 =	sadd.s32 s30, s1  }
0x300: {  	s0 =	simm.s32 $0x1A280;
	s29 =	sadd.s32 s29, s30  }
0x301: {  	[tilespmem:s0], [sflag:$0x3] =	stream.linear.gather [spmem:s29], $0x80, $0x38;
	[tilespmem:$0x1D000] =	vst v63  }
0x302: {  	s29 =	sadd.s32 $0x400, s29;
	s0 =	simm.s32 $0x1A680  }
0x303: {  	[tilespmem:s0], [sflag:$0x3] =	stream.linear.gather [spmem:s29], $0x80, $0x38;
	[tilespmem:$0x1D000] =	vst v63  }
0x304: {  	s29 =	spop (v2sf)  }
0x305: {  	(v2sf) =	vpush v61, $0x8;
	s0 =	sshll.u32 s29, $0x8  }
0x306: {  	s29 =	sshll.u32 s29, $0x7;
	s30 =	sand.u32 $0xFFFFF800, s0  }
0x307: {  	s29 =	sand.u32 $0x380, s29;
	s30 =	sadd.s32 s30, s1  }
0x308: {  	s0 =	simm.s32 $0x1A300;
	s29 =	sadd.s32 s29, s30  }
0x309: {  	[tilespmem:s0], [sflag:$0x3] =	stream.linear.gather [spmem:s29], $0x80, $0x38;
	[tilespmem:$0x1D000] =	vst v63  }
0x30a: {  	s29 =	sadd.s32 $0x400, s29;
	s0 =	simm.s32 $0x1A700  }
0x30b: {  	[tilespmem:s0], [sflag:$0x3] =	stream.linear.gather [spmem:s29], $0x80, $0x38;
	[tilespmem:$0x1D000] =	vst v63  }
0x30c: {  	s29 =	spop (v2sf)  }
0x30d: {  	(v2sf) =	vpush v61, $0x9;
	s0 =	sshll.u32 s29, $0x8  }
0x30e: {  	s29 =	sshll.u32 s29, $0x7;
	s30 =	sand.u32 $0xFFFFF800, s0  }
0x30f: {  	s29 =	sand.u32 $0x380, s29;
	s30 =	sadd.s32 s30, s1  }
0x310: {  	s0 =	simm.s32 $0x1A380;
	s29 =	sadd.s32 s29, s30  }
0x311: {  	[tilespmem:s0], [sflag:$0x3] =	stream.linear.gather [spmem:s29], $0x80, $0x38;
	[tilespmem:$0x1D000] =	vst v63  }
0x312: {  	s29 =	sadd.s32 $0x400, s29;
	s0 =	simm.s32 $0x1A780  }
0x313: {  	[tilespmem:s0], [sflag:$0x3] =	stream.linear.gather [spmem:s29], $0x80, $0x38;
	[tilespmem:$0x1D000] =	vst v63  }
0x314: {  	s29 =	spop (v2sf)  }
0x315: {  	(v2sf) =	vpush v61, $0xA;
	s0 =	sshll.u32 s29, $0x8  }
0x316: {  	s29 =	sshll.u32 s29, $0x7;
	s30 =	sand.u32 $0xFFFFF800, s0  }
0x317: {  	s29 =	sand.u32 $0x380, s29;
	s30 =	sadd.s32 s30, s1  }
0x318: {  	s0 =	simm.s32 $0x1A800;
	s29 =	sadd.s32 s29, s30  }
0x319: {  	[tilespmem:s0], [sflag:$0x3] =	stream.linear.gather [spmem:s29], $0x80, $0x38;
	[tilespmem:$0x1D000] =	vst v63  }
0x31a: {  	s29 =	sadd.s32 $0x400, s29;
	s0 =	simm.s32 $0x1AC00  }
0x31b: {  	[tilespmem:s0], [sflag:$0x3] =	stream.linear.gather [spmem:s29], $0x80, $0x38;
	[tilespmem:$0x1D000] =	vst v63  }
0x31c: {  	s29 =	spop (v2sf)  }
0x31d: {  	(v2sf) =	vpush v61, $0xB;
	s0 =	sshll.u32 s29, $0x8  }
0x31e: {  	s29 =	sshll.u32 s29, $0x7;
	s30 =	sand.u32 $0xFFFFF800, s0  }
0x31f: {  	s29 =	sand.u32 $0x380, s29;
	s30 =	sadd.s32 s30, s1  }
0x320: {  	s0 =	simm.s32 $0x1A880;
	s29 =	sadd.s32 s29, s30  }
0x321: {  	[tilespmem:s0], [sflag:$0x3] =	stream.linear.gather [spmem:s29], $0x80, $0x38;
	[tilespmem:$0x1D000] =	vst v63  }
0x322: {  	s29 =	sadd.s32 $0x400, s29;
	s0 =	simm.s32 $0x1AC80  }
0x323: {  	[tilespmem:s0], [sflag:$0x3] =	stream.linear.gather [spmem:s29], $0x80, $0x38;
	[tilespmem:$0x1D000] =	vst v63  }
0x324: {  	s29 =	spop (v2sf)  }
0x325: {  	(v2sf) =	vpush v61, $0xC;
	s0 =	sshll.u32 s29, $0x8  }
0x326: {  	s29 =	sshll.u32 s29, $0x7;
	s30 =	sand.u32 $0xFFFFF800, s0  }
0x327: {  	s29 =	sand.u32 $0x380, s29;
	s30 =	sadd.s32 s30, s1  }
0x328: {  	s0 =	simm.s32 $0x1A900;
	s29 =	sadd.s32 s29, s30  }
0x329: {  	[tilespmem:s0], [sflag:$0x3] =	stream.linear.gather [spmem:s29], $0x80, $0x38;
	[tilespmem:$0x1D000] =	vst v63  }
0x32a: {  	s29 =	sadd.s32 $0x400, s29;
	s0 =	simm.s32 $0x1AD00  }
0x32b: {  	[tilespmem:s0], [sflag:$0x3] =	stream.linear.gather [spmem:s29], $0x80, $0x38;
	[tilespmem:$0x1D000] =	vst v63  }
0x32c: {  	s29 =	spop (v2sf)  }
0x32d: {  	(v2sf) =	vpush v61, $0xD;
	s0 =	sshll.u32 s29, $0x8  }
0x32e: {  	s29 =	sshll.u32 s29, $0x7;
	s30 =	sand.u32 $0xFFFFF800, s0  }
0x32f: {  	s29 =	sand.u32 $0x380, s29;
	s30 =	sadd.s32 s30, s1  }
0x330: {  	s0 =	simm.s32 $0x1A980;
	s29 =	sadd.s32 s29, s30  }
0x331: {  	[tilespmem:s0], [sflag:$0x3] =	stream.linear.gather [spmem:s29], $0x80, $0x38;
	[tilespmem:$0x1D000] =	vst v63  }
0x332: {  	s29 =	sadd.s32 $0x400, s29;
	s0 =	simm.s32 $0x1AD80  }
0x333: {  	[tilespmem:s0], [sflag:$0x3] =	stream.linear.gather [spmem:s29], $0x80, $0x38;
	[tilespmem:$0x1D000] =	vst v63  }
0x334: {  	s29 =	spop (v2sf)  }
0x335: {  	(v2sf) =	vpush v61, $0xE;
	s0 =	sshll.u32 s29, $0x8  }
0x336: {  	s29 =	sshll.u32 s29, $0x7;
	s30 =	sand.u32 $0xFFFFF800, s0  }
0x337: {  	s29 =	sand.u32 $0x380, s29;
	s30 =	sadd.s32 s30, s1  }
0x338: {  	s0 =	simm.s32 $0x1AA00;
	s29 =	sadd.s32 s29, s30  }
0x339: {  	[tilespmem:s0], [sflag:$0x3] =	stream.linear.gather [spmem:s29], $0x80, $0x38;
	[tilespmem:$0x1D000] =	vst v63  }
0x33a: {  	s29 =	sadd.s32 $0x400, s29;
	s0 =	simm.s32 $0x1AE00  }
0x33b: {  	[tilespmem:s0], [sflag:$0x3] =	stream.linear.gather [spmem:s29], $0x80, $0x38;
	[tilespmem:$0x1D000] =	vst v63  }
0x33c: {  	s29 =	spop (v2sf)  }
0x33d: {  	(v2sf) =	vpush v61, $0xF;
	s0 =	sshll.u32 s29, $0x8  }
0x33e: {  	s29 =	sshll.u32 s29, $0x7;
	s30 =	sand.u32 $0xFFFFF800, s0  }
0x33f: {  	s29 =	sand.u32 $0x380, s29;
	s30 =	sadd.s32 s30, s1  }
0x340: {  	s0 =	simm.s32 $0x1AA80;
	s29 =	sadd.s32 s29, s30  }
0x341: {  	[tilespmem:s0], [sflag:$0x3] =	stream.linear.gather [spmem:s29], $0x80, $0x38;
	[tilespmem:$0x1D000] =	vst v63  }
0x342: {  	s29 =	sadd.s32 $0x400, s29;
	s0 =	simm.s32 $0x1AE80  }
0x343: {  	[tilespmem:s0], [sflag:$0x3] =	stream.linear.gather [spmem:s29], $0x80, $0x38;
	[tilespmem:$0x1D000] =	vst v63  }
0x344: {  	s29 =	spop (v2sf)  }
0x345: {  	s0 =	sshll.u32 s29, $0x8  }
0x346: {  	s29 =	sshll.u32 s29, $0x7;
	s30 =	sand.u32 $0xFFFFF800, s0  }
0x347: {  	s29 =	sand.u32 $0x380, s29;
	s30 =	sadd.s32 s30, s1  }
0x348: {  	s0 =	simm.s32 $0x1AB00;
	s29 =	sadd.s32 s29, s30  }
0x349: {  	[tilespmem:s0], [sflag:$0x3] =	stream.linear.gather [spmem:s29], $0x80, $0x38;
	[tilespmem:$0x1D000] =	vst v63  }
0x34a: {  	s29 =	sadd.s32 $0x400, s29;
	s0 =	simm.s32 $0x1AF00  }
0x34b: {  	[tilespmem:s0], [sflag:$0x3] =	stream.linear.gather [spmem:s29], $0x80, $0x38;
	[tilespmem:$0x1D000] =	vst v63  }
0x34c: {  	s29 =	spop (v2sf)  }
0x34d: {  	s0 =	sshll.u32 s29, $0x8  }
0x34e: {  	s29 =	sshll.u32 s29, $0x7;
	s30 =	sand.u32 $0xFFFFF800, s0  }
0x34f: {  	s29 =	sand.u32 $0x380, s29;
	s30 =	sadd.s32 s30, s1  }
0x350: {  	s0 =	simm.s32 $0x1AB80;
	s29 =	sadd.s32 s29, s30  }
0x351: {  	[tilespmem:s0], [sflag:$0x3] =	stream.linear.gather [spmem:s29], $0x80, $0x38;
	[tilespmem:$0x1D000] =	vst v63  }
0x352: {  	s29 =	sadd.s32 $0x400, s29;
	s0 =	simm.s32 $0x1AF80  }
0x353: {  	[tilespmem:s0], [sflag:$0x3] =	stream.linear.gather [spmem:s29], $0x80, $0x38;
	[tilespmem:$0x1D000] =	vst v63  }
0x354: {  	_ =	swait.ge [sflag:s20], $0x2000  }
0x355: {  	[sflag:s20] =	ssyncset.done $0x0  }
0x356: {  	s30 =	sadd.s32 s25, s19;
	s29 =	simm.s32 @!p0 $0x8;
	[sflag:s20] =	ssyncadd.s32 $0xFFFFE000  }
0x357: {  	[hbm4b:s30+s2] =	stream.linear.scatter [tilespmem:s23], [sflag:$0x6], $0x2000, $0x38;
	[tilespmem:$0x1D000] =	vst v63  }
0x358: {  	_ =	swait.ge @!p0 [sflag:s29], $0x2000  }
0x359: {  	[sflag:s29] =	ssyncset.done @!p0 $0x0  }
0x35a: {  	[sflag:s29] =	ssyncadd.s32 @!p0 $0xFFFFE000  }
0x35b: {  	v62 =	vld [tilespmem:s26+$0x70];
	_ =	sdelay $0x4  }
0x35c: {  	(v2sf) =	vpush v62, $0x0;
	_ =	sdelay $0x7  }
0x35d: {  	(v2sf) =	vpush v62, $0x1;
	_ =	sdelay $0x6  }
0x35e: {  	s29 =	spop (v2sf)  }
0x35f: {  	(v2sf) =	vpush v62, $0x2;
	s0 =	sshll.u32 s29, $0x8  }
0x360: {  	s29 =	sshll.u32 s29, $0x7;
	s30 =	sand.u32 $0xFFFFF800, s0  }
0x361: {  	s29 =	sand.u32 $0x380, s29;
	s30 =	sadd.s32 s30, s1  }
0x362: {  	s29 =	sadd.s32 s29, s30  }
0x363: {  	[tilespmem:s21], [sflag:$0x4] =	stream.linear.gather [spmem:s29], $0x80, $0x38;
	[tilespmem:$0x1D000] =	vst v63  }
0x364: {  	s0 =	simm.s32 $0x1B400;
	s29 =	sadd.s32 $0x400, s29  }
0x365: {  	[tilespmem:s0], [sflag:$0x4] =	stream.linear.gather [spmem:s29], $0x80, $0x38;
	[tilespmem:$0x1D000] =	vst v63  }
0x366: {  	s29 =	spop (v2sf)  }
0x367: {  	(v2sf) =	vpush v62, $0x3;
	s0 =	sshll.u32 s29, $0x8  }
0x368: {  	s29 =	sshll.u32 s29, $0x7;
	s30 =	sand.u32 $0xFFFFF800, s0  }
0x369: {  	s29 =	sand.u32 $0x380, s29;
	s30 =	sadd.s32 s30, s1  }
0x36a: {  	s0 =	simm.s32 $0x1B080;
	s29 =	sadd.s32 s29, s30  }
0x36b: {  	[tilespmem:s0], [sflag:$0x4] =	stream.linear.gather [spmem:s29], $0x80, $0x38;
	[tilespmem:$0x1D000] =	vst v63  }
0x36c: {  	s29 =	sadd.s32 $0x400, s29;
	s0 =	simm.s32 $0x1B480  }
0x36d: {  	[tilespmem:s0], [sflag:$0x4] =	stream.linear.gather [spmem:s29], $0x80, $0x38;
	[tilespmem:$0x1D000] =	vst v63  }
0x36e: {  	s29 =	spop (v2sf)  }
0x36f: {  	(v2sf) =	vpush v62, $0x4;
	s0 =	sshll.u32 s29, $0x8  }
0x370: {  	s29 =	sshll.u32 s29, $0x7;
	s30 =	sand.u32 $0xFFFFF800, s0  }
0x371: {  	s29 =	sand.u32 $0x380, s29;
	s30 =	sadd.s32 s30, s1  }
0x372: {  	s0 =	simm.s32 $0x1B100;
	s29 =	sadd.s32 s29, s30  }
0x373: {  	[tilespmem:s0], [sflag:$0x4] =	stream.linear.gather [spmem:s29], $0x80, $0x38;
	[tilespmem:$0x1D000] =	vst v63  }
0x374: {  	s29 =	sadd.s32 $0x400, s29;
	s0 =	simm.s32 $0x1B500  }
0x375: {  	[tilespmem:s0], [sflag:$0x4] =	stream.linear.gather [spmem:s29], $0x80, $0x38;
	[tilespmem:$0x1D000] =	vst v63  }
0x376: {  	s29 =	spop (v2sf)  }
0x377: {  	(v2sf) =	vpush v62, $0x5;
	s0 =	sshll.u32 s29, $0x8  }
0x378: {  	s29 =	sshll.u32 s29, $0x7;
	s30 =	sand.u32 $0xFFFFF800, s0  }
0x379: {  	s29 =	sand.u32 $0x380, s29;
	s30 =	sadd.s32 s30, s1  }
0x37a: {  	s0 =	simm.s32 $0x1B180;
	s29 =	sadd.s32 s29, s30  }
0x37b: {  	[tilespmem:s0], [sflag:$0x4] =	stream.linear.gather [spmem:s29], $0x80, $0x38;
	[tilespmem:$0x1D000] =	vst v63  }
0x37c: {  	s29 =	sadd.s32 $0x400, s29;
	s0 =	simm.s32 $0x1B580  }
0x37d: {  	[tilespmem:s0], [sflag:$0x4] =	stream.linear.gather [spmem:s29], $0x80, $0x38;
	[tilespmem:$0x1D000] =	vst v63  }
0x37e: {  	s29 =	spop (v2sf)  }
0x37f: {  	(v2sf) =	vpush v62, $0x6;
	s0 =	sshll.u32 s29, $0x8  }
0x380: {  	s29 =	sshll.u32 s29, $0x7;
	s30 =	sand.u32 $0xFFFFF800, s0  }
0x381: {  	s29 =	sand.u32 $0x380, s29;
	s30 =	sadd.s32 s30, s1  }
0x382: {  	s0 =	simm.s32 $0x1B200;
	s29 =	sadd.s32 s29, s30  }
0x383: {  	[tilespmem:s0], [sflag:$0x4] =	stream.linear.gather [spmem:s29], $0x80, $0x38;
	[tilespmem:$0x1D000] =	vst v63  }
0x384: {  	s29 =	sadd.s32 $0x400, s29;
	s0 =	simm.s32 $0x1B600  }
0x385: {  	[tilespmem:s0], [sflag:$0x4] =	stream.linear.gather [spmem:s29], $0x80, $0x38;
	[tilespmem:$0x1D000] =	vst v63  }
0x386: {  	s29 =	spop (v2sf)  }
0x387: {  	(v2sf) =	vpush v62, $0x7;
	s0 =	sshll.u32 s29, $0x8  }
0x388: {  	s29 =	sshll.u32 s29, $0x7;
	s30 =	sand.u32 $0xFFFFF800, s0  }
0x389: {  	s29 =	sand.u32 $0x380, s29;
	s30 =	sadd.s32 s30, s1  }
0x38a: {  	s0 =	simm.s32 $0x1B280;
	s29 =	sadd.s32 s29, s30  }
0x38b: {  	[tilespmem:s0], [sflag:$0x4] =	stream.linear.gather [spmem:s29], $0x80, $0x38;
	[tilespmem:$0x1D000] =	vst v63  }
0x38c: {  	s29 =	sadd.s32 $0x400, s29;
	s0 =	simm.s32 $0x1B680  }
0x38d: {  	[tilespmem:s0], [sflag:$0x4] =	stream.linear.gather [spmem:s29], $0x80, $0x38;
	[tilespmem:$0x1D000] =	vst v63  }
0x38e: {  	s29 =	spop (v2sf)  }
0x38f: {  	(v2sf) =	vpush v62, $0x8;
	s0 =	sshll.u32 s29, $0x8  }
0x390: {  	s29 =	sshll.u32 s29, $0x7;
	s30 =	sand.u32 $0xFFFFF800, s0  }
0x391: {  	s29 =	sand.u32 $0x380, s29;
	s30 =	sadd.s32 s30, s1  }
0x392: {  	s0 =	simm.s32 $0x1B300;
	s29 =	sadd.s32 s29, s30  }
0x393: {  	[tilespmem:s0], [sflag:$0x4] =	stream.linear.gather [spmem:s29], $0x80, $0x38;
	[tilespmem:$0x1D000] =	vst v63  }
0x394: {  	s29 =	sadd.s32 $0x400, s29;
	s0 =	simm.s32 $0x1B700  }
0x395: {  	[tilespmem:s0], [sflag:$0x4] =	stream.linear.gather [spmem:s29], $0x80, $0x38;
	[tilespmem:$0x1D000] =	vst v63  }
0x396: {  	s29 =	spop (v2sf)  }
0x397: {  	(v2sf) =	vpush v62, $0x9;
	s0 =	sshll.u32 s29, $0x8  }
0x398: {  	s29 =	sshll.u32 s29, $0x7;
	s30 =	sand.u32 $0xFFFFF800, s0  }
0x399: {  	s29 =	sand.u32 $0x380, s29;
	s30 =	sadd.s32 s30, s1  }
0x39a: {  	s0 =	simm.s32 $0x1B380;
	s29 =	sadd.s32 s29, s30  }
0x39b: {  	[tilespmem:s0], [sflag:$0x4] =	stream.linear.gather [spmem:s29], $0x80, $0x38;
	[tilespmem:$0x1D000] =	vst v63  }
0x39c: {  	s29 =	sadd.s32 $0x400, s29;
	s0 =	simm.s32 $0x1B780  }
0x39d: {  	[tilespmem:s0], [sflag:$0x4] =	stream.linear.gather [spmem:s29], $0x80, $0x38;
	[tilespmem:$0x1D000] =	vst v63  }
0x39e: {  	s29 =	spop (v2sf)  }
0x39f: {  	(v2sf) =	vpush v62, $0xA;
	s0 =	sshll.u32 s29, $0x8  }
0x3a0: {  	s29 =	sshll.u32 s29, $0x7;
	s30 =	sand.u32 $0xFFFFF800, s0  }
0x3a1: {  	s29 =	sand.u32 $0x380, s29;
	s30 =	sadd.s32 s30, s1  }
0x3a2: {  	s0 =	simm.s32 $0x1B800;
	s29 =	sadd.s32 s29, s30  }
0x3a3: {  	[tilespmem:s0], [sflag:$0x4] =	stream.linear.gather [spmem:s29], $0x80, $0x38;
	[tilespmem:$0x1D000] =	vst v63  }
0x3a4: {  	s29 =	sadd.s32 $0x400, s29;
	s0 =	simm.s32 $0x1BC00  }
0x3a5: {  	[tilespmem:s0], [sflag:$0x4] =	stream.linear.gather [spmem:s29], $0x80, $0x38;
	[tilespmem:$0x1D000] =	vst v63  }
0x3a6: {  	s29 =	spop (v2sf)  }
0x3a7: {  	(v2sf) =	vpush v62, $0xB;
	s0 =	sshll.u32 s29, $0x8  }
0x3a8: {  	s29 =	sshll.u32 s29, $0x7;
	s30 =	sand.u32 $0xFFFFF800, s0  }
0x3a9: {  	s29 =	sand.u32 $0x380, s29;
	s30 =	sadd.s32 s30, s1  }
0x3aa: {  	s0 =	simm.s32 $0x1B880;
	s29 =	sadd.s32 s29, s30  }
0x3ab: {  	[tilespmem:s0], [sflag:$0x4] =	stream.linear.gather [spmem:s29], $0x80, $0x38;
	[tilespmem:$0x1D000] =	vst v63  }
0x3ac: {  	s29 =	sadd.s32 $0x400, s29;
	s0 =	simm.s32 $0x1BC80  }
0x3ad: {  	[tilespmem:s0], [sflag:$0x4] =	stream.linear.gather [spmem:s29], $0x80, $0x38;
	[tilespmem:$0x1D000] =	vst v63  }
0x3ae: {  	s29 =	spop (v2sf)  }
0x3af: {  	(v2sf) =	vpush v62, $0xC;
	s0 =	sshll.u32 s29, $0x8  }
0x3b0: {  	s29 =	sshll.u32 s29, $0x7;
	s30 =	sand.u32 $0xFFFFF800, s0  }
0x3b1: {  	s29 =	sand.u32 $0x380, s29;
	s30 =	sadd.s32 s30, s1  }
0x3b2: {  	s0 =	simm.s32 $0x1B900;
	s29 =	sadd.s32 s29, s30  }
0x3b3: {  	[tilespmem:s0], [sflag:$0x4] =	stream.linear.gather [spmem:s29], $0x80, $0x38;
	[tilespmem:$0x1D000] =	vst v63  }
0x3b4: {  	s29 =	sadd.s32 $0x400, s29;
	s0 =	simm.s32 $0x1BD00  }
0x3b5: {  	[tilespmem:s0], [sflag:$0x4] =	stream.linear.gather [spmem:s29], $0x80, $0x38;
	[tilespmem:$0x1D000] =	vst v63  }
0x3b6: {  	s29 =	spop (v2sf)  }
0x3b7: {  	(v2sf) =	vpush v62, $0xD;
	s0 =	sshll.u32 s29, $0x8  }
0x3b8: {  	s29 =	sshll.u32 s29, $0x7;
	s30 =	sand.u32 $0xFFFFF800, s0  }
0x3b9: {  	s29 =	sand.u32 $0x380, s29;
	s30 =	sadd.s32 s30, s1  }
0x3ba: {  	s0 =	simm.s32 $0x1B980;
	s29 =	sadd.s32 s29, s30  }
0x3bb: {  	[tilespmem:s0], [sflag:$0x4] =	stream.linear.gather [spmem:s29], $0x80, $0x38;
	[tilespmem:$0x1D000] =	vst v63  }
0x3bc: {  	s29 =	sadd.s32 $0x400, s29;
	s0 =	simm.s32 $0x1BD80  }
0x3bd: {  	[tilespmem:s0], [sflag:$0x4] =	stream.linear.gather [spmem:s29], $0x80, $0x38;
	[tilespmem:$0x1D000] =	vst v63  }
0x3be: {  	s29 =	spop (v2sf)  }
0x3bf: {  	(v2sf) =	vpush v62, $0xE;
	s0 =	sshll.u32 s29, $0x8  }
0x3c0: {  	s29 =	sshll.u32 s29, $0x7;
	s30 =	sand.u32 $0xFFFFF800, s0  }
0x3c1: {  	s29 =	sand.u32 $0x380, s29;
	s30 =	sadd.s32 s30, s1  }
0x3c2: {  	s0 =	simm.s32 $0x1BA00;
	s29 =	sadd.s32 s29, s30  }
0x3c3: {  	[tilespmem:s0], [sflag:$0x4] =	stream.linear.gather [spmem:s29], $0x80, $0x38;
	[tilespmem:$0x1D000] =	vst v63  }
0x3c4: {  	s29 =	sadd.s32 $0x400, s29;
	s0 =	simm.s32 $0x1BE00  }
0x3c5: {  	[tilespmem:s0], [sflag:$0x4] =	stream.linear.gather [spmem:s29], $0x80, $0x38;
	[tilespmem:$0x1D000] =	vst v63  }
0x3c6: {  	s29 =	spop (v2sf)  }
0x3c7: {  	(v2sf) =	vpush v62, $0xF;
	s0 =	sshll.u32 s29, $0x8  }
0x3c8: {  	s29 =	sshll.u32 s29, $0x7;
	s30 =	sand.u32 $0xFFFFF800, s0  }
0x3c9: {  	s29 =	sand.u32 $0x380, s29;
	s30 =	sadd.s32 s30, s1  }
0x3ca: {  	s0 =	simm.s32 $0x1BA80;
	s29 =	sadd.s32 s29, s30  }
0x3cb: {  	[tilespmem:s0], [sflag:$0x4] =	stream.linear.gather [spmem:s29], $0x80, $0x38;
	[tilespmem:$0x1D000] =	vst v63  }
0x3cc: {  	s29 =	sadd.s32 $0x400, s29;
	s0 =	simm.s32 $0x1BE80  }
0x3cd: {  	[tilespmem:s0], [sflag:$0x4] =	stream.linear.gather [spmem:s29], $0x80, $0x38;
	[tilespmem:$0x1D000] =	vst v63  }
0x3ce: {  	s29 =	spop (v2sf)  }
0x3cf: {  	s0 =	sshll.u32 s29, $0x8  }
0x3d0: {  	s29 =	sshll.u32 s29, $0x7;
	s30 =	sand.u32 $0xFFFFF800, s0  }
0x3d1: {  	s29 =	sand.u32 $0x380, s29;
	s30 =	sadd.s32 s30, s1  }
0x3d2: {  	s0 =	simm.s32 $0x1BB00;
	s29 =	sadd.s32 s29, s30  }
0x3d3: {  	[tilespmem:s0], [sflag:$0x4] =	stream.linear.gather [spmem:s29], $0x80, $0x38;
	[tilespmem:$0x1D000] =	vst v63  }
0x3d4: {  	s29 =	sadd.s32 $0x400, s29;
	s0 =	simm.s32 $0x1BF00  }
0x3d5: {  	[tilespmem:s0], [sflag:$0x4] =	stream.linear.gather [spmem:s29], $0x80, $0x38;
	[tilespmem:$0x1D000] =	vst v63  }
0x3d6: {  	s29 =	spop (v2sf)  }
0x3d7: {  	s0 =	sshll.u32 s29, $0x8  }
0x3d8: {  	s29 =	sshll.u32 s29, $0x7;
	s30 =	sand.u32 $0xFFFFF800, s0  }
0x3d9: {  	s29 =	sand.u32 $0x380, s29;
	s30 =	sadd.s32 s30, s1  }
0x3da: {  	s0 =	simm.s32 $0x1BB80;
	s29 =	sadd.s32 s29, s30  }
0x3db: {  	[tilespmem:s0], [sflag:$0x4] =	stream.linear.gather [spmem:s29], $0x80, $0x38;
	[tilespmem:$0x1D000] =	vst v63  }
0x3dc: {  	s29 =	sadd.s32 $0x400, s29;
	s0 =	simm.s32 $0x1BF80  }
0x3dd: {  	[tilespmem:s0], [sflag:$0x4] =	stream.linear.gather [spmem:s29], $0x80, $0x38;
	[tilespmem:$0x1D000] =	vst v63  }
0x3de: {  	v63 =	vld [tilespmem:s26+$0x80];
	_ =	sdelay $0x4  }
0x3df: {  	(v2sf) =	vpush v63, $0x0;
	_ =	sdelay $0x7  }
0x3e0: {  	(v2sf) =	vpush v63, $0x1;
	_ =	sdelay $0x5  }
0x3e1: {  	(v2sf) =	vpush v63, $0x2  }
0x3e2: {  	s29 =	spop (v2sf)  }
0x3e3: {  	s0 =	sshll.u32 s29, $0x8  }
0x3e4: {  	s29 =	sshll.u32 s29, $0x7;
	s30 =	sand.u32 $0xFFFFF800, s0  }
0x3e5: {  	s29 =	sand.u32 $0x380, s29;
	s30 =	sadd.s32 s30, s1  }
0x3e6: {  	s0 =	simm.s32 $0x1C000;
	s29 =	sadd.s32 s29, s30  }
0x3e7: {  	[tilespmem:s0], [sflag:$0x4] =	stream.linear.gather [spmem:s29], $0x80, $0x38;
	[tilespmem:$0x1D000] =	vst v63  }
0x3e8: {  	s29 =	sadd.s32 $0x400, s29;
	s0 =	simm.s32 $0x1C400  }
0x3e9: {  	[tilespmem:s0], [sflag:$0x4] =	stream.linear.gather [spmem:s29], $0x80, $0x38;
	[tilespmem:$0x1D000] =	vst v63  }
0x3ea: {  	(v2sf) =	vpush v63, $0x3;
	s29 =	spop (v2sf)  }
0x3eb: {  	s0 =	sshll.u32 s29, $0x8  }
0x3ec: {  	s29 =	sshll.u32 s29, $0x7;
	s30 =	sand.u32 $0xFFFFF800, s0  }
0x3ed: {  	s29 =	sand.u32 $0x380, s29;
	s30 =	sadd.s32 s30, s1  }
0x3ee: {  	s0 =	simm.s32 $0x1C080;
	s29 =	sadd.s32 s29, s30  }
0x3ef: {  	[tilespmem:s0], [sflag:$0x4] =	stream.linear.gather [spmem:s29], $0x80, $0x38;
	[tilespmem:$0x1D000] =	vst v63  }
0x3f0: {  	(v2sf) =	vpush v63, $0x4;
	s30 =	spop (v2sf);
	s29 =	sadd.s32 $0x400, s29;
	s0 =	simm.s32 $0x1C480  }
0x3f1: {  	[tilespmem:s0], [sflag:$0x4] =	stream.linear.gather [spmem:s29], $0x80, $0x38;
	[tilespmem:$0x1D000] =	vst v63  }
0x3f2: {  	s0 =	sshll.u32 s30, $0x8  }
0x3f3: {  	s30 =	sshll.u32 s30, $0x7;
	s29 =	sand.u32 $0xFFFFF800, s0  }
0x3f4: {  	s30 =	sand.u32 $0x380, s30;
	s29 =	sadd.s32 s29, s1  }
0x3f5: {  	s29 =	sadd.s32 s30, s29;
	s30 =	simm.s32 $0x1C100  }
0x3f6: {  	[tilespmem:s30], [sflag:$0x4] =	stream.linear.gather [spmem:s29], $0x80, $0x38;
	[tilespmem:$0x1D000] =	vst v63  }
0x3f7: {  	s29 =	sadd.s32 $0x400, s29;
	s30 =	simm.s32 $0x1C500  }
0x3f8: {  	[tilespmem:s30], [sflag:$0x4] =	stream.linear.gather [spmem:s29], $0x80, $0x38;
	[tilespmem:$0x1D000] =	vst v63  }
0x3f9: {  	s29 =	spop (v2sf);
	(v2sf) =	vpush v63, $0x5  }
0x3fa: {  	s0 =	sshll.u32 s29, $0x8  }
0x3fb: {  	s29 =	sshll.u32 s29, $0x7;
	s30 =	sand.u32 $0xFFFFF800, s0  }
0x3fc: {  	s29 =	sand.u32 $0x380, s29;
	s30 =	sadd.s32 s30, s1  }
0x3fd: {  	s29 =	sadd.s32 s29, s30;
	s30 =	simm.s32 $0x1C180  }
0x3fe: {  	[tilespmem:s30], [sflag:$0x4] =	stream.linear.gather [spmem:s29], $0x80, $0x38;
	[tilespmem:$0x1D000] =	vst v63  }
0x3ff: {  	s0 =	simm.s32 $0x1C580;
	s29 =	sadd.s32 $0x400, s29;
	s30 =	spop (v2sf);
	(v2sf) =	vpush v63, $0x6  }
0x400: {  	[tilespmem:s0], [sflag:$0x4] =	stream.linear.gather [spmem:s29], $0x80, $0x38;
	[tilespmem:$0x1D000] =	vst v63  }
0x401: {  	s0 =	sshll.u32 s30, $0x8  }
0x402: {  	s30 =	sshll.u32 s30, $0x7;
	s29 =	sand.u32 $0xFFFFF800, s0  }
0x403: {  	s30 =	sand.u32 $0x380, s30;
	s29 =	sadd.s32 s29, s1  }
0x404: {  	s29 =	sadd.s32 s30, s29;
	s30 =	simm.s32 $0x1C200  }
0x405: {  	[tilespmem:s30], [sflag:$0x4] =	stream.linear.gather [spmem:s29], $0x80, $0x38;
	[tilespmem:$0x1D000] =	vst v63  }
0x406: {  	s29 =	sadd.s32 $0x400, s29;
	s30 =	simm.s32 $0x1C600  }
0x407: {  	[tilespmem:s30], [sflag:$0x4] =	stream.linear.gather [spmem:s29], $0x80, $0x38;
	[tilespmem:$0x1D000] =	vst v63  }
0x408: {  	s29 =	spop (v2sf);
	(v2sf) =	vpush v63, $0x7  }
0x409: {  	s0 =	sshll.u32 s29, $0x8  }
0x40a: {  	s29 =	sshll.u32 s29, $0x7;
	s30 =	sand.u32 $0xFFFFF800, s0  }
0x40b: {  	s29 =	sand.u32 $0x380, s29;
	s30 =	sadd.s32 s30, s1  }
0x40c: {  	s29 =	sadd.s32 s29, s30;
	s30 =	simm.s32 $0x1C280  }
0x40d: {  	[tilespmem:s30], [sflag:$0x4] =	stream.linear.gather [spmem:s29], $0x80, $0x38;
	[tilespmem:$0x1D000] =	vst v63  }
0x40e: {  	s0 =	simm.s32 $0x1C680;
	s29 =	sadd.s32 $0x400, s29;
	s30 =	spop (v2sf);
	(v2sf) =	vpush v63, $0x8  }
0x40f: {  	[tilespmem:s0], [sflag:$0x4] =	stream.linear.gather [spmem:s29], $0x80, $0x38;
	[tilespmem:$0x1D000] =	vst v63  }
0x410: {  	s0 =	sshll.u32 s30, $0x8  }
0x411: {  	s30 =	sshll.u32 s30, $0x7;
	s29 =	sand.u32 $0xFFFFF800, s0  }
0x412: {  	s30 =	sand.u32 $0x380, s30;
	s29 =	sadd.s32 s29, s1  }
0x413: {  	s29 =	sadd.s32 s30, s29;
	s30 =	simm.s32 $0x1C300  }
0x414: {  	[tilespmem:s30], [sflag:$0x4] =	stream.linear.gather [spmem:s29], $0x80, $0x38;
	[tilespmem:$0x1D000] =	vst v63  }
0x415: {  	s29 =	sadd.s32 $0x400, s29;
	s30 =	simm.s32 $0x1C700  }
0x416: {  	[tilespmem:s30], [sflag:$0x4] =	stream.linear.gather [spmem:s29], $0x80, $0x38;
	[tilespmem:$0x1D000] =	vst v63  }
0x417: {  	s29 =	spop (v2sf);
	(v2sf) =	vpush v63, $0x9  }
0x418: {  	s0 =	sshll.u32 s29, $0x8  }
0x419: {  	s29 =	sshll.u32 s29, $0x7;
	s30 =	sand.u32 $0xFFFFF800, s0  }
0x41a: {  	s29 =	sand.u32 $0x380, s29;
	s30 =	sadd.s32 s30, s1  }
0x41b: {  	s29 =	sadd.s32 s29, s30;
	s30 =	simm.s32 $0x1C380  }
0x41c: {  	[tilespmem:s30], [sflag:$0x4] =	stream.linear.gather [spmem:s29], $0x80, $0x38;
	[tilespmem:$0x1D000] =	vst v63  }
0x41d: {  	s0 =	simm.s32 $0x1C780;
	s29 =	sadd.s32 $0x400, s29;
	s30 =	spop (v2sf);
	(v2sf) =	vpush v63, $0xA  }
0x41e: {  	[tilespmem:s0], [sflag:$0x4] =	stream.linear.gather [spmem:s29], $0x80, $0x38;
	[tilespmem:$0x1D000] =	vst v63  }
0x41f: {  	s0 =	sshll.u32 s30, $0x8  }
0x420: {  	s30 =	sshll.u32 s30, $0x7;
	s29 =	sand.u32 $0xFFFFF800, s0  }
0x421: {  	s30 =	sand.u32 $0x380, s30;
	s29 =	sadd.s32 s29, s1  }
0x422: {  	s29 =	sadd.s32 s30, s29;
	s30 =	simm.s32 $0x1C800  }
0x423: {  	[tilespmem:s30], [sflag:$0x4] =	stream.linear.gather [spmem:s29], $0x80, $0x38;
	[tilespmem:$0x1D000] =	vst v63  }
0x424: {  	s29 =	sadd.s32 $0x400, s29;
	s30 =	simm.s32 $0x1CC00  }
0x425: {  	[tilespmem:s30], [sflag:$0x4] =	stream.linear.gather [spmem:s29], $0x80, $0x38;
	[tilespmem:$0x1D000] =	vst v63  }
0x426: {  	s29 =	spop (v2sf);
	(v2sf) =	vpush v63, $0xB  }
0x427: {  	s0 =	sshll.u32 s29, $0x8  }
0x428: {  	s29 =	sshll.u32 s29, $0x7;
	s30 =	sand.u32 $0xFFFFF800, s0  }
0x429: {  	s29 =	sand.u32 $0x380, s29;
	s30 =	sadd.s32 s30, s1  }
0x42a: {  	s29 =	sadd.s32 s29, s30;
	s30 =	simm.s32 $0x1C880  }
0x42b: {  	[tilespmem:s30], [sflag:$0x4] =	stream.linear.gather [spmem:s29], $0x80, $0x38;
	[tilespmem:$0x1D000] =	vst v63  }
0x42c: {  	s0 =	simm.s32 $0x1CC80;
	s29 =	sadd.s32 $0x400, s29;
	s30 =	spop (v2sf);
	(v2sf) =	vpush v63, $0xC  }
0x42d: {  	[tilespmem:s0], [sflag:$0x4] =	stream.linear.gather [spmem:s29], $0x80, $0x38;
	[tilespmem:$0x1D000] =	vst v63  }
0x42e: {  	s0 =	sshll.u32 s30, $0x8  }
0x42f: {  	s30 =	sshll.u32 s30, $0x7;
	s29 =	sand.u32 $0xFFFFF800, s0  }
0x430: {  	s30 =	sand.u32 $0x380, s30;
	s29 =	sadd.s32 s29, s1  }
0x431: {  	s29 =	sadd.s32 s30, s29;
	s30 =	simm.s32 $0x1C900  }
0x432: {  	[tilespmem:s30], [sflag:$0x4] =	stream.linear.gather [spmem:s29], $0x80, $0x38;
	[tilespmem:$0x1D000] =	vst v63  }
0x433: {  	s29 =	sadd.s32 $0x400, s29;
	s30 =	simm.s32 $0x1CD00  }
0x434: {  	[tilespmem:s30], [sflag:$0x4] =	stream.linear.gather [spmem:s29], $0x80, $0x38;
	[tilespmem:$0x1D000] =	vst v63  }
0x435: {  	s29 =	spop (v2sf);
	(v2sf) =	vpush v63, $0xD  }
0x436: {  	s0 =	sshll.u32 s29, $0x8  }
0x437: {  	s29 =	sshll.u32 s29, $0x7;
	s30 =	sand.u32 $0xFFFFF800, s0  }
0x438: {  	s29 =	sand.u32 $0x380, s29;
	s30 =	sadd.s32 s30, s1  }
0x439: {  	s29 =	sadd.s32 s29, s30;
	s30 =	simm.s32 $0x1C980  }
0x43a: {  	[tilespmem:s30], [sflag:$0x4] =	stream.linear.gather [spmem:s29], $0x80, $0x38;
	[tilespmem:$0x1D000] =	vst v63  }
0x43b: {  	s0 =	simm.s32 $0x1CD80;
	s29 =	sadd.s32 $0x400, s29;
	s30 =	spop (v2sf);
	(v2sf) =	vpush v63, $0xE  }
0x43c: {  	[tilespmem:s0], [sflag:$0x4] =	stream.linear.gather [spmem:s29], $0x80, $0x38;
	[tilespmem:$0x1D000] =	vst v63  }
0x43d: {  	s0 =	sshll.u32 s30, $0x8  }
0x43e: {  	s30 =	sshll.u32 s30, $0x7;
	s29 =	sand.u32 $0xFFFFF800, s0  }
0x43f: {  	s30 =	sand.u32 $0x380, s30;
	s29 =	sadd.s32 s29, s1  }
0x440: {  	s29 =	sadd.s32 s30, s29  }
0x441: {  	[tilespmem:s3], [sflag:$0x4] =	stream.linear.gather [spmem:s29], $0x80, $0x38;
	[tilespmem:$0x1D000] =	vst v63  }
0x442: {  	s29 =	sadd.s32 $0x400, s29  }
0x443: {  	[tilespmem:s8], [sflag:$0x4] =	stream.linear.gather [spmem:s29], $0x80, $0x38;
	[tilespmem:$0x1D000] =	vst v63  }
0x444: {  	s29 =	spop (v2sf);
	(v2sf) =	vpush v63, $0xF  }
0x445: {  	s0 =	sshll.u32 s29, $0x8  }
0x446: {  	s29 =	sshll.u32 s29, $0x7;
	s30 =	sand.u32 $0xFFFFF800, s0  }
0x447: {  	s29 =	sand.u32 $0x380, s29;
	s30 =	sadd.s32 s30, s1  }
0x448: {  	s29 =	sadd.s32 s29, s30  }
0x449: {  	[tilespmem:s13], [sflag:$0x4] =	stream.linear.gather [spmem:s29], $0x80, $0x38;
	[tilespmem:$0x1D000] =	vst v63  }
0x44a: {  	s30 =	spop (v2sf)  }
0x44b: {  	s29 =	sadd.s32 $0x400, s29;
	s0 =	sshll.u32 s30, $0x8  }
0x44c: {  	[tilespmem:s9], [sflag:$0x4] =	stream.linear.gather [spmem:s29], $0x80, $0x38;
	[tilespmem:$0x1D000] =	vst v63  }
0x44d: {  	s30 =	sshll.u32 s30, $0x7;
	s29 =	sand.u32 $0xFFFFF800, s0  }
0x44e: {  	s30 =	sand.u32 $0x380, s30;
	s29 =	sadd.s32 s29, s1  }
0x44f: {  	s29 =	sadd.s32 s30, s29  }
0x450: {  	[tilespmem:s10], [sflag:$0x4] =	stream.linear.gather [spmem:s29], $0x80, $0x38;
	[tilespmem:$0x1D000] =	vst v63  }
0x451: {  	s29 =	sadd.s32 $0x400, s29  }
0x452: {  	[tilespmem:s11], [sflag:$0x4] =	stream.linear.gather [spmem:s29], $0x80, $0x38;
	[tilespmem:$0x1D000] =	vst v63  }
0x453: {  	s29 =	spop (v2sf)  }
0x454: {  	s0 =	sshll.u32 s29, $0x8  }
0x455: {  	s29 =	sshll.u32 s29, $0x7;
	s30 =	sand.u32 $0xFFFFF800, s0  }
0x456: {  	s29 =	sand.u32 $0x380, s29;
	s30 =	sadd.s32 s30, s1  }
0x457: {  	s29 =	sadd.s32 s29, s30  }
0x458: {  	[tilespmem:s12], [sflag:$0x4] =	stream.linear.gather [spmem:s29], $0x80, $0x38;
	[tilespmem:$0x1D000] =	vst v63  }
0x459: {  	p0 =	seq.s32 s25, $0x27000;
	s29 =	sadd.s32 $0x400, s29  }
0x45a: {  	[tilespmem:s4], [sflag:$0x4] =	stream.linear.gather [spmem:s29], $0x80, $0x38;
	[tilespmem:$0x1D000] =	vst v63  }
.Ltmp6:
0x45b: {  	_ = 	snop;
	(pc) =	sbr.rel @p0 .LBB2_5-.Ltmp6, $4  }
0x45c: {  	_ =	swait.ge [sflag:s7], $0x2000  }
0x45d: {  	[sflag:s7] =	ssyncset.done $0x0  }
0x45e: {  	s30 =	sadd.s32 s25, s18;
	[sflag:s7] =	ssyncadd.s32 $0xFFFFE000  }
0x45f: {  	[hbm4b:s30+s2] =	stream.linear.scatter [tilespmem:s6], [sflag:$0x7], $0x2000, $0x38;
	[tilespmem:$0x1D000] =	vst v63  }
0x460: {  	_ =	swait.ge [sflag:s16], $0x2000  }
0x461: {  	[sflag:s16] =	ssyncset.done $0x0  }
0x462: {  	[sflag:s16] =	ssyncadd.s32 $0xFFFFE000  }
0x463: {  	v0 =	vld [tilespmem:s26+$0xF0];
	_ =	sdelay $0x4  }
0x464: {  	(v2sf) =	vpush v0, $0x0;
	_ =	sdelay $0x7  }
0x465: {  	(v2sf) =	vpush v0, $0x1;
	_ =	sdelay $0x6  }
0x466: {  	s29 =	spop (v2sf)  }
0x467: {  	(v2sf) =	vpush v0, $0x2;
	s30 =	sshll.u32 s29, $0x8  }
0x468: {  	s29 =	sshll.u32 s29, $0x7;
	s30 =	sand.u32 $0xFFFFF800, s30  }
0x469: {  	s29 =	sand.u32 $0x380, s29;
	s30 =	sadd.s32 s30, s1  }
0x46a: {  	s29 =	sadd.s32 s29, s30  }
0x46b: {  	[tilespmem:s15], [sflag:$0x1] =	stream.linear.gather [spmem:s29], $0x80, $0x38;
	[tilespmem:$0x1D000] =	vst v63  }
0x46c: {  	s0 =	simm.s32 $0x15400;
	s29 =	sadd.s32 $0x400, s29  }
0x46d: {  	[tilespmem:s0], [sflag:$0x1] =	stream.linear.gather [spmem:s29], $0x80, $0x38;
	[tilespmem:$0x1D000] =	vst v63  }
0x46e: {  	s29 =	spop (v2sf)  }
0x46f: {  	(v2sf) =	vpush v0, $0x3;
	s0 =	sshll.u32 s29, $0x8  }
0x470: {  	s29 =	sshll.u32 s29, $0x7;
	s30 =	sand.u32 $0xFFFFF800, s0  }
0x471: {  	s29 =	sand.u32 $0x380, s29;
	s30 =	sadd.s32 s30, s1  }
0x472: {  	s0 =	simm.s32 $0x15080;
	s29 =	sadd.s32 s29, s30  }
0x473: {  	[tilespmem:s0], [sflag:$0x1] =	stream.linear.gather [spmem:s29], $0x80, $0x38;
	[tilespmem:$0x1D000] =	vst v63  }
0x474: {  	s29 =	sadd.s32 $0x400, s29;
	s0 =	simm.s32 $0x15480  }
0x475: {  	[tilespmem:s0], [sflag:$0x1] =	stream.linear.gather [spmem:s29], $0x80, $0x38;
	[tilespmem:$0x1D000] =	vst v63  }
0x476: {  	s29 =	spop (v2sf)  }
0x477: {  	(v2sf) =	vpush v0, $0x4;
	s0 =	sshll.u32 s29, $0x8  }
0x478: {  	s29 =	sshll.u32 s29, $0x7;
	s30 =	sand.u32 $0xFFFFF800, s0  }
0x479: {  	s29 =	sand.u32 $0x380, s29;
	s30 =	sadd.s32 s30, s1  }
0x47a: {  	s0 =	simm.s32 $0x15100;
	s29 =	sadd.s32 s29, s30  }
0x47b: {  	[tilespmem:s0], [sflag:$0x1] =	stream.linear.gather [spmem:s29], $0x80, $0x38;
	[tilespmem:$0x1D000] =	vst v63  }
0x47c: {  	s29 =	sadd.s32 $0x400, s29;
	s0 =	simm.s32 $0x15500  }
0x47d: {  	[tilespmem:s0], [sflag:$0x1] =	stream.linear.gather [spmem:s29], $0x80, $0x38;
	[tilespmem:$0x1D000] =	vst v63  }
0x47e: {  	s29 =	spop (v2sf)  }
0x47f: {  	(v2sf) =	vpush v0, $0x5;
	s0 =	sshll.u32 s29, $0x8  }
0x480: {  	s29 =	sshll.u32 s29, $0x7;
	s30 =	sand.u32 $0xFFFFF800, s0  }
0x481: {  	s29 =	sand.u32 $0x380, s29;
	s30 =	sadd.s32 s30, s1  }
0x482: {  	s0 =	simm.s32 $0x15180;
	s29 =	sadd.s32 s29, s30  }
0x483: {  	[tilespmem:s0], [sflag:$0x1] =	stream.linear.gather [spmem:s29], $0x80, $0x38;
	[tilespmem:$0x1D000] =	vst v63  }
0x484: {  	s29 =	sadd.s32 $0x400, s29;
	s0 =	simm.s32 $0x15580  }
0x485: {  	[tilespmem:s0], [sflag:$0x1] =	stream.linear.gather [spmem:s29], $0x80, $0x38;
	[tilespmem:$0x1D000] =	vst v63  }
0x486: {  	s29 =	spop (v2sf)  }
0x487: {  	(v2sf) =	vpush v0, $0x6;
	s0 =	sshll.u32 s29, $0x8  }
0x488: {  	s29 =	sshll.u32 s29, $0x7;
	s30 =	sand.u32 $0xFFFFF800, s0  }
0x489: {  	s29 =	sand.u32 $0x380, s29;
	s30 =	sadd.s32 s30, s1  }
0x48a: {  	s0 =	simm.s32 $0x15200;
	s29 =	sadd.s32 s29, s30  }
0x48b: {  	[tilespmem:s0], [sflag:$0x1] =	stream.linear.gather [spmem:s29], $0x80, $0x38;
	[tilespmem:$0x1D000] =	vst v63  }
0x48c: {  	s29 =	sadd.s32 $0x400, s29;
	s0 =	simm.s32 $0x15600  }
0x48d: {  	[tilespmem:s0], [sflag:$0x1] =	stream.linear.gather [spmem:s29], $0x80, $0x38;
	[tilespmem:$0x1D000] =	vst v63  }
0x48e: {  	s29 =	spop (v2sf)  }
0x48f: {  	(v2sf) =	vpush v0, $0x7;
	s0 =	sshll.u32 s29, $0x8  }
0x490: {  	s29 =	sshll.u32 s29, $0x7;
	s30 =	sand.u32 $0xFFFFF800, s0  }
0x491: {  	s29 =	sand.u32 $0x380, s29;
	s30 =	sadd.s32 s30, s1  }
0x492: {  	s0 =	simm.s32 $0x15280;
	s29 =	sadd.s32 s29, s30  }
0x493: {  	[tilespmem:s0], [sflag:$0x1] =	stream.linear.gather [spmem:s29], $0x80, $0x38;
	[tilespmem:$0x1D000] =	vst v63  }
0x494: {  	s29 =	sadd.s32 $0x400, s29;
	s0 =	simm.s32 $0x15680  }
0x495: {  	[tilespmem:s0], [sflag:$0x1] =	stream.linear.gather [spmem:s29], $0x80, $0x38;
	[tilespmem:$0x1D000] =	vst v63  }
0x496: {  	s29 =	spop (v2sf)  }
0x497: {  	(v2sf) =	vpush v0, $0x8;
	s0 =	sshll.u32 s29, $0x8  }
0x498: {  	s29 =	sshll.u32 s29, $0x7;
	s30 =	sand.u32 $0xFFFFF800, s0  }
0x499: {  	s29 =	sand.u32 $0x380, s29;
	s30 =	sadd.s32 s30, s1  }
0x49a: {  	s0 =	simm.s32 $0x15300;
	s29 =	sadd.s32 s29, s30  }
0x49b: {  	[tilespmem:s0], [sflag:$0x1] =	stream.linear.gather [spmem:s29], $0x80, $0x38;
	[tilespmem:$0x1D000] =	vst v63  }
0x49c: {  	s29 =	sadd.s32 $0x400, s29;
	s0 =	simm.s32 $0x15700  }
0x49d: {  	[tilespmem:s0], [sflag:$0x1] =	stream.linear.gather [spmem:s29], $0x80, $0x38;
	[tilespmem:$0x1D000] =	vst v63  }
0x49e: {  	s29 =	spop (v2sf)  }
0x49f: {  	(v2sf) =	vpush v0, $0x9;
	s0 =	sshll.u32 s29, $0x8  }
0x4a0: {  	s29 =	sshll.u32 s29, $0x7;
	s30 =	sand.u32 $0xFFFFF800, s0  }
0x4a1: {  	s29 =	sand.u32 $0x380, s29;
	s30 =	sadd.s32 s30, s1  }
0x4a2: {  	s0 =	simm.s32 $0x15380;
	s29 =	sadd.s32 s29, s30  }
0x4a3: {  	[tilespmem:s0], [sflag:$0x1] =	stream.linear.gather [spmem:s29], $0x80, $0x38;
	[tilespmem:$0x1D000] =	vst v63  }
0x4a4: {  	s29 =	sadd.s32 $0x400, s29;
	s0 =	simm.s32 $0x15780  }
0x4a5: {  	[tilespmem:s0], [sflag:$0x1] =	stream.linear.gather [spmem:s29], $0x80, $0x38;
	[tilespmem:$0x1D000] =	vst v63  }
0x4a6: {  	s29 =	spop (v2sf)  }
0x4a7: {  	(v2sf) =	vpush v0, $0xA;
	s0 =	sshll.u32 s29, $0x8  }
0x4a8: {  	s29 =	sshll.u32 s29, $0x7;
	s30 =	sand.u32 $0xFFFFF800, s0  }
0x4a9: {  	s29 =	sand.u32 $0x380, s29;
	s30 =	sadd.s32 s30, s1  }
0x4aa: {  	s0 =	simm.s32 $0x15800;
	s29 =	sadd.s32 s29, s30  }
0x4ab: {  	[tilespmem:s0], [sflag:$0x1] =	stream.linear.gather [spmem:s29], $0x80, $0x38;
	[tilespmem:$0x1D000] =	vst v63  }
0x4ac: {  	s29 =	sadd.s32 $0x400, s29;
	s0 =	simm.s32 $0x15C00  }
0x4ad: {  	[tilespmem:s0], [sflag:$0x1] =	stream.linear.gather [spmem:s29], $0x80, $0x38;
	[tilespmem:$0x1D000] =	vst v63  }
0x4ae: {  	s29 =	spop (v2sf)  }
0x4af: {  	(v2sf) =	vpush v0, $0xB;
	s0 =	sshll.u32 s29, $0x8  }
0x4b0: {  	s29 =	sshll.u32 s29, $0x7;
	s30 =	sand.u32 $0xFFFFF800, s0  }
0x4b1: {  	s29 =	sand.u32 $0x380, s29;
	s30 =	sadd.s32 s30, s1  }
0x4b2: {  	s0 =	simm.s32 $0x15880;
	s29 =	sadd.s32 s29, s30  }
0x4b3: {  	[tilespmem:s0], [sflag:$0x1] =	stream.linear.gather [spmem:s29], $0x80, $0x38;
	[tilespmem:$0x1D000] =	vst v63  }
0x4b4: {  	s29 =	sadd.s32 $0x400, s29;
	s0 =	simm.s32 $0x15C80  }
0x4b5: {  	[tilespmem:s0], [sflag:$0x1] =	stream.linear.gather [spmem:s29], $0x80, $0x38;
	[tilespmem:$0x1D000] =	vst v63  }
0x4b6: {  	s29 =	spop (v2sf)  }
0x4b7: {  	(v2sf) =	vpush v0, $0xC;
	s0 =	sshll.u32 s29, $0x8  }
0x4b8: {  	s29 =	sshll.u32 s29, $0x7;
	s30 =	sand.u32 $0xFFFFF800, s0  }
0x4b9: {  	s29 =	sand.u32 $0x380, s29;
	s30 =	sadd.s32 s30, s1  }
0x4ba: {  	s0 =	simm.s32 $0x15900;
	s29 =	sadd.s32 s29, s30  }
0x4bb: {  	[tilespmem:s0], [sflag:$0x1] =	stream.linear.gather [spmem:s29], $0x80, $0x38;
	[tilespmem:$0x1D000] =	vst v63  }
0x4bc: {  	s29 =	sadd.s32 $0x400, s29;
	s0 =	simm.s32 $0x15D00  }
0x4bd: {  	[tilespmem:s0], [sflag:$0x1] =	stream.linear.gather [spmem:s29], $0x80, $0x38;
	[tilespmem:$0x1D000] =	vst v63  }
0x4be: {  	s29 =	spop (v2sf)  }
0x4bf: {  	(v2sf) =	vpush v0, $0xD;
	s0 =	sshll.u32 s29, $0x8  }
0x4c0: {  	s29 =	sshll.u32 s29, $0x7;
	s30 =	sand.u32 $0xFFFFF800, s0  }
0x4c1: {  	s29 =	sand.u32 $0x380, s29;
	s30 =	sadd.s32 s30, s1  }
0x4c2: {  	s0 =	simm.s32 $0x15980;
	s29 =	sadd.s32 s29, s30  }
0x4c3: {  	[tilespmem:s0], [sflag:$0x1] =	stream.linear.gather [spmem:s29], $0x80, $0x38;
	[tilespmem:$0x1D000] =	vst v63  }
0x4c4: {  	s29 =	sadd.s32 $0x400, s29;
	s0 =	simm.s32 $0x15D80  }
0x4c5: {  	[tilespmem:s0], [sflag:$0x1] =	stream.linear.gather [spmem:s29], $0x80, $0x38;
	[tilespmem:$0x1D000] =	vst v63  }
0x4c6: {  	s29 =	spop (v2sf)  }
0x4c7: {  	(v2sf) =	vpush v0, $0xE;
	s0 =	sshll.u32 s29, $0x8  }
0x4c8: {  	s29 =	sshll.u32 s29, $0x7;
	s30 =	sand.u32 $0xFFFFF800, s0  }
0x4c9: {  	s29 =	sand.u32 $0x380, s29;
	s30 =	sadd.s32 s30, s1  }
0x4ca: {  	s0 =	simm.s32 $0x15A00;
	s29 =	sadd.s32 s29, s30  }
0x4cb: {  	[tilespmem:s0], [sflag:$0x1] =	stream.linear.gather [spmem:s29], $0x80, $0x38;
	[tilespmem:$0x1D000] =	vst v63  }
0x4cc: {  	s29 =	sadd.s32 $0x400, s29;
	s0 =	simm.s32 $0x15E00  }
0x4cd: {  	[tilespmem:s0], [sflag:$0x1] =	stream.linear.gather [spmem:s29], $0x80, $0x38;
	[tilespmem:$0x1D000] =	vst v63  }
0x4ce: {  	s29 =	spop (v2sf)  }
0x4cf: {  	(v2sf) =	vpush v0, $0xF;
	s0 =	sshll.u32 s29, $0x8  }
0x4d0: {  	s29 =	sshll.u32 s29, $0x7;
	s30 =	sand.u32 $0xFFFFF800, s0  }
0x4d1: {  	s29 =	sand.u32 $0x380, s29;
	s30 =	sadd.s32 s30, s1  }
0x4d2: {  	s0 =	simm.s32 $0x15A80;
	s29 =	sadd.s32 s29, s30  }
0x4d3: {  	[tilespmem:s0], [sflag:$0x1] =	stream.linear.gather [spmem:s29], $0x80, $0x38;
	[tilespmem:$0x1D000] =	vst v63  }
0x4d4: {  	s29 =	sadd.s32 $0x400, s29;
	s0 =	simm.s32 $0x15E80  }
0x4d5: {  	[tilespmem:s0], [sflag:$0x1] =	stream.linear.gather [spmem:s29], $0x80, $0x38;
	[tilespmem:$0x1D000] =	vst v63  }
0x4d6: {  	s29 =	spop (v2sf)  }
0x4d7: {  	s0 =	sshll.u32 s29, $0x8  }
0x4d8: {  	s29 =	sshll.u32 s29, $0x7;
	s30 =	sand.u32 $0xFFFFF800, s0  }
0x4d9: {  	s29 =	sand.u32 $0x380, s29;
	s30 =	sadd.s32 s30, s1  }
0x4da: {  	s0 =	simm.s32 $0x15B00;
	s29 =	sadd.s32 s29, s30  }
0x4db: {  	[tilespmem:s0], [sflag:$0x1] =	stream.linear.gather [spmem:s29], $0x80, $0x38;
	[tilespmem:$0x1D000] =	vst v63  }
0x4dc: {  	s29 =	sadd.s32 $0x400, s29;
	s0 =	simm.s32 $0x15F00  }
0x4dd: {  	[tilespmem:s0], [sflag:$0x1] =	stream.linear.gather [spmem:s29], $0x80, $0x38;
	[tilespmem:$0x1D000] =	vst v63  }
0x4de: {  	s29 =	spop (v2sf)  }
0x4df: {  	s0 =	sshll.u32 s29, $0x8  }
0x4e0: {  	s29 =	sshll.u32 s29, $0x7;
	s30 =	sand.u32 $0xFFFFF800, s0  }
0x4e1: {  	s29 =	sand.u32 $0x380, s29;
	s30 =	sadd.s32 s30, s1  }
0x4e2: {  	s0 =	simm.s32 $0x15B80;
	s29 =	sadd.s32 s29, s30  }
0x4e3: {  	[tilespmem:s0], [sflag:$0x1] =	stream.linear.gather [spmem:s29], $0x80, $0x38;
	[tilespmem:$0x1D000] =	vst v63  }
0x4e4: {  	s29 =	sadd.s32 $0x400, s29;
	s0 =	simm.s32 $0x15F80  }
0x4e5: {  	[tilespmem:s0], [sflag:$0x1] =	stream.linear.gather [spmem:s29], $0x80, $0x38;
	[tilespmem:$0x1D000] =	vst v63  }
0x4e6: {  	v63 =	vld [tilespmem:s26+$0x100];
	_ =	sdelay $0x4  }
0x4e7: {  	(v2sf) =	vpush v63, $0x0;
	_ =	sdelay $0x7  }
0x4e8: {  	(v2sf) =	vpush v63, $0x1;
	_ =	sdelay $0x3  }
0x4e9: {  	(v2sf) =	vpush v63, $0x2;
	_ =	sdelay $0x2  }
0x4ea: {  	s29 =	spop (v2sf)  }
0x4eb: {  	s0 =	sshll.u32 s29, $0x8  }
0x4ec: {  	s29 =	sshll.u32 s29, $0x7;
	s30 =	sand.u32 $0xFFFFF800, s0  }
0x4ed: {  	s29 =	sand.u32 $0x380, s29;
	s30 =	sadd.s32 s30, s1  }
0x4ee: {  	s0 =	simm.s32 $0x16000;
	s29 =	sadd.s32 s29, s30  }
0x4ef: {  	[tilespmem:s0], [sflag:$0x1] =	stream.linear.gather [spmem:s29], $0x80, $0x38;
	[tilespmem:$0x1D000] =	vst v63  }
0x4f0: {  	s29 =	sadd.s32 $0x400, s29;
	s0 =	simm.s32 $0x16400  }
0x4f1: {  	(v2sf) =	vpush v63, $0x3;
	[tilespmem:s0], [sflag:$0x1] =	stream.linear.gather [spmem:s29], $0x80, $0x38;
	[tilespmem:$0x1D000] =	vst v63  }
0x4f2: {  	s29 =	spop (v2sf)  }
0x4f3: {  	s0 =	sshll.u32 s29, $0x8  }
0x4f4: {  	s29 =	sshll.u32 s29, $0x7;
	s30 =	sand.u32 $0xFFFFF800, s0  }
0x4f5: {  	s29 =	sand.u32 $0x380, s29;
	s30 =	sadd.s32 s30, s1  }
0x4f6: {  	(v2sf) =	vpush v63, $0x4;
	s0 =	simm.s32 $0x16080;
	s29 =	sadd.s32 s29, s30;
	s30 =	spop (v2sf)  }
0x4f7: {  	[tilespmem:s0], [sflag:$0x1] =	stream.linear.gather [spmem:s29], $0x80, $0x38;
	[tilespmem:$0x1D000] =	vst v63  }
0x4f8: {  	s31 =	simm.s32 $0x16480;
	s29 =	sadd.s32 $0x400, s29;
	s0 =	sshll.u32 s30, $0x8  }
0x4f9: {  	[tilespmem:s31], [sflag:$0x1] =	stream.linear.gather [spmem:s29], $0x80, $0x38;
	[tilespmem:$0x1D000] =	vst v63  }
0x4fa: {  	s30 =	sshll.u32 s30, $0x7;
	s29 =	sand.u32 $0xFFFFF800, s0  }
0x4fb: {  	s30 =	sand.u32 $0x380, s30;
	s29 =	sadd.s32 s29, s1  }
0x4fc: {  	s0 =	simm.s32 $0x16100;
	s29 =	sadd.s32 s30, s29  }
0x4fd: {  	[tilespmem:s0], [sflag:$0x1] =	stream.linear.gather [spmem:s29], $0x80, $0x38;
	[tilespmem:$0x1D000] =	vst v63  }
0x4fe: {  	s29 =	sadd.s32 $0x400, s29;
	s0 =	simm.s32 $0x16500  }
0x4ff: {  	[tilespmem:s0], [sflag:$0x1] =	stream.linear.gather [spmem:s29], $0x80, $0x38;
	[tilespmem:$0x1D000] =	vst v63  }
0x500: {  	s29 =	spop (v2sf);
	(v2sf) =	vpush v63, $0x5;
	_ =	sdelay $0x1  }
0x501: {  	s0 =	sshll.u32 s29, $0x8  }
0x502: {  	s29 =	sshll.u32 s29, $0x7;
	s30 =	sand.u32 $0xFFFFF800, s0  }
0x503: {  	s29 =	sand.u32 $0x380, s29;
	s30 =	sadd.s32 s30, s1  }
0x504: {  	s0 =	simm.s32 $0x16180;
	s29 =	sadd.s32 s29, s30;
	s30 =	spop (v2sf);
	(v2sf) =	vpush v63, $0x6  }
0x505: {  	[tilespmem:s0], [sflag:$0x1] =	stream.linear.gather [spmem:s29], $0x80, $0x38;
	[tilespmem:$0x1D000] =	vst v63  }
0x506: {  	s31 =	simm.s32 $0x16580;
	s29 =	sadd.s32 $0x400, s29;
	s0 =	sshll.u32 s30, $0x8  }
0x507: {  	[tilespmem:s31], [sflag:$0x1] =	stream.linear.gather [spmem:s29], $0x80, $0x38;
	[tilespmem:$0x1D000] =	vst v63  }
0x508: {  	s30 =	sshll.u32 s30, $0x7;
	s29 =	sand.u32 $0xFFFFF800, s0  }
0x509: {  	s30 =	sand.u32 $0x380, s30;
	s29 =	sadd.s32 s29, s1  }
0x50a: {  	s0 =	simm.s32 $0x16200;
	s29 =	sadd.s32 s30, s29  }
0x50b: {  	[tilespmem:s0], [sflag:$0x1] =	stream.linear.gather [spmem:s29], $0x80, $0x38;
	[tilespmem:$0x1D000] =	vst v63  }
0x50c: {  	s29 =	sadd.s32 $0x400, s29;
	s0 =	simm.s32 $0x16600  }
0x50d: {  	[tilespmem:s0], [sflag:$0x1] =	stream.linear.gather [spmem:s29], $0x80, $0x38;
	[tilespmem:$0x1D000] =	vst v63  }
0x50e: {  	s29 =	spop (v2sf);
	(v2sf) =	vpush v63, $0x7;
	_ =	sdelay $0x1  }
0x50f: {  	s0 =	sshll.u32 s29, $0x8  }
0x510: {  	s29 =	sshll.u32 s29, $0x7;
	s30 =	sand.u32 $0xFFFFF800, s0  }
0x511: {  	s29 =	sand.u32 $0x380, s29;
	s30 =	sadd.s32 s30, s1  }
0x512: {  	s0 =	simm.s32 $0x16280;
	s29 =	sadd.s32 s29, s30;
	s30 =	spop (v2sf);
	(v2sf) =	vpush v63, $0x8  }
0x513: {  	[tilespmem:s0], [sflag:$0x1] =	stream.linear.gather [spmem:s29], $0x80, $0x38;
	[tilespmem:$0x1D000] =	vst v63  }
0x514: {  	s31 =	simm.s32 $0x16680;
	s29 =	sadd.s32 $0x400, s29;
	s0 =	sshll.u32 s30, $0x8  }
0x515: {  	[tilespmem:s31], [sflag:$0x1] =	stream.linear.gather [spmem:s29], $0x80, $0x38;
	[tilespmem:$0x1D000] =	vst v63  }
0x516: {  	s30 =	sshll.u32 s30, $0x7;
	s29 =	sand.u32 $0xFFFFF800, s0  }
0x517: {  	s30 =	sand.u32 $0x380, s30;
	s29 =	sadd.s32 s29, s1  }
0x518: {  	s0 =	simm.s32 $0x16300;
	s29 =	sadd.s32 s30, s29  }
0x519: {  	[tilespmem:s0], [sflag:$0x1] =	stream.linear.gather [spmem:s29], $0x80, $0x38;
	[tilespmem:$0x1D000] =	vst v63  }
0x51a: {  	s29 =	sadd.s32 $0x400, s29;
	s0 =	simm.s32 $0x16700  }
0x51b: {  	[tilespmem:s0], [sflag:$0x1] =	stream.linear.gather [spmem:s29], $0x80, $0x38;
	[tilespmem:$0x1D000] =	vst v63  }
0x51c: {  	s29 =	spop (v2sf);
	(v2sf) =	vpush v63, $0x9;
	_ =	sdelay $0x1  }
0x51d: {  	s0 =	sshll.u32 s29, $0x8  }
0x51e: {  	s29 =	sshll.u32 s29, $0x7;
	s30 =	sand.u32 $0xFFFFF800, s0  }
0x51f: {  	s29 =	sand.u32 $0x380, s29;
	s30 =	sadd.s32 s30, s1  }
0x520: {  	s0 =	simm.s32 $0x16380;
	s29 =	sadd.s32 s29, s30;
	s30 =	spop (v2sf);
	(v2sf) =	vpush v63, $0xA  }
0x521: {  	[tilespmem:s0], [sflag:$0x1] =	stream.linear.gather [spmem:s29], $0x80, $0x38;
	[tilespmem:$0x1D000] =	vst v63  }
0x522: {  	s31 =	simm.s32 $0x16780;
	s29 =	sadd.s32 $0x400, s29;
	s0 =	sshll.u32 s30, $0x8  }
0x523: {  	[tilespmem:s31], [sflag:$0x1] =	stream.linear.gather [spmem:s29], $0x80, $0x38;
	[tilespmem:$0x1D000] =	vst v63  }
0x524: {  	s30 =	sshll.u32 s30, $0x7;
	s29 =	sand.u32 $0xFFFFF800, s0  }
0x525: {  	s30 =	sand.u32 $0x380, s30;
	s29 =	sadd.s32 s29, s1  }
0x526: {  	s0 =	simm.s32 $0x16800;
	s29 =	sadd.s32 s30, s29  }
0x527: {  	[tilespmem:s0], [sflag:$0x1] =	stream.linear.gather [spmem:s29], $0x80, $0x38;
	[tilespmem:$0x1D000] =	vst v63  }
0x528: {  	s29 =	sadd.s32 $0x400, s29;
	s0 =	simm.s32 $0x16C00  }
0x529: {  	[tilespmem:s0], [sflag:$0x1] =	stream.linear.gather [spmem:s29], $0x80, $0x38;
	[tilespmem:$0x1D000] =	vst v63  }
0x52a: {  	s29 =	spop (v2sf);
	(v2sf) =	vpush v63, $0xB;
	_ =	sdelay $0x1  }
0x52b: {  	s0 =	sshll.u32 s29, $0x8  }
0x52c: {  	s29 =	sshll.u32 s29, $0x7;
	s30 =	sand.u32 $0xFFFFF800, s0  }
0x52d: {  	s29 =	sand.u32 $0x380, s29;
	s30 =	sadd.s32 s30, s1  }
0x52e: {  	s0 =	simm.s32 $0x16880;
	s29 =	sadd.s32 s29, s30;
	s30 =	spop (v2sf);
	(v2sf) =	vpush v63, $0xC  }
0x52f: {  	[tilespmem:s0], [sflag:$0x1] =	stream.linear.gather [spmem:s29], $0x80, $0x38;
	[tilespmem:$0x1D000] =	vst v63  }
0x530: {  	s31 =	simm.s32 $0x16C80;
	s29 =	sadd.s32 $0x400, s29;
	s0 =	sshll.u32 s30, $0x8  }
0x531: {  	[tilespmem:s31], [sflag:$0x1] =	stream.linear.gather [spmem:s29], $0x80, $0x38;
	[tilespmem:$0x1D000] =	vst v63  }
0x532: {  	s30 =	sshll.u32 s30, $0x7;
	s29 =	sand.u32 $0xFFFFF800, s0  }
0x533: {  	s30 =	sand.u32 $0x380, s30;
	s29 =	sadd.s32 s29, s1  }
0x534: {  	s0 =	simm.s32 $0x16900;
	s29 =	sadd.s32 s30, s29  }
0x535: {  	[tilespmem:s0], [sflag:$0x1] =	stream.linear.gather [spmem:s29], $0x80, $0x38;
	[tilespmem:$0x1D000] =	vst v63  }
0x536: {  	s29 =	sadd.s32 $0x400, s29;
	s0 =	simm.s32 $0x16D00  }
0x537: {  	[tilespmem:s0], [sflag:$0x1] =	stream.linear.gather [spmem:s29], $0x80, $0x38;
	[tilespmem:$0x1D000] =	vst v63  }
0x538: {  	s29 =	spop (v2sf);
	(v2sf) =	vpush v63, $0xD;
	_ =	sdelay $0x1  }
0x539: {  	s0 =	sshll.u32 s29, $0x8  }
0x53a: {  	s29 =	sshll.u32 s29, $0x7;
	s30 =	sand.u32 $0xFFFFF800, s0  }
0x53b: {  	s29 =	sand.u32 $0x380, s29;
	s30 =	sadd.s32 s30, s1  }
0x53c: {  	s0 =	simm.s32 $0x16980;
	s29 =	sadd.s32 s29, s30;
	s30 =	spop (v2sf);
	(v2sf) =	vpush v63, $0xE  }
0x53d: {  	[tilespmem:s0], [sflag:$0x1] =	stream.linear.gather [spmem:s29], $0x80, $0x38;
	[tilespmem:$0x1D000] =	vst v63  }
0x53e: {  	s31 =	simm.s32 $0x16D80;
	s29 =	sadd.s32 $0x400, s29;
	s0 =	sshll.u32 s30, $0x8  }
0x53f: {  	[tilespmem:s31], [sflag:$0x1] =	stream.linear.gather [spmem:s29], $0x80, $0x38;
	[tilespmem:$0x1D000] =	vst v63  }
0x540: {  	s30 =	sshll.u32 s30, $0x7;
	s29 =	sand.u32 $0xFFFFF800, s0  }
0x541: {  	s30 =	sand.u32 $0x380, s30;
	s29 =	sadd.s32 s29, s1  }
0x542: {  	s0 =	simm.s32 $0x16A00;
	s29 =	sadd.s32 s30, s29  }
0x543: {  	[tilespmem:s0], [sflag:$0x1] =	stream.linear.gather [spmem:s29], $0x80, $0x38;
	[tilespmem:$0x1D000] =	vst v63  }
0x544: {  	s29 =	sadd.s32 $0x400, s29;
	s0 =	simm.s32 $0x16E00  }
0x545: {  	[tilespmem:s0], [sflag:$0x1] =	stream.linear.gather [spmem:s29], $0x80, $0x38;
	[tilespmem:$0x1D000] =	vst v63  }
0x546: {  	s29 =	spop (v2sf);
	(v2sf) =	vpush v63, $0xF;
	_ =	sdelay $0x1  }
0x547: {  	s0 =	sshll.u32 s29, $0x8  }
0x548: {  	s29 =	sshll.u32 s29, $0x7;
	s30 =	sand.u32 $0xFFFFF800, s0  }
0x549: {  	s29 =	sand.u32 $0x380, s29;
	s30 =	sadd.s32 s30, s1  }
0x54a: {  	s0 =	simm.s32 $0x16A80;
	s29 =	sadd.s32 s29, s30;
	s30 =	spop (v2sf)  }
0x54b: {  	[tilespmem:s0], [sflag:$0x1] =	stream.linear.gather [spmem:s29], $0x80, $0x38;
	[tilespmem:$0x1D000] =	vst v63  }
0x54c: {  	s31 =	simm.s32 $0x16E80;
	s29 =	sadd.s32 $0x400, s29;
	s0 =	sshll.u32 s30, $0x8  }
0x54d: {  	[tilespmem:s31], [sflag:$0x1] =	stream.linear.gather [spmem:s29], $0x80, $0x38;
	[tilespmem:$0x1D000] =	vst v63  }
0x54e: {  	s30 =	sshll.u32 s30, $0x7;
	s29 =	sand.u32 $0xFFFFF800, s0  }
0x54f: {  	s30 =	sand.u32 $0x380, s30;
	s29 =	sadd.s32 s29, s1  }
0x550: {  	s0 =	simm.s32 $0x16B00;
	s29 =	sadd.s32 s30, s29  }
0x551: {  	[tilespmem:s0], [sflag:$0x1] =	stream.linear.gather [spmem:s29], $0x80, $0x38;
	[tilespmem:$0x1D000] =	vst v63  }
0x552: {  	s29 =	sadd.s32 $0x400, s29;
	s0 =	simm.s32 $0x16F00  }
0x553: {  	[tilespmem:s0], [sflag:$0x1] =	stream.linear.gather [spmem:s29], $0x80, $0x38;
	[tilespmem:$0x1D000] =	vst v63  }
0x554: {  	s29 =	spop (v2sf)  }
0x555: {  	s0 =	sshll.u32 s29, $0x8  }
0x556: {  	s29 =	sshll.u32 s29, $0x7;
	s30 =	sand.u32 $0xFFFFF800, s0  }
.Ltmp7:
0x557: {  	s29 =	sand.u32 $0x380, s29;
	s30 =	sadd.s32 s30, s1;
	(pc) =	sbr.rel .LBB2_5-.Ltmp7, $4  }
0x558: {  	s0 =	simm.s32 $0x16B80;
	s29 =	sadd.s32 s29, s30  }
0x559: {  	[tilespmem:s0], [sflag:$0x1] =	stream.linear.gather [spmem:s29], $0x80, $0x38;
	[tilespmem:$0x1D000] =	vst v63  }
0x55a: {  	s31 =	simm.s32 $0x17400;
	s29 =	sadd.s32 $0x400, s29;
	s0 =	simm.s32 $0x16F80  }
0x55b: {  	[tilespmem:s0], [sflag:$0x1] =	stream.linear.gather [spmem:s29], $0x80, $0x38;
	[tilespmem:$0x1D000] =	vst v63  }
.LBB2_8:
0x55c: {  	_ =	sfence.sel $0x180000  }
0x55d: {  	[bflag:$0x0] =	sbarrier.arrive $0xFFFF  }
0x55e: {  	_ =	strace $0x90000047  }
0x55f: {  	s0 =	stileid.u32;
	[bflag:$0x2] =	sbarrier.arrive $0xFFFF  }
0x560: {  	p0 =	sne.s32 s0, $0x0;
	s0 =	rddreg [dreg:$0x4]  }
0x561: {  	s0 =	sadd.s32 @!p0 $0x100000, s0  }
0x562: {  	[sflag:s0] =	ssyncadd.tile.s32 @!p0 $0x1;
	_ =	shalt  }
.Lfunc_end2:
_tile_overlayer_lowered:
.L_overlay_start_2:
0x563: {  	(tag) =	ssettag $0x2  }
0x564: {  	s0 =	rddreg [dreg:$0x0];
	s2 =	stileid.u32  }
0x565: {  	s1 =	rddreg [dreg:$0x1];
	p0 =	sne.s32 s2, $0x0  }
0x566: {  	s3 =	rddreg [dreg:$0x2];
	[bflag:$0x3] =	sbarrier.arrive $0xFFFF;
	s2 =	simm.s32 @!p0 $0x1C09  }
0x567: {  	[timem:s3], [sflag:s2] =	dma.local @!p0 [hbm:s0], s1  }
0x568: {  	s0 =	simm.s32 @!p0 $0x9  }
0x569: {  	_ =	swait.ge @!p0 [sflag:s0], s1  }
0x56a: {  	s1 =	ssub.s32 @!p0 $0x0, s1;
	[sflag:s0] =	ssyncset.done @!p0 $0x0  }
0x56b: {  	[sflag:s0] =	ssyncadd.s32 @!p0 s1  }
0x56c: {  	[bflag:$0x3] =	sbarrier.arrive $0xFFFF  }
0x56d: {  	_ =	shalt  }

</sc_bundles>
